<compile_context>
chip_gen: v7x
topology: tpu7x:2x2x1
jax: 0.10.2.dev20260603
libtpu: 0.0.44.dev20260713+nightly
codegen_flags: <defaults>
</compile_context>

<pallas_src>
import dataclasses
import functools

import jax
import jax.numpy as jnp
from jax import lax
from jax.experimental import pallas as pl
from jax.experimental.pallas import tpu as pltpu
from jax.experimental.pallas import tpu_sc as plsc

N = 10000
E = 320000
D = 128
EPS = 1e-6
NEG = 0.01

NC = 2
NS = 16
NW = NC * NS
EPW = E // NW
C = 80
NCH = EPW // C
DEPTH = 4
DDEPTH = 2 * DEPTH
SKEW = 2
NMAIN = 120
STRIPE = 632
LAST_STRIPE = N - STRIPE * (NS - 1)


def _leaky(a):
    return jnp.maximum(a, NEG * a)


def _mlp_body(x_ref, w1t_ref, w2t_ref, wot_ref, h_ref, t_ref):
    a = jnp.dot(x_ref[...], w1t_ref[...], preferred_element_type=jnp.float32)
    h = jnp.dot(_leaky(a), w2t_ref[...], preferred_element_type=jnp.float32)
    h_ref[...] = h
    t_ref[...] = jnp.dot(h, wot_ref[...], preferred_element_type=jnp.float32)


def _mlp(x, w1t, w2t, wot):
    return pl.pallas_call(
        _mlp_body,
        out_shape=(jax.ShapeDtypeStruct((N, D), jnp.float32),
                   jax.ShapeDtypeStruct((N, D), jnp.float32)),
    )(x, w1t, w2t, wot)


def _sc_agg_body(h_hbm, ei_hbm, w_hbm, z_hbm, out0_hbm, out1_hbm,
                 acc, ibs, ibd, ibw, rows0, rows1, rows2, rows3,
                 sem_is, sem_id, sem_iw, sem_g, sem_s, sem_z):
    cid = lax.axis_index("c")
    sid = lax.axis_index("s")
    wid = sid * NC + cid
    rows = (rows0, rows1, rows2, rows3)

    off = sid * STRIPE

    @pl.when(sid < NS - 1)
    def _():
        s = pl.ds(off, STRIPE)
        pltpu.async_copy(z_hbm.at[s], acc.at[s], sem_z)

    @pl.when(sid == NS - 1)
    def _():
        s = pl.ds(off, LAST_STRIPE)
        pltpu.async_copy(z_hbm.at[s], acc.at[s], sem_z)

    base0 = wid * EPW

    def csl(g):
        return pl.ds(base0 + g * C, C)

    def ssl(g):
        return pl.ds(E + base0 + g * C, C)

    def start_idx(g, b):
        pltpu.async_copy(ei_hbm.at[ssl(g)], ibs.at[b], sem_is.at[b])
        pltpu.async_copy(ei_hbm.at[csl(g)], ibd.at[g & 7], sem_id.at[b])
        pltpu.async_copy(w_hbm.at[csl(g)], ibw.at[b], sem_iw.at[b])

    def a_stage(g, b, first=False):
        if not first:
            pltpu.make_async_copy(rows[b], acc.at[ibd.at[(g - DEPTH) & 7]],
                                  sem_s.at[b]).wait()
        pltpu.make_async_copy(ei_hbm.at[ssl(g)], ibs.at[b],
                              sem_is.at[b]).wait()
        pltpu.async_copy(h_hbm.at[ibs.at[b]], rows[b], sem_g.at[b])

    def b_stage(g, b, prefetch=True):
        rb = rows[b]
        pltpu.make_async_copy(h_hbm.at[ibs.at[b]], rb, sem_g.at[b]).wait()
        pltpu.make_async_copy(w_hbm.at[csl(g)], ibw.at[b],
                              sem_iw.at[b]).wait()
        bsel = jnp.full((16,), b, jnp.int32)

        @plsc.parallel_loop(0, C, unroll=2)
        def _edge(e):
            ws = plsc.load_gather(ibw, [bsel, jnp.full((16,), e, jnp.int32)])
            for k in range(D // 16):
                sl = (e, pl.ds(k * 16, 16))
                rb[sl] = rb[sl] * ws

        pltpu.make_async_copy(ei_hbm.at[csl(g)], ibd.at[g & 7],
                              sem_id.at[b]).wait()
        pltpu.async_copy(rb, acc.at[ibd.at[g & 7]], sem_s.at[b], add=True)
        if prefetch:
            start_idx(g + DEPTH, b)

    for g in range(DEPTH):
        start_idx(g, g)
    a_stage(0, 0, first=True)
    a_stage(1, 1, first=True)
    a_stage(2, 2, first=True)

    @pl.when(sid < NS - 1)
    def _():
        s = pl.ds(off, STRIPE)
        pltpu.make_async_copy(z_hbm.at[s], acc.at[s], sem_z).wait()

    @pl.when(sid == NS - 1)
    def _():
        s = pl.ds(off, LAST_STRIPE)
        pltpu.make_async_copy(z_hbm.at[s], acc.at[s], sem_z).wait()

    pl.delay(2000)
    plsc.subcore_barrier()
    b_stage(0, 0)
    a_stage(3, 3, first=True)
    b_stage(1, 1)
    a_stage(4, 0)
    b_stage(2, 2)
    a_stage(5, 1)
    b_stage(3, 3)

    @pl.loop(1, NMAIN // DEPTH)
    def _block(j):
        t0 = DEPTH * j
        for b in range(DEPTH):
            a_stage(t0 + b + SKEW, (b + SKEW) % DEPTH)
            b_stage(t0 + b, b)

    a_stage(122, 2)
    b_stage(120, 0)
    a_stage(123, 3)
    b_stage(121, 1, prefetch=False)
    a_stage(124, 0)
    b_stage(122, 2, prefetch=False)
    b_stage(123, 3, prefetch=False)
    b_stage(124, 0, prefetch=False)
    for g in range(121, 125):
        b = g % DEPTH
        pltpu.make_async_copy(rows[b], acc.at[ibd.at[g & 7]],
                              sem_s.at[b]).wait()

    plsc.subcore_barrier()
    pl.delay(2000)
    plsc.subcore_barrier()

    sz = sid * STRIPE
    for c, out_hbm in ((0, out0_hbm), (1, out1_hbm)):
        @pl.when((cid == c) & (sid < NS - 1))
        def _():
            s = pl.ds(sz, STRIPE)
            pltpu.sync_copy(acc.at[s], out_hbm.at[s])

        @pl.when((cid == c) & (sid == NS - 1))
        def _():
            s = pl.ds(sz, LAST_STRIPE)
            pltpu.sync_copy(acc.at[s], out_hbm.at[s])


@functools.cache
def _sc_agg_kernel():
    cp = pltpu.CompilerParams()
    if "needs_layout_passes" in pltpu.CompilerParams.__dataclass_fields__:
        cp = dataclasses.replace(cp, needs_layout_passes=False)
    return pl.kernel(
        _sc_agg_body,
        compiler_params=cp,
        mesh=plsc.VectorSubcoreMesh(core_axis_name="c", subcore_axis_name="s"),
        out_type=(jax.ShapeDtypeStruct((N, D), jnp.float32),
                  jax.ShapeDtypeStruct((N, D), jnp.float32)),
        scratch_types=[
            pltpu.VMEM_SHARED((N, D), jnp.float32),
            pltpu.VMEM((DEPTH, C), jnp.int32),
            pltpu.VMEM((DDEPTH, C), jnp.int32),
            pltpu.VMEM((DEPTH, C), jnp.float32),
            pltpu.VMEM((C, D), jnp.float32),
            pltpu.VMEM((C, D), jnp.float32),
            pltpu.VMEM((C, D), jnp.float32),
            pltpu.VMEM((C, D), jnp.float32),
            pltpu.SemaphoreType.DMA((DEPTH,)),
            pltpu.SemaphoreType.DMA((DEPTH,)),
            pltpu.SemaphoreType.DMA((DEPTH,)),
            pltpu.SemaphoreType.DMA((DEPTH,)),
            pltpu.SemaphoreType.DMA((DEPTH,)),
            pltpu.SemaphoreType.DMA,
        ],
    )


def _finish_body(t_ref, p0_ref, p1_ref, wnt_ref, g_ref, b_ref, o_ref):
    xn = _leaky(p0_ref[...] + p1_ref[...])
    y = t_ref[...] + jnp.dot(xn, wnt_ref[...],
                             preferred_element_type=jnp.float32)
    mu = jnp.sum(y, axis=0, keepdims=True) * (1.0 / N)
    d = y - mu
    var = jnp.sum(d * d, axis=0, keepdims=True) * (1.0 / (N - 1))
    gam = jnp.reshape(g_ref[...], (1, D))
    bet = jnp.reshape(b_ref[...], (1, D))
    o_ref[...] = d / (jnp.sqrt(var) + EPS) * gam + bet


def _finish(t, p0, p1, wnt, gamma, beta):
    return pl.pallas_call(
        _finish_body,
        out_shape=jax.ShapeDtypeStruct((N, D), jnp.float32),
    )(t, p0, p1, wnt, gamma, beta)


def kernel(x, edge_index, w, batch, batch_num, W1, W2, Wo, Wn, gamma, beta):
    eflat = jnp.reshape(edge_index, (2 * E,))
    wf = jnp.reshape(w, (E,))
    h, t = _mlp(x, W1.T, W2.T, Wo.T)
    z = jnp.zeros((N, D), jnp.float32)
    p0, p1 = _sc_agg_kernel()(h, eflat, wf, z)
    return _finish(t, p0, p1, Wn.T, gamma, beta)

# --- scband reference (transcript-rebuilt; emitter-appended) ---
"""Pipeline reference for scband-state-gnnconv-83322365542771 (READ-ONLY COPY).

The authoritative reference and input builder live on the scoring server;
editing this copy changes nothing except your own understanding.
"""

import jax, jax.numpy as jnp
import numpy as np

N = 10000
E = 320000
D = 128
G = 1
EPS = 1e-6


def setup_inputs(seed: int = 0) -> dict:
    key = jax.random.key(seed)
    ks = jax.random.split(key, 10)
    x = jax.random.normal(ks[0], (N, D), dtype=jnp.float32)
    edge_index = jax.random.randint(ks[1], (2, E), 0, N, dtype=jnp.int32)
    w = jax.random.uniform(ks[2], (E, 1), dtype=jnp.float32)
    batch = jnp.zeros((N,), dtype=jnp.int32)
    batch_num = N  # python int; each graph-level stat repeated N times
    s = 1.0 / np.sqrt(D)
    W1 = jax.random.normal(ks[3], (D, D), dtype=jnp.float32) * s
    W2 = jax.random.normal(ks[4], (D, D), dtype=jnp.float32) * s
    Wo = jax.random.normal(ks[5], (D, D), dtype=jnp.float32) * s
    Wn = jax.random.normal(ks[6], (D, D), dtype=jnp.float32) * s
    gamma = jnp.ones((D,), dtype=jnp.float32)
    beta = jnp.zeros((D,), dtype=jnp.float32)
    return {"x": x, "edge_index": edge_index, "w": w, "batch": batch,
            "batch_num": batch_num, "W1": W1, "W2": W2, "Wo": Wo, "Wn": Wn,
            "gamma": gamma, "beta": beta}


def reference(x, edge_index, w, batch, batch_num, W1, W2, Wo, Wn, gamma, beta):
    # mlp_x: Linear -> LeakyReLU -> (Dropout p=0, eval) -> Linear, no biases
    h = jax.nn.leaky_relu(x @ W1.T, negative_slope=0.01) @ W2.T
    # message: gather source nodes (edge_index[1]), weight by edge scalar w
    x_j = jnp.take(h, edge_index[1], axis=0) * w
    # aggregate: scatter-sum into destination nodes (edge_index[0])
    x_n = jax.nn.leaky_relu(
        jax.ops.segment_sum(x_j, edge_index[0], num_segments=N),
        negative_slope=0.01)
    y = h @ Wo.T + x_n @ Wn.T
    # GraphNorm (affine): per-graph mean / unbiased std via segment reductions
    ones = jnp.ones((y.shape[0], 1), dtype=y.dtype)
    cnt = jax.ops.segment_sum(ones, batch, num_segments=G)
    mu = jax.ops.segment_sum(y, batch, num_segments=G) / cnt
    diff = y - jnp.take(mu, batch, axis=0)
    var = jax.ops.segment_sum(diff * diff, batch, num_segments=G) / jnp.maximum(cnt - 1.0, 1.0)
    sigma = jnp.sqrt(var)
    mu_full = jnp.repeat(mu, batch_num, axis=0, total_repeat_length=y.shape[0])
    sigma_full = jnp.repeat(sigma, batch_num, axis=0, total_repeat_length=y.shape[0])
    out = (y - mu_full) / (sigma_full + EPS) * gamma + beta
    return out

if __name__ == "__main__":
    import jax
    _d = setup_inputs()
    print(jax.jit(kernel)(*tuple(_d.values())))

</pallas_src>

<mosaic_0001>
#map = affine_map<(d0, d1) -> (0, 0)>
#map1 = affine_map<(d0, d1) -> (0)>
module attributes {stable_mosaic.version = 14 : i64} {
  func.func @_sc_agg_body(%arg0: i32, %arg1: i32, %arg2: memref<10000x128xf32, #tpu.memory_space<hbm>>, %arg3: memref<640000xi32, #tpu.memory_space<hbm>>, %arg4: memref<320000xf32, #tpu.memory_space<hbm>>, %arg5: memref<10000x128xf32, #tpu.memory_space<hbm>>, %arg6: memref<10000x128xf32, #tpu.memory_space<hbm>>, %arg7: memref<10000x128xf32, #tpu.memory_space<hbm>>, %arg8: memref<10000x128xf32, #tpu.memory_space<vmem_shared>>, %arg9: memref<4x80xi32, #tpu.memory_space<vmem>>, %arg10: memref<8x80xi32, #tpu.memory_space<vmem>>, %arg11: memref<4x80xf32, #tpu.memory_space<vmem>>, %arg12: memref<80x128xf32, #tpu.memory_space<vmem>>, %arg13: memref<80x128xf32, #tpu.memory_space<vmem>>, %arg14: memref<80x128xf32, #tpu.memory_space<vmem>>, %arg15: memref<80x128xf32, #tpu.memory_space<vmem>>, %arg16: memref<4x!tpu.dma_semaphore, #tpu.memory_space<semaphore_mem>>, %arg17: memref<4x!tpu.dma_semaphore, #tpu.memory_space<semaphore_mem>>, %arg18: memref<4x!tpu.dma_semaphore, #tpu.memory_space<semaphore_mem>>, %arg19: memref<4x!tpu.dma_semaphore, #tpu.memory_space<semaphore_mem>>, %arg20: memref<4x!tpu.dma_semaphore, #tpu.memory_space<semaphore_mem>>, %arg21: memref<!tpu.dma_semaphore, #tpu.memory_space<semaphore_mem>>) attributes {dimension_semantics = [#tpu.dimension_semantics<core_parallel>, #tpu.dimension_semantics<subcore_parallel>], iteration_bounds = array<i64: 2, 16>, scalar_prefetch = 0 : i64, scratch_operands = 14 : i64, tpu.core_type = #tpu.core_type<sc_vector_subcore>, window_params = [{transform_indices = #map}, {transform_indices = #map1}, {transform_indices = #map1}, {transform_indices = #map}, {transform_indices = #map}, {transform_indices = #map}]} {
    %mul3A = arith.constant 2 : i32
    %mul3A_0 = arith.muli %arg1, %mul3A : i32
    %add3A = arith.addi %mul3A_0, %arg0 : i32
    %mul3A_1 = arith.constant 632 : i32
    %mul3A_2 = arith.muli %arg1, %mul3A_1 : i32
    %lt3A = arith.constant 15 : i32
    %lt3A_3 = arith.cmpi slt, %arg1, %lt3A : i32
    %convert_element_type3A = arith.extui %lt3A_3 : i1 to i32
    %cond3A = arith.constant 0 : i32
    %cond3A_4 = arith.cmpi ne, %convert_element_type3A, %cond3A : i32
    scf.if %cond3A_4 {
      %dma_start3A_1254 = arith.constant 0 : i32
      %dma_start3A_1255 = tpu.memref_slice %arg8[%mul3A_2, %dma_start3A_1254] : memref<10000x128xf32, #tpu.memory_space<vmem_shared>> -> memref<632x128xf32, #tpu.memory_space<vmem_shared>>
      %dma_start3A_1256 = arith.constant 0 : i32
      %dma_start3A_1257 = tpu.memref_slice %arg5[%mul3A_2, %dma_start3A_1256] : memref<10000x128xf32, #tpu.memory_space<hbm>> -> memref<632x128xf32, #tpu.memory_space<hbm>>
      tpu.enqueue_dma source(%dma_start3A_1257 : memref<632x128xf32, #tpu.memory_space<hbm>>) target(%dma_start3A_1255 : memref<632x128xf32, #tpu.memory_space<vmem_shared>>) target_semaphore(%arg21 : memref<!tpu.dma_semaphore, #tpu.memory_space<semaphore_mem>>)
    } else {
    }
    %eq3A = arith.constant 15 : i32
    %eq3A_5 = arith.cmpi eq, %arg1, %eq3A : i32
    %convert_element_type3A_6 = arith.extui %eq3A_5 : i1 to i32
    %cond3A_7 = arith.constant 0 : i32
    %cond3A_8 = arith.cmpi ne, %convert_element_type3A_6, %cond3A_7 : i32
    scf.if %cond3A_8 {
      %dma_start3A_1254 = arith.constant 0 : i32
      %dma_start3A_1255 = tpu.memref_slice %arg8[%mul3A_2, %dma_start3A_1254] : memref<10000x128xf32, #tpu.memory_space<vmem_shared>> -> memref<520x128xf32, #tpu.memory_space<vmem_shared>>
      %dma_start3A_1256 = arith.constant 0 : i32
      %dma_start3A_1257 = tpu.memref_slice %arg5[%mul3A_2, %dma_start3A_1256] : memref<10000x128xf32, #tpu.memory_space<hbm>> -> memref<520x128xf32, #tpu.memory_space<hbm>>
      tpu.enqueue_dma source(%dma_start3A_1257 : memref<520x128xf32, #tpu.memory_space<hbm>>) target(%dma_start3A_1255 : memref<520x128xf32, #tpu.memory_space<vmem_shared>>) target_semaphore(%arg21 : memref<!tpu.dma_semaphore, #tpu.memory_space<semaphore_mem>>)
    } else {
    }
    %mul3A_9 = arith.constant 10000 : i32
    %mul3A_10 = arith.muli %add3A, %mul3A_9 : i32
    %add3A_11 = arith.constant 320000 : i32
    %add3A_12 = arith.addi %add3A_11, %mul3A_10 : i32
    %add3A_13 = arith.constant 0 : i32
    %add3A_14 = arith.addi %add3A_12, %add3A_13 : i32
    %dma_start3A = arith.constant 0 : i32
    %dma_start3A_15 = arith.constant 0 : i32
    %dma_start3A_16 = arith.constant 0 : i32
    %dma_start3A_17 = tpu.memref_slice %arg9[%dma_start3A, %dma_start3A_16] : memref<4x80xi32, #tpu.memory_space<vmem>> -> memref<1x80xi32, #tpu.memory_space<vmem>>
    %dma_start3A_18 = tpu.memref_squeeze %dma_start3A_17 : memref<1x80xi32, #tpu.memory_space<vmem>> -> memref<80xi32, #tpu.memory_space<vmem>>
    %dma_start3A_19 = tpu.memref_slice %arg3[%add3A_14] : memref<640000xi32, #tpu.memory_space<hbm>> -> memref<80xi32, #tpu.memory_space<hbm>>
    %dma_start3A_20 = tpu.memref_slice %arg16[%dma_start3A_15] : memref<4x!tpu.dma_semaphore, #tpu.memory_space<semaphore_mem>> -> memref<1x!tpu.dma_semaphore, #tpu.memory_space<semaphore_mem>>
    %dma_start3A_21 = tpu.memref_squeeze %dma_start3A_20 : memref<1x!tpu.dma_semaphore, #tpu.memory_space<semaphore_mem>> -> memref<!tpu.dma_semaphore, #tpu.memory_space<semaphore_mem>>
    %dma_start3A_22 = arith.constant 0 : i32
    %dma_start3A_23 = tpu.memref_slice %arg9[%dma_start3A, %dma_start3A_22] : memref<4x80xi32, #tpu.memory_space<vmem>> -> memref<1x80xi32, #tpu.memory_space<vmem>>
    %dma_start3A_24 = tpu.memref_squeeze %dma_start3A_23 : memref<1x80xi32, #tpu.memory_space<vmem>> -> memref<80xi32, #tpu.memory_space<vmem>>
    %dma_start3A_25 = tpu.memref_slice %arg3[%add3A_14] : memref<640000xi32, #tpu.memory_space<hbm>> -> memref<80xi32, #tpu.memory_space<hbm>>
    tpu.enqueue_dma source(%dma_start3A_25 : memref<80xi32, #tpu.memory_space<hbm>>) target(%dma_start3A_24 : memref<80xi32, #tpu.memory_space<vmem>>) target_semaphore(%dma_start3A_21 : memref<!tpu.dma_semaphore, #tpu.memory_space<semaphore_mem>>)
    %add3A_26 = arith.constant 0 : i32
    %add3A_27 = arith.addi %mul3A_10, %add3A_26 : i32
    %dma_start3A_28 = arith.constant 0 : i32
    %dma_start3A_29 = arith.constant 0 : i32
    %dma_start3A_30 = arith.constant 0 : i32
    %dma_start3A_31 = tpu.memref_slice %arg10[%dma_start3A_28, %dma_start3A_30] : memref<8x80xi32, #tpu.memory_space<vmem>> -> memref<1x80xi32, #tpu.memory_space<vmem>>
    %dma_start3A_32 = tpu.memref_squeeze %dma_start3A_31 : memref<1x80xi32, #tpu.memory_space<vmem>> -> memref<80xi32, #tpu.memory_space<vmem>>
    %dma_start3A_33 = tpu.memref_slice %arg3[%add3A_27] : memref<640000xi32, #tpu.memory_space<hbm>> -> memref<80xi32, #tpu.memory_space<hbm>>
    %dma_start3A_34 = tpu.memref_slice %arg17[%dma_start3A_29] : memref<4x!tpu.dma_semaphore, #tpu.memory_space<semaphore_mem>> -> memref<1x!tpu.dma_semaphore, #tpu.memory_space<semaphore_mem>>
    %dma_start3A_35 = tpu.memref_squeeze %dma_start3A_34 : memref<1x!tpu.dma_semaphore, #tpu.memory_space<semaphore_mem>> -> memref<!tpu.dma_semaphore, #tpu.memory_space<semaphore_mem>>
    %dma_start3A_36 = arith.constant 0 : i32
    %dma_start3A_37 = tpu.memref_slice %arg10[%dma_start3A_28, %dma_start3A_36] : memref<8x80xi32, #tpu.memory_space<vmem>> -> memref<1x80xi32, #tpu.memory_space<vmem>>
    %dma_start3A_38 = tpu.memref_squeeze %dma_start3A_37 : memref<1x80xi32, #tpu.memory_space<vmem>> -> memref<80xi32, #tpu.memory_space<vmem>>
    %dma_start3A_39 = tpu.memref_slice %arg3[%add3A_27] : memref<640000xi32, #tpu.memory_space<hbm>> -> memref<80xi32, #tpu.memory_space<hbm>>
    tpu.enqueue_dma source(%dma_start3A_39 : memref<80xi32, #tpu.memory_space<hbm>>) target(%dma_start3A_38 : memref<80xi32, #tpu.memory_space<vmem>>) target_semaphore(%dma_start3A_35 : memref<!tpu.dma_semaphore, #tpu.memory_space<semaphore_mem>>)
    %add3A_40 = arith.constant 0 : i32
    %add3A_41 = arith.addi %mul3A_10, %add3A_40 : i32
    %dma_start3A_42 = arith.constant 0 : i32
    %dma_start3A_43 = arith.constant 0 : i32
    %dma_start3A_44 = arith.constant 0 : i32
    %dma_start3A_45 = tpu.memref_slice %arg11[%dma_start3A_42, %dma_start3A_44] : memref<4x80xf32, #tpu.memory_space<vmem>> -> memref<1x80xf32, #tpu.memory_space<vmem>>
    %dma_start3A_46 = tpu.memref_squeeze %dma_start3A_45 : memref<1x80xf32, #tpu.memory_space<vmem>> -> memref<80xf32, #tpu.memory_space<vmem>>
    %dma_start3A_47 = tpu.memref_slice %arg4[%add3A_41] : memref<320000xf32, #tpu.memory_space<hbm>> -> memref<80xf32, #tpu.memory_space<hbm>>
    %dma_start3A_48 = tpu.memref_slice %arg18[%dma_start3A_43] : memref<4x!tpu.dma_semaphore, #tpu.memory_space<semaphore_mem>> -> memref<1x!tpu.dma_semaphore, #tpu.memory_space<semaphore_mem>>
    %dma_start3A_49 = tpu.memref_squeeze %dma_start3A_48 : memref<1x!tpu.dma_semaphore, #tpu.memory_space<semaphore_mem>> -> memref<!tpu.dma_semaphore, #tpu.memory_space<semaphore_mem>>
    %dma_start3A_50 = arith.constant 0 : i32
    %dma_start3A_51 = tpu.memref_slice %arg11[%dma_start3A_42, %dma_start3A_50] : memref<4x80xf32, #tpu.memory_space<vmem>> -> memref<1x80xf32, #tpu.memory_space<vmem>>
    %dma_start3A_52 = tpu.memref_squeeze %dma_start3A_51 : memref<1x80xf32, #tpu.memory_space<vmem>> -> memref<80xf32, #tpu.memory_space<vmem>>
    %dma_start3A_53 = tpu.memref_slice %arg4[%add3A_41] : memref<320000xf32, #tpu.memory_space<hbm>> -> memref<80xf32, #tpu.memory_space<hbm>>
    tpu.enqueue_dma source(%dma_start3A_53 : memref<80xf32, #tpu.memory_space<hbm>>) target(%dma_start3A_52 : memref<80xf32, #tpu.memory_space<vmem>>) target_semaphore(%dma_start3A_49 : memref<!tpu.dma_semaphore, #tpu.memory_space<semaphore_mem>>)
    %add3A_54 = arith.constant 320000 : i32
    %add3A_55 = arith.addi %add3A_54, %mul3A_10 : i32
    %add3A_56 = arith.constant 80 : i32
    %add3A_57 = arith.addi %add3A_55, %add3A_56 : i32
    %dma_start3A_58 = arith.constant 1 : i32
    %dma_start3A_59 = arith.constant 1 : i32
    %dma_start3A_60 = arith.constant 0 : i32
    %dma_start3A_61 = tpu.memref_slice %arg9[%dma_start3A_58, %dma_start3A_60] : memref<4x80xi32, #tpu.memory_space<vmem>> -> memref<1x80xi32, #tpu.memory_space<vmem>>
    %dma_start3A_62 = tpu.memref_squeeze %dma_start3A_61 : memref<1x80xi32, #tpu.memory_space<vmem>> -> memref<80xi32, #tpu.memory_space<vmem>>
    %dma_start3A_63 = tpu.memref_slice %arg3[%add3A_57] : memref<640000xi32, #tpu.memory_space<hbm>> -> memref<80xi32, #tpu.memory_space<hbm>>
    %dma_start3A_64 = tpu.memref_slice %arg16[%dma_start3A_59] : memref<4x!tpu.dma_semaphore, #tpu.memory_space<semaphore_mem>> -> memref<1x!tpu.dma_semaphore, #tpu.memory_space<semaphore_mem>>
    %dma_start3A_65 = tpu.memref_squeeze %dma_start3A_64 : memref<1x!tpu.dma_semaphore, #tpu.memory_space<semaphore_mem>> -> memref<!tpu.dma_semaphore, #tpu.memory_space<semaphore_mem>>
    %dma_start3A_66 = arith.constant 0 : i32
    %dma_start3A_67 = tpu.memref_slice %arg9[%dma_start3A_58, %dma_start3A_66] : memref<4x80xi32, #tpu.memory_space<vmem>> -> memref<1x80xi32, #tpu.memory_space<vmem>>
    %dma_start3A_68 = tpu.memref_squeeze %dma_start3A_67 : memref<1x80xi32, #tpu.memory_space<vmem>> -> memref<80xi32, #tpu.memory_space<vmem>>
    %dma_start3A_69 = tpu.memref_slice %arg3[%add3A_57] : memref<640000xi32, #tpu.memory_space<hbm>> -> memref<80xi32, #tpu.memory_space<hbm>>
    tpu.enqueue_dma source(%dma_start3A_69 : memref<80xi32, #tpu.memory_space<hbm>>) target(%dma_start3A_68 : memref<80xi32, #tpu.memory_space<vmem>>) target_semaphore(%dma_start3A_65 : memref<!tpu.dma_semaphore, #tpu.memory_space<semaphore_mem>>)
    %add3A_70 = arith.constant 80 : i32
    %add3A_71 = arith.addi %mul3A_10, %add3A_70 : i32
    %dma_start3A_72 = arith.constant 1 : i32
    %dma_start3A_73 = arith.constant 1 : i32
    %dma_start3A_74 = arith.constant 0 : i32
    %dma_start3A_75 = tpu.memref_slice %arg10[%dma_start3A_72, %dma_start3A_74] : memref<8x80xi32, #tpu.memory_space<vmem>> -> memref<1x80xi32, #tpu.memory_space<vmem>>
    %dma_start3A_76 = tpu.memref_squeeze %dma_start3A_75 : memref<1x80xi32, #tpu.memory_space<vmem>> -> memref<80xi32, #tpu.memory_space<vmem>>
    %dma_start3A_77 = tpu.memref_slice %arg3[%add3A_71] : memref<640000xi32, #tpu.memory_space<hbm>> -> memref<80xi32, #tpu.memory_space<hbm>>
    %dma_start3A_78 = tpu.memref_slice %arg17[%dma_start3A_73] : memref<4x!tpu.dma_semaphore, #tpu.memory_space<semaphore_mem>> -> memref<1x!tpu.dma_semaphore, #tpu.memory_space<semaphore_mem>>
    %dma_start3A_79 = tpu.memref_squeeze %dma_start3A_78 : memref<1x!tpu.dma_semaphore, #tpu.memory_space<semaphore_mem>> -> memref<!tpu.dma_semaphore, #tpu.memory_space<semaphore_mem>>
    %dma_start3A_80 = arith.constant 0 : i32
    %dma_start3A_81 = tpu.memref_slice %arg10[%dma_start3A_72, %dma_start3A_80] : memref<8x80xi32, #tpu.memory_space<vmem>> -> memref<1x80xi32, #tpu.memory_space<vmem>>
    %dma_start3A_82 = tpu.memref_squeeze %dma_start3A_81 : memref<1x80xi32, #tpu.memory_space<vmem>> -> memref<80xi32, #tpu.memory_space<vmem>>
    %dma_start3A_83 = tpu.memref_slice %arg3[%add3A_71] : memref<640000xi32, #tpu.memory_space<hbm>> -> memref<80xi32, #tpu.memory_space<hbm>>
    tpu.enqueue_dma source(%dma_start3A_83 : memref<80xi32, #tpu.memory_space<hbm>>) target(%dma_start3A_82 : memref<80xi32, #tpu.memory_space<vmem>>) target_semaphore(%dma_start3A_79 : memref<!tpu.dma_semaphore, #tpu.memory_space<semaphore_mem>>)
    %add3A_84 = arith.constant 80 : i32
    %add3A_85 = arith.addi %mul3A_10, %add3A_84 : i32
    %dma_start3A_86 = arith.constant 1 : i32
    %dma_start3A_87 = arith.constant 1 : i32
    %dma_start3A_88 = arith.constant 0 : i32
    %dma_start3A_89 = tpu.memref_slice %arg11[%dma_start3A_86, %dma_start3A_88] : memref<4x80xf32, #tpu.memory_space<vmem>> -> memref<1x80xf32, #tpu.memory_space<vmem>>
    %dma_start3A_90 = tpu.memref_squeeze %dma_start3A_89 : memref<1x80xf32, #tpu.memory_space<vmem>> -> memref<80xf32, #tpu.memory_space<vmem>>
    %dma_start3A_91 = tpu.memref_slice %arg4[%add3A_85] : memref<320000xf32, #tpu.memory_space<hbm>> -> memref<80xf32, #tpu.memory_space<hbm>>
    %dma_start3A_92 = tpu.memref_slice %arg18[%dma_start3A_87] : memref<4x!tpu.dma_semaphore, #tpu.memory_space<semaphore_mem>> -> memref<1x!tpu.dma_semaphore, #tpu.memory_space<semaphore_mem>>
    %dma_start3A_93 = tpu.memref_squeeze %dma_start3A_92 : memref<1x!tpu.dma_semaphore, #tpu.memory_space<semaphore_mem>> -> memref<!tpu.dma_semaphore, #tpu.memory_space<semaphore_mem>>
    %dma_start3A_94 = arith.constant 0 : i32
    %dma_start3A_95 = tpu.memref_slice %arg11[%dma_start3A_86, %dma_start3A_94] : memref<4x80xf32, #tpu.memory_space<vmem>> -> memref<1x80xf32, #tpu.memory_space<vmem>>
    %dma_start3A_96 = tpu.memref_squeeze %dma_start3A_95 : memref<1x80xf32, #tpu.memory_space<vmem>> -> memref<80xf32, #tpu.memory_space<vmem>>
    %dma_start3A_97 = tpu.memref_slice %arg4[%add3A_85] : memref<320000xf32, #tpu.memory_space<hbm>> -> memref<80xf32, #tpu.memory_space<hbm>>
    tpu.enqueue_dma source(%dma_start3A_97 : memref<80xf32, #tpu.memory_space<hbm>>) target(%dma_start3A_96 : memref<80xf32, #tpu.memory_space<vmem>>) target_semaphore(%dma_start3A_93 : memref<!tpu.dma_semaphore, #tpu.memory_space<semaphore_mem>>)
    %add3A_98 = arith.constant 320000 : i32
    %add3A_99 = arith.addi %add3A_98, %mul3A_10 : i32
    %add3A_100 = arith.constant 160 : i32
    %add3A_101 = arith.addi %add3A_99, %add3A_100 : i32
    %dma_start3A_102 = arith.constant 2 : i32
    %dma_start3A_103 = arith.constant 2 : i32
    %dma_start3A_104 = arith.constant 0 : i32
    %dma_start3A_105 = tpu.memref_slice %arg9[%dma_start3A_102, %dma_start3A_104] : memref<4x80xi32, #tpu.memory_space<vmem>> -> memref<1x80xi32, #tpu.memory_space<vmem>>
    %dma_start3A_106 = tpu.memref_squeeze %dma_start3A_105 : memref<1x80xi32, #tpu.memory_space<vmem>> -> memref<80xi32, #tpu.memory_space<vmem>>
    %dma_start3A_107 = tpu.memref_slice %arg3[%add3A_101] : memref<640000xi32, #tpu.memory_space<hbm>> -> memref<80xi32, #tpu.memory_space<hbm>>
    %dma_start3A_108 = tpu.memref_slice %arg16[%dma_start3A_103] : memref<4x!tpu.dma_semaphore, #tpu.memory_space<semaphore_mem>> -> memref<1x!tpu.dma_semaphore, #tpu.memory_space<semaphore_mem>>
    %dma_start3A_109 = tpu.memref_squeeze %dma_start3A_108 : memref<1x!tpu.dma_semaphore, #tpu.memory_space<semaphore_mem>> -> memref<!tpu.dma_semaphore, #tpu.memory_space<semaphore_mem>>
    %dma_start3A_110 = arith.constant 0 : i32
    %dma_start3A_111 = tpu.memref_slice %arg9[%dma_start3A_102, %dma_start3A_110] : memref<4x80xi32, #tpu.memory_space<vmem>> -> memref<1x80xi32, #tpu.memory_space<vmem>>
    %dma_start3A_112 = tpu.memref_squeeze %dma_start3A_111 : memref<1x80xi32, #tpu.memory_space<vmem>> -> memref<80xi32, #tpu.memory_space<vmem>>
    %dma_start3A_113 = tpu.memref_slice %arg3[%add3A_101] : memref<640000xi32, #tpu.memory_space<hbm>> -> memref<80xi32, #tpu.memory_space<hbm>>
    tpu.enqueue_dma source(%dma_start3A_113 : memref<80xi32, #tpu.memory_space<hbm>>) target(%dma_start3A_112 : memref<80xi32, #tpu.memory_space<vmem>>) target_semaphore(%dma_start3A_109 : memref<!tpu.dma_semaphore, #tpu.memory_space<semaphore_mem>>)
    %add3A_114 = arith.constant 160 : i32
    %add3A_115 = arith.addi %mul3A_10, %add3A_114 : i32
    %dma_start3A_116 = arith.constant 2 : i32
    %dma_start3A_117 = arith.constant 2 : i32
    %dma_start3A_118 = arith.constant 0 : i32
    %dma_start3A_119 = tpu.memref_slice %arg10[%dma_start3A_116, %dma_start3A_118] : memref<8x80xi32, #tpu.memory_space<vmem>> -> memref<1x80xi32, #tpu.memory_space<vmem>>
    %dma_start3A_120 = tpu.memref_squeeze %dma_start3A_119 : memref<1x80xi32, #tpu.memory_space<vmem>> -> memref<80xi32, #tpu.memory_space<vmem>>
    %dma_start3A_121 = tpu.memref_slice %arg3[%add3A_115] : memref<640000xi32, #tpu.memory_space<hbm>> -> memref<80xi32, #tpu.memory_space<hbm>>
    %dma_start3A_122 = tpu.memref_slice %arg17[%dma_start3A_117] : memref<4x!tpu.dma_semaphore, #tpu.memory_space<semaphore_mem>> -> memref<1x!tpu.dma_semaphore, #tpu.memory_space<semaphore_mem>>
    %dma_start3A_123 = tpu.memref_squeeze %dma_start3A_122 : memref<1x!tpu.dma_semaphore, #tpu.memory_space<semaphore_mem>> -> memref<!tpu.dma_semaphore, #tpu.memory_space<semaphore_mem>>
    %dma_start3A_124 = arith.constant 0 : i32
    %dma_start3A_125 = tpu.memref_slice %arg10[%dma_start3A_116, %dma_start3A_124] : memref<8x80xi32, #tpu.memory_space<vmem>> -> memref<1x80xi32, #tpu.memory_space<vmem>>
    %dma_start3A_126 = tpu.memref_squeeze %dma_start3A_125 : memref<1x80xi32, #tpu.memory_space<vmem>> -> memref<80xi32, #tpu.memory_space<vmem>>
    %dma_start3A_127 = tpu.memref_slice %arg3[%add3A_115] : memref<640000xi32, #tpu.memory_space<hbm>> -> memref<80xi32, #tpu.memory_space<hbm>>
    tpu.enqueue_dma source(%dma_start3A_127 : memref<80xi32, #tpu.memory_space<hbm>>) target(%dma_start3A_126 : memref<80xi32, #tpu.memory_space<vmem>>) target_semaphore(%dma_start3A_123 : memref<!tpu.dma_semaphore, #tpu.memory_space<semaphore_mem>>)
    %add3A_128 = arith.constant 160 : i32
    %add3A_129 = arith.addi %mul3A_10, %add3A_128 : i32
    %dma_start3A_130 = arith.constant 2 : i32
    %dma_start3A_131 = arith.constant 2 : i32
    %dma_start3A_132 = arith.constant 0 : i32
    %dma_start3A_133 = tpu.memref_slice %arg11[%dma_start3A_130, %dma_start3A_132] : memref<4x80xf32, #tpu.memory_space<vmem>> -> memref<1x80xf32, #tpu.memory_space<vmem>>
    %dma_start3A_134 = tpu.memref_squeeze %dma_start3A_133 : memref<1x80xf32, #tpu.memory_space<vmem>> -> memref<80xf32, #tpu.memory_space<vmem>>
    %dma_start3A_135 = tpu.memref_slice %arg4[%add3A_129] : memref<320000xf32, #tpu.memory_space<hbm>> -> memref<80xf32, #tpu.memory_space<hbm>>
    %dma_start3A_136 = tpu.memref_slice %arg18[%dma_start3A_131] : memref<4x!tpu.dma_semaphore, #tpu.memory_space<semaphore_mem>> -> memref<1x!tpu.dma_semaphore, #tpu.memory_space<semaphore_mem>>
    %dma_start3A_137 = tpu.memref_squeeze %dma_start3A_136 : memref<1x!tpu.dma_semaphore, #tpu.memory_space<semaphore_mem>> -> memref<!tpu.dma_semaphore, #tpu.memory_space<semaphore_mem>>
    %dma_start3A_138 = arith.constant 0 : i32
    %dma_start3A_139 = tpu.memref_slice %arg11[%dma_start3A_130, %dma_start3A_138] : memref<4x80xf32, #tpu.memory_space<vmem>> -> memref<1x80xf32, #tpu.memory_space<vmem>>
    %dma_start3A_140 = tpu.memref_squeeze %dma_start3A_139 : memref<1x80xf32, #tpu.memory_space<vmem>> -> memref<80xf32, #tpu.memory_space<vmem>>
    %dma_start3A_141 = tpu.memref_slice %arg4[%add3A_129] : memref<320000xf32, #tpu.memory_space<hbm>> -> memref<80xf32, #tpu.memory_space<hbm>>
    tpu.enqueue_dma source(%dma_start3A_141 : memref<80xf32, #tpu.memory_space<hbm>>) target(%dma_start3A_140 : memref<80xf32, #tpu.memory_space<vmem>>) target_semaphore(%dma_start3A_137 : memref<!tpu.dma_semaphore, #tpu.memory_space<semaphore_mem>>)
    %add3A_142 = arith.constant 320000 : i32
    %add3A_143 = arith.addi %add3A_142, %mul3A_10 : i32
    %add3A_144 = arith.constant 240 : i32
    %add3A_145 = arith.addi %add3A_143, %add3A_144 : i32
    %dma_start3A_146 = arith.constant 3 : i32
    %dma_start3A_147 = arith.constant 3 : i32
    %dma_start3A_148 = arith.constant 0 : i32
    %dma_start3A_149 = tpu.memref_slice %arg9[%dma_start3A_146, %dma_start3A_148] : memref<4x80xi32, #tpu.memory_space<vmem>> -> memref<1x80xi32, #tpu.memory_space<vmem>>
    %dma_start3A_150 = tpu.memref_squeeze %dma_start3A_149 : memref<1x80xi32, #tpu.memory_space<vmem>> -> memref<80xi32, #tpu.memory_space<vmem>>
    %dma_start3A_151 = tpu.memref_slice %arg3[%add3A_145] : memref<640000xi32, #tpu.memory_space<hbm>> -> memref<80xi32, #tpu.memory_space<hbm>>
    %dma_start3A_152 = tpu.memref_slice %arg16[%dma_start3A_147] : memref<4x!tpu.dma_semaphore, #tpu.memory_space<semaphore_mem>> -> memref<1x!tpu.dma_semaphore, #tpu.memory_space<semaphore_mem>>
    %dma_start3A_153 = tpu.memref_squeeze %dma_start3A_152 : memref<1x!tpu.dma_semaphore, #tpu.memory_space<semaphore_mem>> -> memref<!tpu.dma_semaphore, #tpu.memory_space<semaphore_mem>>
    %dma_start3A_154 = arith.constant 0 : i32
    %dma_start3A_155 = tpu.memref_slice %arg9[%dma_start3A_146, %dma_start3A_154] : memref<4x80xi32, #tpu.memory_space<vmem>> -> memref<1x80xi32, #tpu.memory_space<vmem>>
    %dma_start3A_156 = tpu.memref_squeeze %dma_start3A_155 : memref<1x80xi32, #tpu.memory_space<vmem>> -> memref<80xi32, #tpu.memory_space<vmem>>
    %dma_start3A_157 = tpu.memref_slice %arg3[%add3A_145] : memref<640000xi32, #tpu.memory_space<hbm>> -> memref<80xi32, #tpu.memory_space<hbm>>
    tpu.enqueue_dma source(%dma_start3A_157 : memref<80xi32, #tpu.memory_space<hbm>>) target(%dma_start3A_156 : memref<80xi32, #tpu.memory_space<vmem>>) target_semaphore(%dma_start3A_153 : memref<!tpu.dma_semaphore, #tpu.memory_space<semaphore_mem>>)
    %add3A_158 = arith.constant 240 : i32
    %add3A_159 = arith.addi %mul3A_10, %add3A_158 : i32
    %dma_start3A_160 = arith.constant 3 : i32
    %dma_start3A_161 = arith.constant 3 : i32
    %dma_start3A_162 = arith.constant 0 : i32
    %dma_start3A_163 = tpu.memref_slice %arg10[%dma_start3A_160, %dma_start3A_162] : memref<8x80xi32, #tpu.memory_space<vmem>> -> memref<1x80xi32, #tpu.memory_space<vmem>>
    %dma_start3A_164 = tpu.memref_squeeze %dma_start3A_163 : memref<1x80xi32, #tpu.memory_space<vmem>> -> memref<80xi32, #tpu.memory_space<vmem>>
    %dma_start3A_165 = tpu.memref_slice %arg3[%add3A_159] : memref<640000xi32, #tpu.memory_space<hbm>> -> memref<80xi32, #tpu.memory_space<hbm>>
    %dma_start3A_166 = tpu.memref_slice %arg17[%dma_start3A_161] : memref<4x!tpu.dma_semaphore, #tpu.memory_space<semaphore_mem>> -> memref<1x!tpu.dma_semaphore, #tpu.memory_space<semaphore_mem>>
    %dma_start3A_167 = tpu.memref_squeeze %dma_start3A_166 : memref<1x!tpu.dma_semaphore, #tpu.memory_space<semaphore_mem>> -> memref<!tpu.dma_semaphore, #tpu.memory_space<semaphore_mem>>
    %dma_start3A_168 = arith.constant 0 : i32
    %dma_start3A_169 = tpu.memref_slice %arg10[%dma_start3A_160, %dma_start3A_168] : memref<8x80xi32, #tpu.memory_space<vmem>> -> memref<1x80xi32, #tpu.memory_space<vmem>>
    %dma_start3A_170 = tpu.memref_squeeze %dma_start3A_169 : memref<1x80xi32, #tpu.memory_space<vmem>> -> memref<80xi32, #tpu.memory_space<vmem>>
    %dma_start3A_171 = tpu.memref_slice %arg3[%add3A_159] : memref<640000xi32, #tpu.memory_space<hbm>> -> memref<80xi32, #tpu.memory_space<hbm>>
    tpu.enqueue_dma source(%dma_start3A_171 : memref<80xi32, #tpu.memory_space<hbm>>) target(%dma_start3A_170 : memref<80xi32, #tpu.memory_space<vmem>>) target_semaphore(%dma_start3A_167 : memref<!tpu.dma_semaphore, #tpu.memory_space<semaphore_mem>>)
    %add3A_172 = arith.constant 240 : i32
    %add3A_173 = arith.addi %mul3A_10, %add3A_172 : i32
    %dma_start3A_174 = arith.constant 3 : i32
    %dma_start3A_175 = arith.constant 3 : i32
    %dma_start3A_176 = arith.constant 0 : i32
    %dma_start3A_177 = tpu.memref_slice %arg11[%dma_start3A_174, %dma_start3A_176] : memref<4x80xf32, #tpu.memory_space<vmem>> -> memref<1x80xf32, #tpu.memory_space<vmem>>
    %dma_start3A_178 = tpu.memref_squeeze %dma_start3A_177 : memref<1x80xf32, #tpu.memory_space<vmem>> -> memref<80xf32, #tpu.memory_space<vmem>>
    %dma_start3A_179 = tpu.memref_slice %arg4[%add3A_173] : memref<320000xf32, #tpu.memory_space<hbm>> -> memref<80xf32, #tpu.memory_space<hbm>>
    %dma_start3A_180 = tpu.memref_slice %arg18[%dma_start3A_175] : memref<4x!tpu.dma_semaphore, #tpu.memory_space<semaphore_mem>> -> memref<1x!tpu.dma_semaphore, #tpu.memory_space<semaphore_mem>>
    %dma_start3A_181 = tpu.memref_squeeze %dma_start3A_180 : memref<1x!tpu.dma_semaphore, #tpu.memory_space<semaphore_mem>> -> memref<!tpu.dma_semaphore, #tpu.memory_space<semaphore_mem>>
    %dma_start3A_182 = arith.constant 0 : i32
    %dma_start3A_183 = tpu.memref_slice %arg11[%dma_start3A_174, %dma_start3A_182] : memref<4x80xf32, #tpu.memory_space<vmem>> -> memref<1x80xf32, #tpu.memory_space<vmem>>
    %dma_start3A_184 = tpu.memref_squeeze %dma_start3A_183 : memref<1x80xf32, #tpu.memory_space<vmem>> -> memref<80xf32, #tpu.memory_space<vmem>>
    %dma_start3A_185 = tpu.memref_slice %arg4[%add3A_173] : memref<320000xf32, #tpu.memory_space<hbm>> -> memref<80xf32, #tpu.memory_space<hbm>>
    tpu.enqueue_dma source(%dma_start3A_185 : memref<80xf32, #tpu.memory_space<hbm>>) target(%dma_start3A_184 : memref<80xf32, #tpu.memory_space<vmem>>) target_semaphore(%dma_start3A_181 : memref<!tpu.dma_semaphore, #tpu.memory_space<semaphore_mem>>)
    %add3A_186 = arith.constant 320000 : i32
    %add3A_187 = arith.addi %add3A_186, %mul3A_10 : i32
    %add3A_188 = arith.constant 0 : i32
    %add3A_189 = arith.addi %add3A_187, %add3A_188 : i32
    %dma_wait3A = arith.constant 0 : i32
    %dma_wait3A_190 = arith.constant 0 : i32
    %dma_wait3A_191 = arith.constant 0 : i32
    %dma_wait3A_192 = tpu.memref_slice %arg9[%dma_wait3A, %dma_wait3A_191] : memref<4x80xi32, #tpu.memory_space<vmem>> -> memref<1x80xi32, #tpu.memory_space<vmem>>
    %dma_wait3A_193 = tpu.memref_squeeze %dma_wait3A_192 : memref<1x80xi32, #tpu.memory_space<vmem>> -> memref<80xi32, #tpu.memory_space<vmem>>
    %dma_wait3A_194 = tpu.memref_slice %arg3[%add3A_189] : memref<640000xi32, #tpu.memory_space<hbm>> -> memref<80xi32, #tpu.memory_space<hbm>>
    %dma_wait3A_195 = tpu.memref_slice %arg16[%dma_wait3A_190] : memref<4x!tpu.dma_semaphore, #tpu.memory_space<semaphore_mem>> -> memref<1x!tpu.dma_semaphore, #tpu.memory_space<semaphore_mem>>
    %dma_wait3A_196 = tpu.memref_squeeze %dma_wait3A_195 : memref<1x!tpu.dma_semaphore, #tpu.memory_space<semaphore_mem>> -> memref<!tpu.dma_semaphore, #tpu.memory_space<semaphore_mem>>
    %dma_wait3A_197 = arith.constant 0 : i32
    %dma_wait3A_198 = tpu.memref_slice %arg9[%dma_wait3A, %dma_wait3A_197] : memref<4x80xi32, #tpu.memory_space<vmem>> -> memref<1x80xi32, #tpu.memory_space<vmem>>
    %dma_wait3A_199 = tpu.memref_squeeze %dma_wait3A_198 : memref<1x80xi32, #tpu.memory_space<vmem>> -> memref<80xi32, #tpu.memory_space<vmem>>
    %dma_wait3A_200 = tpu.memref_slice %arg3[%add3A_189] : memref<640000xi32, #tpu.memory_space<hbm>> -> memref<80xi32, #tpu.memory_space<hbm>>
    tpu.wait_dma2 semaphore(%dma_wait3A_196 : memref<!tpu.dma_semaphore, #tpu.memory_space<semaphore_mem>>) src(%dma_wait3A_200 : memref<80xi32, #tpu.memory_space<hbm>>) dst(%dma_wait3A_199 : memref<80xi32, #tpu.memory_space<vmem>>)
    %dma_start3A_201 = arith.constant 0 : i32
    %dma_start3A_202 = arith.constant 0 : i32
    %dma_start3A_203 = arith.constant 0 : i32
    %dma_start3A_204 = tpu.memref_slice %arg9[%dma_start3A_201, %dma_start3A_203] : memref<4x80xi32, #tpu.memory_space<vmem>> -> memref<1x80xi32, #tpu.memory_space<vmem>>
    %dma_start3A_205 = tpu.memref_squeeze %dma_start3A_204 : memref<1x80xi32, #tpu.memory_space<vmem>> -> memref<80xi32, #tpu.memory_space<vmem>>
    %dma_start3A_206 = arith.constant 0 : i32
    %dma_start3A_207 = arith.constant 0 : i32
    %dma_start3A_208 = tpu.memref_slice %arg2[%dma_start3A_206, %dma_start3A_207] : memref<10000x128xf32, #tpu.memory_space<hbm>> -> memref<10000x128xf32, #tpu.memory_space<hbm>>
    %dma_start3A_209 = tpu.memref_slice %arg19[%dma_start3A_202] : memref<4x!tpu.dma_semaphore, #tpu.memory_space<semaphore_mem>> -> memref<1x!tpu.dma_semaphore, #tpu.memory_space<semaphore_mem>>
    %dma_start3A_210 = tpu.memref_squeeze %dma_start3A_209 : memref<1x!tpu.dma_semaphore, #tpu.memory_space<semaphore_mem>> -> memref<!tpu.dma_semaphore, #tpu.memory_space<semaphore_mem>>
    tpu.enqueue_indirect_dma source(%dma_start3A_208 : memref<10000x128xf32, #tpu.memory_space<hbm>>) target(%arg12 : memref<80x128xf32, #tpu.memory_space<vmem>>) offsets(%dma_start3A_205 : memref<80xi32, #tpu.memory_space<vmem>>) semaphore(%dma_start3A_210 : memref<!tpu.dma_semaphore, #tpu.memory_space<semaphore_mem>>)
    %add3A_211 = arith.constant 320000 : i32
    %add3A_212 = arith.addi %add3A_211, %mul3A_10 : i32
    %add3A_213 = arith.constant 80 : i32
    %add3A_214 = arith.addi %add3A_212, %add3A_213 : i32
    %dma_wait3A_215 = arith.constant 1 : i32
    %dma_wait3A_216 = arith.constant 1 : i32
    %dma_wait3A_217 = arith.constant 0 : i32
    %dma_wait3A_218 = tpu.memref_slice %arg9[%dma_wait3A_215, %dma_wait3A_217] : memref<4x80xi32, #tpu.memory_space<vmem>> -> memref<1x80xi32, #tpu.memory_space<vmem>>
    %dma_wait3A_219 = tpu.memref_squeeze %dma_wait3A_218 : memref<1x80xi32, #tpu.memory_space<vmem>> -> memref<80xi32, #tpu.memory_space<vmem>>
    %dma_wait3A_220 = tpu.memref_slice %arg3[%add3A_214] : memref<640000xi32, #tpu.memory_space<hbm>> -> memref<80xi32, #tpu.memory_space<hbm>>
    %dma_wait3A_221 = tpu.memref_slice %arg16[%dma_wait3A_216] : memref<4x!tpu.dma_semaphore, #tpu.memory_space<semaphore_mem>> -> memref<1x!tpu.dma_semaphore, #tpu.memory_space<semaphore_mem>>
    %dma_wait3A_222 = tpu.memref_squeeze %dma_wait3A_221 : memref<1x!tpu.dma_semaphore, #tpu.memory_space<semaphore_mem>> -> memref<!tpu.dma_semaphore, #tpu.memory_space<semaphore_mem>>
    %dma_wait3A_223 = arith.constant 0 : i32
    %dma_wait3A_224 = tpu.memref_slice %arg9[%dma_wait3A_215, %dma_wait3A_223] : memref<4x80xi32, #tpu.memory_space<vmem>> -> memref<1x80xi32, #tpu.memory_space<vmem>>
    %dma_wait3A_225 = tpu.memref_squeeze %dma_wait3A_224 : memref<1x80xi32, #tpu.memory_space<vmem>> -> memref<80xi32, #tpu.memory_space<vmem>>
    %dma_wait3A_226 = tpu.memref_slice %arg3[%add3A_214] : memref<640000xi32, #tpu.memory_space<hbm>> -> memref<80xi32, #tpu.memory_space<hbm>>
    tpu.wait_dma2 semaphore(%dma_wait3A_222 : memref<!tpu.dma_semaphore, #tpu.memory_space<semaphore_mem>>) src(%dma_wait3A_226 : memref<80xi32, #tpu.memory_space<hbm>>) dst(%dma_wait3A_225 : memref<80xi32, #tpu.memory_space<vmem>>)
    %dma_start3A_227 = arith.constant 1 : i32
    %dma_start3A_228 = arith.constant 1 : i32
    %dma_start3A_229 = arith.constant 0 : i32
    %dma_start3A_230 = tpu.memref_slice %arg9[%dma_start3A_227, %dma_start3A_229] : memref<4x80xi32, #tpu.memory_space<vmem>> -> memref<1x80xi32, #tpu.memory_space<vmem>>
    %dma_start3A_231 = tpu.memref_squeeze %dma_start3A_230 : memref<1x80xi32, #tpu.memory_space<vmem>> -> memref<80xi32, #tpu.memory_space<vmem>>
    %dma_start3A_232 = arith.constant 0 : i32
    %dma_start3A_233 = arith.constant 0 : i32
    %dma_start3A_234 = tpu.memref_slice %arg2[%dma_start3A_232, %dma_start3A_233] : memref<10000x128xf32, #tpu.memory_space<hbm>> -> memref<10000x128xf32, #tpu.memory_space<hbm>>
    %dma_start3A_235 = tpu.memref_slice %arg19[%dma_start3A_228] : memref<4x!tpu.dma_semaphore, #tpu.memory_space<semaphore_mem>> -> memref<1x!tpu.dma_semaphore, #tpu.memory_space<semaphore_mem>>
    %dma_start3A_236 = tpu.memref_squeeze %dma_start3A_235 : memref<1x!tpu.dma_semaphore, #tpu.memory_space<semaphore_mem>> -> memref<!tpu.dma_semaphore, #tpu.memory_space<semaphore_mem>>
    tpu.enqueue_indirect_dma source(%dma_start3A_234 : memref<10000x128xf32, #tpu.memory_space<hbm>>) target(%arg13 : memref<80x128xf32, #tpu.memory_space<vmem>>) offsets(%dma_start3A_231 : memref<80xi32, #tpu.memory_space<vmem>>) semaphore(%dma_start3A_236 : memref<!tpu.dma_semaphore, #tpu.memory_space<semaphore_mem>>)
    %add3A_237 = arith.constant 320000 : i32
    %add3A_238 = arith.addi %add3A_237, %mul3A_10 : i32
    %add3A_239 = arith.constant 160 : i32
    %add3A_240 = arith.addi %add3A_238, %add3A_239 : i32
    %dma_wait3A_241 = arith.constant 2 : i32
    %dma_wait3A_242 = arith.constant 2 : i32
    %dma_wait3A_243 = arith.constant 0 : i32
    %dma_wait3A_244 = tpu.memref_slice %arg9[%dma_wait3A_241, %dma_wait3A_243] : memref<4x80xi32, #tpu.memory_space<vmem>> -> memref<1x80xi32, #tpu.memory_space<vmem>>
    %dma_wait3A_245 = tpu.memref_squeeze %dma_wait3A_244 : memref<1x80xi32, #tpu.memory_space<vmem>> -> memref<80xi32, #tpu.memory_space<vmem>>
    %dma_wait3A_246 = tpu.memref_slice %arg3[%add3A_240] : memref<640000xi32, #tpu.memory_space<hbm>> -> memref<80xi32, #tpu.memory_space<hbm>>
    %dma_wait3A_247 = tpu.memref_slice %arg16[%dma_wait3A_242] : memref<4x!tpu.dma_semaphore, #tpu.memory_space<semaphore_mem>> -> memref<1x!tpu.dma_semaphore, #tpu.memory_space<semaphore_mem>>
    %dma_wait3A_248 = tpu.memref_squeeze %dma_wait3A_247 : memref<1x!tpu.dma_semaphore, #tpu.memory_space<semaphore_mem>> -> memref<!tpu.dma_semaphore, #tpu.memory_space<semaphore_mem>>
    %dma_wait3A_249 = arith.constant 0 : i32
    %dma_wait3A_250 = tpu.memref_slice %arg9[%dma_wait3A_241, %dma_wait3A_249] : memref<4x80xi32, #tpu.memory_space<vmem>> -> memref<1x80xi32, #tpu.memory_space<vmem>>
    %dma_wait3A_251 = tpu.memref_squeeze %dma_wait3A_250 : memref<1x80xi32, #tpu.memory_space<vmem>> -> memref<80xi32, #tpu.memory_space<vmem>>
    %dma_wait3A_252 = tpu.memref_slice %arg3[%add3A_240] : memref<640000xi32, #tpu.memory_space<hbm>> -> memref<80xi32, #tpu.memory_space<hbm>>
    tpu.wait_dma2 semaphore(%dma_wait3A_248 : memref<!tpu.dma_semaphore, #tpu.memory_space<semaphore_mem>>) src(%dma_wait3A_252 : memref<80xi32, #tpu.memory_space<hbm>>) dst(%dma_wait3A_251 : memref<80xi32, #tpu.memory_space<vmem>>)
    %dma_start3A_253 = arith.constant 2 : i32
    %dma_start3A_254 = arith.constant 2 : i32
    %dma_start3A_255 = arith.constant 0 : i32
    %dma_start3A_256 = tpu.memref_slice %arg9[%dma_start3A_253, %dma_start3A_255] : memref<4x80xi32, #tpu.memory_space<vmem>> -> memref<1x80xi32, #tpu.memory_space<vmem>>
    %dma_start3A_257 = tpu.memref_squeeze %dma_start3A_256 : memref<1x80xi32, #tpu.memory_space<vmem>> -> memref<80xi32, #tpu.memory_space<vmem>>
    %dma_start3A_258 = arith.constant 0 : i32
    %dma_start3A_259 = arith.constant 0 : i32
    %dma_start3A_260 = tpu.memref_slice %arg2[%dma_start3A_258, %dma_start3A_259] : memref<10000x128xf32, #tpu.memory_space<hbm>> -> memref<10000x128xf32, #tpu.memory_space<hbm>>
    %dma_start3A_261 = tpu.memref_slice %arg19[%dma_start3A_254] : memref<4x!tpu.dma_semaphore, #tpu.memory_space<semaphore_mem>> -> memref<1x!tpu.dma_semaphore, #tpu.memory_space<semaphore_mem>>
    %dma_start3A_262 = tpu.memref_squeeze %dma_start3A_261 : memref<1x!tpu.dma_semaphore, #tpu.memory_space<semaphore_mem>> -> memref<!tpu.dma_semaphore, #tpu.memory_space<semaphore_mem>>
    tpu.enqueue_indirect_dma source(%dma_start3A_260 : memref<10000x128xf32, #tpu.memory_space<hbm>>) target(%arg14 : memref<80x128xf32, #tpu.memory_space<vmem>>) offsets(%dma_start3A_257 : memref<80xi32, #tpu.memory_space<vmem>>) semaphore(%dma_start3A_262 : memref<!tpu.dma_semaphore, #tpu.memory_space<semaphore_mem>>)
    %lt3A_263 = arith.constant 15 : i32
    %lt3A_264 = arith.cmpi slt, %arg1, %lt3A_263 : i32
    %convert_element_type3A_265 = arith.extui %lt3A_264 : i1 to i32
    %cond3A_266 = arith.constant 0 : i32
    %cond3A_267 = arith.cmpi ne, %convert_element_type3A_265, %cond3A_266 : i32
    scf.if %cond3A_267 {
      %dma_wait3A_1254 = arith.constant 0 : i32
      %dma_wait3A_1255 = tpu.memref_slice %arg8[%mul3A_2, %dma_wait3A_1254] : memref<10000x128xf32, #tpu.memory_space<vmem_shared>> -> memref<632x128xf32, #tpu.memory_space<vmem_shared>>
      %dma_wait3A_1256 = arith.constant 0 : i32
      %dma_wait3A_1257 = tpu.memref_slice %arg5[%mul3A_2, %dma_wait3A_1256] : memref<10000x128xf32, #tpu.memory_space<hbm>> -> memref<632x128xf32, #tpu.memory_space<hbm>>
      tpu.wait_dma2 semaphore(%arg21 : memref<!tpu.dma_semaphore, #tpu.memory_space<semaphore_mem>>) src(%dma_wait3A_1257 : memref<632x128xf32, #tpu.memory_space<hbm>>) dst(%dma_wait3A_1255 : memref<632x128xf32, #tpu.memory_space<vmem_shared>>)
    } else {
    }
    %eq3A_268 = arith.constant 15 : i32
    %eq3A_269 = arith.cmpi eq, %arg1, %eq3A_268 : i32
    %convert_element_type3A_270 = arith.extui %eq3A_269 : i1 to i32
    %cond3A_271 = arith.constant 0 : i32
    %cond3A_272 = arith.cmpi ne, %convert_element_type3A_270, %cond3A_271 : i32
    scf.if %cond3A_272 {
      %dma_wait3A_1254 = arith.constant 0 : i32
      %dma_wait3A_1255 = tpu.memref_slice %arg8[%mul3A_2, %dma_wait3A_1254] : memref<10000x128xf32, #tpu.memory_space<vmem_shared>> -> memref<520x128xf32, #tpu.memory_space<vmem_shared>>
      %dma_wait3A_1256 = arith.constant 0 : i32
      %dma_wait3A_1257 = tpu.memref_slice %arg5[%mul3A_2, %dma_wait3A_1256] : memref<10000x128xf32, #tpu.memory_space<hbm>> -> memref<520x128xf32, #tpu.memory_space<hbm>>
      tpu.wait_dma2 semaphore(%arg21 : memref<!tpu.dma_semaphore, #tpu.memory_space<semaphore_mem>>) src(%dma_wait3A_1257 : memref<520x128xf32, #tpu.memory_space<hbm>>) dst(%dma_wait3A_1255 : memref<520x128xf32, #tpu.memory_space<vmem_shared>>)
    } else {
    }
    %delay3A = arith.constant 2000 : i32
    tpu.delay %delay3A
    %barrier3A = arith.constant 0 : index
    tpu.barrier barrier_id(%barrier3A)
    %dma_wait3A_273 = arith.constant 0 : i32
    %dma_wait3A_274 = arith.constant 0 : i32
    %dma_wait3A_275 = arith.constant 0 : i32
    %dma_wait3A_276 = tpu.memref_slice %arg9[%dma_wait3A_273, %dma_wait3A_275] : memref<4x80xi32, #tpu.memory_space<vmem>> -> memref<1x80xi32, #tpu.memory_space<vmem>>
    %dma_wait3A_277 = tpu.memref_squeeze %dma_wait3A_276 : memref<1x80xi32, #tpu.memory_space<vmem>> -> memref<80xi32, #tpu.memory_space<vmem>>
    %dma_wait3A_278 = arith.constant 0 : i32
    %dma_wait3A_279 = arith.constant 0 : i32
    %dma_wait3A_280 = tpu.memref_slice %arg2[%dma_wait3A_278, %dma_wait3A_279] : memref<10000x128xf32, #tpu.memory_space<hbm>> -> memref<10000x128xf32, #tpu.memory_space<hbm>>
    %dma_wait3A_281 = tpu.memref_slice %arg19[%dma_wait3A_274] : memref<4x!tpu.dma_semaphore, #tpu.memory_space<semaphore_mem>> -> memref<1x!tpu.dma_semaphore, #tpu.memory_space<semaphore_mem>>
    %dma_wait3A_282 = tpu.memref_squeeze %dma_wait3A_281 : memref<1x!tpu.dma_semaphore, #tpu.memory_space<semaphore_mem>> -> memref<!tpu.dma_semaphore, #tpu.memory_space<semaphore_mem>>
    tpu.wait_indirect_dma semaphore(%dma_wait3A_282 : memref<!tpu.dma_semaphore, #tpu.memory_space<semaphore_mem>>) src(%dma_wait3A_280 : memref<10000x128xf32, #tpu.memory_space<hbm>>) dst(%arg12 : memref<80x128xf32, #tpu.memory_space<vmem>>)
    %add3A_283 = arith.constant 0 : i32
    %add3A_284 = arith.addi %mul3A_10, %add3A_283 : i32
    %dma_wait3A_285 = arith.constant 0 : i32
    %dma_wait3A_286 = arith.constant 0 : i32
    %dma_wait3A_287 = arith.constant 0 : i32
    %dma_wait3A_288 = tpu.memref_slice %arg11[%dma_wait3A_285, %dma_wait3A_287] : memref<4x80xf32, #tpu.memory_space<vmem>> -> memref<1x80xf32, #tpu.memory_space<vmem>>
    %dma_wait3A_289 = tpu.memref_squeeze %dma_wait3A_288 : memref<1x80xf32, #tpu.memory_space<vmem>> -> memref<80xf32, #tpu.memory_space<vmem>>
    %dma_wait3A_290 = tpu.memref_slice %arg4[%add3A_284] : memref<320000xf32, #tpu.memory_space<hbm>> -> memref<80xf32, #tpu.memory_space<hbm>>
    %dma_wait3A_291 = tpu.memref_slice %arg18[%dma_wait3A_286] : memref<4x!tpu.dma_semaphore, #tpu.memory_space<semaphore_mem>> -> memref<1x!tpu.dma_semaphore, #tpu.memory_space<semaphore_mem>>
    %dma_wait3A_292 = tpu.memref_squeeze %dma_wait3A_291 : memref<1x!tpu.dma_semaphore, #tpu.memory_space<semaphore_mem>> -> memref<!tpu.dma_semaphore, #tpu.memory_space<semaphore_mem>>
    %dma_wait3A_293 = arith.constant 0 : i32
    %dma_wait3A_294 = tpu.memref_slice %arg11[%dma_wait3A_285, %dma_wait3A_293] : memref<4x80xf32, #tpu.memory_space<vmem>> -> memref<1x80xf32, #tpu.memory_space<vmem>>
    %dma_wait3A_295 = tpu.memref_squeeze %dma_wait3A_294 : memref<1x80xf32, #tpu.memory_space<vmem>> -> memref<80xf32, #tpu.memory_space<vmem>>
    %dma_wait3A_296 = tpu.memref_slice %arg4[%add3A_284] : memref<320000xf32, #tpu.memory_space<hbm>> -> memref<80xf32, #tpu.memory_space<hbm>>
    tpu.wait_dma2 semaphore(%dma_wait3A_292 : memref<!tpu.dma_semaphore, #tpu.memory_space<semaphore_mem>>) src(%dma_wait3A_296 : memref<80xf32, #tpu.memory_space<hbm>>) dst(%dma_wait3A_295 : memref<80xf32, #tpu.memory_space<vmem>>)
    %broadcast_in_dim3A = arith.constant 0 : i32
    %broadcast_in_dim3A_297 = vector.broadcast %broadcast_in_dim3A : i32 to vector<16xi32>
    %parallel_loop3A = arith.constant 0 : i32
    %parallel_loop3A_298 = arith.constant 80 : i32
    %parallel_loop3A_299 = arith.constant 1 : i32
    scf.for %parallel_loop3A_1254 = %parallel_loop3A to %parallel_loop3A_298 step %parallel_loop3A_299  : i32 {
      %parallel_loop3A_1255 = vector.broadcast %parallel_loop3A_1254 : i32 to vector<16xi32>
      %parallel_loop3A_1256 = tpu.vector_load_idx %arg11[%broadcast_in_dim3A_297, %parallel_loop3A_1255] : memref<4x80xf32, #tpu.memory_space<vmem>>[vector<16xi32>, vector<16xi32>], vector<16xf32>,
      %parallel_loop3A_1257 = arith.index_cast %parallel_loop3A_1254 : i32 to index
      %parallel_loop3A_1258 = arith.constant 0 : index
      %parallel_loop3A_1259 = tpu.vector_load %arg12[%parallel_loop3A_1257, %parallel_loop3A_1258] {strides = array<i32>} : memref<80x128xf32, #tpu.memory_space<vmem>>, vector<16xf32>,
      %parallel_loop3A_1260 = arith.mulf %parallel_loop3A_1259, %parallel_loop3A_1256 : vector<16xf32>
      %parallel_loop3A_1261 = arith.index_cast %parallel_loop3A_1254 : i32 to index
      %parallel_loop3A_1262 = arith.constant 0 : index
      %parallel_loop3A_1263 = tpu.vector_load %arg12[%parallel_loop3A_1261, %parallel_loop3A_1262] {strides = array<i32>} : memref<80x128xf32, #tpu.memory_space<vmem>>, vector<16xf32>,
      tpu.vector_store %arg12[%parallel_loop3A_1261, %parallel_loop3A_1262], %parallel_loop3A_1260 {strides = array<i32>} : memref<80x128xf32, #tpu.memory_space<vmem>>, vector<16xf32>,
      %parallel_loop3A_1264 = arith.index_cast %parallel_loop3A_1254 : i32 to index
      %parallel_loop3A_1265 = arith.constant 16 : index
      %parallel_loop3A_1266 = tpu.vector_load %arg12[%parallel_loop3A_1264, %parallel_loop3A_1265] {strides = array<i32>} : memref<80x128xf32, #tpu.memory_space<vmem>>, vector<16xf32>,
      %parallel_loop3A_1267 = arith.mulf %parallel_loop3A_1266, %parallel_loop3A_1256 : vector<16xf32>
      %parallel_loop3A_1268 = arith.index_cast %parallel_loop3A_1254 : i32 to index
      %parallel_loop3A_1269 = arith.constant 16 : index
      %parallel_loop3A_1270 = tpu.vector_load %arg12[%parallel_loop3A_1268, %parallel_loop3A_1269] {strides = array<i32>} : memref<80x128xf32, #tpu.memory_space<vmem>>, vector<16xf32>,
      tpu.vector_store %arg12[%parallel_loop3A_1268, %parallel_loop3A_1269], %parallel_loop3A_1267 {strides = array<i32>} : memref<80x128xf32, #tpu.memory_space<vmem>>, vector<16xf32>,
      %parallel_loop3A_1271 = arith.index_cast %parallel_loop3A_1254 : i32 to index
      %parallel_loop3A_1272 = arith.constant 32 : index
      %parallel_loop3A_1273 = tpu.vector_load %arg12[%parallel_loop3A_1271, %parallel_loop3A_1272] {strides = array<i32>} : memref<80x128xf32, #tpu.memory_space<vmem>>, vector<16xf32>,
      %parallel_loop3A_1274 = arith.mulf %parallel_loop3A_1273, %parallel_loop3A_1256 : vector<16xf32>
      %parallel_loop3A_1275 = arith.index_cast %parallel_loop3A_1254 : i32 to index
      %parallel_loop3A_1276 = arith.constant 32 : index
      %parallel_loop3A_1277 = tpu.vector_load %arg12[%parallel_loop3A_1275, %parallel_loop3A_1276] {strides = array<i32>} : memref<80x128xf32, #tpu.memory_space<vmem>>, vector<16xf32>,
      tpu.vector_store %arg12[%parallel_loop3A_1275, %parallel_loop3A_1276], %parallel_loop3A_1274 {strides = array<i32>} : memref<80x128xf32, #tpu.memory_space<vmem>>, vector<16xf32>,
      %parallel_loop3A_1278 = arith.index_cast %parallel_loop3A_1254 : i32 to index
      %parallel_loop3A_1279 = arith.constant 48 : index
      %parallel_loop3A_1280 = tpu.vector_load %arg12[%parallel_loop3A_1278, %parallel_loop3A_1279] {strides = array<i32>} : memref<80x128xf32, #tpu.memory_space<vmem>>, vector<16xf32>,
      %parallel_loop3A_1281 = arith.mulf %parallel_loop3A_1280, %parallel_loop3A_1256 : vector<16xf32>
      %parallel_loop3A_1282 = arith.index_cast %parallel_loop3A_1254 : i32 to index
      %parallel_loop3A_1283 = arith.constant 48 : index
      %parallel_loop3A_1284 = tpu.vector_load %arg12[%parallel_loop3A_1282, %parallel_loop3A_1283] {strides = array<i32>} : memref<80x128xf32, #tpu.memory_space<vmem>>, vector<16xf32>,
      tpu.vector_store %arg12[%parallel_loop3A_1282, %parallel_loop3A_1283], %parallel_loop3A_1281 {strides = array<i32>} : memref<80x128xf32, #tpu.memory_space<vmem>>, vector<16xf32>,
      %parallel_loop3A_1285 = arith.index_cast %parallel_loop3A_1254 : i32 to index
      %parallel_loop3A_1286 = arith.constant 64 : index
      %parallel_loop3A_1287 = tpu.vector_load %arg12[%parallel_loop3A_1285, %parallel_loop3A_1286] {strides = array<i32>} : memref<80x128xf32, #tpu.memory_space<vmem>>, vector<16xf32>,
      %parallel_loop3A_1288 = arith.mulf %parallel_loop3A_1287, %parallel_loop3A_1256 : vector<16xf32>
      %parallel_loop3A_1289 = arith.index_cast %parallel_loop3A_1254 : i32 to index
      %parallel_loop3A_1290 = arith.constant 64 : index
      %parallel_loop3A_1291 = tpu.vector_load %arg12[%parallel_loop3A_1289, %parallel_loop3A_1290] {strides = array<i32>} : memref<80x128xf32, #tpu.memory_space<vmem>>, vector<16xf32>,
      tpu.vector_store %arg12[%parallel_loop3A_1289, %parallel_loop3A_1290], %parallel_loop3A_1288 {strides = array<i32>} : memref<80x128xf32, #tpu.memory_space<vmem>>, vector<16xf32>,
      %parallel_loop3A_1292 = arith.index_cast %parallel_loop3A_1254 : i32 to index
      %parallel_loop3A_1293 = arith.constant 80 : index
      %parallel_loop3A_1294 = tpu.vector_load %arg12[%parallel_loop3A_1292, %parallel_loop3A_1293] {strides = array<i32>} : memref<80x128xf32, #tpu.memory_space<vmem>>, vector<16xf32>,
      %parallel_loop3A_1295 = arith.mulf %parallel_loop3A_1294, %parallel_loop3A_1256 : vector<16xf32>
      %parallel_loop3A_1296 = arith.index_cast %parallel_loop3A_1254 : i32 to index
      %parallel_loop3A_1297 = arith.constant 80 : index
      %parallel_loop3A_1298 = tpu.vector_load %arg12[%parallel_loop3A_1296, %parallel_loop3A_1297] {strides = array<i32>} : memref<80x128xf32, #tpu.memory_space<vmem>>, vector<16xf32>,
      tpu.vector_store %arg12[%parallel_loop3A_1296, %parallel_loop3A_1297], %parallel_loop3A_1295 {strides = array<i32>} : memref<80x128xf32, #tpu.memory_space<vmem>>, vector<16xf32>,
      %parallel_loop3A_1299 = arith.index_cast %parallel_loop3A_1254 : i32 to index
      %parallel_loop3A_1300 = arith.constant 96 : index
      %parallel_loop3A_1301 = tpu.vector_load %arg12[%parallel_loop3A_1299, %parallel_loop3A_1300] {strides = array<i32>} : memref<80x128xf32, #tpu.memory_space<vmem>>, vector<16xf32>,
      %parallel_loop3A_1302 = arith.mulf %parallel_loop3A_1301, %parallel_loop3A_1256 : vector<16xf32>
      %parallel_loop3A_1303 = arith.index_cast %parallel_loop3A_1254 : i32 to index
      %parallel_loop3A_1304 = arith.constant 96 : index
      %parallel_loop3A_1305 = tpu.vector_load %arg12[%parallel_loop3A_1303, %parallel_loop3A_1304] {strides = array<i32>} : memref<80x128xf32, #tpu.memory_space<vmem>>, vector<16xf32>,
      tpu.vector_store %arg12[%parallel_loop3A_1303, %parallel_loop3A_1304], %parallel_loop3A_1302 {strides = array<i32>} : memref<80x128xf32, #tpu.memory_space<vmem>>, vector<16xf32>,
      %parallel_loop3A_1306 = arith.index_cast %parallel_loop3A_1254 : i32 to index
      %parallel_loop3A_1307 = arith.constant 112 : index
      %parallel_loop3A_1308 = tpu.vector_load %arg12[%parallel_loop3A_1306, %parallel_loop3A_1307] {strides = array<i32>} : memref<80x128xf32, #tpu.memory_space<vmem>>, vector<16xf32>,
      %parallel_loop3A_1309 = arith.mulf %parallel_loop3A_1308, %parallel_loop3A_1256 : vector<16xf32>
      %parallel_loop3A_1310 = arith.index_cast %parallel_loop3A_1254 : i32 to index
      %parallel_loop3A_1311 = arith.constant 112 : index
      %parallel_loop3A_1312 = tpu.vector_load %arg12[%parallel_loop3A_1310, %parallel_loop3A_1311] {strides = array<i32>} : memref<80x128xf32, #tpu.memory_space<vmem>>, vector<16xf32>,
      tpu.vector_store %arg12[%parallel_loop3A_1310, %parallel_loop3A_1311], %parallel_loop3A_1309 {strides = array<i32>} : memref<80x128xf32, #tpu.memory_space<vmem>>, vector<16xf32>,
    } {sc.loop_unroll_factor = 2 : i64, sc.parallel_access}
    %add3A_300 = arith.constant 0 : i32
    %add3A_301 = arith.addi %mul3A_10, %add3A_300 : i32
    %dma_wait3A_302 = arith.constant 0 : i32
    %dma_wait3A_303 = arith.constant 0 : i32
    %dma_wait3A_304 = arith.constant 0 : i32
    %dma_wait3A_305 = tpu.memref_slice %arg10[%dma_wait3A_302, %dma_wait3A_304] : memref<8x80xi32, #tpu.memory_space<vmem>> -> memref<1x80xi32, #tpu.memory_space<vmem>>
    %dma_wait3A_306 = tpu.memref_squeeze %dma_wait3A_305 : memref<1x80xi32, #tpu.memory_space<vmem>> -> memref<80xi32, #tpu.memory_space<vmem>>
    %dma_wait3A_307 = tpu.memref_slice %arg3[%add3A_301] : memref<640000xi32, #tpu.memory_space<hbm>> -> memref<80xi32, #tpu.memory_space<hbm>>
    %dma_wait3A_308 = tpu.memref_slice %arg17[%dma_wait3A_303] : memref<4x!tpu.dma_semaphore, #tpu.memory_space<semaphore_mem>> -> memref<1x!tpu.dma_semaphore, #tpu.memory_space<semaphore_mem>>
    %dma_wait3A_309 = tpu.memref_squeeze %dma_wait3A_308 : memref<1x!tpu.dma_semaphore, #tpu.memory_space<semaphore_mem>> -> memref<!tpu.dma_semaphore, #tpu.memory_space<semaphore_mem>>
    %dma_wait3A_310 = arith.constant 0 : i32
    %dma_wait3A_311 = tpu.memref_slice %arg10[%dma_wait3A_302, %dma_wait3A_310] : memref<8x80xi32, #tpu.memory_space<vmem>> -> memref<1x80xi32, #tpu.memory_space<vmem>>
    %dma_wait3A_312 = tpu.memref_squeeze %dma_wait3A_311 : memref<1x80xi32, #tpu.memory_space<vmem>> -> memref<80xi32, #tpu.memory_space<vmem>>
    %dma_wait3A_313 = tpu.memref_slice %arg3[%add3A_301] : memref<640000xi32, #tpu.memory_space<hbm>> -> memref<80xi32, #tpu.memory_space<hbm>>
    tpu.wait_dma2 semaphore(%dma_wait3A_309 : memref<!tpu.dma_semaphore, #tpu.memory_space<semaphore_mem>>) src(%dma_wait3A_313 : memref<80xi32, #tpu.memory_space<hbm>>) dst(%dma_wait3A_312 : memref<80xi32, #tpu.memory_space<vmem>>)
    %dma_start3A_314 = arith.constant 0 : i32
    %dma_start3A_315 = arith.constant 0 : i32
    %dma_start3A_316 = arith.constant 0 : i32
    %dma_start3A_317 = tpu.memref_slice %arg10[%dma_start3A_314, %dma_start3A_316] : memref<8x80xi32, #tpu.memory_space<vmem>> -> memref<1x80xi32, #tpu.memory_space<vmem>>
    %dma_start3A_318 = tpu.memref_squeeze %dma_start3A_317 : memref<1x80xi32, #tpu.memory_space<vmem>> -> memref<80xi32, #tpu.memory_space<vmem>>
    %dma_start3A_319 = arith.constant 0 : i32
    %dma_start3A_320 = arith.constant 0 : i32
    %dma_start3A_321 = tpu.memref_slice %arg8[%dma_start3A_319, %dma_start3A_320] : memref<10000x128xf32, #tpu.memory_space<vmem_shared>> -> memref<10000x128xf32, #tpu.memory_space<vmem_shared>>
    %dma_start3A_322 = tpu.memref_slice %arg20[%dma_start3A_315] : memref<4x!tpu.dma_semaphore, #tpu.memory_space<semaphore_mem>> -> memref<1x!tpu.dma_semaphore, #tpu.memory_space<semaphore_mem>>
    %dma_start3A_323 = tpu.memref_squeeze %dma_start3A_322 : memref<1x!tpu.dma_semaphore, #tpu.memory_space<semaphore_mem>> -> memref<!tpu.dma_semaphore, #tpu.memory_space<semaphore_mem>>
    tpu.enqueue_indirect_dma source(%arg12 : memref<80x128xf32, #tpu.memory_space<vmem>>) target(%dma_start3A_321 : memref<10000x128xf32, #tpu.memory_space<vmem_shared>>) offsets(%dma_start3A_318 : memref<80xi32, #tpu.memory_space<vmem>>) semaphore(%dma_start3A_323 : memref<!tpu.dma_semaphore, #tpu.memory_space<semaphore_mem>>) {add = true}
    %add3A_324 = arith.constant 320000 : i32
    %add3A_325 = arith.addi %add3A_324, %mul3A_10 : i32
    %add3A_326 = arith.constant 320 : i32
    %add3A_327 = arith.addi %add3A_325, %add3A_326 : i32
    %dma_start3A_328 = arith.constant 0 : i32
    %dma_start3A_329 = arith.constant 0 : i32
    %dma_start3A_330 = arith.constant 0 : i32
    %dma_start3A_331 = tpu.memref_slice %arg9[%dma_start3A_328, %dma_start3A_330] : memref<4x80xi32, #tpu.memory_space<vmem>> -> memref<1x80xi32, #tpu.memory_space<vmem>>
    %dma_start3A_332 = tpu.memref_squeeze %dma_start3A_331 : memref<1x80xi32, #tpu.memory_space<vmem>> -> memref<80xi32, #tpu.memory_space<vmem>>
    %dma_start3A_333 = tpu.memref_slice %arg3[%add3A_327] : memref<640000xi32, #tpu.memory_space<hbm>> -> memref<80xi32, #tpu.memory_space<hbm>>
    %dma_start3A_334 = tpu.memref_slice %arg16[%dma_start3A_329] : memref<4x!tpu.dma_semaphore, #tpu.memory_space<semaphore_mem>> -> memref<1x!tpu.dma_semaphore, #tpu.memory_space<semaphore_mem>>
    %dma_start3A_335 = tpu.memref_squeeze %dma_start3A_334 : memref<1x!tpu.dma_semaphore, #tpu.memory_space<semaphore_mem>> -> memref<!tpu.dma_semaphore, #tpu.memory_space<semaphore_mem>>
    %dma_start3A_336 = arith.constant 0 : i32
    %dma_start3A_337 = tpu.memref_slice %arg9[%dma_start3A_328, %dma_start3A_336] : memref<4x80xi32, #tpu.memory_space<vmem>> -> memref<1x80xi32, #tpu.memory_space<vmem>>
    %dma_start3A_338 = tpu.memref_squeeze %dma_start3A_337 : memref<1x80xi32, #tpu.memory_space<vmem>> -> memref<80xi32, #tpu.memory_space<vmem>>
    %dma_start3A_339 = tpu.memref_slice %arg3[%add3A_327] : memref<640000xi32, #tpu.memory_space<hbm>> -> memref<80xi32, #tpu.memory_space<hbm>>
    tpu.enqueue_dma source(%dma_start3A_339 : memref<80xi32, #tpu.memory_space<hbm>>) target(%dma_start3A_338 : memref<80xi32, #tpu.memory_space<vmem>>) target_semaphore(%dma_start3A_335 : memref<!tpu.dma_semaphore, #tpu.memory_space<semaphore_mem>>)
    %add3A_340 = arith.constant 320 : i32
    %add3A_341 = arith.addi %mul3A_10, %add3A_340 : i32
    %dma_start3A_342 = arith.constant 4 : i32
    %dma_start3A_343 = arith.constant 0 : i32
    %dma_start3A_344 = arith.constant 0 : i32
    %dma_start3A_345 = tpu.memref_slice %arg10[%dma_start3A_342, %dma_start3A_344] : memref<8x80xi32, #tpu.memory_space<vmem>> -> memref<1x80xi32, #tpu.memory_space<vmem>>
    %dma_start3A_346 = tpu.memref_squeeze %dma_start3A_345 : memref<1x80xi32, #tpu.memory_space<vmem>> -> memref<80xi32, #tpu.memory_space<vmem>>
    %dma_start3A_347 = tpu.memref_slice %arg3[%add3A_341] : memref<640000xi32, #tpu.memory_space<hbm>> -> memref<80xi32, #tpu.memory_space<hbm>>
    %dma_start3A_348 = tpu.memref_slice %arg17[%dma_start3A_343] : memref<4x!tpu.dma_semaphore, #tpu.memory_space<semaphore_mem>> -> memref<1x!tpu.dma_semaphore, #tpu.memory_space<semaphore_mem>>
    %dma_start3A_349 = tpu.memref_squeeze %dma_start3A_348 : memref<1x!tpu.dma_semaphore, #tpu.memory_space<semaphore_mem>> -> memref<!tpu.dma_semaphore, #tpu.memory_space<semaphore_mem>>
    %dma_start3A_350 = arith.constant 0 : i32
    %dma_start3A_351 = tpu.memref_slice %arg10[%dma_start3A_342, %dma_start3A_350] : memref<8x80xi32, #tpu.memory_space<vmem>> -> memref<1x80xi32, #tpu.memory_space<vmem>>
    %dma_start3A_352 = tpu.memref_squeeze %dma_start3A_351 : memref<1x80xi32, #tpu.memory_space<vmem>> -> memref<80xi32, #tpu.memory_space<vmem>>
    %dma_start3A_353 = tpu.memref_slice %arg3[%add3A_341] : memref<640000xi32, #tpu.memory_space<hbm>> -> memref<80xi32, #tpu.memory_space<hbm>>
    tpu.enqueue_dma source(%dma_start3A_353 : memref<80xi32, #tpu.memory_space<hbm>>) target(%dma_start3A_352 : memref<80xi32, #tpu.memory_space<vmem>>) target_semaphore(%dma_start3A_349 : memref<!tpu.dma_semaphore, #tpu.memory_space<semaphore_mem>>)
    %add3A_354 = arith.constant 320 : i32
    %add3A_355 = arith.addi %mul3A_10, %add3A_354 : i32
    %dma_start3A_356 = arith.constant 0 : i32
    %dma_start3A_357 = arith.constant 0 : i32
    %dma_start3A_358 = arith.constant 0 : i32
    %dma_start3A_359 = tpu.memref_slice %arg11[%dma_start3A_356, %dma_start3A_358] : memref<4x80xf32, #tpu.memory_space<vmem>> -> memref<1x80xf32, #tpu.memory_space<vmem>>
    %dma_start3A_360 = tpu.memref_squeeze %dma_start3A_359 : memref<1x80xf32, #tpu.memory_space<vmem>> -> memref<80xf32, #tpu.memory_space<vmem>>
    %dma_start3A_361 = tpu.memref_slice %arg4[%add3A_355] : memref<320000xf32, #tpu.memory_space<hbm>> -> memref<80xf32, #tpu.memory_space<hbm>>
    %dma_start3A_362 = tpu.memref_slice %arg18[%dma_start3A_357] : memref<4x!tpu.dma_semaphore, #tpu.memory_space<semaphore_mem>> -> memref<1x!tpu.dma_semaphore, #tpu.memory_space<semaphore_mem>>
    %dma_start3A_363 = tpu.memref_squeeze %dma_start3A_362 : memref<1x!tpu.dma_semaphore, #tpu.memory_space<semaphore_mem>> -> memref<!tpu.dma_semaphore, #tpu.memory_space<semaphore_mem>>
    %dma_start3A_364 = arith.constant 0 : i32
    %dma_start3A_365 = tpu.memref_slice %arg11[%dma_start3A_356, %dma_start3A_364] : memref<4x80xf32, #tpu.memory_space<vmem>> -> memref<1x80xf32, #tpu.memory_space<vmem>>
    %dma_start3A_366 = tpu.memref_squeeze %dma_start3A_365 : memref<1x80xf32, #tpu.memory_space<vmem>> -> memref<80xf32, #tpu.memory_space<vmem>>
    %dma_start3A_367 = tpu.memref_slice %arg4[%add3A_355] : memref<320000xf32, #tpu.memory_space<hbm>> -> memref<80xf32, #tpu.memory_space<hbm>>
    tpu.enqueue_dma source(%dma_start3A_367 : memref<80xf32, #tpu.memory_space<hbm>>) target(%dma_start3A_366 : memref<80xf32, #tpu.memory_space<vmem>>) target_semaphore(%dma_start3A_363 : memref<!tpu.dma_semaphore, #tpu.memory_space<semaphore_mem>>)
    %add3A_368 = arith.constant 320000 : i32
    %add3A_369 = arith.addi %add3A_368, %mul3A_10 : i32
    %add3A_370 = arith.constant 240 : i32
    %add3A_371 = arith.addi %add3A_369, %add3A_370 : i32
    %dma_wait3A_372 = arith.constant 3 : i32
    %dma_wait3A_373 = arith.constant 3 : i32
    %dma_wait3A_374 = arith.constant 0 : i32
    %dma_wait3A_375 = tpu.memref_slice %arg9[%dma_wait3A_372, %dma_wait3A_374] : memref<4x80xi32, #tpu.memory_space<vmem>> -> memref<1x80xi32, #tpu.memory_space<vmem>>
    %dma_wait3A_376 = tpu.memref_squeeze %dma_wait3A_375 : memref<1x80xi32, #tpu.memory_space<vmem>> -> memref<80xi32, #tpu.memory_space<vmem>>
    %dma_wait3A_377 = tpu.memref_slice %arg3[%add3A_371] : memref<640000xi32, #tpu.memory_space<hbm>> -> memref<80xi32, #tpu.memory_space<hbm>>
    %dma_wait3A_378 = tpu.memref_slice %arg16[%dma_wait3A_373] : memref<4x!tpu.dma_semaphore, #tpu.memory_space<semaphore_mem>> -> memref<1x!tpu.dma_semaphore, #tpu.memory_space<semaphore_mem>>
    %dma_wait3A_379 = tpu.memref_squeeze %dma_wait3A_378 : memref<1x!tpu.dma_semaphore, #tpu.memory_space<semaphore_mem>> -> memref<!tpu.dma_semaphore, #tpu.memory_space<semaphore_mem>>
    %dma_wait3A_380 = arith.constant 0 : i32
    %dma_wait3A_381 = tpu.memref_slice %arg9[%dma_wait3A_372, %dma_wait3A_380] : memref<4x80xi32, #tpu.memory_space<vmem>> -> memref<1x80xi32, #tpu.memory_space<vmem>>
    %dma_wait3A_382 = tpu.memref_squeeze %dma_wait3A_381 : memref<1x80xi32, #tpu.memory_space<vmem>> -> memref<80xi32, #tpu.memory_space<vmem>>
    %dma_wait3A_383 = tpu.memref_slice %arg3[%add3A_371] : memref<640000xi32, #tpu.memory_space<hbm>> -> memref<80xi32, #tpu.memory_space<hbm>>
    tpu.wait_dma2 semaphore(%dma_wait3A_379 : memref<!tpu.dma_semaphore, #tpu.memory_space<semaphore_mem>>) src(%dma_wait3A_383 : memref<80xi32, #tpu.memory_space<hbm>>) dst(%dma_wait3A_382 : memref<80xi32, #tpu.memory_space<vmem>>)
    %dma_start3A_384 = arith.constant 3 : i32
    %dma_start3A_385 = arith.constant 3 : i32
    %dma_start3A_386 = arith.constant 0 : i32
    %dma_start3A_387 = tpu.memref_slice %arg9[%dma_start3A_384, %dma_start3A_386] : memref<4x80xi32, #tpu.memory_space<vmem>> -> memref<1x80xi32, #tpu.memory_space<vmem>>
    %dma_start3A_388 = tpu.memref_squeeze %dma_start3A_387 : memref<1x80xi32, #tpu.memory_space<vmem>> -> memref<80xi32, #tpu.memory_space<vmem>>
    %dma_start3A_389 = arith.constant 0 : i32
    %dma_start3A_390 = arith.constant 0 : i32
    %dma_start3A_391 = tpu.memref_slice %arg2[%dma_start3A_389, %dma_start3A_390] : memref<10000x128xf32, #tpu.memory_space<hbm>> -> memref<10000x128xf32, #tpu.memory_space<hbm>>
    %dma_start3A_392 = tpu.memref_slice %arg19[%dma_start3A_385] : memref<4x!tpu.dma_semaphore, #tpu.memory_space<semaphore_mem>> -> memref<1x!tpu.dma_semaphore, #tpu.memory_space<semaphore_mem>>
    %dma_start3A_393 = tpu.memref_squeeze %dma_start3A_392 : memref<1x!tpu.dma_semaphore, #tpu.memory_space<semaphore_mem>> -> memref<!tpu.dma_semaphore, #tpu.memory_space<semaphore_mem>>
    tpu.enqueue_indirect_dma source(%dma_start3A_391 : memref<10000x128xf32, #tpu.memory_space<hbm>>) target(%arg15 : memref<80x128xf32, #tpu.memory_space<vmem>>) offsets(%dma_start3A_388 : memref<80xi32, #tpu.memory_space<vmem>>) semaphore(%dma_start3A_393 : memref<!tpu.dma_semaphore, #tpu.memory_space<semaphore_mem>>)
    %dma_wait3A_394 = arith.constant 1 : i32
    %dma_wait3A_395 = arith.constant 1 : i32
    %dma_wait3A_396 = arith.constant 0 : i32
    %dma_wait3A_397 = tpu.memref_slice %arg9[%dma_wait3A_394, %dma_wait3A_396] : memref<4x80xi32, #tpu.memory_space<vmem>> -> memref<1x80xi32, #tpu.memory_space<vmem>>
    %dma_wait3A_398 = tpu.memref_squeeze %dma_wait3A_397 : memref<1x80xi32, #tpu.memory_space<vmem>> -> memref<80xi32, #tpu.memory_space<vmem>>
    %dma_wait3A_399 = arith.constant 0 : i32
    %dma_wait3A_400 = arith.constant 0 : i32
    %dma_wait3A_401 = tpu.memref_slice %arg2[%dma_wait3A_399, %dma_wait3A_400] : memref<10000x128xf32, #tpu.memory_space<hbm>> -> memref<10000x128xf32, #tpu.memory_space<hbm>>
    %dma_wait3A_402 = tpu.memref_slice %arg19[%dma_wait3A_395] : memref<4x!tpu.dma_semaphore, #tpu.memory_space<semaphore_mem>> -> memref<1x!tpu.dma_semaphore, #tpu.memory_space<semaphore_mem>>
    %dma_wait3A_403 = tpu.memref_squeeze %dma_wait3A_402 : memref<1x!tpu.dma_semaphore, #tpu.memory_space<semaphore_mem>> -> memref<!tpu.dma_semaphore, #tpu.memory_space<semaphore_mem>>
    tpu.wait_indirect_dma semaphore(%dma_wait3A_403 : memref<!tpu.dma_semaphore, #tpu.memory_space<semaphore_mem>>) src(%dma_wait3A_401 : memref<10000x128xf32, #tpu.memory_space<hbm>>) dst(%arg13 : memref<80x128xf32, #tpu.memory_space<vmem>>)
    %add3A_404 = arith.constant 80 : i32
    %add3A_405 = arith.addi %mul3A_10, %add3A_404 : i32
    %dma_wait3A_406 = arith.constant 1 : i32
    %dma_wait3A_407 = arith.constant 1 : i32
    %dma_wait3A_408 = arith.constant 0 : i32
    %dma_wait3A_409 = tpu.memref_slice %arg11[%dma_wait3A_406, %dma_wait3A_408] : memref<4x80xf32, #tpu.memory_space<vmem>> -> memref<1x80xf32, #tpu.memory_space<vmem>>
    %dma_wait3A_410 = tpu.memref_squeeze %dma_wait3A_409 : memref<1x80xf32, #tpu.memory_space<vmem>> -> memref<80xf32, #tpu.memory_space<vmem>>
    %dma_wait3A_411 = tpu.memref_slice %arg4[%add3A_405] : memref<320000xf32, #tpu.memory_space<hbm>> -> memref<80xf32, #tpu.memory_space<hbm>>
    %dma_wait3A_412 = tpu.memref_slice %arg18[%dma_wait3A_407] : memref<4x!tpu.dma_semaphore, #tpu.memory_space<semaphore_mem>> -> memref<1x!tpu.dma_semaphore, #tpu.memory_space<semaphore_mem>>
    %dma_wait3A_413 = tpu.memref_squeeze %dma_wait3A_412 : memref<1x!tpu.dma_semaphore, #tpu.memory_space<semaphore_mem>> -> memref<!tpu.dma_semaphore, #tpu.memory_space<semaphore_mem>>
    %dma_wait3A_414 = arith.constant 0 : i32
    %dma_wait3A_415 = tpu.memref_slice %arg11[%dma_wait3A_406, %dma_wait3A_414] : memref<4x80xf32, #tpu.memory_space<vmem>> -> memref<1x80xf32, #tpu.memory_space<vmem>>
    %dma_wait3A_416 = tpu.memref_squeeze %dma_wait3A_415 : memref<1x80xf32, #tpu.memory_space<vmem>> -> memref<80xf32, #tpu.memory_space<vmem>>
    %dma_wait3A_417 = tpu.memref_slice %arg4[%add3A_405] : memref<320000xf32, #tpu.memory_space<hbm>> -> memref<80xf32, #tpu.memory_space<hbm>>
    tpu.wait_dma2 semaphore(%dma_wait3A_413 : memref<!tpu.dma_semaphore, #tpu.memory_space<semaphore_mem>>) src(%dma_wait3A_417 : memref<80xf32, #tpu.memory_space<hbm>>) dst(%dma_wait3A_416 : memref<80xf32, #tpu.memory_space<vmem>>)
    %broadcast_in_dim3A_418 = arith.constant 1 : i32
    %broadcast_in_dim3A_419 = vector.broadcast %broadcast_in_dim3A_418 : i32 to vector<16xi32>
    %parallel_loop3A_420 = arith.constant 0 : i32
    %parallel_loop3A_421 = arith.constant 80 : i32
    %parallel_loop3A_422 = arith.constant 1 : i32
    scf.for %parallel_loop3A_1254 = %parallel_loop3A_420 to %parallel_loop3A_421 step %parallel_loop3A_422  : i32 {
      %parallel_loop3A_1255 = vector.broadcast %parallel_loop3A_1254 : i32 to vector<16xi32>
      %parallel_loop3A_1256 = tpu.vector_load_idx %arg11[%broadcast_in_dim3A_419, %parallel_loop3A_1255] : memref<4x80xf32, #tpu.memory_space<vmem>>[vector<16xi32>, vector<16xi32>], vector<16xf32>,
      %parallel_loop3A_1257 = arith.index_cast %parallel_loop3A_1254 : i32 to index
      %parallel_loop3A_1258 = arith.constant 0 : index
      %parallel_loop3A_1259 = tpu.vector_load %arg13[%parallel_loop3A_1257, %parallel_loop3A_1258] {strides = array<i32>} : memref<80x128xf32, #tpu.memory_space<vmem>>, vector<16xf32>,
      %parallel_loop3A_1260 = arith.mulf %parallel_loop3A_1259, %parallel_loop3A_1256 : vector<16xf32>
      %parallel_loop3A_1261 = arith.index_cast %parallel_loop3A_1254 : i32 to index
      %parallel_loop3A_1262 = arith.constant 0 : index
      %parallel_loop3A_1263 = tpu.vector_load %arg13[%parallel_loop3A_1261, %parallel_loop3A_1262] {strides = array<i32>} : memref<80x128xf32, #tpu.memory_space<vmem>>, vector<16xf32>,
      tpu.vector_store %arg13[%parallel_loop3A_1261, %parallel_loop3A_1262], %parallel_loop3A_1260 {strides = array<i32>} : memref<80x128xf32, #tpu.memory_space<vmem>>, vector<16xf32>,
      %parallel_loop3A_1264 = arith.index_cast %parallel_loop3A_1254 : i32 to index
      %parallel_loop3A_1265 = arith.constant 16 : index
      %parallel_loop3A_1266 = tpu.vector_load %arg13[%parallel_loop3A_1264, %parallel_loop3A_1265] {strides = array<i32>} : memref<80x128xf32, #tpu.memory_space<vmem>>, vector<16xf32>,
      %parallel_loop3A_1267 = arith.mulf %parallel_loop3A_1266, %parallel_loop3A_1256 : vector<16xf32>
      %parallel_loop3A_1268 = arith.index_cast %parallel_loop3A_1254 : i32 to index
      %parallel_loop3A_1269 = arith.constant 16 : index
      %parallel_loop3A_1270 = tpu.vector_load %arg13[%parallel_loop3A_1268, %parallel_loop3A_1269] {strides = array<i32>} : memref<80x128xf32, #tpu.memory_space<vmem>>, vector<16xf32>,
      tpu.vector_store %arg13[%parallel_loop3A_1268, %parallel_loop3A_1269], %parallel_loop3A_1267 {strides = array<i32>} : memref<80x128xf32, #tpu.memory_space<vmem>>, vector<16xf32>,
      %parallel_loop3A_1271 = arith.index_cast %parallel_loop3A_1254 : i32 to index
      %parallel_loop3A_1272 = arith.constant 32 : index
      %parallel_loop3A_1273 = tpu.vector_load %arg13[%parallel_loop3A_1271, %parallel_loop3A_1272] {strides = array<i32>} : memref<80x128xf32, #tpu.memory_space<vmem>>, vector<16xf32>,
      %parallel_loop3A_1274 = arith.mulf %parallel_loop3A_1273, %parallel_loop3A_1256 : vector<16xf32>
      %parallel_loop3A_1275 = arith.index_cast %parallel_loop3A_1254 : i32 to index
      %parallel_loop3A_1276 = arith.constant 32 : index
      %parallel_loop3A_1277 = tpu.vector_load %arg13[%parallel_loop3A_1275, %parallel_loop3A_1276] {strides = array<i32>} : memref<80x128xf32, #tpu.memory_space<vmem>>, vector<16xf32>,
      tpu.vector_store %arg13[%parallel_loop3A_1275, %parallel_loop3A_1276], %parallel_loop3A_1274 {strides = array<i32>} : memref<80x128xf32, #tpu.memory_space<vmem>>, vector<16xf32>,
      %parallel_loop3A_1278 = arith.index_cast %parallel_loop3A_1254 : i32 to index
      %parallel_loop3A_1279 = arith.constant 48 : index
      %parallel_loop3A_1280 = tpu.vector_load %arg13[%parallel_loop3A_1278, %parallel_loop3A_1279] {strides = array<i32>} : memref<80x128xf32, #tpu.memory_space<vmem>>, vector<16xf32>,
      %parallel_loop3A_1281 = arith.mulf %parallel_loop3A_1280, %parallel_loop3A_1256 : vector<16xf32>
      %parallel_loop3A_1282 = arith.index_cast %parallel_loop3A_1254 : i32 to index
      %parallel_loop3A_1283 = arith.constant 48 : index
      %parallel_loop3A_1284 = tpu.vector_load %arg13[%parallel_loop3A_1282, %parallel_loop3A_1283] {strides = array<i32>} : memref<80x128xf32, #tpu.memory_space<vmem>>, vector<16xf32>,
      tpu.vector_store %arg13[%parallel_loop3A_1282, %parallel_loop3A_1283], %parallel_loop3A_1281 {strides = array<i32>} : memref<80x128xf32, #tpu.memory_space<vmem>>, vector<16xf32>,
      %parallel_loop3A_1285 = arith.index_cast %parallel_loop3A_1254 : i32 to index
      %parallel_loop3A_1286 = arith.constant 64 : index
      %parallel_loop3A_1287 = tpu.vector_load %arg13[%parallel_loop3A_1285, %parallel_loop3A_1286] {strides = array<i32>} : memref<80x128xf32, #tpu.memory_space<vmem>>, vector<16xf32>,
      %parallel_loop3A_1288 = arith.mulf %parallel_loop3A_1287, %parallel_loop3A_1256 : vector<16xf32>
      %parallel_loop3A_1289 = arith.index_cast %parallel_loop3A_1254 : i32 to index
      %parallel_loop3A_1290 = arith.constant 64 : index
      %parallel_loop3A_1291 = tpu.vector_load %arg13[%parallel_loop3A_1289, %parallel_loop3A_1290] {strides = array<i32>} : memref<80x128xf32, #tpu.memory_space<vmem>>, vector<16xf32>,
      tpu.vector_store %arg13[%parallel_loop3A_1289, %parallel_loop3A_1290], %parallel_loop3A_1288 {strides = array<i32>} : memref<80x128xf32, #tpu.memory_space<vmem>>, vector<16xf32>,
      %parallel_loop3A_1292 = arith.index_cast %parallel_loop3A_1254 : i32 to index
      %parallel_loop3A_1293 = arith.constant 80 : index
      %parallel_loop3A_1294 = tpu.vector_load %arg13[%parallel_loop3A_1292, %parallel_loop3A_1293] {strides = array<i32>} : memref<80x128xf32, #tpu.memory_space<vmem>>, vector<16xf32>,
      %parallel_loop3A_1295 = arith.mulf %parallel_loop3A_1294, %parallel_loop3A_1256 : vector<16xf32>
      %parallel_loop3A_1296 = arith.index_cast %parallel_loop3A_1254 : i32 to index
      %parallel_loop3A_1297 = arith.constant 80 : index
      %parallel_loop3A_1298 = tpu.vector_load %arg13[%parallel_loop3A_1296, %parallel_loop3A_1297] {strides = array<i32>} : memref<80x128xf32, #tpu.memory_space<vmem>>, vector<16xf32>,
      tpu.vector_store %arg13[%parallel_loop3A_1296, %parallel_loop3A_1297], %parallel_loop3A_1295 {strides = array<i32>} : memref<80x128xf32, #tpu.memory_space<vmem>>, vector<16xf32>,
      %parallel_loop3A_1299 = arith.index_cast %parallel_loop3A_1254 : i32 to index
      %parallel_loop3A_1300 = arith.constant 96 : index
      %parallel_loop3A_1301 = tpu.vector_load %arg13[%parallel_loop3A_1299, %parallel_loop3A_1300] {strides = array<i32>} : memref<80x128xf32, #tpu.memory_space<vmem>>, vector<16xf32>,
      %parallel_loop3A_1302 = arith.mulf %parallel_loop3A_1301, %parallel_loop3A_1256 : vector<16xf32>
      %parallel_loop3A_1303 = arith.index_cast %parallel_loop3A_1254 : i32 to index
      %parallel_loop3A_1304 = arith.constant 96 : index
      %parallel_loop3A_1305 = tpu.vector_load %arg13[%parallel_loop3A_1303, %parallel_loop3A_1304] {strides = array<i32>} : memref<80x128xf32, #tpu.memory_space<vmem>>, vector<16xf32>,
      tpu.vector_store %arg13[%parallel_loop3A_1303, %parallel_loop3A_1304], %parallel_loop3A_1302 {strides = array<i32>} : memref<80x128xf32, #tpu.memory_space<vmem>>, vector<16xf32>,
      %parallel_loop3A_1306 = arith.index_cast %parallel_loop3A_1254 : i32 to index
      %parallel_loop3A_1307 = arith.constant 112 : index
      %parallel_loop3A_1308 = tpu.vector_load %arg13[%parallel_loop3A_1306, %parallel_loop3A_1307] {strides = array<i32>} : memref<80x128xf32, #tpu.memory_space<vmem>>, vector<16xf32>,
      %parallel_loop3A_1309 = arith.mulf %parallel_loop3A_1308, %parallel_loop3A_1256 : vector<16xf32>
      %parallel_loop3A_1310 = arith.index_cast %parallel_loop3A_1254 : i32 to index
      %parallel_loop3A_1311 = arith.constant 112 : index
      %parallel_loop3A_1312 = tpu.vector_load %arg13[%parallel_loop3A_1310, %parallel_loop3A_1311] {strides = array<i32>} : memref<80x128xf32, #tpu.memory_space<vmem>>, vector<16xf32>,
      tpu.vector_store %arg13[%parallel_loop3A_1310, %parallel_loop3A_1311], %parallel_loop3A_1309 {strides = array<i32>} : memref<80x128xf32, #tpu.memory_space<vmem>>, vector<16xf32>,
    } {sc.loop_unroll_factor = 2 : i64, sc.parallel_access}
    %add3A_423 = arith.constant 80 : i32
    %add3A_424 = arith.addi %mul3A_10, %add3A_423 : i32
    %dma_wait3A_425 = arith.constant 1 : i32
    %dma_wait3A_426 = arith.constant 1 : i32
    %dma_wait3A_427 = arith.constant 0 : i32
    %dma_wait3A_428 = tpu.memref_slice %arg10[%dma_wait3A_425, %dma_wait3A_427] : memref<8x80xi32, #tpu.memory_space<vmem>> -> memref<1x80xi32, #tpu.memory_space<vmem>>
    %dma_wait3A_429 = tpu.memref_squeeze %dma_wait3A_428 : memref<1x80xi32, #tpu.memory_space<vmem>> -> memref<80xi32, #tpu.memory_space<vmem>>
    %dma_wait3A_430 = tpu.memref_slice %arg3[%add3A_424] : memref<640000xi32, #tpu.memory_space<hbm>> -> memref<80xi32, #tpu.memory_space<hbm>>
    %dma_wait3A_431 = tpu.memref_slice %arg17[%dma_wait3A_426] : memref<4x!tpu.dma_semaphore, #tpu.memory_space<semaphore_mem>> -> memref<1x!tpu.dma_semaphore, #tpu.memory_space<semaphore_mem>>
    %dma_wait3A_432 = tpu.memref_squeeze %dma_wait3A_431 : memref<1x!tpu.dma_semaphore, #tpu.memory_space<semaphore_mem>> -> memref<!tpu.dma_semaphore, #tpu.memory_space<semaphore_mem>>
    %dma_wait3A_433 = arith.constant 0 : i32
    %dma_wait3A_434 = tpu.memref_slice %arg10[%dma_wait3A_425, %dma_wait3A_433] : memref<8x80xi32, #tpu.memory_space<vmem>> -> memref<1x80xi32, #tpu.memory_space<vmem>>
    %dma_wait3A_435 = tpu.memref_squeeze %dma_wait3A_434 : memref<1x80xi32, #tpu.memory_space<vmem>> -> memref<80xi32, #tpu.memory_space<vmem>>
    %dma_wait3A_436 = tpu.memref_slice %arg3[%add3A_424] : memref<640000xi32, #tpu.memory_space<hbm>> -> memref<80xi32, #tpu.memory_space<hbm>>
    tpu.wait_dma2 semaphore(%dma_wait3A_432 : memref<!tpu.dma_semaphore, #tpu.memory_space<semaphore_mem>>) src(%dma_wait3A_436 : memref<80xi32, #tpu.memory_space<hbm>>) dst(%dma_wait3A_435 : memref<80xi32, #tpu.memory_space<vmem>>)
    %dma_start3A_437 = arith.constant 1 : i32
    %dma_start3A_438 = arith.constant 1 : i32
    %dma_start3A_439 = arith.constant 0 : i32
    %dma_start3A_440 = tpu.memref_slice %arg10[%dma_start3A_437, %dma_start3A_439] : memref<8x80xi32, #tpu.memory_space<vmem>> -> memref<1x80xi32, #tpu.memory_space<vmem>>
    %dma_start3A_441 = tpu.memref_squeeze %dma_start3A_440 : memref<1x80xi32, #tpu.memory_space<vmem>> -> memref<80xi32, #tpu.memory_space<vmem>>
    %dma_start3A_442 = arith.constant 0 : i32
    %dma_start3A_443 = arith.constant 0 : i32
    %dma_start3A_444 = tpu.memref_slice %arg8[%dma_start3A_442, %dma_start3A_443] : memref<10000x128xf32, #tpu.memory_space<vmem_shared>> -> memref<10000x128xf32, #tpu.memory_space<vmem_shared>>
    %dma_start3A_445 = tpu.memref_slice %arg20[%dma_start3A_438] : memref<4x!tpu.dma_semaphore, #tpu.memory_space<semaphore_mem>> -> memref<1x!tpu.dma_semaphore, #tpu.memory_space<semaphore_mem>>
    %dma_start3A_446 = tpu.memref_squeeze %dma_start3A_445 : memref<1x!tpu.dma_semaphore, #tpu.memory_space<semaphore_mem>> -> memref<!tpu.dma_semaphore, #tpu.memory_space<semaphore_mem>>
    tpu.enqueue_indirect_dma source(%arg13 : memref<80x128xf32, #tpu.memory_space<vmem>>) target(%dma_start3A_444 : memref<10000x128xf32, #tpu.memory_space<vmem_shared>>) offsets(%dma_start3A_441 : memref<80xi32, #tpu.memory_space<vmem>>) semaphore(%dma_start3A_446 : memref<!tpu.dma_semaphore, #tpu.memory_space<semaphore_mem>>) {add = true}
    %add3A_447 = arith.constant 320000 : i32
    %add3A_448 = arith.addi %add3A_447, %mul3A_10 : i32
    %add3A_449 = arith.constant 400 : i32
    %add3A_450 = arith.addi %add3A_448, %add3A_449 : i32
    %dma_start3A_451 = arith.constant 1 : i32
    %dma_start3A_452 = arith.constant 1 : i32
    %dma_start3A_453 = arith.constant 0 : i32
    %dma_start3A_454 = tpu.memref_slice %arg9[%dma_start3A_451, %dma_start3A_453] : memref<4x80xi32, #tpu.memory_space<vmem>> -> memref<1x80xi32, #tpu.memory_space<vmem>>
    %dma_start3A_455 = tpu.memref_squeeze %dma_start3A_454 : memref<1x80xi32, #tpu.memory_space<vmem>> -> memref<80xi32, #tpu.memory_space<vmem>>
    %dma_start3A_456 = tpu.memref_slice %arg3[%add3A_450] : memref<640000xi32, #tpu.memory_space<hbm>> -> memref<80xi32, #tpu.memory_space<hbm>>
    %dma_start3A_457 = tpu.memref_slice %arg16[%dma_start3A_452] : memref<4x!tpu.dma_semaphore, #tpu.memory_space<semaphore_mem>> -> memref<1x!tpu.dma_semaphore, #tpu.memory_space<semaphore_mem>>
    %dma_start3A_458 = tpu.memref_squeeze %dma_start3A_457 : memref<1x!tpu.dma_semaphore, #tpu.memory_space<semaphore_mem>> -> memref<!tpu.dma_semaphore, #tpu.memory_space<semaphore_mem>>
    %dma_start3A_459 = arith.constant 0 : i32
    %dma_start3A_460 = tpu.memref_slice %arg9[%dma_start3A_451, %dma_start3A_459] : memref<4x80xi32, #tpu.memory_space<vmem>> -> memref<1x80xi32, #tpu.memory_space<vmem>>
    %dma_start3A_461 = tpu.memref_squeeze %dma_start3A_460 : memref<1x80xi32, #tpu.memory_space<vmem>> -> memref<80xi32, #tpu.memory_space<vmem>>
    %dma_start3A_462 = tpu.memref_slice %arg3[%add3A_450] : memref<640000xi32, #tpu.memory_space<hbm>> -> memref<80xi32, #tpu.memory_space<hbm>>
    tpu.enqueue_dma source(%dma_start3A_462 : memref<80xi32, #tpu.memory_space<hbm>>) target(%dma_start3A_461 : memref<80xi32, #tpu.memory_space<vmem>>) target_semaphore(%dma_start3A_458 : memref<!tpu.dma_semaphore, #tpu.memory_space<semaphore_mem>>)
    %add3A_463 = arith.constant 400 : i32
    %add3A_464 = arith.addi %mul3A_10, %add3A_463 : i32
    %dma_start3A_465 = arith.constant 5 : i32
    %dma_start3A_466 = arith.constant 1 : i32
    %dma_start3A_467 = arith.constant 0 : i32
    %dma_start3A_468 = tpu.memref_slice %arg10[%dma_start3A_465, %dma_start3A_467] : memref<8x80xi32, #tpu.memory_space<vmem>> -> memref<1x80xi32, #tpu.memory_space<vmem>>
    %dma_start3A_469 = tpu.memref_squeeze %dma_start3A_468 : memref<1x80xi32, #tpu.memory_space<vmem>> -> memref<80xi32, #tpu.memory_space<vmem>>
    %dma_start3A_470 = tpu.memref_slice %arg3[%add3A_464] : memref<640000xi32, #tpu.memory_space<hbm>> -> memref<80xi32, #tpu.memory_space<hbm>>
    %dma_start3A_471 = tpu.memref_slice %arg17[%dma_start3A_466] : memref<4x!tpu.dma_semaphore, #tpu.memory_space<semaphore_mem>> -> memref<1x!tpu.dma_semaphore, #tpu.memory_space<semaphore_mem>>
    %dma_start3A_472 = tpu.memref_squeeze %dma_start3A_471 : memref<1x!tpu.dma_semaphore, #tpu.memory_space<semaphore_mem>> -> memref<!tpu.dma_semaphore, #tpu.memory_space<semaphore_mem>>
    %dma_start3A_473 = arith.constant 0 : i32
    %dma_start3A_474 = tpu.memref_slice %arg10[%dma_start3A_465, %dma_start3A_473] : memref<8x80xi32, #tpu.memory_space<vmem>> -> memref<1x80xi32, #tpu.memory_space<vmem>>
    %dma_start3A_475 = tpu.memref_squeeze %dma_start3A_474 : memref<1x80xi32, #tpu.memory_space<vmem>> -> memref<80xi32, #tpu.memory_space<vmem>>
    %dma_start3A_476 = tpu.memref_slice %arg3[%add3A_464] : memref<640000xi32, #tpu.memory_space<hbm>> -> memref<80xi32, #tpu.memory_space<hbm>>
    tpu.enqueue_dma source(%dma_start3A_476 : memref<80xi32, #tpu.memory_space<hbm>>) target(%dma_start3A_475 : memref<80xi32, #tpu.memory_space<vmem>>) target_semaphore(%dma_start3A_472 : memref<!tpu.dma_semaphore, #tpu.memory_space<semaphore_mem>>)
    %add3A_477 = arith.constant 400 : i32
    %add3A_478 = arith.addi %mul3A_10, %add3A_477 : i32
    %dma_start3A_479 = arith.constant 1 : i32
    %dma_start3A_480 = arith.constant 1 : i32
    %dma_start3A_481 = arith.constant 0 : i32
    %dma_start3A_482 = tpu.memref_slice %arg11[%dma_start3A_479, %dma_start3A_481] : memref<4x80xf32, #tpu.memory_space<vmem>> -> memref<1x80xf32, #tpu.memory_space<vmem>>
    %dma_start3A_483 = tpu.memref_squeeze %dma_start3A_482 : memref<1x80xf32, #tpu.memory_space<vmem>> -> memref<80xf32, #tpu.memory_space<vmem>>
    %dma_start3A_484 = tpu.memref_slice %arg4[%add3A_478] : memref<320000xf32, #tpu.memory_space<hbm>> -> memref<80xf32, #tpu.memory_space<hbm>>
    %dma_start3A_485 = tpu.memref_slice %arg18[%dma_start3A_480] : memref<4x!tpu.dma_semaphore, #tpu.memory_space<semaphore_mem>> -> memref<1x!tpu.dma_semaphore, #tpu.memory_space<semaphore_mem>>
    %dma_start3A_486 = tpu.memref_squeeze %dma_start3A_485 : memref<1x!tpu.dma_semaphore, #tpu.memory_space<semaphore_mem>> -> memref<!tpu.dma_semaphore, #tpu.memory_space<semaphore_mem>>
    %dma_start3A_487 = arith.constant 0 : i32
    %dma_start3A_488 = tpu.memref_slice %arg11[%dma_start3A_479, %dma_start3A_487] : memref<4x80xf32, #tpu.memory_space<vmem>> -> memref<1x80xf32, #tpu.memory_space<vmem>>
    %dma_start3A_489 = tpu.memref_squeeze %dma_start3A_488 : memref<1x80xf32, #tpu.memory_space<vmem>> -> memref<80xf32, #tpu.memory_space<vmem>>
    %dma_start3A_490 = tpu.memref_slice %arg4[%add3A_478] : memref<320000xf32, #tpu.memory_space<hbm>> -> memref<80xf32, #tpu.memory_space<hbm>>
    tpu.enqueue_dma source(%dma_start3A_490 : memref<80xf32, #tpu.memory_space<hbm>>) target(%dma_start3A_489 : memref<80xf32, #tpu.memory_space<vmem>>) target_semaphore(%dma_start3A_486 : memref<!tpu.dma_semaphore, #tpu.memory_space<semaphore_mem>>)
    %dma_wait3A_491 = arith.constant 0 : i32
    %dma_wait3A_492 = arith.constant 0 : i32
    %dma_wait3A_493 = arith.constant 0 : i32
    %dma_wait3A_494 = tpu.memref_slice %arg10[%dma_wait3A_491, %dma_wait3A_493] : memref<8x80xi32, #tpu.memory_space<vmem>> -> memref<1x80xi32, #tpu.memory_space<vmem>>
    %dma_wait3A_495 = tpu.memref_squeeze %dma_wait3A_494 : memref<1x80xi32, #tpu.memory_space<vmem>> -> memref<80xi32, #tpu.memory_space<vmem>>
    %dma_wait3A_496 = arith.constant 0 : i32
    %dma_wait3A_497 = arith.constant 0 : i32
    %dma_wait3A_498 = tpu.memref_slice %arg8[%dma_wait3A_496, %dma_wait3A_497] : memref<10000x128xf32, #tpu.memory_space<vmem_shared>> -> memref<10000x128xf32, #tpu.memory_space<vmem_shared>>
    %dma_wait3A_499 = tpu.memref_slice %arg20[%dma_wait3A_492] : memref<4x!tpu.dma_semaphore, #tpu.memory_space<semaphore_mem>> -> memref<1x!tpu.dma_semaphore, #tpu.memory_space<semaphore_mem>>
    %dma_wait3A_500 = tpu.memref_squeeze %dma_wait3A_499 : memref<1x!tpu.dma_semaphore, #tpu.memory_space<semaphore_mem>> -> memref<!tpu.dma_semaphore, #tpu.memory_space<semaphore_mem>>
    tpu.wait_indirect_dma semaphore(%dma_wait3A_500 : memref<!tpu.dma_semaphore, #tpu.memory_space<semaphore_mem>>) src(%arg12 : memref<80x128xf32, #tpu.memory_space<vmem>>) dst(%dma_wait3A_498 : memref<10000x128xf32, #tpu.memory_space<vmem_shared>>)
    %add3A_501 = arith.constant 320000 : i32
    %add3A_502 = arith.addi %add3A_501, %mul3A_10 : i32
    %add3A_503 = arith.constant 320 : i32
    %add3A_504 = arith.addi %add3A_502, %add3A_503 : i32
    %dma_wait3A_505 = arith.constant 0 : i32
    %dma_wait3A_506 = arith.constant 0 : i32
    %dma_wait3A_507 = arith.constant 0 : i32
    %dma_wait3A_508 = tpu.memref_slice %arg9[%dma_wait3A_505, %dma_wait3A_507] : memref<4x80xi32, #tpu.memory_space<vmem>> -> memref<1x80xi32, #tpu.memory_space<vmem>>
    %dma_wait3A_509 = tpu.memref_squeeze %dma_wait3A_508 : memref<1x80xi32, #tpu.memory_space<vmem>> -> memref<80xi32, #tpu.memory_space<vmem>>
    %dma_wait3A_510 = tpu.memref_slice %arg3[%add3A_504] : memref<640000xi32, #tpu.memory_space<hbm>> -> memref<80xi32, #tpu.memory_space<hbm>>
    %dma_wait3A_511 = tpu.memref_slice %arg16[%dma_wait3A_506] : memref<4x!tpu.dma_semaphore, #tpu.memory_space<semaphore_mem>> -> memref<1x!tpu.dma_semaphore, #tpu.memory_space<semaphore_mem>>
    %dma_wait3A_512 = tpu.memref_squeeze %dma_wait3A_511 : memref<1x!tpu.dma_semaphore, #tpu.memory_space<semaphore_mem>> -> memref<!tpu.dma_semaphore, #tpu.memory_space<semaphore_mem>>
    %dma_wait3A_513 = arith.constant 0 : i32
    %dma_wait3A_514 = tpu.memref_slice %arg9[%dma_wait3A_505, %dma_wait3A_513] : memref<4x80xi32, #tpu.memory_space<vmem>> -> memref<1x80xi32, #tpu.memory_space<vmem>>
    %dma_wait3A_515 = tpu.memref_squeeze %dma_wait3A_514 : memref<1x80xi32, #tpu.memory_space<vmem>> -> memref<80xi32, #tpu.memory_space<vmem>>
    %dma_wait3A_516 = tpu.memref_slice %arg3[%add3A_504] : memref<640000xi32, #tpu.memory_space<hbm>> -> memref<80xi32, #tpu.memory_space<hbm>>
    tpu.wait_dma2 semaphore(%dma_wait3A_512 : memref<!tpu.dma_semaphore, #tpu.memory_space<semaphore_mem>>) src(%dma_wait3A_516 : memref<80xi32, #tpu.memory_space<hbm>>) dst(%dma_wait3A_515 : memref<80xi32, #tpu.memory_space<vmem>>)
    %dma_start3A_517 = arith.constant 0 : i32
    %dma_start3A_518 = arith.constant 0 : i32
    %dma_start3A_519 = arith.constant 0 : i32
    %dma_start3A_520 = tpu.memref_slice %arg9[%dma_start3A_517, %dma_start3A_519] : memref<4x80xi32, #tpu.memory_space<vmem>> -> memref<1x80xi32, #tpu.memory_space<vmem>>
    %dma_start3A_521 = tpu.memref_squeeze %dma_start3A_520 : memref<1x80xi32, #tpu.memory_space<vmem>> -> memref<80xi32, #tpu.memory_space<vmem>>
    %dma_start3A_522 = arith.constant 0 : i32
    %dma_start3A_523 = arith.constant 0 : i32
    %dma_start3A_524 = tpu.memref_slice %arg2[%dma_start3A_522, %dma_start3A_523] : memref<10000x128xf32, #tpu.memory_space<hbm>> -> memref<10000x128xf32, #tpu.memory_space<hbm>>
    %dma_start3A_525 = tpu.memref_slice %arg19[%dma_start3A_518] : memref<4x!tpu.dma_semaphore, #tpu.memory_space<semaphore_mem>> -> memref<1x!tpu.dma_semaphore, #tpu.memory_space<semaphore_mem>>
    %dma_start3A_526 = tpu.memref_squeeze %dma_start3A_525 : memref<1x!tpu.dma_semaphore, #tpu.memory_space<semaphore_mem>> -> memref<!tpu.dma_semaphore, #tpu.memory_space<semaphore_mem>>
    tpu.enqueue_indirect_dma source(%dma_start3A_524 : memref<10000x128xf32, #tpu.memory_space<hbm>>) target(%arg12 : memref<80x128xf32, #tpu.memory_space<vmem>>) offsets(%dma_start3A_521 : memref<80xi32, #tpu.memory_space<vmem>>) semaphore(%dma_start3A_526 : memref<!tpu.dma_semaphore, #tpu.memory_space<semaphore_mem>>)
    %dma_wait3A_527 = arith.constant 2 : i32
    %dma_wait3A_528 = arith.constant 2 : i32
    %dma_wait3A_529 = arith.constant 0 : i32
    %dma_wait3A_530 = tpu.memref_slice %arg9[%dma_wait3A_527, %dma_wait3A_529] : memref<4x80xi32, #tpu.memory_space<vmem>> -> memref<1x80xi32, #tpu.memory_space<vmem>>
    %dma_wait3A_531 = tpu.memref_squeeze %dma_wait3A_530 : memref<1x80xi32, #tpu.memory_space<vmem>> -> memref<80xi32, #tpu.memory_space<vmem>>
    %dma_wait3A_532 = arith.constant 0 : i32
    %dma_wait3A_533 = arith.constant 0 : i32
    %dma_wait3A_534 = tpu.memref_slice %arg2[%dma_wait3A_532, %dma_wait3A_533] : memref<10000x128xf32, #tpu.memory_space<hbm>> -> memref<10000x128xf32, #tpu.memory_space<hbm>>
    %dma_wait3A_535 = tpu.memref_slice %arg19[%dma_wait3A_528] : memref<4x!tpu.dma_semaphore, #tpu.memory_space<semaphore_mem>> -> memref<1x!tpu.dma_semaphore, #tpu.memory_space<semaphore_mem>>
    %dma_wait3A_536 = tpu.memref_squeeze %dma_wait3A_535 : memref<1x!tpu.dma_semaphore, #tpu.memory_space<semaphore_mem>> -> memref<!tpu.dma_semaphore, #tpu.memory_space<semaphore_mem>>
    tpu.wait_indirect_dma semaphore(%dma_wait3A_536 : memref<!tpu.dma_semaphore, #tpu.memory_space<semaphore_mem>>) src(%dma_wait3A_534 : memref<10000x128xf32, #tpu.memory_space<hbm>>) dst(%arg14 : memref<80x128xf32, #tpu.memory_space<vmem>>)
    %add3A_537 = arith.constant 160 : i32
    %add3A_538 = arith.addi %mul3A_10, %add3A_537 : i32
    %dma_wait3A_539 = arith.constant 2 : i32
    %dma_wait3A_540 = arith.constant 2 : i32
    %dma_wait3A_541 = arith.constant 0 : i32
    %dma_wait3A_542 = tpu.memref_slice %arg11[%dma_wait3A_539, %dma_wait3A_541] : memref<4x80xf32, #tpu.memory_space<vmem>> -> memref<1x80xf32, #tpu.memory_space<vmem>>
    %dma_wait3A_543 = tpu.memref_squeeze %dma_wait3A_542 : memref<1x80xf32, #tpu.memory_space<vmem>> -> memref<80xf32, #tpu.memory_space<vmem>>
    %dma_wait3A_544 = tpu.memref_slice %arg4[%add3A_538] : memref<320000xf32, #tpu.memory_space<hbm>> -> memref<80xf32, #tpu.memory_space<hbm>>
    %dma_wait3A_545 = tpu.memref_slice %arg18[%dma_wait3A_540] : memref<4x!tpu.dma_semaphore, #tpu.memory_space<semaphore_mem>> -> memref<1x!tpu.dma_semaphore, #tpu.memory_space<semaphore_mem>>
    %dma_wait3A_546 = tpu.memref_squeeze %dma_wait3A_545 : memref<1x!tpu.dma_semaphore, #tpu.memory_space<semaphore_mem>> -> memref<!tpu.dma_semaphore, #tpu.memory_space<semaphore_mem>>
    %dma_wait3A_547 = arith.constant 0 : i32
    %dma_wait3A_548 = tpu.memref_slice %arg11[%dma_wait3A_539, %dma_wait3A_547] : memref<4x80xf32, #tpu.memory_space<vmem>> -> memref<1x80xf32, #tpu.memory_space<vmem>>
    %dma_wait3A_549 = tpu.memref_squeeze %dma_wait3A_548 : memref<1x80xf32, #tpu.memory_space<vmem>> -> memref<80xf32, #tpu.memory_space<vmem>>
    %dma_wait3A_550 = tpu.memref_slice %arg4[%add3A_538] : memref<320000xf32, #tpu.memory_space<hbm>> -> memref<80xf32, #tpu.memory_space<hbm>>
    tpu.wait_dma2 semaphore(%dma_wait3A_546 : memref<!tpu.dma_semaphore, #tpu.memory_space<semaphore_mem>>) src(%dma_wait3A_550 : memref<80xf32, #tpu.memory_space<hbm>>) dst(%dma_wait3A_549 : memref<80xf32, #tpu.memory_space<vmem>>)
    %broadcast_in_dim3A_551 = arith.constant 2 : i32
    %broadcast_in_dim3A_552 = vector.broadcast %broadcast_in_dim3A_551 : i32 to vector<16xi32>
    %parallel_loop3A_553 = arith.constant 0 : i32
    %parallel_loop3A_554 = arith.constant 80 : i32
    %parallel_loop3A_555 = arith.constant 1 : i32
    scf.for %parallel_loop3A_1254 = %parallel_loop3A_553 to %parallel_loop3A_554 step %parallel_loop3A_555  : i32 {
      %parallel_loop3A_1255 = vector.broadcast %parallel_loop3A_1254 : i32 to vector<16xi32>
      %parallel_loop3A_1256 = tpu.vector_load_idx %arg11[%broadcast_in_dim3A_552, %parallel_loop3A_1255] : memref<4x80xf32, #tpu.memory_space<vmem>>[vector<16xi32>, vector<16xi32>], vector<16xf32>,
      %parallel_loop3A_1257 = arith.index_cast %parallel_loop3A_1254 : i32 to index
      %parallel_loop3A_1258 = arith.constant 0 : index
      %parallel_loop3A_1259 = tpu.vector_load %arg14[%parallel_loop3A_1257, %parallel_loop3A_1258] {strides = array<i32>} : memref<80x128xf32, #tpu.memory_space<vmem>>, vector<16xf32>,
      %parallel_loop3A_1260 = arith.mulf %parallel_loop3A_1259, %parallel_loop3A_1256 : vector<16xf32>
      %parallel_loop3A_1261 = arith.index_cast %parallel_loop3A_1254 : i32 to index
      %parallel_loop3A_1262 = arith.constant 0 : index
      %parallel_loop3A_1263 = tpu.vector_load %arg14[%parallel_loop3A_1261, %parallel_loop3A_1262] {strides = array<i32>} : memref<80x128xf32, #tpu.memory_space<vmem>>, vector<16xf32>,
      tpu.vector_store %arg14[%parallel_loop3A_1261, %parallel_loop3A_1262], %parallel_loop3A_1260 {strides = array<i32>} : memref<80x128xf32, #tpu.memory_space<vmem>>, vector<16xf32>,
      %parallel_loop3A_1264 = arith.index_cast %parallel_loop3A_1254 : i32 to index
      %parallel_loop3A_1265 = arith.constant 16 : index
      %parallel_loop3A_1266 = tpu.vector_load %arg14[%parallel_loop3A_1264, %parallel_loop3A_1265] {strides = array<i32>} : memref<80x128xf32, #tpu.memory_space<vmem>>, vector<16xf32>,
      %parallel_loop3A_1267 = arith.mulf %parallel_loop3A_1266, %parallel_loop3A_1256 : vector<16xf32>
      %parallel_loop3A_1268 = arith.index_cast %parallel_loop3A_1254 : i32 to index
      %parallel_loop3A_1269 = arith.constant 16 : index
      %parallel_loop3A_1270 = tpu.vector_load %arg14[%parallel_loop3A_1268, %parallel_loop3A_1269] {strides = array<i32>} : memref<80x128xf32, #tpu.memory_space<vmem>>, vector<16xf32>,
      tpu.vector_store %arg14[%parallel_loop3A_1268, %parallel_loop3A_1269], %parallel_loop3A_1267 {strides = array<i32>} : memref<80x128xf32, #tpu.memory_space<vmem>>, vector<16xf32>,
      %parallel_loop3A_1271 = arith.index_cast %parallel_loop3A_1254 : i32 to index
      %parallel_loop3A_1272 = arith.constant 32 : index
      %parallel_loop3A_1273 = tpu.vector_load %arg14[%parallel_loop3A_1271, %parallel_loop3A_1272] {strides = array<i32>} : memref<80x128xf32, #tpu.memory_space<vmem>>, vector<16xf32>,
      %parallel_loop3A_1274 = arith.mulf %parallel_loop3A_1273, %parallel_loop3A_1256 : vector<16xf32>
      %parallel_loop3A_1275 = arith.index_cast %parallel_loop3A_1254 : i32 to index
      %parallel_loop3A_1276 = arith.constant 32 : index
      %parallel_loop3A_1277 = tpu.vector_load %arg14[%parallel_loop3A_1275, %parallel_loop3A_1276] {strides = array<i32>} : memref<80x128xf32, #tpu.memory_space<vmem>>, vector<16xf32>,
      tpu.vector_store %arg14[%parallel_loop3A_1275, %parallel_loop3A_1276], %parallel_loop3A_1274 {strides = array<i32>} : memref<80x128xf32, #tpu.memory_space<vmem>>, vector<16xf32>,
      %parallel_loop3A_1278 = arith.index_cast %parallel_loop3A_1254 : i32 to index
      %parallel_loop3A_1279 = arith.constant 48 : index
      %parallel_loop3A_1280 = tpu.vector_load %arg14[%parallel_loop3A_1278, %parallel_loop3A_1279] {strides = array<i32>} : memref<80x128xf32, #tpu.memory_space<vmem>>, vector<16xf32>,
      %parallel_loop3A_1281 = arith.mulf %parallel_loop3A_1280, %parallel_loop3A_1256 : vector<16xf32>
      %parallel_loop3A_1282 = arith.index_cast %parallel_loop3A_1254 : i32 to index
      %parallel_loop3A_1283 = arith.constant 48 : index
      %parallel_loop3A_1284 = tpu.vector_load %arg14[%parallel_loop3A_1282, %parallel_loop3A_1283] {strides = array<i32>} : memref<80x128xf32, #tpu.memory_space<vmem>>, vector<16xf32>,
      tpu.vector_store %arg14[%parallel_loop3A_1282, %parallel_loop3A_1283], %parallel_loop3A_1281 {strides = array<i32>} : memref<80x128xf32, #tpu.memory_space<vmem>>, vector<16xf32>,
      %parallel_loop3A_1285 = arith.index_cast %parallel_loop3A_1254 : i32 to index
      %parallel_loop3A_1286 = arith.constant 64 : index
      %parallel_loop3A_1287 = tpu.vector_load %arg14[%parallel_loop3A_1285, %parallel_loop3A_1286] {strides = array<i32>} : memref<80x128xf32, #tpu.memory_space<vmem>>, vector<16xf32>,
      %parallel_loop3A_1288 = arith.mulf %parallel_loop3A_1287, %parallel_loop3A_1256 : vector<16xf32>
      %parallel_loop3A_1289 = arith.index_cast %parallel_loop3A_1254 : i32 to index
      %parallel_loop3A_1290 = arith.constant 64 : index
      %parallel_loop3A_1291 = tpu.vector_load %arg14[%parallel_loop3A_1289, %parallel_loop3A_1290] {strides = array<i32>} : memref<80x128xf32, #tpu.memory_space<vmem>>, vector<16xf32>,
      tpu.vector_store %arg14[%parallel_loop3A_1289, %parallel_loop3A_1290], %parallel_loop3A_1288 {strides = array<i32>} : memref<80x128xf32, #tpu.memory_space<vmem>>, vector<16xf32>,
      %parallel_loop3A_1292 = arith.index_cast %parallel_loop3A_1254 : i32 to index
      %parallel_loop3A_1293 = arith.constant 80 : index
      %parallel_loop3A_1294 = tpu.vector_load %arg14[%parallel_loop3A_1292, %parallel_loop3A_1293] {strides = array<i32>} : memref<80x128xf32, #tpu.memory_space<vmem>>, vector<16xf32>,
      %parallel_loop3A_1295 = arith.mulf %parallel_loop3A_1294, %parallel_loop3A_1256 : vector<16xf32>
      %parallel_loop3A_1296 = arith.index_cast %parallel_loop3A_1254 : i32 to index
      %parallel_loop3A_1297 = arith.constant 80 : index
      %parallel_loop3A_1298 = tpu.vector_load %arg14[%parallel_loop3A_1296, %parallel_loop3A_1297] {strides = array<i32>} : memref<80x128xf32, #tpu.memory_space<vmem>>, vector<16xf32>,
      tpu.vector_store %arg14[%parallel_loop3A_1296, %parallel_loop3A_1297], %parallel_loop3A_1295 {strides = array<i32>} : memref<80x128xf32, #tpu.memory_space<vmem>>, vector<16xf32>,
      %parallel_loop3A_1299 = arith.index_cast %parallel_loop3A_1254 : i32 to index
      %parallel_loop3A_1300 = arith.constant 96 : index
      %parallel_loop3A_1301 = tpu.vector_load %arg14[%parallel_loop3A_1299, %parallel_loop3A_1300] {strides = array<i32>} : memref<80x128xf32, #tpu.memory_space<vmem>>, vector<16xf32>,
      %parallel_loop3A_1302 = arith.mulf %parallel_loop3A_1301, %parallel_loop3A_1256 : vector<16xf32>
      %parallel_loop3A_1303 = arith.index_cast %parallel_loop3A_1254 : i32 to index
      %parallel_loop3A_1304 = arith.constant 96 : index
      %parallel_loop3A_1305 = tpu.vector_load %arg14[%parallel_loop3A_1303, %parallel_loop3A_1304] {strides = array<i32>} : memref<80x128xf32, #tpu.memory_space<vmem>>, vector<16xf32>,
      tpu.vector_store %arg14[%parallel_loop3A_1303, %parallel_loop3A_1304], %parallel_loop3A_1302 {strides = array<i32>} : memref<80x128xf32, #tpu.memory_space<vmem>>, vector<16xf32>,
      %parallel_loop3A_1306 = arith.index_cast %parallel_loop3A_1254 : i32 to index
      %parallel_loop3A_1307 = arith.constant 112 : index
      %parallel_loop3A_1308 = tpu.vector_load %arg14[%parallel_loop3A_1306, %parallel_loop3A_1307] {strides = array<i32>} : memref<80x128xf32, #tpu.memory_space<vmem>>, vector<16xf32>,
      %parallel_loop3A_1309 = arith.mulf %parallel_loop3A_1308, %parallel_loop3A_1256 : vector<16xf32>
      %parallel_loop3A_1310 = arith.index_cast %parallel_loop3A_1254 : i32 to index
      %parallel_loop3A_1311 = arith.constant 112 : index
      %parallel_loop3A_1312 = tpu.vector_load %arg14[%parallel_loop3A_1310, %parallel_loop3A_1311] {strides = array<i32>} : memref<80x128xf32, #tpu.memory_space<vmem>>, vector<16xf32>,
      tpu.vector_store %arg14[%parallel_loop3A_1310, %parallel_loop3A_1311], %parallel_loop3A_1309 {strides = array<i32>} : memref<80x128xf32, #tpu.memory_space<vmem>>, vector<16xf32>,
    } {sc.loop_unroll_factor = 2 : i64, sc.parallel_access}
    %add3A_556 = arith.constant 160 : i32
    %add3A_557 = arith.addi %mul3A_10, %add3A_556 : i32
    %dma_wait3A_558 = arith.constant 2 : i32
    %dma_wait3A_559 = arith.constant 2 : i32
    %dma_wait3A_560 = arith.constant 0 : i32
    %dma_wait3A_561 = tpu.memref_slice %arg10[%dma_wait3A_558, %dma_wait3A_560] : memref<8x80xi32, #tpu.memory_space<vmem>> -> memref<1x80xi32, #tpu.memory_space<vmem>>
    %dma_wait3A_562 = tpu.memref_squeeze %dma_wait3A_561 : memref<1x80xi32, #tpu.memory_space<vmem>> -> memref<80xi32, #tpu.memory_space<vmem>>
    %dma_wait3A_563 = tpu.memref_slice %arg3[%add3A_557] : memref<640000xi32, #tpu.memory_space<hbm>> -> memref<80xi32, #tpu.memory_space<hbm>>
    %dma_wait3A_564 = tpu.memref_slice %arg17[%dma_wait3A_559] : memref<4x!tpu.dma_semaphore, #tpu.memory_space<semaphore_mem>> -> memref<1x!tpu.dma_semaphore, #tpu.memory_space<semaphore_mem>>
    %dma_wait3A_565 = tpu.memref_squeeze %dma_wait3A_564 : memref<1x!tpu.dma_semaphore, #tpu.memory_space<semaphore_mem>> -> memref<!tpu.dma_semaphore, #tpu.memory_space<semaphore_mem>>
    %dma_wait3A_566 = arith.constant 0 : i32
    %dma_wait3A_567 = tpu.memref_slice %arg10[%dma_wait3A_558, %dma_wait3A_566] : memref<8x80xi32, #tpu.memory_space<vmem>> -> memref<1x80xi32, #tpu.memory_space<vmem>>
    %dma_wait3A_568 = tpu.memref_squeeze %dma_wait3A_567 : memref<1x80xi32, #tpu.memory_space<vmem>> -> memref<80xi32, #tpu.memory_space<vmem>>
    %dma_wait3A_569 = tpu.memref_slice %arg3[%add3A_557] : memref<640000xi32, #tpu.memory_space<hbm>> -> memref<80xi32, #tpu.memory_space<hbm>>
    tpu.wait_dma2 semaphore(%dma_wait3A_565 : memref<!tpu.dma_semaphore, #tpu.memory_space<semaphore_mem>>) src(%dma_wait3A_569 : memref<80xi32, #tpu.memory_space<hbm>>) dst(%dma_wait3A_568 : memref<80xi32, #tpu.memory_space<vmem>>)
    %dma_start3A_570 = arith.constant 2 : i32
    %dma_start3A_571 = arith.constant 2 : i32
    %dma_start3A_572 = arith.constant 0 : i32
    %dma_start3A_573 = tpu.memref_slice %arg10[%dma_start3A_570, %dma_start3A_572] : memref<8x80xi32, #tpu.memory_space<vmem>> -> memref<1x80xi32, #tpu.memory_space<vmem>>
    %dma_start3A_574 = tpu.memref_squeeze %dma_start3A_573 : memref<1x80xi32, #tpu.memory_space<vmem>> -> memref<80xi32, #tpu.memory_space<vmem>>
    %dma_start3A_575 = arith.constant 0 : i32
    %dma_start3A_576 = arith.constant 0 : i32
    %dma_start3A_577 = tpu.memref_slice %arg8[%dma_start3A_575, %dma_start3A_576] : memref<10000x128xf32, #tpu.memory_space<vmem_shared>> -> memref<10000x128xf32, #tpu.memory_space<vmem_shared>>
    %dma_start3A_578 = tpu.memref_slice %arg20[%dma_start3A_571] : memref<4x!tpu.dma_semaphore, #tpu.memory_space<semaphore_mem>> -> memref<1x!tpu.dma_semaphore, #tpu.memory_space<semaphore_mem>>
    %dma_start3A_579 = tpu.memref_squeeze %dma_start3A_578 : memref<1x!tpu.dma_semaphore, #tpu.memory_space<semaphore_mem>> -> memref<!tpu.dma_semaphore, #tpu.memory_space<semaphore_mem>>
    tpu.enqueue_indirect_dma source(%arg14 : memref<80x128xf32, #tpu.memory_space<vmem>>) target(%dma_start3A_577 : memref<10000x128xf32, #tpu.memory_space<vmem_shared>>) offsets(%dma_start3A_574 : memref<80xi32, #tpu.memory_space<vmem>>) semaphore(%dma_start3A_579 : memref<!tpu.dma_semaphore, #tpu.memory_space<semaphore_mem>>) {add = true}
    %add3A_580 = arith.constant 320000 : i32
    %add3A_581 = arith.addi %add3A_580, %mul3A_10 : i32
    %add3A_582 = arith.constant 480 : i32
    %add3A_583 = arith.addi %add3A_581, %add3A_582 : i32
    %dma_start3A_584 = arith.constant 2 : i32
    %dma_start3A_585 = arith.constant 2 : i32
    %dma_start3A_586 = arith.constant 0 : i32
    %dma_start3A_587 = tpu.memref_slice %arg9[%dma_start3A_584, %dma_start3A_586] : memref<4x80xi32, #tpu.memory_space<vmem>> -> memref<1x80xi32, #tpu.memory_space<vmem>>
    %dma_start3A_588 = tpu.memref_squeeze %dma_start3A_587 : memref<1x80xi32, #tpu.memory_space<vmem>> -> memref<80xi32, #tpu.memory_space<vmem>>
    %dma_start3A_589 = tpu.memref_slice %arg3[%add3A_583] : memref<640000xi32, #tpu.memory_space<hbm>> -> memref<80xi32, #tpu.memory_space<hbm>>
    %dma_start3A_590 = tpu.memref_slice %arg16[%dma_start3A_585] : memref<4x!tpu.dma_semaphore, #tpu.memory_space<semaphore_mem>> -> memref<1x!tpu.dma_semaphore, #tpu.memory_space<semaphore_mem>>
    %dma_start3A_591 = tpu.memref_squeeze %dma_start3A_590 : memref<1x!tpu.dma_semaphore, #tpu.memory_space<semaphore_mem>> -> memref<!tpu.dma_semaphore, #tpu.memory_space<semaphore_mem>>
    %dma_start3A_592 = arith.constant 0 : i32
    %dma_start3A_593 = tpu.memref_slice %arg9[%dma_start3A_584, %dma_start3A_592] : memref<4x80xi32, #tpu.memory_space<vmem>> -> memref<1x80xi32, #tpu.memory_space<vmem>>
    %dma_start3A_594 = tpu.memref_squeeze %dma_start3A_593 : memref<1x80xi32, #tpu.memory_space<vmem>> -> memref<80xi32, #tpu.memory_space<vmem>>
    %dma_start3A_595 = tpu.memref_slice %arg3[%add3A_583] : memref<640000xi32, #tpu.memory_space<hbm>> -> memref<80xi32, #tpu.memory_space<hbm>>
    tpu.enqueue_dma source(%dma_start3A_595 : memref<80xi32, #tpu.memory_space<hbm>>) target(%dma_start3A_594 : memref<80xi32, #tpu.memory_space<vmem>>) target_semaphore(%dma_start3A_591 : memref<!tpu.dma_semaphore, #tpu.memory_space<semaphore_mem>>)
    %add3A_596 = arith.constant 480 : i32
    %add3A_597 = arith.addi %mul3A_10, %add3A_596 : i32
    %dma_start3A_598 = arith.constant 6 : i32
    %dma_start3A_599 = arith.constant 2 : i32
    %dma_start3A_600 = arith.constant 0 : i32
    %dma_start3A_601 = tpu.memref_slice %arg10[%dma_start3A_598, %dma_start3A_600] : memref<8x80xi32, #tpu.memory_space<vmem>> -> memref<1x80xi32, #tpu.memory_space<vmem>>
    %dma_start3A_602 = tpu.memref_squeeze %dma_start3A_601 : memref<1x80xi32, #tpu.memory_space<vmem>> -> memref<80xi32, #tpu.memory_space<vmem>>
    %dma_start3A_603 = tpu.memref_slice %arg3[%add3A_597] : memref<640000xi32, #tpu.memory_space<hbm>> -> memref<80xi32, #tpu.memory_space<hbm>>
    %dma_start3A_604 = tpu.memref_slice %arg17[%dma_start3A_599] : memref<4x!tpu.dma_semaphore, #tpu.memory_space<semaphore_mem>> -> memref<1x!tpu.dma_semaphore, #tpu.memory_space<semaphore_mem>>
    %dma_start3A_605 = tpu.memref_squeeze %dma_start3A_604 : memref<1x!tpu.dma_semaphore, #tpu.memory_space<semaphore_mem>> -> memref<!tpu.dma_semaphore, #tpu.memory_space<semaphore_mem>>
    %dma_start3A_606 = arith.constant 0 : i32
    %dma_start3A_607 = tpu.memref_slice %arg10[%dma_start3A_598, %dma_start3A_606] : memref<8x80xi32, #tpu.memory_space<vmem>> -> memref<1x80xi32, #tpu.memory_space<vmem>>
    %dma_start3A_608 = tpu.memref_squeeze %dma_start3A_607 : memref<1x80xi32, #tpu.memory_space<vmem>> -> memref<80xi32, #tpu.memory_space<vmem>>
    %dma_start3A_609 = tpu.memref_slice %arg3[%add3A_597] : memref<640000xi32, #tpu.memory_space<hbm>> -> memref<80xi32, #tpu.memory_space<hbm>>
    tpu.enqueue_dma source(%dma_start3A_609 : memref<80xi32, #tpu.memory_space<hbm>>) target(%dma_start3A_608 : memref<80xi32, #tpu.memory_space<vmem>>) target_semaphore(%dma_start3A_605 : memref<!tpu.dma_semaphore, #tpu.memory_space<semaphore_mem>>)
    %add3A_610 = arith.constant 480 : i32
    %add3A_611 = arith.addi %mul3A_10, %add3A_610 : i32
    %dma_start3A_612 = arith.constant 2 : i32
    %dma_start3A_613 = arith.constant 2 : i32
    %dma_start3A_614 = arith.constant 0 : i32
    %dma_start3A_615 = tpu.memref_slice %arg11[%dma_start3A_612, %dma_start3A_614] : memref<4x80xf32, #tpu.memory_space<vmem>> -> memref<1x80xf32, #tpu.memory_space<vmem>>
    %dma_start3A_616 = tpu.memref_squeeze %dma_start3A_615 : memref<1x80xf32, #tpu.memory_space<vmem>> -> memref<80xf32, #tpu.memory_space<vmem>>
    %dma_start3A_617 = tpu.memref_slice %arg4[%add3A_611] : memref<320000xf32, #tpu.memory_space<hbm>> -> memref<80xf32, #tpu.memory_space<hbm>>
    %dma_start3A_618 = tpu.memref_slice %arg18[%dma_start3A_613] : memref<4x!tpu.dma_semaphore, #tpu.memory_space<semaphore_mem>> -> memref<1x!tpu.dma_semaphore, #tpu.memory_space<semaphore_mem>>
    %dma_start3A_619 = tpu.memref_squeeze %dma_start3A_618 : memref<1x!tpu.dma_semaphore, #tpu.memory_space<semaphore_mem>> -> memref<!tpu.dma_semaphore, #tpu.memory_space<semaphore_mem>>
    %dma_start3A_620 = arith.constant 0 : i32
    %dma_start3A_621 = tpu.memref_slice %arg11[%dma_start3A_612, %dma_start3A_620] : memref<4x80xf32, #tpu.memory_space<vmem>> -> memref<1x80xf32, #tpu.memory_space<vmem>>
    %dma_start3A_622 = tpu.memref_squeeze %dma_start3A_621 : memref<1x80xf32, #tpu.memory_space<vmem>> -> memref<80xf32, #tpu.memory_space<vmem>>
    %dma_start3A_623 = tpu.memref_slice %arg4[%add3A_611] : memref<320000xf32, #tpu.memory_space<hbm>> -> memref<80xf32, #tpu.memory_space<hbm>>
    tpu.enqueue_dma source(%dma_start3A_623 : memref<80xf32, #tpu.memory_space<hbm>>) target(%dma_start3A_622 : memref<80xf32, #tpu.memory_space<vmem>>) target_semaphore(%dma_start3A_619 : memref<!tpu.dma_semaphore, #tpu.memory_space<semaphore_mem>>)
    %dma_wait3A_624 = arith.constant 1 : i32
    %dma_wait3A_625 = arith.constant 1 : i32
    %dma_wait3A_626 = arith.constant 0 : i32
    %dma_wait3A_627 = tpu.memref_slice %arg10[%dma_wait3A_624, %dma_wait3A_626] : memref<8x80xi32, #tpu.memory_space<vmem>> -> memref<1x80xi32, #tpu.memory_space<vmem>>
    %dma_wait3A_628 = tpu.memref_squeeze %dma_wait3A_627 : memref<1x80xi32, #tpu.memory_space<vmem>> -> memref<80xi32, #tpu.memory_space<vmem>>
    %dma_wait3A_629 = arith.constant 0 : i32
    %dma_wait3A_630 = arith.constant 0 : i32
    %dma_wait3A_631 = tpu.memref_slice %arg8[%dma_wait3A_629, %dma_wait3A_630] : memref<10000x128xf32, #tpu.memory_space<vmem_shared>> -> memref<10000x128xf32, #tpu.memory_space<vmem_shared>>
    %dma_wait3A_632 = tpu.memref_slice %arg20[%dma_wait3A_625] : memref<4x!tpu.dma_semaphore, #tpu.memory_space<semaphore_mem>> -> memref<1x!tpu.dma_semaphore, #tpu.memory_space<semaphore_mem>>
    %dma_wait3A_633 = tpu.memref_squeeze %dma_wait3A_632 : memref<1x!tpu.dma_semaphore, #tpu.memory_space<semaphore_mem>> -> memref<!tpu.dma_semaphore, #tpu.memory_space<semaphore_mem>>
    tpu.wait_indirect_dma semaphore(%dma_wait3A_633 : memref<!tpu.dma_semaphore, #tpu.memory_space<semaphore_mem>>) src(%arg13 : memref<80x128xf32, #tpu.memory_space<vmem>>) dst(%dma_wait3A_631 : memref<10000x128xf32, #tpu.memory_space<vmem_shared>>)
    %add3A_634 = arith.constant 320000 : i32
    %add3A_635 = arith.addi %add3A_634, %mul3A_10 : i32
    %add3A_636 = arith.constant 400 : i32
    %add3A_637 = arith.addi %add3A_635, %add3A_636 : i32
    %dma_wait3A_638 = arith.constant 1 : i32
    %dma_wait3A_639 = arith.constant 1 : i32
    %dma_wait3A_640 = arith.constant 0 : i32
    %dma_wait3A_641 = tpu.memref_slice %arg9[%dma_wait3A_638, %dma_wait3A_640] : memref<4x80xi32, #tpu.memory_space<vmem>> -> memref<1x80xi32, #tpu.memory_space<vmem>>
    %dma_wait3A_642 = tpu.memref_squeeze %dma_wait3A_641 : memref<1x80xi32, #tpu.memory_space<vmem>> -> memref<80xi32, #tpu.memory_space<vmem>>
    %dma_wait3A_643 = tpu.memref_slice %arg3[%add3A_637] : memref<640000xi32, #tpu.memory_space<hbm>> -> memref<80xi32, #tpu.memory_space<hbm>>
    %dma_wait3A_644 = tpu.memref_slice %arg16[%dma_wait3A_639] : memref<4x!tpu.dma_semaphore, #tpu.memory_space<semaphore_mem>> -> memref<1x!tpu.dma_semaphore, #tpu.memory_space<semaphore_mem>>
    %dma_wait3A_645 = tpu.memref_squeeze %dma_wait3A_644 : memref<1x!tpu.dma_semaphore, #tpu.memory_space<semaphore_mem>> -> memref<!tpu.dma_semaphore, #tpu.memory_space<semaphore_mem>>
    %dma_wait3A_646 = arith.constant 0 : i32
    %dma_wait3A_647 = tpu.memref_slice %arg9[%dma_wait3A_638, %dma_wait3A_646] : memref<4x80xi32, #tpu.memory_space<vmem>> -> memref<1x80xi32, #tpu.memory_space<vmem>>
    %dma_wait3A_648 = tpu.memref_squeeze %dma_wait3A_647 : memref<1x80xi32, #tpu.memory_space<vmem>> -> memref<80xi32, #tpu.memory_space<vmem>>
    %dma_wait3A_649 = tpu.memref_slice %arg3[%add3A_637] : memref<640000xi32, #tpu.memory_space<hbm>> -> memref<80xi32, #tpu.memory_space<hbm>>
    tpu.wait_dma2 semaphore(%dma_wait3A_645 : memref<!tpu.dma_semaphore, #tpu.memory_space<semaphore_mem>>) src(%dma_wait3A_649 : memref<80xi32, #tpu.memory_space<hbm>>) dst(%dma_wait3A_648 : memref<80xi32, #tpu.memory_space<vmem>>)
    %dma_start3A_650 = arith.constant 1 : i32
    %dma_start3A_651 = arith.constant 1 : i32
    %dma_start3A_652 = arith.constant 0 : i32
    %dma_start3A_653 = tpu.memref_slice %arg9[%dma_start3A_650, %dma_start3A_652] : memref<4x80xi32, #tpu.memory_space<vmem>> -> memref<1x80xi32, #tpu.memory_space<vmem>>
    %dma_start3A_654 = tpu.memref_squeeze %dma_start3A_653 : memref<1x80xi32, #tpu.memory_space<vmem>> -> memref<80xi32, #tpu.memory_space<vmem>>
    %dma_start3A_655 = arith.constant 0 : i32
    %dma_start3A_656 = arith.constant 0 : i32
    %dma_start3A_657 = tpu.memref_slice %arg2[%dma_start3A_655, %dma_start3A_656] : memref<10000x128xf32, #tpu.memory_space<hbm>> -> memref<10000x128xf32, #tpu.memory_space<hbm>>
    %dma_start3A_658 = tpu.memref_slice %arg19[%dma_start3A_651] : memref<4x!tpu.dma_semaphore, #tpu.memory_space<semaphore_mem>> -> memref<1x!tpu.dma_semaphore, #tpu.memory_space<semaphore_mem>>
    %dma_start3A_659 = tpu.memref_squeeze %dma_start3A_658 : memref<1x!tpu.dma_semaphore, #tpu.memory_space<semaphore_mem>> -> memref<!tpu.dma_semaphore, #tpu.memory_space<semaphore_mem>>
    tpu.enqueue_indirect_dma source(%dma_start3A_657 : memref<10000x128xf32, #tpu.memory_space<hbm>>) target(%arg13 : memref<80x128xf32, #tpu.memory_space<vmem>>) offsets(%dma_start3A_654 : memref<80xi32, #tpu.memory_space<vmem>>) semaphore(%dma_start3A_659 : memref<!tpu.dma_semaphore, #tpu.memory_space<semaphore_mem>>)
    %dma_wait3A_660 = arith.constant 3 : i32
    %dma_wait3A_661 = arith.constant 3 : i32
    %dma_wait3A_662 = arith.constant 0 : i32
    %dma_wait3A_663 = tpu.memref_slice %arg9[%dma_wait3A_660, %dma_wait3A_662] : memref<4x80xi32, #tpu.memory_space<vmem>> -> memref<1x80xi32, #tpu.memory_space<vmem>>
    %dma_wait3A_664 = tpu.memref_squeeze %dma_wait3A_663 : memref<1x80xi32, #tpu.memory_space<vmem>> -> memref<80xi32, #tpu.memory_space<vmem>>
    %dma_wait3A_665 = arith.constant 0 : i32
    %dma_wait3A_666 = arith.constant 0 : i32
    %dma_wait3A_667 = tpu.memref_slice %arg2[%dma_wait3A_665, %dma_wait3A_666] : memref<10000x128xf32, #tpu.memory_space<hbm>> -> memref<10000x128xf32, #tpu.memory_space<hbm>>
    %dma_wait3A_668 = tpu.memref_slice %arg19[%dma_wait3A_661] : memref<4x!tpu.dma_semaphore, #tpu.memory_space<semaphore_mem>> -> memref<1x!tpu.dma_semaphore, #tpu.memory_space<semaphore_mem>>
    %dma_wait3A_669 = tpu.memref_squeeze %dma_wait3A_668 : memref<1x!tpu.dma_semaphore, #tpu.memory_space<semaphore_mem>> -> memref<!tpu.dma_semaphore, #tpu.memory_space<semaphore_mem>>
    tpu.wait_indirect_dma semaphore(%dma_wait3A_669 : memref<!tpu.dma_semaphore, #tpu.memory_space<semaphore_mem>>) src(%dma_wait3A_667 : memref<10000x128xf32, #tpu.memory_space<hbm>>) dst(%arg15 : memref<80x128xf32, #tpu.memory_space<vmem>>)
    %add3A_670 = arith.constant 240 : i32
    %add3A_671 = arith.addi %mul3A_10, %add3A_670 : i32
    %dma_wait3A_672 = arith.constant 3 : i32
    %dma_wait3A_673 = arith.constant 3 : i32
    %dma_wait3A_674 = arith.constant 0 : i32
    %dma_wait3A_675 = tpu.memref_slice %arg11[%dma_wait3A_672, %dma_wait3A_674] : memref<4x80xf32, #tpu.memory_space<vmem>> -> memref<1x80xf32, #tpu.memory_space<vmem>>
    %dma_wait3A_676 = tpu.memref_squeeze %dma_wait3A_675 : memref<1x80xf32, #tpu.memory_space<vmem>> -> memref<80xf32, #tpu.memory_space<vmem>>
    %dma_wait3A_677 = tpu.memref_slice %arg4[%add3A_671] : memref<320000xf32, #tpu.memory_space<hbm>> -> memref<80xf32, #tpu.memory_space<hbm>>
    %dma_wait3A_678 = tpu.memref_slice %arg18[%dma_wait3A_673] : memref<4x!tpu.dma_semaphore, #tpu.memory_space<semaphore_mem>> -> memref<1x!tpu.dma_semaphore, #tpu.memory_space<semaphore_mem>>
    %dma_wait3A_679 = tpu.memref_squeeze %dma_wait3A_678 : memref<1x!tpu.dma_semaphore, #tpu.memory_space<semaphore_mem>> -> memref<!tpu.dma_semaphore, #tpu.memory_space<semaphore_mem>>
    %dma_wait3A_680 = arith.constant 0 : i32
    %dma_wait3A_681 = tpu.memref_slice %arg11[%dma_wait3A_672, %dma_wait3A_680] : memref<4x80xf32, #tpu.memory_space<vmem>> -> memref<1x80xf32, #tpu.memory_space<vmem>>
    %dma_wait3A_682 = tpu.memref_squeeze %dma_wait3A_681 : memref<1x80xf32, #tpu.memory_space<vmem>> -> memref<80xf32, #tpu.memory_space<vmem>>
    %dma_wait3A_683 = tpu.memref_slice %arg4[%add3A_671] : memref<320000xf32, #tpu.memory_space<hbm>> -> memref<80xf32, #tpu.memory_space<hbm>>
    tpu.wait_dma2 semaphore(%dma_wait3A_679 : memref<!tpu.dma_semaphore, #tpu.memory_space<semaphore_mem>>) src(%dma_wait3A_683 : memref<80xf32, #tpu.memory_space<hbm>>) dst(%dma_wait3A_682 : memref<80xf32, #tpu.memory_space<vmem>>)
    %broadcast_in_dim3A_684 = arith.constant 3 : i32
    %broadcast_in_dim3A_685 = vector.broadcast %broadcast_in_dim3A_684 : i32 to vector<16xi32>
    %parallel_loop3A_686 = arith.constant 0 : i32
    %parallel_loop3A_687 = arith.constant 80 : i32
    %parallel_loop3A_688 = arith.constant 1 : i32
    scf.for %parallel_loop3A_1254 = %parallel_loop3A_686 to %parallel_loop3A_687 step %parallel_loop3A_688  : i32 {
      %parallel_loop3A_1255 = vector.broadcast %parallel_loop3A_1254 : i32 to vector<16xi32>
      %parallel_loop3A_1256 = tpu.vector_load_idx %arg11[%broadcast_in_dim3A_685, %parallel_loop3A_1255] : memref<4x80xf32, #tpu.memory_space<vmem>>[vector<16xi32>, vector<16xi32>], vector<16xf32>,
      %parallel_loop3A_1257 = arith.index_cast %parallel_loop3A_1254 : i32 to index
      %parallel_loop3A_1258 = arith.constant 0 : index
      %parallel_loop3A_1259 = tpu.vector_load %arg15[%parallel_loop3A_1257, %parallel_loop3A_1258] {strides = array<i32>} : memref<80x128xf32, #tpu.memory_space<vmem>>, vector<16xf32>,
      %parallel_loop3A_1260 = arith.mulf %parallel_loop3A_1259, %parallel_loop3A_1256 : vector<16xf32>
      %parallel_loop3A_1261 = arith.index_cast %parallel_loop3A_1254 : i32 to index
      %parallel_loop3A_1262 = arith.constant 0 : index
      %parallel_loop3A_1263 = tpu.vector_load %arg15[%parallel_loop3A_1261, %parallel_loop3A_1262] {strides = array<i32>} : memref<80x128xf32, #tpu.memory_space<vmem>>, vector<16xf32>,
      tpu.vector_store %arg15[%parallel_loop3A_1261, %parallel_loop3A_1262], %parallel_loop3A_1260 {strides = array<i32>} : memref<80x128xf32, #tpu.memory_space<vmem>>, vector<16xf32>,
      %parallel_loop3A_1264 = arith.index_cast %parallel_loop3A_1254 : i32 to index
      %parallel_loop3A_1265 = arith.constant 16 : index
      %parallel_loop3A_1266 = tpu.vector_load %arg15[%parallel_loop3A_1264, %parallel_loop3A_1265] {strides = array<i32>} : memref<80x128xf32, #tpu.memory_space<vmem>>, vector<16xf32>,
      %parallel_loop3A_1267 = arith.mulf %parallel_loop3A_1266, %parallel_loop3A_1256 : vector<16xf32>
      %parallel_loop3A_1268 = arith.index_cast %parallel_loop3A_1254 : i32 to index
      %parallel_loop3A_1269 = arith.constant 16 : index
      %parallel_loop3A_1270 = tpu.vector_load %arg15[%parallel_loop3A_1268, %parallel_loop3A_1269] {strides = array<i32>} : memref<80x128xf32, #tpu.memory_space<vmem>>, vector<16xf32>,
      tpu.vector_store %arg15[%parallel_loop3A_1268, %parallel_loop3A_1269], %parallel_loop3A_1267 {strides = array<i32>} : memref<80x128xf32, #tpu.memory_space<vmem>>, vector<16xf32>,
      %parallel_loop3A_1271 = arith.index_cast %parallel_loop3A_1254 : i32 to index
      %parallel_loop3A_1272 = arith.constant 32 : index
      %parallel_loop3A_1273 = tpu.vector_load %arg15[%parallel_loop3A_1271, %parallel_loop3A_1272] {strides = array<i32>} : memref<80x128xf32, #tpu.memory_space<vmem>>, vector<16xf32>,
      %parallel_loop3A_1274 = arith.mulf %parallel_loop3A_1273, %parallel_loop3A_1256 : vector<16xf32>
      %parallel_loop3A_1275 = arith.index_cast %parallel_loop3A_1254 : i32 to index
      %parallel_loop3A_1276 = arith.constant 32 : index
      %parallel_loop3A_1277 = tpu.vector_load %arg15[%parallel_loop3A_1275, %parallel_loop3A_1276] {strides = array<i32>} : memref<80x128xf32, #tpu.memory_space<vmem>>, vector<16xf32>,
      tpu.vector_store %arg15[%parallel_loop3A_1275, %parallel_loop3A_1276], %parallel_loop3A_1274 {strides = array<i32>} : memref<80x128xf32, #tpu.memory_space<vmem>>, vector<16xf32>,
      %parallel_loop3A_1278 = arith.index_cast %parallel_loop3A_1254 : i32 to index
      %parallel_loop3A_1279 = arith.constant 48 : index
      %parallel_loop3A_1280 = tpu.vector_load %arg15[%parallel_loop3A_1278, %parallel_loop3A_1279] {strides = array<i32>} : memref<80x128xf32, #tpu.memory_space<vmem>>, vector<16xf32>,
      %parallel_loop3A_1281 = arith.mulf %parallel_loop3A_1280, %parallel_loop3A_1256 : vector<16xf32>
      %parallel_loop3A_1282 = arith.index_cast %parallel_loop3A_1254 : i32 to index
      %parallel_loop3A_1283 = arith.constant 48 : index
      %parallel_loop3A_1284 = tpu.vector_load %arg15[%parallel_loop3A_1282, %parallel_loop3A_1283] {strides = array<i32>} : memref<80x128xf32, #tpu.memory_space<vmem>>, vector<16xf32>,
      tpu.vector_store %arg15[%parallel_loop3A_1282, %parallel_loop3A_1283], %parallel_loop3A_1281 {strides = array<i32>} : memref<80x128xf32, #tpu.memory_space<vmem>>, vector<16xf32>,
      %parallel_loop3A_1285 = arith.index_cast %parallel_loop3A_1254 : i32 to index
      %parallel_loop3A_1286 = arith.constant 64 : index
      %parallel_loop3A_1287 = tpu.vector_load %arg15[%parallel_loop3A_1285, %parallel_loop3A_1286] {strides = array<i32>} : memref<80x128xf32, #tpu.memory_space<vmem>>, vector<16xf32>,
      %parallel_loop3A_1288 = arith.mulf %parallel_loop3A_1287, %parallel_loop3A_1256 : vector<16xf32>
      %parallel_loop3A_1289 = arith.index_cast %parallel_loop3A_1254 : i32 to index
      %parallel_loop3A_1290 = arith.constant 64 : index
      %parallel_loop3A_1291 = tpu.vector_load %arg15[%parallel_loop3A_1289, %parallel_loop3A_1290] {strides = array<i32>} : memref<80x128xf32, #tpu.memory_space<vmem>>, vector<16xf32>,
      tpu.vector_store %arg15[%parallel_loop3A_1289, %parallel_loop3A_1290], %parallel_loop3A_1288 {strides = array<i32>} : memref<80x128xf32, #tpu.memory_space<vmem>>, vector<16xf32>,
      %parallel_loop3A_1292 = arith.index_cast %parallel_loop3A_1254 : i32 to index
      %parallel_loop3A_1293 = arith.constant 80 : index
      %parallel_loop3A_1294 = tpu.vector_load %arg15[%parallel_loop3A_1292, %parallel_loop3A_1293] {strides = array<i32>} : memref<80x128xf32, #tpu.memory_space<vmem>>, vector<16xf32>,
      %parallel_loop3A_1295 = arith.mulf %parallel_loop3A_1294, %parallel_loop3A_1256 : vector<16xf32>
      %parallel_loop3A_1296 = arith.index_cast %parallel_loop3A_1254 : i32 to index
      %parallel_loop3A_1297 = arith.constant 80 : index
      %parallel_loop3A_1298 = tpu.vector_load %arg15[%parallel_loop3A_1296, %parallel_loop3A_1297] {strides = array<i32>} : memref<80x128xf32, #tpu.memory_space<vmem>>, vector<16xf32>,
      tpu.vector_store %arg15[%parallel_loop3A_1296, %parallel_loop3A_1297], %parallel_loop3A_1295 {strides = array<i32>} : memref<80x128xf32, #tpu.memory_space<vmem>>, vector<16xf32>,
      %parallel_loop3A_1299 = arith.index_cast %parallel_loop3A_1254 : i32 to index
      %parallel_loop3A_1300 = arith.constant 96 : index
      %parallel_loop3A_1301 = tpu.vector_load %arg15[%parallel_loop3A_1299, %parallel_loop3A_1300] {strides = array<i32>} : memref<80x128xf32, #tpu.memory_space<vmem>>, vector<16xf32>,
      %parallel_loop3A_1302 = arith.mulf %parallel_loop3A_1301, %parallel_loop3A_1256 : vector<16xf32>
      %parallel_loop3A_1303 = arith.index_cast %parallel_loop3A_1254 : i32 to index
      %parallel_loop3A_1304 = arith.constant 96 : index
      %parallel_loop3A_1305 = tpu.vector_load %arg15[%parallel_loop3A_1303, %parallel_loop3A_1304] {strides = array<i32>} : memref<80x128xf32, #tpu.memory_space<vmem>>, vector<16xf32>,
      tpu.vector_store %arg15[%parallel_loop3A_1303, %parallel_loop3A_1304], %parallel_loop3A_1302 {strides = array<i32>} : memref<80x128xf32, #tpu.memory_space<vmem>>, vector<16xf32>,
      %parallel_loop3A_1306 = arith.index_cast %parallel_loop3A_1254 : i32 to index
      %parallel_loop3A_1307 = arith.constant 112 : index
      %parallel_loop3A_1308 = tpu.vector_load %arg15[%parallel_loop3A_1306, %parallel_loop3A_1307] {strides = array<i32>} : memref<80x128xf32, #tpu.memory_space<vmem>>, vector<16xf32>,
      %parallel_loop3A_1309 = arith.mulf %parallel_loop3A_1308, %parallel_loop3A_1256 : vector<16xf32>
      %parallel_loop3A_1310 = arith.index_cast %parallel_loop3A_1254 : i32 to index
      %parallel_loop3A_1311 = arith.constant 112 : index
      %parallel_loop3A_1312 = tpu.vector_load %arg15[%parallel_loop3A_1310, %parallel_loop3A_1311] {strides = array<i32>} : memref<80x128xf32, #tpu.memory_space<vmem>>, vector<16xf32>,
      tpu.vector_store %arg15[%parallel_loop3A_1310, %parallel_loop3A_1311], %parallel_loop3A_1309 {strides = array<i32>} : memref<80x128xf32, #tpu.memory_space<vmem>>, vector<16xf32>,
    } {sc.loop_unroll_factor = 2 : i64, sc.parallel_access}
    %add3A_689 = arith.constant 240 : i32
    %add3A_690 = arith.addi %mul3A_10, %add3A_689 : i32
    %dma_wait3A_691 = arith.constant 3 : i32
    %dma_wait3A_692 = arith.constant 3 : i32
    %dma_wait3A_693 = arith.constant 0 : i32
    %dma_wait3A_694 = tpu.memref_slice %arg10[%dma_wait3A_691, %dma_wait3A_693] : memref<8x80xi32, #tpu.memory_space<vmem>> -> memref<1x80xi32, #tpu.memory_space<vmem>>
    %dma_wait3A_695 = tpu.memref_squeeze %dma_wait3A_694 : memref<1x80xi32, #tpu.memory_space<vmem>> -> memref<80xi32, #tpu.memory_space<vmem>>
    %dma_wait3A_696 = tpu.memref_slice %arg3[%add3A_690] : memref<640000xi32, #tpu.memory_space<hbm>> -> memref<80xi32, #tpu.memory_space<hbm>>
    %dma_wait3A_697 = tpu.memref_slice %arg17[%dma_wait3A_692] : memref<4x!tpu.dma_semaphore, #tpu.memory_space<semaphore_mem>> -> memref<1x!tpu.dma_semaphore, #tpu.memory_space<semaphore_mem>>
    %dma_wait3A_698 = tpu.memref_squeeze %dma_wait3A_697 : memref<1x!tpu.dma_semaphore, #tpu.memory_space<semaphore_mem>> -> memref<!tpu.dma_semaphore, #tpu.memory_space<semaphore_mem>>
    %dma_wait3A_699 = arith.constant 0 : i32
    %dma_wait3A_700 = tpu.memref_slice %arg10[%dma_wait3A_691, %dma_wait3A_699] : memref<8x80xi32, #tpu.memory_space<vmem>> -> memref<1x80xi32, #tpu.memory_space<vmem>>
    %dma_wait3A_701 = tpu.memref_squeeze %dma_wait3A_700 : memref<1x80xi32, #tpu.memory_space<vmem>> -> memref<80xi32, #tpu.memory_space<vmem>>
    %dma_wait3A_702 = tpu.memref_slice %arg3[%add3A_690] : memref<640000xi32, #tpu.memory_space<hbm>> -> memref<80xi32, #tpu.memory_space<hbm>>
    tpu.wait_dma2 semaphore(%dma_wait3A_698 : memref<!tpu.dma_semaphore, #tpu.memory_space<semaphore_mem>>) src(%dma_wait3A_702 : memref<80xi32, #tpu.memory_space<hbm>>) dst(%dma_wait3A_701 : memref<80xi32, #tpu.memory_space<vmem>>)
    %dma_start3A_703 = arith.constant 3 : i32
    %dma_start3A_704 = arith.constant 3 : i32
    %dma_start3A_705 = arith.constant 0 : i32
    %dma_start3A_706 = tpu.memref_slice %arg10[%dma_start3A_703, %dma_start3A_705] : memref<8x80xi32, #tpu.memory_space<vmem>> -> memref<1x80xi32, #tpu.memory_space<vmem>>
    %dma_start3A_707 = tpu.memref_squeeze %dma_start3A_706 : memref<1x80xi32, #tpu.memory_space<vmem>> -> memref<80xi32, #tpu.memory_space<vmem>>
    %dma_start3A_708 = arith.constant 0 : i32
    %dma_start3A_709 = arith.constant 0 : i32
    %dma_start3A_710 = tpu.memref_slice %arg8[%dma_start3A_708, %dma_start3A_709] : memref<10000x128xf32, #tpu.memory_space<vmem_shared>> -> memref<10000x128xf32, #tpu.memory_space<vmem_shared>>
    %dma_start3A_711 = tpu.memref_slice %arg20[%dma_start3A_704] : memref<4x!tpu.dma_semaphore, #tpu.memory_space<semaphore_mem>> -> memref<1x!tpu.dma_semaphore, #tpu.memory_space<semaphore_mem>>
    %dma_start3A_712 = tpu.memref_squeeze %dma_start3A_711 : memref<1x!tpu.dma_semaphore, #tpu.memory_space<semaphore_mem>> -> memref<!tpu.dma_semaphore, #tpu.memory_space<semaphore_mem>>
    tpu.enqueue_indirect_dma source(%arg15 : memref<80x128xf32, #tpu.memory_space<vmem>>) target(%dma_start3A_710 : memref<10000x128xf32, #tpu.memory_space<vmem_shared>>) offsets(%dma_start3A_707 : memref<80xi32, #tpu.memory_space<vmem>>) semaphore(%dma_start3A_712 : memref<!tpu.dma_semaphore, #tpu.memory_space<semaphore_mem>>) {add = true}
    %add3A_713 = arith.constant 320000 : i32
    %add3A_714 = arith.addi %add3A_713, %mul3A_10 : i32
    %add3A_715 = arith.constant 560 : i32
    %add3A_716 = arith.addi %add3A_714, %add3A_715 : i32
    %dma_start3A_717 = arith.constant 3 : i32
    %dma_start3A_718 = arith.constant 3 : i32
    %dma_start3A_719 = arith.constant 0 : i32
    %dma_start3A_720 = tpu.memref_slice %arg9[%dma_start3A_717, %dma_start3A_719] : memref<4x80xi32, #tpu.memory_space<vmem>> -> memref<1x80xi32, #tpu.memory_space<vmem>>
    %dma_start3A_721 = tpu.memref_squeeze %dma_start3A_720 : memref<1x80xi32, #tpu.memory_space<vmem>> -> memref<80xi32, #tpu.memory_space<vmem>>
    %dma_start3A_722 = tpu.memref_slice %arg3[%add3A_716] : memref<640000xi32, #tpu.memory_space<hbm>> -> memref<80xi32, #tpu.memory_space<hbm>>
    %dma_start3A_723 = tpu.memref_slice %arg16[%dma_start3A_718] : memref<4x!tpu.dma_semaphore, #tpu.memory_space<semaphore_mem>> -> memref<1x!tpu.dma_semaphore, #tpu.memory_space<semaphore_mem>>
    %dma_start3A_724 = tpu.memref_squeeze %dma_start3A_723 : memref<1x!tpu.dma_semaphore, #tpu.memory_space<semaphore_mem>> -> memref<!tpu.dma_semaphore, #tpu.memory_space<semaphore_mem>>
    %dma_start3A_725 = arith.constant 0 : i32
    %dma_start3A_726 = tpu.memref_slice %arg9[%dma_start3A_717, %dma_start3A_725] : memref<4x80xi32, #tpu.memory_space<vmem>> -> memref<1x80xi32, #tpu.memory_space<vmem>>
    %dma_start3A_727 = tpu.memref_squeeze %dma_start3A_726 : memref<1x80xi32, #tpu.memory_space<vmem>> -> memref<80xi32, #tpu.memory_space<vmem>>
    %dma_start3A_728 = tpu.memref_slice %arg3[%add3A_716] : memref<640000xi32, #tpu.memory_space<hbm>> -> memref<80xi32, #tpu.memory_space<hbm>>
    tpu.enqueue_dma source(%dma_start3A_728 : memref<80xi32, #tpu.memory_space<hbm>>) target(%dma_start3A_727 : memref<80xi32, #tpu.memory_space<vmem>>) target_semaphore(%dma_start3A_724 : memref<!tpu.dma_semaphore, #tpu.memory_space<semaphore_mem>>)
    %add3A_729 = arith.constant 560 : i32
    %add3A_730 = arith.addi %mul3A_10, %add3A_729 : i32
    %dma_start3A_731 = arith.constant 7 : i32
    %dma_start3A_732 = arith.constant 3 : i32
    %dma_start3A_733 = arith.constant 0 : i32
    %dma_start3A_734 = tpu.memref_slice %arg10[%dma_start3A_731, %dma_start3A_733] : memref<8x80xi32, #tpu.memory_space<vmem>> -> memref<1x80xi32, #tpu.memory_space<vmem>>
    %dma_start3A_735 = tpu.memref_squeeze %dma_start3A_734 : memref<1x80xi32, #tpu.memory_space<vmem>> -> memref<80xi32, #tpu.memory_space<vmem>>
    %dma_start3A_736 = tpu.memref_slice %arg3[%add3A_730] : memref<640000xi32, #tpu.memory_space<hbm>> -> memref<80xi32, #tpu.memory_space<hbm>>
    %dma_start3A_737 = tpu.memref_slice %arg17[%dma_start3A_732] : memref<4x!tpu.dma_semaphore, #tpu.memory_space<semaphore_mem>> -> memref<1x!tpu.dma_semaphore, #tpu.memory_space<semaphore_mem>>
    %dma_start3A_738 = tpu.memref_squeeze %dma_start3A_737 : memref<1x!tpu.dma_semaphore, #tpu.memory_space<semaphore_mem>> -> memref<!tpu.dma_semaphore, #tpu.memory_space<semaphore_mem>>
    %dma_start3A_739 = arith.constant 0 : i32
    %dma_start3A_740 = tpu.memref_slice %arg10[%dma_start3A_731, %dma_start3A_739] : memref<8x80xi32, #tpu.memory_space<vmem>> -> memref<1x80xi32, #tpu.memory_space<vmem>>
    %dma_start3A_741 = tpu.memref_squeeze %dma_start3A_740 : memref<1x80xi32, #tpu.memory_space<vmem>> -> memref<80xi32, #tpu.memory_space<vmem>>
    %dma_start3A_742 = tpu.memref_slice %arg3[%add3A_730] : memref<640000xi32, #tpu.memory_space<hbm>> -> memref<80xi32, #tpu.memory_space<hbm>>
    tpu.enqueue_dma source(%dma_start3A_742 : memref<80xi32, #tpu.memory_space<hbm>>) target(%dma_start3A_741 : memref<80xi32, #tpu.memory_space<vmem>>) target_semaphore(%dma_start3A_738 : memref<!tpu.dma_semaphore, #tpu.memory_space<semaphore_mem>>)
    %add3A_743 = arith.constant 560 : i32
    %add3A_744 = arith.addi %mul3A_10, %add3A_743 : i32
    %dma_start3A_745 = arith.constant 3 : i32
    %dma_start3A_746 = arith.constant 3 : i32
    %dma_start3A_747 = arith.constant 0 : i32
    %dma_start3A_748 = tpu.memref_slice %arg11[%dma_start3A_745, %dma_start3A_747] : memref<4x80xf32, #tpu.memory_space<vmem>> -> memref<1x80xf32, #tpu.memory_space<vmem>>
    %dma_start3A_749 = tpu.memref_squeeze %dma_start3A_748 : memref<1x80xf32, #tpu.memory_space<vmem>> -> memref<80xf32, #tpu.memory_space<vmem>>
    %dma_start3A_750 = tpu.memref_slice %arg4[%add3A_744] : memref<320000xf32, #tpu.memory_space<hbm>> -> memref<80xf32, #tpu.memory_space<hbm>>
    %dma_start3A_751 = tpu.memref_slice %arg18[%dma_start3A_746] : memref<4x!tpu.dma_semaphore, #tpu.memory_space<semaphore_mem>> -> memref<1x!tpu.dma_semaphore, #tpu.memory_space<semaphore_mem>>
    %dma_start3A_752 = tpu.memref_squeeze %dma_start3A_751 : memref<1x!tpu.dma_semaphore, #tpu.memory_space<semaphore_mem>> -> memref<!tpu.dma_semaphore, #tpu.memory_space<semaphore_mem>>
    %dma_start3A_753 = arith.constant 0 : i32
    %dma_start3A_754 = tpu.memref_slice %arg11[%dma_start3A_745, %dma_start3A_753] : memref<4x80xf32, #tpu.memory_space<vmem>> -> memref<1x80xf32, #tpu.memory_space<vmem>>
    %dma_start3A_755 = tpu.memref_squeeze %dma_start3A_754 : memref<1x80xf32, #tpu.memory_space<vmem>> -> memref<80xf32, #tpu.memory_space<vmem>>
    %dma_start3A_756 = tpu.memref_slice %arg4[%add3A_744] : memref<320000xf32, #tpu.memory_space<hbm>> -> memref<80xf32, #tpu.memory_space<hbm>>
    tpu.enqueue_dma source(%dma_start3A_756 : memref<80xf32, #tpu.memory_space<hbm>>) target(%dma_start3A_755 : memref<80xf32, #tpu.memory_space<vmem>>) target_semaphore(%dma_start3A_752 : memref<!tpu.dma_semaphore, #tpu.memory_space<semaphore_mem>>)
    %scan3A = arith.constant 0 : i32
    %scan3A_757 = arith.constant 29 : i32
    %scan3A_758 = arith.addi %scan3A, %scan3A_757 : i32
    %scan3A_759 = arith.constant 1 : i32
    scf.for %scan3A_1254 = %scan3A to %scan3A_758 step %scan3A_759  : i32 {
      %mul3A_1255 = arith.constant 1 : i32
      %mul3A_1256 = arith.muli %scan3A_1254, %mul3A_1255 : i32
      %add3A_1257 = arith.constant 1 : i32
      %add3A_1258 = arith.addi %add3A_1257, %mul3A_1256 : i32
      %mul3A_1259 = arith.constant 4 : i32
      %mul3A_1260 = arith.muli %mul3A_1259, %add3A_1258 : i32
      %add3A_1261 = arith.constant 0 : i32
      %add3A_1262 = arith.addi %mul3A_1260, %add3A_1261 : i32
      %add3A_1263 = arith.constant 2 : i32
      %add3A_1264 = arith.addi %add3A_1262, %add3A_1263 : i32
      %sub3A = arith.constant 4 : i32
      %sub3A_1265 = arith.subi %add3A_1264, %sub3A : i32
      %and3A_1266 = arith.constant 7 : i32
      %and3A_1267 = arith.andi %sub3A_1265, %and3A_1266 : i32
      %dma_wait3A_1268 = arith.constant 2 : i32
      %dma_wait3A_1269 = arith.constant 0 : i32
      %dma_wait3A_1270 = tpu.memref_slice %arg10[%and3A_1267, %dma_wait3A_1269] : memref<8x80xi32, #tpu.memory_space<vmem>> -> memref<1x80xi32, #tpu.memory_space<vmem>>
      %dma_wait3A_1271 = tpu.memref_squeeze %dma_wait3A_1270 : memref<1x80xi32, #tpu.memory_space<vmem>> -> memref<80xi32, #tpu.memory_space<vmem>>
      %dma_wait3A_1272 = arith.constant 0 : i32
      %dma_wait3A_1273 = arith.constant 0 : i32
      %dma_wait3A_1274 = tpu.memref_slice %arg8[%dma_wait3A_1272, %dma_wait3A_1273] : memref<10000x128xf32, #tpu.memory_space<vmem_shared>> -> memref<10000x128xf32, #tpu.memory_space<vmem_shared>>
      %dma_wait3A_1275 = tpu.memref_slice %arg20[%dma_wait3A_1268] : memref<4x!tpu.dma_semaphore, #tpu.memory_space<semaphore_mem>> -> memref<1x!tpu.dma_semaphore, #tpu.memory_space<semaphore_mem>>
      %dma_wait3A_1276 = tpu.memref_squeeze %dma_wait3A_1275 : memref<1x!tpu.dma_semaphore, #tpu.memory_space<semaphore_mem>> -> memref<!tpu.dma_semaphore, #tpu.memory_space<semaphore_mem>>
      tpu.wait_indirect_dma semaphore(%dma_wait3A_1276 : memref<!tpu.dma_semaphore, #tpu.memory_space<semaphore_mem>>) src(%arg14 : memref<80x128xf32, #tpu.memory_space<vmem>>) dst(%dma_wait3A_1274 : memref<10000x128xf32, #tpu.memory_space<vmem_shared>>)
      %add3A_1277 = arith.constant 320000 : i32
      %add3A_1278 = arith.addi %add3A_1277, %mul3A_10 : i32
      %mul3A_1279 = arith.constant 80 : i32
      %mul3A_1280 = arith.muli %add3A_1264, %mul3A_1279 : i32
      %add3A_1281 = arith.addi %add3A_1278, %mul3A_1280 : i32
      %dma_wait3A_1282 = arith.constant 2 : i32
      %dma_wait3A_1283 = arith.constant 2 : i32
      %dma_wait3A_1284 = arith.constant 0 : i32
      %dma_wait3A_1285 = tpu.memref_slice %arg9[%dma_wait3A_1282, %dma_wait3A_1284] : memref<4x80xi32, #tpu.memory_space<vmem>> -> memref<1x80xi32, #tpu.memory_space<vmem>>
      %dma_wait3A_1286 = tpu.memref_squeeze %dma_wait3A_1285 : memref<1x80xi32, #tpu.memory_space<vmem>> -> memref<80xi32, #tpu.memory_space<vmem>>
      %dma_wait3A_1287 = tpu.memref_slice %arg3[%add3A_1281] : memref<640000xi32, #tpu.memory_space<hbm>> -> memref<80xi32, #tpu.memory_space<hbm>>
      %dma_wait3A_1288 = tpu.memref_slice %arg16[%dma_wait3A_1283] : memref<4x!tpu.dma_semaphore, #tpu.memory_space<semaphore_mem>> -> memref<1x!tpu.dma_semaphore, #tpu.memory_space<semaphore_mem>>
      %dma_wait3A_1289 = tpu.memref_squeeze %dma_wait3A_1288 : memref<1x!tpu.dma_semaphore, #tpu.memory_space<semaphore_mem>> -> memref<!tpu.dma_semaphore, #tpu.memory_space<semaphore_mem>>
      %dma_wait3A_1290 = arith.constant 0 : i32
      %dma_wait3A_1291 = tpu.memref_slice %arg9[%dma_wait3A_1282, %dma_wait3A_1290] : memref<4x80xi32, #tpu.memory_space<vmem>> -> memref<1x80xi32, #tpu.memory_space<vmem>>
      %dma_wait3A_1292 = tpu.memref_squeeze %dma_wait3A_1291 : memref<1x80xi32, #tpu.memory_space<vmem>> -> memref<80xi32, #tpu.memory_space<vmem>>
      %dma_wait3A_1293 = tpu.memref_slice %arg3[%add3A_1281] : memref<640000xi32, #tpu.memory_space<hbm>> -> memref<80xi32, #tpu.memory_space<hbm>>
      tpu.wait_dma2 semaphore(%dma_wait3A_1289 : memref<!tpu.dma_semaphore, #tpu.memory_space<semaphore_mem>>) src(%dma_wait3A_1293 : memref<80xi32, #tpu.memory_space<hbm>>) dst(%dma_wait3A_1292 : memref<80xi32, #tpu.memory_space<vmem>>)
      %dma_start3A_1294 = arith.constant 2 : i32
      %dma_start3A_1295 = arith.constant 2 : i32
      %dma_start3A_1296 = arith.constant 0 : i32
      %dma_start3A_1297 = tpu.memref_slice %arg9[%dma_start3A_1294, %dma_start3A_1296] : memref<4x80xi32, #tpu.memory_space<vmem>> -> memref<1x80xi32, #tpu.memory_space<vmem>>
      %dma_start3A_1298 = tpu.memref_squeeze %dma_start3A_1297 : memref<1x80xi32, #tpu.memory_space<vmem>> -> memref<80xi32, #tpu.memory_space<vmem>>
      %dma_start3A_1299 = arith.constant 0 : i32
      %dma_start3A_1300 = arith.constant 0 : i32
      %dma_start3A_1301 = tpu.memref_slice %arg2[%dma_start3A_1299, %dma_start3A_1300] : memref<10000x128xf32, #tpu.memory_space<hbm>> -> memref<10000x128xf32, #tpu.memory_space<hbm>>
      %dma_start3A_1302 = tpu.memref_slice %arg19[%dma_start3A_1295] : memref<4x!tpu.dma_semaphore, #tpu.memory_space<semaphore_mem>> -> memref<1x!tpu.dma_semaphore, #tpu.memory_space<semaphore_mem>>
      %dma_start3A_1303 = tpu.memref_squeeze %dma_start3A_1302 : memref<1x!tpu.dma_semaphore, #tpu.memory_space<semaphore_mem>> -> memref<!tpu.dma_semaphore, #tpu.memory_space<semaphore_mem>>
      tpu.enqueue_indirect_dma source(%dma_start3A_1301 : memref<10000x128xf32, #tpu.memory_space<hbm>>) target(%arg14 : memref<80x128xf32, #tpu.memory_space<vmem>>) offsets(%dma_start3A_1298 : memref<80xi32, #tpu.memory_space<vmem>>) semaphore(%dma_start3A_1303 : memref<!tpu.dma_semaphore, #tpu.memory_space<semaphore_mem>>)
      %add3A_1304 = arith.constant 0 : i32
      %add3A_1305 = arith.addi %mul3A_1260, %add3A_1304 : i32
      %dma_wait3A_1306 = arith.constant 0 : i32
      %dma_wait3A_1307 = arith.constant 0 : i32
      %dma_wait3A_1308 = arith.constant 0 : i32
      %dma_wait3A_1309 = tpu.memref_slice %arg9[%dma_wait3A_1306, %dma_wait3A_1308] : memref<4x80xi32, #tpu.memory_space<vmem>> -> memref<1x80xi32, #tpu.memory_space<vmem>>
      %dma_wait3A_1310 = tpu.memref_squeeze %dma_wait3A_1309 : memref<1x80xi32, #tpu.memory_space<vmem>> -> memref<80xi32, #tpu.memory_space<vmem>>
      %dma_wait3A_1311 = arith.constant 0 : i32
      %dma_wait3A_1312 = arith.constant 0 : i32
      %dma_wait3A_1313 = tpu.memref_slice %arg2[%dma_wait3A_1311, %dma_wait3A_1312] : memref<10000x128xf32, #tpu.memory_space<hbm>> -> memref<10000x128xf32, #tpu.memory_space<hbm>>
      %dma_wait3A_1314 = tpu.memref_slice %arg19[%dma_wait3A_1307] : memref<4x!tpu.dma_semaphore, #tpu.memory_space<semaphore_mem>> -> memref<1x!tpu.dma_semaphore, #tpu.memory_space<semaphore_mem>>
      %dma_wait3A_1315 = tpu.memref_squeeze %dma_wait3A_1314 : memref<1x!tpu.dma_semaphore, #tpu.memory_space<semaphore_mem>> -> memref<!tpu.dma_semaphore, #tpu.memory_space<semaphore_mem>>
      tpu.wait_indirect_dma semaphore(%dma_wait3A_1315 : memref<!tpu.dma_semaphore, #tpu.memory_space<semaphore_mem>>) src(%dma_wait3A_1313 : memref<10000x128xf32, #tpu.memory_space<hbm>>) dst(%arg12 : memref<80x128xf32, #tpu.memory_space<vmem>>)
      %mul3A_1316 = arith.constant 80 : i32
      %mul3A_1317 = arith.muli %add3A_1305, %mul3A_1316 : i32
      %add3A_1318 = arith.addi %mul3A_10, %mul3A_1317 : i32
      %dma_wait3A_1319 = arith.constant 0 : i32
      %dma_wait3A_1320 = arith.constant 0 : i32
      %dma_wait3A_1321 = arith.constant 0 : i32
      %dma_wait3A_1322 = tpu.memref_slice %arg11[%dma_wait3A_1319, %dma_wait3A_1321] : memref<4x80xf32, #tpu.memory_space<vmem>> -> memref<1x80xf32, #tpu.memory_space<vmem>>
      %dma_wait3A_1323 = tpu.memref_squeeze %dma_wait3A_1322 : memref<1x80xf32, #tpu.memory_space<vmem>> -> memref<80xf32, #tpu.memory_space<vmem>>
      %dma_wait3A_1324 = tpu.memref_slice %arg4[%add3A_1318] : memref<320000xf32, #tpu.memory_space<hbm>> -> memref<80xf32, #tpu.memory_space<hbm>>
      %dma_wait3A_1325 = tpu.memref_slice %arg18[%dma_wait3A_1320] : memref<4x!tpu.dma_semaphore, #tpu.memory_space<semaphore_mem>> -> memref<1x!tpu.dma_semaphore, #tpu.memory_space<semaphore_mem>>
      %dma_wait3A_1326 = tpu.memref_squeeze %dma_wait3A_1325 : memref<1x!tpu.dma_semaphore, #tpu.memory_space<semaphore_mem>> -> memref<!tpu.dma_semaphore, #tpu.memory_space<semaphore_mem>>
      %dma_wait3A_1327 = arith.constant 0 : i32
      %dma_wait3A_1328 = tpu.memref_slice %arg11[%dma_wait3A_1319, %dma_wait3A_1327] : memref<4x80xf32, #tpu.memory_space<vmem>> -> memref<1x80xf32, #tpu.memory_space<vmem>>
      %dma_wait3A_1329 = tpu.memref_squeeze %dma_wait3A_1328 : memref<1x80xf32, #tpu.memory_space<vmem>> -> memref<80xf32, #tpu.memory_space<vmem>>
      %dma_wait3A_1330 = tpu.memref_slice %arg4[%add3A_1318] : memref<320000xf32, #tpu.memory_space<hbm>> -> memref<80xf32, #tpu.memory_space<hbm>>
      tpu.wait_dma2 semaphore(%dma_wait3A_1326 : memref<!tpu.dma_semaphore, #tpu.memory_space<semaphore_mem>>) src(%dma_wait3A_1330 : memref<80xf32, #tpu.memory_space<hbm>>) dst(%dma_wait3A_1329 : memref<80xf32, #tpu.memory_space<vmem>>)
      %broadcast_in_dim3A_1331 = arith.constant 0 : i32
      %broadcast_in_dim3A_1332 = vector.broadcast %broadcast_in_dim3A_1331 : i32 to vector<16xi32>
      %parallel_loop3A_1333 = arith.constant 0 : i32
      %parallel_loop3A_1334 = arith.constant 80 : i32
      %parallel_loop3A_1335 = arith.constant 1 : i32
      scf.for %parallel_loop3A_1872 = %parallel_loop3A_1333 to %parallel_loop3A_1334 step %parallel_loop3A_1335  : i32 {
        %parallel_loop3A_1873 = vector.broadcast %parallel_loop3A_1872 : i32 to vector<16xi32>
        %parallel_loop3A_1874 = tpu.vector_load_idx %arg11[%broadcast_in_dim3A_1332, %parallel_loop3A_1873] : memref<4x80xf32, #tpu.memory_space<vmem>>[vector<16xi32>, vector<16xi32>], vector<16xf32>,
        %parallel_loop3A_1875 = arith.index_cast %parallel_loop3A_1872 : i32 to index
        %parallel_loop3A_1876 = arith.constant 0 : index
        %parallel_loop3A_1877 = tpu.vector_load %arg12[%parallel_loop3A_1875, %parallel_loop3A_1876] {strides = array<i32>} : memref<80x128xf32, #tpu.memory_space<vmem>>, vector<16xf32>,
        %parallel_loop3A_1878 = arith.mulf %parallel_loop3A_1877, %parallel_loop3A_1874 : vector<16xf32>
        %parallel_loop3A_1879 = arith.index_cast %parallel_loop3A_1872 : i32 to index
        %parallel_loop3A_1880 = arith.constant 0 : index
        %parallel_loop3A_1881 = tpu.vector_load %arg12[%parallel_loop3A_1879, %parallel_loop3A_1880] {strides = array<i32>} : memref<80x128xf32, #tpu.memory_space<vmem>>, vector<16xf32>,
        tpu.vector_store %arg12[%parallel_loop3A_1879, %parallel_loop3A_1880], %parallel_loop3A_1878 {strides = array<i32>} : memref<80x128xf32, #tpu.memory_space<vmem>>, vector<16xf32>,
        %parallel_loop3A_1882 = arith.index_cast %parallel_loop3A_1872 : i32 to index
        %parallel_loop3A_1883 = arith.constant 16 : index
        %parallel_loop3A_1884 = tpu.vector_load %arg12[%parallel_loop3A_1882, %parallel_loop3A_1883] {strides = array<i32>} : memref<80x128xf32, #tpu.memory_space<vmem>>, vector<16xf32>,
        %parallel_loop3A_1885 = arith.mulf %parallel_loop3A_1884, %parallel_loop3A_1874 : vector<16xf32>
        %parallel_loop3A_1886 = arith.index_cast %parallel_loop3A_1872 : i32 to index
        %parallel_loop3A_1887 = arith.constant 16 : index
        %parallel_loop3A_1888 = tpu.vector_load %arg12[%parallel_loop3A_1886, %parallel_loop3A_1887] {strides = array<i32>} : memref<80x128xf32, #tpu.memory_space<vmem>>, vector<16xf32>,
        tpu.vector_store %arg12[%parallel_loop3A_1886, %parallel_loop3A_1887], %parallel_loop3A_1885 {strides = array<i32>} : memref<80x128xf32, #tpu.memory_space<vmem>>, vector<16xf32>,
        %parallel_loop3A_1889 = arith.index_cast %parallel_loop3A_1872 : i32 to index
        %parallel_loop3A_1890 = arith.constant 32 : index
        %parallel_loop3A_1891 = tpu.vector_load %arg12[%parallel_loop3A_1889, %parallel_loop3A_1890] {strides = array<i32>} : memref<80x128xf32, #tpu.memory_space<vmem>>, vector<16xf32>,
        %parallel_loop3A_1892 = arith.mulf %parallel_loop3A_1891, %parallel_loop3A_1874 : vector<16xf32>
        %parallel_loop3A_1893 = arith.index_cast %parallel_loop3A_1872 : i32 to index
        %parallel_loop3A_1894 = arith.constant 32 : index
        %parallel_loop3A_1895 = tpu.vector_load %arg12[%parallel_loop3A_1893, %parallel_loop3A_1894] {strides = array<i32>} : memref<80x128xf32, #tpu.memory_space<vmem>>, vector<16xf32>,
        tpu.vector_store %arg12[%parallel_loop3A_1893, %parallel_loop3A_1894], %parallel_loop3A_1892 {strides = array<i32>} : memref<80x128xf32, #tpu.memory_space<vmem>>, vector<16xf32>,
        %parallel_loop3A_1896 = arith.index_cast %parallel_loop3A_1872 : i32 to index
        %parallel_loop3A_1897 = arith.constant 48 : index
        %parallel_loop3A_1898 = tpu.vector_load %arg12[%parallel_loop3A_1896, %parallel_loop3A_1897] {strides = array<i32>} : memref<80x128xf32, #tpu.memory_space<vmem>>, vector<16xf32>,
        %parallel_loop3A_1899 = arith.mulf %parallel_loop3A_1898, %parallel_loop3A_1874 : vector<16xf32>
        %parallel_loop3A_1900 = arith.index_cast %parallel_loop3A_1872 : i32 to index
        %parallel_loop3A_1901 = arith.constant 48 : index
        %parallel_loop3A_1902 = tpu.vector_load %arg12[%parallel_loop3A_1900, %parallel_loop3A_1901] {strides = array<i32>} : memref<80x128xf32, #tpu.memory_space<vmem>>, vector<16xf32>,
        tpu.vector_store %arg12[%parallel_loop3A_1900, %parallel_loop3A_1901], %parallel_loop3A_1899 {strides = array<i32>} : memref<80x128xf32, #tpu.memory_space<vmem>>, vector<16xf32>,
        %parallel_loop3A_1903 = arith.index_cast %parallel_loop3A_1872 : i32 to index
        %parallel_loop3A_1904 = arith.constant 64 : index
        %parallel_loop3A_1905 = tpu.vector_load %arg12[%parallel_loop3A_1903, %parallel_loop3A_1904] {strides = array<i32>} : memref<80x128xf32, #tpu.memory_space<vmem>>, vector<16xf32>,
        %parallel_loop3A_1906 = arith.mulf %parallel_loop3A_1905, %parallel_loop3A_1874 : vector<16xf32>
        %parallel_loop3A_1907 = arith.index_cast %parallel_loop3A_1872 : i32 to index
        %parallel_loop3A_1908 = arith.constant 64 : index
        %parallel_loop3A_1909 = tpu.vector_load %arg12[%parallel_loop3A_1907, %parallel_loop3A_1908] {strides = array<i32>} : memref<80x128xf32, #tpu.memory_space<vmem>>, vector<16xf32>,
        tpu.vector_store %arg12[%parallel_loop3A_1907, %parallel_loop3A_1908], %parallel_loop3A_1906 {strides = array<i32>} : memref<80x128xf32, #tpu.memory_space<vmem>>, vector<16xf32>,
        %parallel_loop3A_1910 = arith.index_cast %parallel_loop3A_1872 : i32 to index
        %parallel_loop3A_1911 = arith.constant 80 : index
        %parallel_loop3A_1912 = tpu.vector_load %arg12[%parallel_loop3A_1910, %parallel_loop3A_1911] {strides = array<i32>} : memref<80x128xf32, #tpu.memory_space<vmem>>, vector<16xf32>,
        %parallel_loop3A_1913 = arith.mulf %parallel_loop3A_1912, %parallel_loop3A_1874 : vector<16xf32>
        %parallel_loop3A_1914 = arith.index_cast %parallel_loop3A_1872 : i32 to index
        %parallel_loop3A_1915 = arith.constant 80 : index
        %parallel_loop3A_1916 = tpu.vector_load %arg12[%parallel_loop3A_1914, %parallel_loop3A_1915] {strides = array<i32>} : memref<80x128xf32, #tpu.memory_space<vmem>>, vector<16xf32>,
        tpu.vector_store %arg12[%parallel_loop3A_1914, %parallel_loop3A_1915], %parallel_loop3A_1913 {strides = array<i32>} : memref<80x128xf32, #tpu.memory_space<vmem>>, vector<16xf32>,
        %parallel_loop3A_1917 = arith.index_cast %parallel_loop3A_1872 : i32 to index
        %parallel_loop3A_1918 = arith.constant 96 : index
        %parallel_loop3A_1919 = tpu.vector_load %arg12[%parallel_loop3A_1917, %parallel_loop3A_1918] {strides = array<i32>} : memref<80x128xf32, #tpu.memory_space<vmem>>, vector<16xf32>,
        %parallel_loop3A_1920 = arith.mulf %parallel_loop3A_1919, %parallel_loop3A_1874 : vector<16xf32>
        %parallel_loop3A_1921 = arith.index_cast %parallel_loop3A_1872 : i32 to index
        %parallel_loop3A_1922 = arith.constant 96 : index
        %parallel_loop3A_1923 = tpu.vector_load %arg12[%parallel_loop3A_1921, %parallel_loop3A_1922] {strides = array<i32>} : memref<80x128xf32, #tpu.memory_space<vmem>>, vector<16xf32>,
        tpu.vector_store %arg12[%parallel_loop3A_1921, %parallel_loop3A_1922], %parallel_loop3A_1920 {strides = array<i32>} : memref<80x128xf32, #tpu.memory_space<vmem>>, vector<16xf32>,
        %parallel_loop3A_1924 = arith.index_cast %parallel_loop3A_1872 : i32 to index
        %parallel_loop3A_1925 = arith.constant 112 : index
        %parallel_loop3A_1926 = tpu.vector_load %arg12[%parallel_loop3A_1924, %parallel_loop3A_1925] {strides = array<i32>} : memref<80x128xf32, #tpu.memory_space<vmem>>, vector<16xf32>,
        %parallel_loop3A_1927 = arith.mulf %parallel_loop3A_1926, %parallel_loop3A_1874 : vector<16xf32>
        %parallel_loop3A_1928 = arith.index_cast %parallel_loop3A_1872 : i32 to index
        %parallel_loop3A_1929 = arith.constant 112 : index
        %parallel_loop3A_1930 = tpu.vector_load %arg12[%parallel_loop3A_1928, %parallel_loop3A_1929] {strides = array<i32>} : memref<80x128xf32, #tpu.memory_space<vmem>>, vector<16xf32>,
        tpu.vector_store %arg12[%parallel_loop3A_1928, %parallel_loop3A_1929], %parallel_loop3A_1927 {strides = array<i32>} : memref<80x128xf32, #tpu.memory_space<vmem>>, vector<16xf32>,
      } {sc.loop_unroll_factor = 2 : i64, sc.parallel_access}
      %mul3A_1336 = arith.constant 80 : i32
      %mul3A_1337 = arith.muli %add3A_1305, %mul3A_1336 : i32
      %add3A_1338 = arith.addi %mul3A_10, %mul3A_1337 : i32
      %and3A_1339 = arith.constant 7 : i32
      %and3A_1340 = arith.andi %add3A_1305, %and3A_1339 : i32
      %dma_wait3A_1341 = arith.constant 0 : i32
      %dma_wait3A_1342 = arith.constant 0 : i32
      %dma_wait3A_1343 = tpu.memref_slice %arg10[%and3A_1340, %dma_wait3A_1342] : memref<8x80xi32, #tpu.memory_space<vmem>> -> memref<1x80xi32, #tpu.memory_space<vmem>>
      %dma_wait3A_1344 = tpu.memref_squeeze %dma_wait3A_1343 : memref<1x80xi32, #tpu.memory_space<vmem>> -> memref<80xi32, #tpu.memory_space<vmem>>
      %dma_wait3A_1345 = tpu.memref_slice %arg3[%add3A_1338] : memref<640000xi32, #tpu.memory_space<hbm>> -> memref<80xi32, #tpu.memory_space<hbm>>
      %dma_wait3A_1346 = tpu.memref_slice %arg17[%dma_wait3A_1341] : memref<4x!tpu.dma_semaphore, #tpu.memory_space<semaphore_mem>> -> memref<1x!tpu.dma_semaphore, #tpu.memory_space<semaphore_mem>>
      %dma_wait3A_1347 = tpu.memref_squeeze %dma_wait3A_1346 : memref<1x!tpu.dma_semaphore, #tpu.memory_space<semaphore_mem>> -> memref<!tpu.dma_semaphore, #tpu.memory_space<semaphore_mem>>
      %dma_wait3A_1348 = arith.constant 0 : i32
      %dma_wait3A_1349 = tpu.memref_slice %arg10[%and3A_1340, %dma_wait3A_1348] : memref<8x80xi32, #tpu.memory_space<vmem>> -> memref<1x80xi32, #tpu.memory_space<vmem>>
      %dma_wait3A_1350 = tpu.memref_squeeze %dma_wait3A_1349 : memref<1x80xi32, #tpu.memory_space<vmem>> -> memref<80xi32, #tpu.memory_space<vmem>>
      %dma_wait3A_1351 = tpu.memref_slice %arg3[%add3A_1338] : memref<640000xi32, #tpu.memory_space<hbm>> -> memref<80xi32, #tpu.memory_space<hbm>>
      tpu.wait_dma2 semaphore(%dma_wait3A_1347 : memref<!tpu.dma_semaphore, #tpu.memory_space<semaphore_mem>>) src(%dma_wait3A_1351 : memref<80xi32, #tpu.memory_space<hbm>>) dst(%dma_wait3A_1350 : memref<80xi32, #tpu.memory_space<vmem>>)
      %and3A_1352 = arith.constant 7 : i32
      %and3A_1353 = arith.andi %add3A_1305, %and3A_1352 : i32
      %dma_start3A_1354 = arith.constant 0 : i32
      %dma_start3A_1355 = arith.constant 0 : i32
      %dma_start3A_1356 = tpu.memref_slice %arg10[%and3A_1353, %dma_start3A_1355] : memref<8x80xi32, #tpu.memory_space<vmem>> -> memref<1x80xi32, #tpu.memory_space<vmem>>
      %dma_start3A_1357 = tpu.memref_squeeze %dma_start3A_1356 : memref<1x80xi32, #tpu.memory_space<vmem>> -> memref<80xi32, #tpu.memory_space<vmem>>
      %dma_start3A_1358 = arith.constant 0 : i32
      %dma_start3A_1359 = arith.constant 0 : i32
      %dma_start3A_1360 = tpu.memref_slice %arg8[%dma_start3A_1358, %dma_start3A_1359] : memref<10000x128xf32, #tpu.memory_space<vmem_shared>> -> memref<10000x128xf32, #tpu.memory_space<vmem_shared>>
      %dma_start3A_1361 = tpu.memref_slice %arg20[%dma_start3A_1354] : memref<4x!tpu.dma_semaphore, #tpu.memory_space<semaphore_mem>> -> memref<1x!tpu.dma_semaphore, #tpu.memory_space<semaphore_mem>>
      %dma_start3A_1362 = tpu.memref_squeeze %dma_start3A_1361 : memref<1x!tpu.dma_semaphore, #tpu.memory_space<semaphore_mem>> -> memref<!tpu.dma_semaphore, #tpu.memory_space<semaphore_mem>>
      tpu.enqueue_indirect_dma source(%arg12 : memref<80x128xf32, #tpu.memory_space<vmem>>) target(%dma_start3A_1360 : memref<10000x128xf32, #tpu.memory_space<vmem_shared>>) offsets(%dma_start3A_1357 : memref<80xi32, #tpu.memory_space<vmem>>) semaphore(%dma_start3A_1362 : memref<!tpu.dma_semaphore, #tpu.memory_space<semaphore_mem>>) {add = true}
      %add3A_1363 = arith.constant 4 : i32
      %add3A_1364 = arith.addi %add3A_1305, %add3A_1363 : i32
      %add3A_1365 = arith.constant 320000 : i32
      %add3A_1366 = arith.addi %add3A_1365, %mul3A_10 : i32
      %mul3A_1367 = arith.constant 80 : i32
      %mul3A_1368 = arith.muli %add3A_1364, %mul3A_1367 : i32
      %add3A_1369 = arith.addi %add3A_1366, %mul3A_1368 : i32
      %dma_start3A_1370 = arith.constant 0 : i32
      %dma_start3A_1371 = arith.constant 0 : i32
      %dma_start3A_1372 = arith.constant 0 : i32
      %dma_start3A_1373 = tpu.memref_slice %arg9[%dma_start3A_1370, %dma_start3A_1372] : memref<4x80xi32, #tpu.memory_space<vmem>> -> memref<1x80xi32, #tpu.memory_space<vmem>>
      %dma_start3A_1374 = tpu.memref_squeeze %dma_start3A_1373 : memref<1x80xi32, #tpu.memory_space<vmem>> -> memref<80xi32, #tpu.memory_space<vmem>>
      %dma_start3A_1375 = tpu.memref_slice %arg3[%add3A_1369] : memref<640000xi32, #tpu.memory_space<hbm>> -> memref<80xi32, #tpu.memory_space<hbm>>
      %dma_start3A_1376 = tpu.memref_slice %arg16[%dma_start3A_1371] : memref<4x!tpu.dma_semaphore, #tpu.memory_space<semaphore_mem>> -> memref<1x!tpu.dma_semaphore, #tpu.memory_space<semaphore_mem>>
      %dma_start3A_1377 = tpu.memref_squeeze %dma_start3A_1376 : memref<1x!tpu.dma_semaphore, #tpu.memory_space<semaphore_mem>> -> memref<!tpu.dma_semaphore, #tpu.memory_space<semaphore_mem>>
      %dma_start3A_1378 = arith.constant 0 : i32
      %dma_start3A_1379 = tpu.memref_slice %arg9[%dma_start3A_1370, %dma_start3A_1378] : memref<4x80xi32, #tpu.memory_space<vmem>> -> memref<1x80xi32, #tpu.memory_space<vmem>>
      %dma_start3A_1380 = tpu.memref_squeeze %dma_start3A_1379 : memref<1x80xi32, #tpu.memory_space<vmem>> -> memref<80xi32, #tpu.memory_space<vmem>>
      %dma_start3A_1381 = tpu.memref_slice %arg3[%add3A_1369] : memref<640000xi32, #tpu.memory_space<hbm>> -> memref<80xi32, #tpu.memory_space<hbm>>
      tpu.enqueue_dma source(%dma_start3A_1381 : memref<80xi32, #tpu.memory_space<hbm>>) target(%dma_start3A_1380 : memref<80xi32, #tpu.memory_space<vmem>>) target_semaphore(%dma_start3A_1377 : memref<!tpu.dma_semaphore, #tpu.memory_space<semaphore_mem>>)
      %mul3A_1382 = arith.constant 80 : i32
      %mul3A_1383 = arith.muli %add3A_1364, %mul3A_1382 : i32
      %add3A_1384 = arith.addi %mul3A_10, %mul3A_1383 : i32
      %and3A_1385 = arith.constant 7 : i32
      %and3A_1386 = arith.andi %add3A_1364, %and3A_1385 : i32
      %dma_start3A_1387 = arith.constant 0 : i32
      %dma_start3A_1388 = arith.constant 0 : i32
      %dma_start3A_1389 = tpu.memref_slice %arg10[%and3A_1386, %dma_start3A_1388] : memref<8x80xi32, #tpu.memory_space<vmem>> -> memref<1x80xi32, #tpu.memory_space<vmem>>
      %dma_start3A_1390 = tpu.memref_squeeze %dma_start3A_1389 : memref<1x80xi32, #tpu.memory_space<vmem>> -> memref<80xi32, #tpu.memory_space<vmem>>
      %dma_start3A_1391 = tpu.memref_slice %arg3[%add3A_1384] : memref<640000xi32, #tpu.memory_space<hbm>> -> memref<80xi32, #tpu.memory_space<hbm>>
      %dma_start3A_1392 = tpu.memref_slice %arg17[%dma_start3A_1387] : memref<4x!tpu.dma_semaphore, #tpu.memory_space<semaphore_mem>> -> memref<1x!tpu.dma_semaphore, #tpu.memory_space<semaphore_mem>>
      %dma_start3A_1393 = tpu.memref_squeeze %dma_start3A_1392 : memref<1x!tpu.dma_semaphore, #tpu.memory_space<semaphore_mem>> -> memref<!tpu.dma_semaphore, #tpu.memory_space<semaphore_mem>>
      %dma_start3A_1394 = arith.constant 0 : i32
      %dma_start3A_1395 = tpu.memref_slice %arg10[%and3A_1386, %dma_start3A_1394] : memref<8x80xi32, #tpu.memory_space<vmem>> -> memref<1x80xi32, #tpu.memory_space<vmem>>
      %dma_start3A_1396 = tpu.memref_squeeze %dma_start3A_1395 : memref<1x80xi32, #tpu.memory_space<vmem>> -> memref<80xi32, #tpu.memory_space<vmem>>
      %dma_start3A_1397 = tpu.memref_slice %arg3[%add3A_1384] : memref<640000xi32, #tpu.memory_space<hbm>> -> memref<80xi32, #tpu.memory_space<hbm>>
      tpu.enqueue_dma source(%dma_start3A_1397 : memref<80xi32, #tpu.memory_space<hbm>>) target(%dma_start3A_1396 : memref<80xi32, #tpu.memory_space<vmem>>) target_semaphore(%dma_start3A_1393 : memref<!tpu.dma_semaphore, #tpu.memory_space<semaphore_mem>>)
      %mul3A_1398 = arith.constant 80 : i32
      %mul3A_1399 = arith.muli %add3A_1364, %mul3A_1398 : i32
      %add3A_1400 = arith.addi %mul3A_10, %mul3A_1399 : i32
      %dma_start3A_1401 = arith.constant 0 : i32
      %dma_start3A_1402 = arith.constant 0 : i32
      %dma_start3A_1403 = arith.constant 0 : i32
      %dma_start3A_1404 = tpu.memref_slice %arg11[%dma_start3A_1401, %dma_start3A_1403] : memref<4x80xf32, #tpu.memory_space<vmem>> -> memref<1x80xf32, #tpu.memory_space<vmem>>
      %dma_start3A_1405 = tpu.memref_squeeze %dma_start3A_1404 : memref<1x80xf32, #tpu.memory_space<vmem>> -> memref<80xf32, #tpu.memory_space<vmem>>
      %dma_start3A_1406 = tpu.memref_slice %arg4[%add3A_1400] : memref<320000xf32, #tpu.memory_space<hbm>> -> memref<80xf32, #tpu.memory_space<hbm>>
      %dma_start3A_1407 = tpu.memref_slice %arg18[%dma_start3A_1402] : memref<4x!tpu.dma_semaphore, #tpu.memory_space<semaphore_mem>> -> memref<1x!tpu.dma_semaphore, #tpu.memory_space<semaphore_mem>>
      %dma_start3A_1408 = tpu.memref_squeeze %dma_start3A_1407 : memref<1x!tpu.dma_semaphore, #tpu.memory_space<semaphore_mem>> -> memref<!tpu.dma_semaphore, #tpu.memory_space<semaphore_mem>>
      %dma_start3A_1409 = arith.constant 0 : i32
      %dma_start3A_1410 = tpu.memref_slice %arg11[%dma_start3A_1401, %dma_start3A_1409] : memref<4x80xf32, #tpu.memory_space<vmem>> -> memref<1x80xf32, #tpu.memory_space<vmem>>
      %dma_start3A_1411 = tpu.memref_squeeze %dma_start3A_1410 : memref<1x80xf32, #tpu.memory_space<vmem>> -> memref<80xf32, #tpu.memory_space<vmem>>
      %dma_start3A_1412 = tpu.memref_slice %arg4[%add3A_1400] : memref<320000xf32, #tpu.memory_space<hbm>> -> memref<80xf32, #tpu.memory_space<hbm>>
      tpu.enqueue_dma source(%dma_start3A_1412 : memref<80xf32, #tpu.memory_space<hbm>>) target(%dma_start3A_1411 : memref<80xf32, #tpu.memory_space<vmem>>) target_semaphore(%dma_start3A_1408 : memref<!tpu.dma_semaphore, #tpu.memory_space<semaphore_mem>>)
      %add3A_1413 = arith.constant 1 : i32
      %add3A_1414 = arith.addi %mul3A_1260, %add3A_1413 : i32
      %add3A_1415 = arith.constant 2 : i32
      %add3A_1416 = arith.addi %add3A_1414, %add3A_1415 : i32
      %sub3A_1417 = arith.constant 4 : i32
      %sub3A_1418 = arith.subi %add3A_1416, %sub3A_1417 : i32
      %and3A_1419 = arith.constant 7 : i32
      %and3A_1420 = arith.andi %sub3A_1418, %and3A_1419 : i32
      %dma_wait3A_1421 = arith.constant 3 : i32
      %dma_wait3A_1422 = arith.constant 0 : i32
      %dma_wait3A_1423 = tpu.memref_slice %arg10[%and3A_1420, %dma_wait3A_1422] : memref<8x80xi32, #tpu.memory_space<vmem>> -> memref<1x80xi32, #tpu.memory_space<vmem>>
      %dma_wait3A_1424 = tpu.memref_squeeze %dma_wait3A_1423 : memref<1x80xi32, #tpu.memory_space<vmem>> -> memref<80xi32, #tpu.memory_space<vmem>>
      %dma_wait3A_1425 = arith.constant 0 : i32
      %dma_wait3A_1426 = arith.constant 0 : i32
      %dma_wait3A_1427 = tpu.memref_slice %arg8[%dma_wait3A_1425, %dma_wait3A_1426] : memref<10000x128xf32, #tpu.memory_space<vmem_shared>> -> memref<10000x128xf32, #tpu.memory_space<vmem_shared>>
      %dma_wait3A_1428 = tpu.memref_slice %arg20[%dma_wait3A_1421] : memref<4x!tpu.dma_semaphore, #tpu.memory_space<semaphore_mem>> -> memref<1x!tpu.dma_semaphore, #tpu.memory_space<semaphore_mem>>
      %dma_wait3A_1429 = tpu.memref_squeeze %dma_wait3A_1428 : memref<1x!tpu.dma_semaphore, #tpu.memory_space<semaphore_mem>> -> memref<!tpu.dma_semaphore, #tpu.memory_space<semaphore_mem>>
      tpu.wait_indirect_dma semaphore(%dma_wait3A_1429 : memref<!tpu.dma_semaphore, #tpu.memory_space<semaphore_mem>>) src(%arg15 : memref<80x128xf32, #tpu.memory_space<vmem>>) dst(%dma_wait3A_1427 : memref<10000x128xf32, #tpu.memory_space<vmem_shared>>)
      %add3A_1430 = arith.constant 320000 : i32
      %add3A_1431 = arith.addi %add3A_1430, %mul3A_10 : i32
      %mul3A_1432 = arith.constant 80 : i32
      %mul3A_1433 = arith.muli %add3A_1416, %mul3A_1432 : i32
      %add3A_1434 = arith.addi %add3A_1431, %mul3A_1433 : i32
      %dma_wait3A_1435 = arith.constant 3 : i32
      %dma_wait3A_1436 = arith.constant 3 : i32
      %dma_wait3A_1437 = arith.constant 0 : i32
      %dma_wait3A_1438 = tpu.memref_slice %arg9[%dma_wait3A_1435, %dma_wait3A_1437] : memref<4x80xi32, #tpu.memory_space<vmem>> -> memref<1x80xi32, #tpu.memory_space<vmem>>
      %dma_wait3A_1439 = tpu.memref_squeeze %dma_wait3A_1438 : memref<1x80xi32, #tpu.memory_space<vmem>> -> memref<80xi32, #tpu.memory_space<vmem>>
      %dma_wait3A_1440 = tpu.memref_slice %arg3[%add3A_1434] : memref<640000xi32, #tpu.memory_space<hbm>> -> memref<80xi32, #tpu.memory_space<hbm>>
      %dma_wait3A_1441 = tpu.memref_slice %arg16[%dma_wait3A_1436] : memref<4x!tpu.dma_semaphore, #tpu.memory_space<semaphore_mem>> -> memref<1x!tpu.dma_semaphore, #tpu.memory_space<semaphore_mem>>
      %dma_wait3A_1442 = tpu.memref_squeeze %dma_wait3A_1441 : memref<1x!tpu.dma_semaphore, #tpu.memory_space<semaphore_mem>> -> memref<!tpu.dma_semaphore, #tpu.memory_space<semaphore_mem>>
      %dma_wait3A_1443 = arith.constant 0 : i32
      %dma_wait3A_1444 = tpu.memref_slice %arg9[%dma_wait3A_1435, %dma_wait3A_1443] : memref<4x80xi32, #tpu.memory_space<vmem>> -> memref<1x80xi32, #tpu.memory_space<vmem>>
      %dma_wait3A_1445 = tpu.memref_squeeze %dma_wait3A_1444 : memref<1x80xi32, #tpu.memory_space<vmem>> -> memref<80xi32, #tpu.memory_space<vmem>>
      %dma_wait3A_1446 = tpu.memref_slice %arg3[%add3A_1434] : memref<640000xi32, #tpu.memory_space<hbm>> -> memref<80xi32, #tpu.memory_space<hbm>>
      tpu.wait_dma2 semaphore(%dma_wait3A_1442 : memref<!tpu.dma_semaphore, #tpu.memory_space<semaphore_mem>>) src(%dma_wait3A_1446 : memref<80xi32, #tpu.memory_space<hbm>>) dst(%dma_wait3A_1445 : memref<80xi32, #tpu.memory_space<vmem>>)
      %dma_start3A_1447 = arith.constant 3 : i32
      %dma_start3A_1448 = arith.constant 3 : i32
      %dma_start3A_1449 = arith.constant 0 : i32
      %dma_start3A_1450 = tpu.memref_slice %arg9[%dma_start3A_1447, %dma_start3A_1449] : memref<4x80xi32, #tpu.memory_space<vmem>> -> memref<1x80xi32, #tpu.memory_space<vmem>>
      %dma_start3A_1451 = tpu.memref_squeeze %dma_start3A_1450 : memref<1x80xi32, #tpu.memory_space<vmem>> -> memref<80xi32, #tpu.memory_space<vmem>>
      %dma_start3A_1452 = arith.constant 0 : i32
      %dma_start3A_1453 = arith.constant 0 : i32
      %dma_start3A_1454 = tpu.memref_slice %arg2[%dma_start3A_1452, %dma_start3A_1453] : memref<10000x128xf32, #tpu.memory_space<hbm>> -> memref<10000x128xf32, #tpu.memory_space<hbm>>
      %dma_start3A_1455 = tpu.memref_slice %arg19[%dma_start3A_1448] : memref<4x!tpu.dma_semaphore, #tpu.memory_space<semaphore_mem>> -> memref<1x!tpu.dma_semaphore, #tpu.memory_space<semaphore_mem>>
      %dma_start3A_1456 = tpu.memref_squeeze %dma_start3A_1455 : memref<1x!tpu.dma_semaphore, #tpu.memory_space<semaphore_mem>> -> memref<!tpu.dma_semaphore, #tpu.memory_space<semaphore_mem>>
      tpu.enqueue_indirect_dma source(%dma_start3A_1454 : memref<10000x128xf32, #tpu.memory_space<hbm>>) target(%arg15 : memref<80x128xf32, #tpu.memory_space<vmem>>) offsets(%dma_start3A_1451 : memref<80xi32, #tpu.memory_space<vmem>>) semaphore(%dma_start3A_1456 : memref<!tpu.dma_semaphore, #tpu.memory_space<semaphore_mem>>)
      %add3A_1457 = arith.constant 1 : i32
      %add3A_1458 = arith.addi %mul3A_1260, %add3A_1457 : i32
      %dma_wait3A_1459 = arith.constant 1 : i32
      %dma_wait3A_1460 = arith.constant 1 : i32
      %dma_wait3A_1461 = arith.constant 0 : i32
      %dma_wait3A_1462 = tpu.memref_slice %arg9[%dma_wait3A_1459, %dma_wait3A_1461] : memref<4x80xi32, #tpu.memory_space<vmem>> -> memref<1x80xi32, #tpu.memory_space<vmem>>
      %dma_wait3A_1463 = tpu.memref_squeeze %dma_wait3A_1462 : memref<1x80xi32, #tpu.memory_space<vmem>> -> memref<80xi32, #tpu.memory_space<vmem>>
      %dma_wait3A_1464 = arith.constant 0 : i32
      %dma_wait3A_1465 = arith.constant 0 : i32
      %dma_wait3A_1466 = tpu.memref_slice %arg2[%dma_wait3A_1464, %dma_wait3A_1465] : memref<10000x128xf32, #tpu.memory_space<hbm>> -> memref<10000x128xf32, #tpu.memory_space<hbm>>
      %dma_wait3A_1467 = tpu.memref_slice %arg19[%dma_wait3A_1460] : memref<4x!tpu.dma_semaphore, #tpu.memory_space<semaphore_mem>> -> memref<1x!tpu.dma_semaphore, #tpu.memory_space<semaphore_mem>>
      %dma_wait3A_1468 = tpu.memref_squeeze %dma_wait3A_1467 : memref<1x!tpu.dma_semaphore, #tpu.memory_space<semaphore_mem>> -> memref<!tpu.dma_semaphore, #tpu.memory_space<semaphore_mem>>
      tpu.wait_indirect_dma semaphore(%dma_wait3A_1468 : memref<!tpu.dma_semaphore, #tpu.memory_space<semaphore_mem>>) src(%dma_wait3A_1466 : memref<10000x128xf32, #tpu.memory_space<hbm>>) dst(%arg13 : memref<80x128xf32, #tpu.memory_space<vmem>>)
      %mul3A_1469 = arith.constant 80 : i32
      %mul3A_1470 = arith.muli %add3A_1458, %mul3A_1469 : i32
      %add3A_1471 = arith.addi %mul3A_10, %mul3A_1470 : i32
      %dma_wait3A_1472 = arith.constant 1 : i32
      %dma_wait3A_1473 = arith.constant 1 : i32
      %dma_wait3A_1474 = arith.constant 0 : i32
      %dma_wait3A_1475 = tpu.memref_slice %arg11[%dma_wait3A_1472, %dma_wait3A_1474] : memref<4x80xf32, #tpu.memory_space<vmem>> -> memref<1x80xf32, #tpu.memory_space<vmem>>
      %dma_wait3A_1476 = tpu.memref_squeeze %dma_wait3A_1475 : memref<1x80xf32, #tpu.memory_space<vmem>> -> memref<80xf32, #tpu.memory_space<vmem>>
      %dma_wait3A_1477 = tpu.memref_slice %arg4[%add3A_1471] : memref<320000xf32, #tpu.memory_space<hbm>> -> memref<80xf32, #tpu.memory_space<hbm>>
      %dma_wait3A_1478 = tpu.memref_slice %arg18[%dma_wait3A_1473] : memref<4x!tpu.dma_semaphore, #tpu.memory_space<semaphore_mem>> -> memref<1x!tpu.dma_semaphore, #tpu.memory_space<semaphore_mem>>
      %dma_wait3A_1479 = tpu.memref_squeeze %dma_wait3A_1478 : memref<1x!tpu.dma_semaphore, #tpu.memory_space<semaphore_mem>> -> memref<!tpu.dma_semaphore, #tpu.memory_space<semaphore_mem>>
      %dma_wait3A_1480 = arith.constant 0 : i32
      %dma_wait3A_1481 = tpu.memref_slice %arg11[%dma_wait3A_1472, %dma_wait3A_1480] : memref<4x80xf32, #tpu.memory_space<vmem>> -> memref<1x80xf32, #tpu.memory_space<vmem>>
      %dma_wait3A_1482 = tpu.memref_squeeze %dma_wait3A_1481 : memref<1x80xf32, #tpu.memory_space<vmem>> -> memref<80xf32, #tpu.memory_space<vmem>>
      %dma_wait3A_1483 = tpu.memref_slice %arg4[%add3A_1471] : memref<320000xf32, #tpu.memory_space<hbm>> -> memref<80xf32, #tpu.memory_space<hbm>>
      tpu.wait_dma2 semaphore(%dma_wait3A_1479 : memref<!tpu.dma_semaphore, #tpu.memory_space<semaphore_mem>>) src(%dma_wait3A_1483 : memref<80xf32, #tpu.memory_space<hbm>>) dst(%dma_wait3A_1482 : memref<80xf32, #tpu.memory_space<vmem>>)
      %broadcast_in_dim3A_1484 = arith.constant 1 : i32
      %broadcast_in_dim3A_1485 = vector.broadcast %broadcast_in_dim3A_1484 : i32 to vector<16xi32>
      %parallel_loop3A_1486 = arith.constant 0 : i32
      %parallel_loop3A_1487 = arith.constant 80 : i32
      %parallel_loop3A_1488 = arith.constant 1 : i32
      scf.for %parallel_loop3A_1872 = %parallel_loop3A_1486 to %parallel_loop3A_1487 step %parallel_loop3A_1488  : i32 {
        %parallel_loop3A_1873 = vector.broadcast %parallel_loop3A_1872 : i32 to vector<16xi32>
        %parallel_loop3A_1874 = tpu.vector_load_idx %arg11[%broadcast_in_dim3A_1485, %parallel_loop3A_1873] : memref<4x80xf32, #tpu.memory_space<vmem>>[vector<16xi32>, vector<16xi32>], vector<16xf32>,
        %parallel_loop3A_1875 = arith.index_cast %parallel_loop3A_1872 : i32 to index
        %parallel_loop3A_1876 = arith.constant 0 : index
        %parallel_loop3A_1877 = tpu.vector_load %arg13[%parallel_loop3A_1875, %parallel_loop3A_1876] {strides = array<i32>} : memref<80x128xf32, #tpu.memory_space<vmem>>, vector<16xf32>,
        %parallel_loop3A_1878 = arith.mulf %parallel_loop3A_1877, %parallel_loop3A_1874 : vector<16xf32>
        %parallel_loop3A_1879 = arith.index_cast %parallel_loop3A_1872 : i32 to index
        %parallel_loop3A_1880 = arith.constant 0 : index
        %parallel_loop3A_1881 = tpu.vector_load %arg13[%parallel_loop3A_1879, %parallel_loop3A_1880] {strides = array<i32>} : memref<80x128xf32, #tpu.memory_space<vmem>>, vector<16xf32>,
        tpu.vector_store %arg13[%parallel_loop3A_1879, %parallel_loop3A_1880], %parallel_loop3A_1878 {strides = array<i32>} : memref<80x128xf32, #tpu.memory_space<vmem>>, vector<16xf32>,
        %parallel_loop3A_1882 = arith.index_cast %parallel_loop3A_1872 : i32 to index
        %parallel_loop3A_1883 = arith.constant 16 : index
        %parallel_loop3A_1884 = tpu.vector_load %arg13[%parallel_loop3A_1882, %parallel_loop3A_1883] {strides = array<i32>} : memref<80x128xf32, #tpu.memory_space<vmem>>, vector<16xf32>,
        %parallel_loop3A_1885 = arith.mulf %parallel_loop3A_1884, %parallel_loop3A_1874 : vector<16xf32>
        %parallel_loop3A_1886 = arith.index_cast %parallel_loop3A_1872 : i32 to index
        %parallel_loop3A_1887 = arith.constant 16 : index
        %parallel_loop3A_1888 = tpu.vector_load %arg13[%parallel_loop3A_1886, %parallel_loop3A_1887] {strides = array<i32>} : memref<80x128xf32, #tpu.memory_space<vmem>>, vector<16xf32>,
        tpu.vector_store %arg13[%parallel_loop3A_1886, %parallel_loop3A_1887], %parallel_loop3A_1885 {strides = array<i32>} : memref<80x128xf32, #tpu.memory_space<vmem>>, vector<16xf32>,
        %parallel_loop3A_1889 = arith.index_cast %parallel_loop3A_1872 : i32 to index
        %parallel_loop3A_1890 = arith.constant 32 : index
        %parallel_loop3A_1891 = tpu.vector_load %arg13[%parallel_loop3A_1889, %parallel_loop3A_1890] {strides = array<i32>} : memref<80x128xf32, #tpu.memory_space<vmem>>, vector<16xf32>,
        %parallel_loop3A_1892 = arith.mulf %parallel_loop3A_1891, %parallel_loop3A_1874 : vector<16xf32>
        %parallel_loop3A_1893 = arith.index_cast %parallel_loop3A_1872 : i32 to index
        %parallel_loop3A_1894 = arith.constant 32 : index
        %parallel_loop3A_1895 = tpu.vector_load %arg13[%parallel_loop3A_1893, %parallel_loop3A_1894] {strides = array<i32>} : memref<80x128xf32, #tpu.memory_space<vmem>>, vector<16xf32>,
        tpu.vector_store %arg13[%parallel_loop3A_1893, %parallel_loop3A_1894], %parallel_loop3A_1892 {strides = array<i32>} : memref<80x128xf32, #tpu.memory_space<vmem>>, vector<16xf32>,
        %parallel_loop3A_1896 = arith.index_cast %parallel_loop3A_1872 : i32 to index
        %parallel_loop3A_1897 = arith.constant 48 : index
        %parallel_loop3A_1898 = tpu.vector_load %arg13[%parallel_loop3A_1896, %parallel_loop3A_1897] {strides = array<i32>} : memref<80x128xf32, #tpu.memory_space<vmem>>, vector<16xf32>,
        %parallel_loop3A_1899 = arith.mulf %parallel_loop3A_1898, %parallel_loop3A_1874 : vector<16xf32>
        %parallel_loop3A_1900 = arith.index_cast %parallel_loop3A_1872 : i32 to index
        %parallel_loop3A_1901 = arith.constant 48 : index
        %parallel_loop3A_1902 = tpu.vector_load %arg13[%parallel_loop3A_1900, %parallel_loop3A_1901] {strides = array<i32>} : memref<80x128xf32, #tpu.memory_space<vmem>>, vector<16xf32>,
        tpu.vector_store %arg13[%parallel_loop3A_1900, %parallel_loop3A_1901], %parallel_loop3A_1899 {strides = array<i32>} : memref<80x128xf32, #tpu.memory_space<vmem>>, vector<16xf32>,
        %parallel_loop3A_1903 = arith.index_cast %parallel_loop3A_1872 : i32 to index
        %parallel_loop3A_1904 = arith.constant 64 : index
        %parallel_loop3A_1905 = tpu.vector_load %arg13[%parallel_loop3A_1903, %parallel_loop3A_1904] {strides = array<i32>} : memref<80x128xf32, #tpu.memory_space<vmem>>, vector<16xf32>,
        %parallel_loop3A_1906 = arith.mulf %parallel_loop3A_1905, %parallel_loop3A_1874 : vector<16xf32>
        %parallel_loop3A_1907 = arith.index_cast %parallel_loop3A_1872 : i32 to index
        %parallel_loop3A_1908 = arith.constant 64 : index
        %parallel_loop3A_1909 = tpu.vector_load %arg13[%parallel_loop3A_1907, %parallel_loop3A_1908] {strides = array<i32>} : memref<80x128xf32, #tpu.memory_space<vmem>>, vector<16xf32>,
        tpu.vector_store %arg13[%parallel_loop3A_1907, %parallel_loop3A_1908], %parallel_loop3A_1906 {strides = array<i32>} : memref<80x128xf32, #tpu.memory_space<vmem>>, vector<16xf32>,
        %parallel_loop3A_1910 = arith.index_cast %parallel_loop3A_1872 : i32 to index
        %parallel_loop3A_1911 = arith.constant 80 : index
        %parallel_loop3A_1912 = tpu.vector_load %arg13[%parallel_loop3A_1910, %parallel_loop3A_1911] {strides = array<i32>} : memref<80x128xf32, #tpu.memory_space<vmem>>, vector<16xf32>,
        %parallel_loop3A_1913 = arith.mulf %parallel_loop3A_1912, %parallel_loop3A_1874 : vector<16xf32>
        %parallel_loop3A_1914 = arith.index_cast %parallel_loop3A_1872 : i32 to index
        %parallel_loop3A_1915 = arith.constant 80 : index
        %parallel_loop3A_1916 = tpu.vector_load %arg13[%parallel_loop3A_1914, %parallel_loop3A_1915] {strides = array<i32>} : memref<80x128xf32, #tpu.memory_space<vmem>>, vector<16xf32>,
        tpu.vector_store %arg13[%parallel_loop3A_1914, %parallel_loop3A_1915], %parallel_loop3A_1913 {strides = array<i32>} : memref<80x128xf32, #tpu.memory_space<vmem>>, vector<16xf32>,
        %parallel_loop3A_1917 = arith.index_cast %parallel_loop3A_1872 : i32 to index
        %parallel_loop3A_1918 = arith.constant 96 : index
        %parallel_loop3A_1919 = tpu.vector_load %arg13[%parallel_loop3A_1917, %parallel_loop3A_1918] {strides = array<i32>} : memref<80x128xf32, #tpu.memory_space<vmem>>, vector<16xf32>,
        %parallel_loop3A_1920 = arith.mulf %parallel_loop3A_1919, %parallel_loop3A_1874 : vector<16xf32>
        %parallel_loop3A_1921 = arith.index_cast %parallel_loop3A_1872 : i32 to index
        %parallel_loop3A_1922 = arith.constant 96 : index
        %parallel_loop3A_1923 = tpu.vector_load %arg13[%parallel_loop3A_1921, %parallel_loop3A_1922] {strides = array<i32>} : memref<80x128xf32, #tpu.memory_space<vmem>>, vector<16xf32>,
        tpu.vector_store %arg13[%parallel_loop3A_1921, %parallel_loop3A_1922], %parallel_loop3A_1920 {strides = array<i32>} : memref<80x128xf32, #tpu.memory_space<vmem>>, vector<16xf32>,
        %parallel_loop3A_1924 = arith.index_cast %parallel_loop3A_1872 : i32 to index
        %parallel_loop3A_1925 = arith.constant 112 : index
        %parallel_loop3A_1926 = tpu.vector_load %arg13[%parallel_loop3A_1924, %parallel_loop3A_1925] {strides = array<i32>} : memref<80x128xf32, #tpu.memory_space<vmem>>, vector<16xf32>,
        %parallel_loop3A_1927 = arith.mulf %parallel_loop3A_1926, %parallel_loop3A_1874 : vector<16xf32>
        %parallel_loop3A_1928 = arith.index_cast %parallel_loop3A_1872 : i32 to index
        %parallel_loop3A_1929 = arith.constant 112 : index
        %parallel_loop3A_1930 = tpu.vector_load %arg13[%parallel_loop3A_1928, %parallel_loop3A_1929] {strides = array<i32>} : memref<80x128xf32, #tpu.memory_space<vmem>>, vector<16xf32>,
        tpu.vector_store %arg13[%parallel_loop3A_1928, %parallel_loop3A_1929], %parallel_loop3A_1927 {strides = array<i32>} : memref<80x128xf32, #tpu.memory_space<vmem>>, vector<16xf32>,
      } {sc.loop_unroll_factor = 2 : i64, sc.parallel_access}
      %mul3A_1489 = arith.constant 80 : i32
      %mul3A_1490 = arith.muli %add3A_1458, %mul3A_1489 : i32
      %add3A_1491 = arith.addi %mul3A_10, %mul3A_1490 : i32
      %and3A_1492 = arith.constant 7 : i32
      %and3A_1493 = arith.andi %add3A_1458, %and3A_1492 : i32
      %dma_wait3A_1494 = arith.constant 1 : i32
      %dma_wait3A_1495 = arith.constant 0 : i32
      %dma_wait3A_1496 = tpu.memref_slice %arg10[%and3A_1493, %dma_wait3A_1495] : memref<8x80xi32, #tpu.memory_space<vmem>> -> memref<1x80xi32, #tpu.memory_space<vmem>>
      %dma_wait3A_1497 = tpu.memref_squeeze %dma_wait3A_1496 : memref<1x80xi32, #tpu.memory_space<vmem>> -> memref<80xi32, #tpu.memory_space<vmem>>
      %dma_wait3A_1498 = tpu.memref_slice %arg3[%add3A_1491] : memref<640000xi32, #tpu.memory_space<hbm>> -> memref<80xi32, #tpu.memory_space<hbm>>
      %dma_wait3A_1499 = tpu.memref_slice %arg17[%dma_wait3A_1494] : memref<4x!tpu.dma_semaphore, #tpu.memory_space<semaphore_mem>> -> memref<1x!tpu.dma_semaphore, #tpu.memory_space<semaphore_mem>>
      %dma_wait3A_1500 = tpu.memref_squeeze %dma_wait3A_1499 : memref<1x!tpu.dma_semaphore, #tpu.memory_space<semaphore_mem>> -> memref<!tpu.dma_semaphore, #tpu.memory_space<semaphore_mem>>
      %dma_wait3A_1501 = arith.constant 0 : i32
      %dma_wait3A_1502 = tpu.memref_slice %arg10[%and3A_1493, %dma_wait3A_1501] : memref<8x80xi32, #tpu.memory_space<vmem>> -> memref<1x80xi32, #tpu.memory_space<vmem>>
      %dma_wait3A_1503 = tpu.memref_squeeze %dma_wait3A_1502 : memref<1x80xi32, #tpu.memory_space<vmem>> -> memref<80xi32, #tpu.memory_space<vmem>>
      %dma_wait3A_1504 = tpu.memref_slice %arg3[%add3A_1491] : memref<640000xi32, #tpu.memory_space<hbm>> -> memref<80xi32, #tpu.memory_space<hbm>>
      tpu.wait_dma2 semaphore(%dma_wait3A_1500 : memref<!tpu.dma_semaphore, #tpu.memory_space<semaphore_mem>>) src(%dma_wait3A_1504 : memref<80xi32, #tpu.memory_space<hbm>>) dst(%dma_wait3A_1503 : memref<80xi32, #tpu.memory_space<vmem>>)
      %and3A_1505 = arith.constant 7 : i32
      %and3A_1506 = arith.andi %add3A_1458, %and3A_1505 : i32
      %dma_start3A_1507 = arith.constant 1 : i32
      %dma_start3A_1508 = arith.constant 0 : i32
      %dma_start3A_1509 = tpu.memref_slice %arg10[%and3A_1506, %dma_start3A_1508] : memref<8x80xi32, #tpu.memory_space<vmem>> -> memref<1x80xi32, #tpu.memory_space<vmem>>
      %dma_start3A_1510 = tpu.memref_squeeze %dma_start3A_1509 : memref<1x80xi32, #tpu.memory_space<vmem>> -> memref<80xi32, #tpu.memory_space<vmem>>
      %dma_start3A_1511 = arith.constant 0 : i32
      %dma_start3A_1512 = arith.constant 0 : i32
      %dma_start3A_1513 = tpu.memref_slice %arg8[%dma_start3A_1511, %dma_start3A_1512] : memref<10000x128xf32, #tpu.memory_space<vmem_shared>> -> memref<10000x128xf32, #tpu.memory_space<vmem_shared>>
      %dma_start3A_1514 = tpu.memref_slice %arg20[%dma_start3A_1507] : memref<4x!tpu.dma_semaphore, #tpu.memory_space<semaphore_mem>> -> memref<1x!tpu.dma_semaphore, #tpu.memory_space<semaphore_mem>>
      %dma_start3A_1515 = tpu.memref_squeeze %dma_start3A_1514 : memref<1x!tpu.dma_semaphore, #tpu.memory_space<semaphore_mem>> -> memref<!tpu.dma_semaphore, #tpu.memory_space<semaphore_mem>>
      tpu.enqueue_indirect_dma source(%arg13 : memref<80x128xf32, #tpu.memory_space<vmem>>) target(%dma_start3A_1513 : memref<10000x128xf32, #tpu.memory_space<vmem_shared>>) offsets(%dma_start3A_1510 : memref<80xi32, #tpu.memory_space<vmem>>) semaphore(%dma_start3A_1515 : memref<!tpu.dma_semaphore, #tpu.memory_space<semaphore_mem>>) {add = true}
      %add3A_1516 = arith.constant 4 : i32
      %add3A_1517 = arith.addi %add3A_1458, %add3A_1516 : i32
      %add3A_1518 = arith.constant 320000 : i32
      %add3A_1519 = arith.addi %add3A_1518, %mul3A_10 : i32
      %mul3A_1520 = arith.constant 80 : i32
      %mul3A_1521 = arith.muli %add3A_1517, %mul3A_1520 : i32
      %add3A_1522 = arith.addi %add3A_1519, %mul3A_1521 : i32
      %dma_start3A_1523 = arith.constant 1 : i32
      %dma_start3A_1524 = arith.constant 1 : i32
      %dma_start3A_1525 = arith.constant 0 : i32
      %dma_start3A_1526 = tpu.memref_slice %arg9[%dma_start3A_1523, %dma_start3A_1525] : memref<4x80xi32, #tpu.memory_space<vmem>> -> memref<1x80xi32, #tpu.memory_space<vmem>>
      %dma_start3A_1527 = tpu.memref_squeeze %dma_start3A_1526 : memref<1x80xi32, #tpu.memory_space<vmem>> -> memref<80xi32, #tpu.memory_space<vmem>>
      %dma_start3A_1528 = tpu.memref_slice %arg3[%add3A_1522] : memref<640000xi32, #tpu.memory_space<hbm>> -> memref<80xi32, #tpu.memory_space<hbm>>
      %dma_start3A_1529 = tpu.memref_slice %arg16[%dma_start3A_1524] : memref<4x!tpu.dma_semaphore, #tpu.memory_space<semaphore_mem>> -> memref<1x!tpu.dma_semaphore, #tpu.memory_space<semaphore_mem>>
      %dma_start3A_1530 = tpu.memref_squeeze %dma_start3A_1529 : memref<1x!tpu.dma_semaphore, #tpu.memory_space<semaphore_mem>> -> memref<!tpu.dma_semaphore, #tpu.memory_space<semaphore_mem>>
      %dma_start3A_1531 = arith.constant 0 : i32
      %dma_start3A_1532 = tpu.memref_slice %arg9[%dma_start3A_1523, %dma_start3A_1531] : memref<4x80xi32, #tpu.memory_space<vmem>> -> memref<1x80xi32, #tpu.memory_space<vmem>>
      %dma_start3A_1533 = tpu.memref_squeeze %dma_start3A_1532 : memref<1x80xi32, #tpu.memory_space<vmem>> -> memref<80xi32, #tpu.memory_space<vmem>>
      %dma_start3A_1534 = tpu.memref_slice %arg3[%add3A_1522] : memref<640000xi32, #tpu.memory_space<hbm>> -> memref<80xi32, #tpu.memory_space<hbm>>
      tpu.enqueue_dma source(%dma_start3A_1534 : memref<80xi32, #tpu.memory_space<hbm>>) target(%dma_start3A_1533 : memref<80xi32, #tpu.memory_space<vmem>>) target_semaphore(%dma_start3A_1530 : memref<!tpu.dma_semaphore, #tpu.memory_space<semaphore_mem>>)
      %mul3A_1535 = arith.constant 80 : i32
      %mul3A_1536 = arith.muli %add3A_1517, %mul3A_1535 : i32
      %add3A_1537 = arith.addi %mul3A_10, %mul3A_1536 : i32
      %and3A_1538 = arith.constant 7 : i32
      %and3A_1539 = arith.andi %add3A_1517, %and3A_1538 : i32
      %dma_start3A_1540 = arith.constant 1 : i32
      %dma_start3A_1541 = arith.constant 0 : i32
      %dma_start3A_1542 = tpu.memref_slice %arg10[%and3A_1539, %dma_start3A_1541] : memref<8x80xi32, #tpu.memory_space<vmem>> -> memref<1x80xi32, #tpu.memory_space<vmem>>
      %dma_start3A_1543 = tpu.memref_squeeze %dma_start3A_1542 : memref<1x80xi32, #tpu.memory_space<vmem>> -> memref<80xi32, #tpu.memory_space<vmem>>
      %dma_start3A_1544 = tpu.memref_slice %arg3[%add3A_1537] : memref<640000xi32, #tpu.memory_space<hbm>> -> memref<80xi32, #tpu.memory_space<hbm>>
      %dma_start3A_1545 = tpu.memref_slice %arg17[%dma_start3A_1540] : memref<4x!tpu.dma_semaphore, #tpu.memory_space<semaphore_mem>> -> memref<1x!tpu.dma_semaphore, #tpu.memory_space<semaphore_mem>>
      %dma_start3A_1546 = tpu.memref_squeeze %dma_start3A_1545 : memref<1x!tpu.dma_semaphore, #tpu.memory_space<semaphore_mem>> -> memref<!tpu.dma_semaphore, #tpu.memory_space<semaphore_mem>>
      %dma_start3A_1547 = arith.constant 0 : i32
      %dma_start3A_1548 = tpu.memref_slice %arg10[%and3A_1539, %dma_start3A_1547] : memref<8x80xi32, #tpu.memory_space<vmem>> -> memref<1x80xi32, #tpu.memory_space<vmem>>
      %dma_start3A_1549 = tpu.memref_squeeze %dma_start3A_1548 : memref<1x80xi32, #tpu.memory_space<vmem>> -> memref<80xi32, #tpu.memory_space<vmem>>
      %dma_start3A_1550 = tpu.memref_slice %arg3[%add3A_1537] : memref<640000xi32, #tpu.memory_space<hbm>> -> memref<80xi32, #tpu.memory_space<hbm>>
      tpu.enqueue_dma source(%dma_start3A_1550 : memref<80xi32, #tpu.memory_space<hbm>>) target(%dma_start3A_1549 : memref<80xi32, #tpu.memory_space<vmem>>) target_semaphore(%dma_start3A_1546 : memref<!tpu.dma_semaphore, #tpu.memory_space<semaphore_mem>>)
      %mul3A_1551 = arith.constant 80 : i32
      %mul3A_1552 = arith.muli %add3A_1517, %mul3A_1551 : i32
      %add3A_1553 = arith.addi %mul3A_10, %mul3A_1552 : i32
      %dma_start3A_1554 = arith.constant 1 : i32
      %dma_start3A_1555 = arith.constant 1 : i32
      %dma_start3A_1556 = arith.constant 0 : i32
      %dma_start3A_1557 = tpu.memref_slice %arg11[%dma_start3A_1554, %dma_start3A_1556] : memref<4x80xf32, #tpu.memory_space<vmem>> -> memref<1x80xf32, #tpu.memory_space<vmem>>
      %dma_start3A_1558 = tpu.memref_squeeze %dma_start3A_1557 : memref<1x80xf32, #tpu.memory_space<vmem>> -> memref<80xf32, #tpu.memory_space<vmem>>
      %dma_start3A_1559 = tpu.memref_slice %arg4[%add3A_1553] : memref<320000xf32, #tpu.memory_space<hbm>> -> memref<80xf32, #tpu.memory_space<hbm>>
      %dma_start3A_1560 = tpu.memref_slice %arg18[%dma_start3A_1555] : memref<4x!tpu.dma_semaphore, #tpu.memory_space<semaphore_mem>> -> memref<1x!tpu.dma_semaphore, #tpu.memory_space<semaphore_mem>>
      %dma_start3A_1561 = tpu.memref_squeeze %dma_start3A_1560 : memref<1x!tpu.dma_semaphore, #tpu.memory_space<semaphore_mem>> -> memref<!tpu.dma_semaphore, #tpu.memory_space<semaphore_mem>>
      %dma_start3A_1562 = arith.constant 0 : i32
      %dma_start3A_1563 = tpu.memref_slice %arg11[%dma_start3A_1554, %dma_start3A_1562] : memref<4x80xf32, #tpu.memory_space<vmem>> -> memref<1x80xf32, #tpu.memory_space<vmem>>
      %dma_start3A_1564 = tpu.memref_squeeze %dma_start3A_1563 : memref<1x80xf32, #tpu.memory_space<vmem>> -> memref<80xf32, #tpu.memory_space<vmem>>
      %dma_start3A_1565 = tpu.memref_slice %arg4[%add3A_1553] : memref<320000xf32, #tpu.memory_space<hbm>> -> memref<80xf32, #tpu.memory_space<hbm>>
      tpu.enqueue_dma source(%dma_start3A_1565 : memref<80xf32, #tpu.memory_space<hbm>>) target(%dma_start3A_1564 : memref<80xf32, #tpu.memory_space<vmem>>) target_semaphore(%dma_start3A_1561 : memref<!tpu.dma_semaphore, #tpu.memory_space<semaphore_mem>>)
      %add3A_1566 = arith.constant 2 : i32
      %add3A_1567 = arith.addi %mul3A_1260, %add3A_1566 : i32
      %add3A_1568 = arith.constant 2 : i32
      %add3A_1569 = arith.addi %add3A_1567, %add3A_1568 : i32
      %sub3A_1570 = arith.constant 4 : i32
      %sub3A_1571 = arith.subi %add3A_1569, %sub3A_1570 : i32
      %and3A_1572 = arith.constant 7 : i32
      %and3A_1573 = arith.andi %sub3A_1571, %and3A_1572 : i32
      %dma_wait3A_1574 = arith.constant 0 : i32
      %dma_wait3A_1575 = arith.constant 0 : i32
      %dma_wait3A_1576 = tpu.memref_slice %arg10[%and3A_1573, %dma_wait3A_1575] : memref<8x80xi32, #tpu.memory_space<vmem>> -> memref<1x80xi32, #tpu.memory_space<vmem>>
      %dma_wait3A_1577 = tpu.memref_squeeze %dma_wait3A_1576 : memref<1x80xi32, #tpu.memory_space<vmem>> -> memref<80xi32, #tpu.memory_space<vmem>>
      %dma_wait3A_1578 = arith.constant 0 : i32
      %dma_wait3A_1579 = arith.constant 0 : i32
      %dma_wait3A_1580 = tpu.memref_slice %arg8[%dma_wait3A_1578, %dma_wait3A_1579] : memref<10000x128xf32, #tpu.memory_space<vmem_shared>> -> memref<10000x128xf32, #tpu.memory_space<vmem_shared>>
      %dma_wait3A_1581 = tpu.memref_slice %arg20[%dma_wait3A_1574] : memref<4x!tpu.dma_semaphore, #tpu.memory_space<semaphore_mem>> -> memref<1x!tpu.dma_semaphore, #tpu.memory_space<semaphore_mem>>
      %dma_wait3A_1582 = tpu.memref_squeeze %dma_wait3A_1581 : memref<1x!tpu.dma_semaphore, #tpu.memory_space<semaphore_mem>> -> memref<!tpu.dma_semaphore, #tpu.memory_space<semaphore_mem>>
      tpu.wait_indirect_dma semaphore(%dma_wait3A_1582 : memref<!tpu.dma_semaphore, #tpu.memory_space<semaphore_mem>>) src(%arg12 : memref<80x128xf32, #tpu.memory_space<vmem>>) dst(%dma_wait3A_1580 : memref<10000x128xf32, #tpu.memory_space<vmem_shared>>)
      %add3A_1583 = arith.constant 320000 : i32
      %add3A_1584 = arith.addi %add3A_1583, %mul3A_10 : i32
      %mul3A_1585 = arith.constant 80 : i32
      %mul3A_1586 = arith.muli %add3A_1569, %mul3A_1585 : i32
      %add3A_1587 = arith.addi %add3A_1584, %mul3A_1586 : i32
      %dma_wait3A_1588 = arith.constant 0 : i32
      %dma_wait3A_1589 = arith.constant 0 : i32
      %dma_wait3A_1590 = arith.constant 0 : i32
      %dma_wait3A_1591 = tpu.memref_slice %arg9[%dma_wait3A_1588, %dma_wait3A_1590] : memref<4x80xi32, #tpu.memory_space<vmem>> -> memref<1x80xi32, #tpu.memory_space<vmem>>
      %dma_wait3A_1592 = tpu.memref_squeeze %dma_wait3A_1591 : memref<1x80xi32, #tpu.memory_space<vmem>> -> memref<80xi32, #tpu.memory_space<vmem>>
      %dma_wait3A_1593 = tpu.memref_slice %arg3[%add3A_1587] : memref<640000xi32, #tpu.memory_space<hbm>> -> memref<80xi32, #tpu.memory_space<hbm>>
      %dma_wait3A_1594 = tpu.memref_slice %arg16[%dma_wait3A_1589] : memref<4x!tpu.dma_semaphore, #tpu.memory_space<semaphore_mem>> -> memref<1x!tpu.dma_semaphore, #tpu.memory_space<semaphore_mem>>
      %dma_wait3A_1595 = tpu.memref_squeeze %dma_wait3A_1594 : memref<1x!tpu.dma_semaphore, #tpu.memory_space<semaphore_mem>> -> memref<!tpu.dma_semaphore, #tpu.memory_space<semaphore_mem>>
      %dma_wait3A_1596 = arith.constant 0 : i32
      %dma_wait3A_1597 = tpu.memref_slice %arg9[%dma_wait3A_1588, %dma_wait3A_1596] : memref<4x80xi32, #tpu.memory_space<vmem>> -> memref<1x80xi32, #tpu.memory_space<vmem>>
      %dma_wait3A_1598 = tpu.memref_squeeze %dma_wait3A_1597 : memref<1x80xi32, #tpu.memory_space<vmem>> -> memref<80xi32, #tpu.memory_space<vmem>>
      %dma_wait3A_1599 = tpu.memref_slice %arg3[%add3A_1587] : memref<640000xi32, #tpu.memory_space<hbm>> -> memref<80xi32, #tpu.memory_space<hbm>>
      tpu.wait_dma2 semaphore(%dma_wait3A_1595 : memref<!tpu.dma_semaphore, #tpu.memory_space<semaphore_mem>>) src(%dma_wait3A_1599 : memref<80xi32, #tpu.memory_space<hbm>>) dst(%dma_wait3A_1598 : memref<80xi32, #tpu.memory_space<vmem>>)
      %dma_start3A_1600 = arith.constant 0 : i32
      %dma_start3A_1601 = arith.constant 0 : i32
      %dma_start3A_1602 = arith.constant 0 : i32
      %dma_start3A_1603 = tpu.memref_slice %arg9[%dma_start3A_1600, %dma_start3A_1602] : memref<4x80xi32, #tpu.memory_space<vmem>> -> memref<1x80xi32, #tpu.memory_space<vmem>>
      %dma_start3A_1604 = tpu.memref_squeeze %dma_start3A_1603 : memref<1x80xi32, #tpu.memory_space<vmem>> -> memref<80xi32, #tpu.memory_space<vmem>>
      %dma_start3A_1605 = arith.constant 0 : i32
      %dma_start3A_1606 = arith.constant 0 : i32
      %dma_start3A_1607 = tpu.memref_slice %arg2[%dma_start3A_1605, %dma_start3A_1606] : memref<10000x128xf32, #tpu.memory_space<hbm>> -> memref<10000x128xf32, #tpu.memory_space<hbm>>
      %dma_start3A_1608 = tpu.memref_slice %arg19[%dma_start3A_1601] : memref<4x!tpu.dma_semaphore, #tpu.memory_space<semaphore_mem>> -> memref<1x!tpu.dma_semaphore, #tpu.memory_space<semaphore_mem>>
      %dma_start3A_1609 = tpu.memref_squeeze %dma_start3A_1608 : memref<1x!tpu.dma_semaphore, #tpu.memory_space<semaphore_mem>> -> memref<!tpu.dma_semaphore, #tpu.memory_space<semaphore_mem>>
      tpu.enqueue_indirect_dma source(%dma_start3A_1607 : memref<10000x128xf32, #tpu.memory_space<hbm>>) target(%arg12 : memref<80x128xf32, #tpu.memory_space<vmem>>) offsets(%dma_start3A_1604 : memref<80xi32, #tpu.memory_space<vmem>>) semaphore(%dma_start3A_1609 : memref<!tpu.dma_semaphore, #tpu.memory_space<semaphore_mem>>)
      %add3A_1610 = arith.constant 2 : i32
      %add3A_1611 = arith.addi %mul3A_1260, %add3A_1610 : i32
      %dma_wait3A_1612 = arith.constant 2 : i32
      %dma_wait3A_1613 = arith.constant 2 : i32
      %dma_wait3A_1614 = arith.constant 0 : i32
      %dma_wait3A_1615 = tpu.memref_slice %arg9[%dma_wait3A_1612, %dma_wait3A_1614] : memref<4x80xi32, #tpu.memory_space<vmem>> -> memref<1x80xi32, #tpu.memory_space<vmem>>
      %dma_wait3A_1616 = tpu.memref_squeeze %dma_wait3A_1615 : memref<1x80xi32, #tpu.memory_space<vmem>> -> memref<80xi32, #tpu.memory_space<vmem>>
      %dma_wait3A_1617 = arith.constant 0 : i32
      %dma_wait3A_1618 = arith.constant 0 : i32
      %dma_wait3A_1619 = tpu.memref_slice %arg2[%dma_wait3A_1617, %dma_wait3A_1618] : memref<10000x128xf32, #tpu.memory_space<hbm>> -> memref<10000x128xf32, #tpu.memory_space<hbm>>
      %dma_wait3A_1620 = tpu.memref_slice %arg19[%dma_wait3A_1613] : memref<4x!tpu.dma_semaphore, #tpu.memory_space<semaphore_mem>> -> memref<1x!tpu.dma_semaphore, #tpu.memory_space<semaphore_mem>>
      %dma_wait3A_1621 = tpu.memref_squeeze %dma_wait3A_1620 : memref<1x!tpu.dma_semaphore, #tpu.memory_space<semaphore_mem>> -> memref<!tpu.dma_semaphore, #tpu.memory_space<semaphore_mem>>
      tpu.wait_indirect_dma semaphore(%dma_wait3A_1621 : memref<!tpu.dma_semaphore, #tpu.memory_space<semaphore_mem>>) src(%dma_wait3A_1619 : memref<10000x128xf32, #tpu.memory_space<hbm>>) dst(%arg14 : memref<80x128xf32, #tpu.memory_space<vmem>>)
      %mul3A_1622 = arith.constant 80 : i32
      %mul3A_1623 = arith.muli %add3A_1611, %mul3A_1622 : i32
      %add3A_1624 = arith.addi %mul3A_10, %mul3A_1623 : i32
      %dma_wait3A_1625 = arith.constant 2 : i32
      %dma_wait3A_1626 = arith.constant 2 : i32
      %dma_wait3A_1627 = arith.constant 0 : i32
      %dma_wait3A_1628 = tpu.memref_slice %arg11[%dma_wait3A_1625, %dma_wait3A_1627] : memref<4x80xf32, #tpu.memory_space<vmem>> -> memref<1x80xf32, #tpu.memory_space<vmem>>
      %dma_wait3A_1629 = tpu.memref_squeeze %dma_wait3A_1628 : memref<1x80xf32, #tpu.memory_space<vmem>> -> memref<80xf32, #tpu.memory_space<vmem>>
      %dma_wait3A_1630 = tpu.memref_slice %arg4[%add3A_1624] : memref<320000xf32, #tpu.memory_space<hbm>> -> memref<80xf32, #tpu.memory_space<hbm>>
      %dma_wait3A_1631 = tpu.memref_slice %arg18[%dma_wait3A_1626] : memref<4x!tpu.dma_semaphore, #tpu.memory_space<semaphore_mem>> -> memref<1x!tpu.dma_semaphore, #tpu.memory_space<semaphore_mem>>
      %dma_wait3A_1632 = tpu.memref_squeeze %dma_wait3A_1631 : memref<1x!tpu.dma_semaphore, #tpu.memory_space<semaphore_mem>> -> memref<!tpu.dma_semaphore, #tpu.memory_space<semaphore_mem>>
      %dma_wait3A_1633 = arith.constant 0 : i32
      %dma_wait3A_1634 = tpu.memref_slice %arg11[%dma_wait3A_1625, %dma_wait3A_1633] : memref<4x80xf32, #tpu.memory_space<vmem>> -> memref<1x80xf32, #tpu.memory_space<vmem>>
      %dma_wait3A_1635 = tpu.memref_squeeze %dma_wait3A_1634 : memref<1x80xf32, #tpu.memory_space<vmem>> -> memref<80xf32, #tpu.memory_space<vmem>>
      %dma_wait3A_1636 = tpu.memref_slice %arg4[%add3A_1624] : memref<320000xf32, #tpu.memory_space<hbm>> -> memref<80xf32, #tpu.memory_space<hbm>>
      tpu.wait_dma2 semaphore(%dma_wait3A_1632 : memref<!tpu.dma_semaphore, #tpu.memory_space<semaphore_mem>>) src(%dma_wait3A_1636 : memref<80xf32, #tpu.memory_space<hbm>>) dst(%dma_wait3A_1635 : memref<80xf32, #tpu.memory_space<vmem>>)
      %broadcast_in_dim3A_1637 = arith.constant 2 : i32
      %broadcast_in_dim3A_1638 = vector.broadcast %broadcast_in_dim3A_1637 : i32 to vector<16xi32>
      %parallel_loop3A_1639 = arith.constant 0 : i32
      %parallel_loop3A_1640 = arith.constant 80 : i32
      %parallel_loop3A_1641 = arith.constant 1 : i32
      scf.for %parallel_loop3A_1872 = %parallel_loop3A_1639 to %parallel_loop3A_1640 step %parallel_loop3A_1641  : i32 {
        %parallel_loop3A_1873 = vector.broadcast %parallel_loop3A_1872 : i32 to vector<16xi32>
        %parallel_loop3A_1874 = tpu.vector_load_idx %arg11[%broadcast_in_dim3A_1638, %parallel_loop3A_1873] : memref<4x80xf32, #tpu.memory_space<vmem>>[vector<16xi32>, vector<16xi32>], vector<16xf32>,
        %parallel_loop3A_1875 = arith.index_cast %parallel_loop3A_1872 : i32 to index
        %parallel_loop3A_1876 = arith.constant 0 : index
        %parallel_loop3A_1877 = tpu.vector_load %arg14[%parallel_loop3A_1875, %parallel_loop3A_1876] {strides = array<i32>} : memref<80x128xf32, #tpu.memory_space<vmem>>, vector<16xf32>,
        %parallel_loop3A_1878 = arith.mulf %parallel_loop3A_1877, %parallel_loop3A_1874 : vector<16xf32>
        %parallel_loop3A_1879 = arith.index_cast %parallel_loop3A_1872 : i32 to index
        %parallel_loop3A_1880 = arith.constant 0 : index
        %parallel_loop3A_1881 = tpu.vector_load %arg14[%parallel_loop3A_1879, %parallel_loop3A_1880] {strides = array<i32>} : memref<80x128xf32, #tpu.memory_space<vmem>>, vector<16xf32>,
        tpu.vector_store %arg14[%parallel_loop3A_1879, %parallel_loop3A_1880], %parallel_loop3A_1878 {strides = array<i32>} : memref<80x128xf32, #tpu.memory_space<vmem>>, vector<16xf32>,
        %parallel_loop3A_1882 = arith.index_cast %parallel_loop3A_1872 : i32 to index
        %parallel_loop3A_1883 = arith.constant 16 : index
        %parallel_loop3A_1884 = tpu.vector_load %arg14[%parallel_loop3A_1882, %parallel_loop3A_1883] {strides = array<i32>} : memref<80x128xf32, #tpu.memory_space<vmem>>, vector<16xf32>,
        %parallel_loop3A_1885 = arith.mulf %parallel_loop3A_1884, %parallel_loop3A_1874 : vector<16xf32>
        %parallel_loop3A_1886 = arith.index_cast %parallel_loop3A_1872 : i32 to index
        %parallel_loop3A_1887 = arith.constant 16 : index
        %parallel_loop3A_1888 = tpu.vector_load %arg14[%parallel_loop3A_1886, %parallel_loop3A_1887] {strides = array<i32>} : memref<80x128xf32, #tpu.memory_space<vmem>>, vector<16xf32>,
        tpu.vector_store %arg14[%parallel_loop3A_1886, %parallel_loop3A_1887], %parallel_loop3A_1885 {strides = array<i32>} : memref<80x128xf32, #tpu.memory_space<vmem>>, vector<16xf32>,
        %parallel_loop3A_1889 = arith.index_cast %parallel_loop3A_1872 : i32 to index
        %parallel_loop3A_1890 = arith.constant 32 : index
        %parallel_loop3A_1891 = tpu.vector_load %arg14[%parallel_loop3A_1889, %parallel_loop3A_1890] {strides = array<i32>} : memref<80x128xf32, #tpu.memory_space<vmem>>, vector<16xf32>,
        %parallel_loop3A_1892 = arith.mulf %parallel_loop3A_1891, %parallel_loop3A_1874 : vector<16xf32>
        %parallel_loop3A_1893 = arith.index_cast %parallel_loop3A_1872 : i32 to index
        %parallel_loop3A_1894 = arith.constant 32 : index
        %parallel_loop3A_1895 = tpu.vector_load %arg14[%parallel_loop3A_1893, %parallel_loop3A_1894] {strides = array<i32>} : memref<80x128xf32, #tpu.memory_space<vmem>>, vector<16xf32>,
        tpu.vector_store %arg14[%parallel_loop3A_1893, %parallel_loop3A_1894], %parallel_loop3A_1892 {strides = array<i32>} : memref<80x128xf32, #tpu.memory_space<vmem>>, vector<16xf32>,
        %parallel_loop3A_1896 = arith.index_cast %parallel_loop3A_1872 : i32 to index
        %parallel_loop3A_1897 = arith.constant 48 : index
        %parallel_loop3A_1898 = tpu.vector_load %arg14[%parallel_loop3A_1896, %parallel_loop3A_1897] {strides = array<i32>} : memref<80x128xf32, #tpu.memory_space<vmem>>, vector<16xf32>,
        %parallel_loop3A_1899 = arith.mulf %parallel_loop3A_1898, %parallel_loop3A_1874 : vector<16xf32>
        %parallel_loop3A_1900 = arith.index_cast %parallel_loop3A_1872 : i32 to index
        %parallel_loop3A_1901 = arith.constant 48 : index
        %parallel_loop3A_1902 = tpu.vector_load %arg14[%parallel_loop3A_1900, %parallel_loop3A_1901] {strides = array<i32>} : memref<80x128xf32, #tpu.memory_space<vmem>>, vector<16xf32>,
        tpu.vector_store %arg14[%parallel_loop3A_1900, %parallel_loop3A_1901], %parallel_loop3A_1899 {strides = array<i32>} : memref<80x128xf32, #tpu.memory_space<vmem>>, vector<16xf32>,
        %parallel_loop3A_1903 = arith.index_cast %parallel_loop3A_1872 : i32 to index
        %parallel_loop3A_1904 = arith.constant 64 : index
        %parallel_loop3A_1905 = tpu.vector_load %arg14[%parallel_loop3A_1903, %parallel_loop3A_1904] {strides = array<i32>} : memref<80x128xf32, #tpu.memory_space<vmem>>, vector<16xf32>,
        %parallel_loop3A_1906 = arith.mulf %parallel_loop3A_1905, %parallel_loop3A_1874 : vector<16xf32>
        %parallel_loop3A_1907 = arith.index_cast %parallel_loop3A_1872 : i32 to index
        %parallel_loop3A_1908 = arith.constant 64 : index
        %parallel_loop3A_1909 = tpu.vector_load %arg14[%parallel_loop3A_1907, %parallel_loop3A_1908] {strides = array<i32>} : memref<80x128xf32, #tpu.memory_space<vmem>>, vector<16xf32>,
        tpu.vector_store %arg14[%parallel_loop3A_1907, %parallel_loop3A_1908], %parallel_loop3A_1906 {strides = array<i32>} : memref<80x128xf32, #tpu.memory_space<vmem>>, vector<16xf32>,
        %parallel_loop3A_1910 = arith.index_cast %parallel_loop3A_1872 : i32 to index
        %parallel_loop3A_1911 = arith.constant 80 : index
        %parallel_loop3A_1912 = tpu.vector_load %arg14[%parallel_loop3A_1910, %parallel_loop3A_1911] {strides = array<i32>} : memref<80x128xf32, #tpu.memory_space<vmem>>, vector<16xf32>,
        %parallel_loop3A_1913 = arith.mulf %parallel_loop3A_1912, %parallel_loop3A_1874 : vector<16xf32>
        %parallel_loop3A_1914 = arith.index_cast %parallel_loop3A_1872 : i32 to index
        %parallel_loop3A_1915 = arith.constant 80 : index
        %parallel_loop3A_1916 = tpu.vector_load %arg14[%parallel_loop3A_1914, %parallel_loop3A_1915] {strides = array<i32>} : memref<80x128xf32, #tpu.memory_space<vmem>>, vector<16xf32>,
        tpu.vector_store %arg14[%parallel_loop3A_1914, %parallel_loop3A_1915], %parallel_loop3A_1913 {strides = array<i32>} : memref<80x128xf32, #tpu.memory_space<vmem>>, vector<16xf32>,
        %parallel_loop3A_1917 = arith.index_cast %parallel_loop3A_1872 : i32 to index
        %parallel_loop3A_1918 = arith.constant 96 : index
        %parallel_loop3A_1919 = tpu.vector_load %arg14[%parallel_loop3A_1917, %parallel_loop3A_1918] {strides = array<i32>} : memref<80x128xf32, #tpu.memory_space<vmem>>, vector<16xf32>,
        %parallel_loop3A_1920 = arith.mulf %parallel_loop3A_1919, %parallel_loop3A_1874 : vector<16xf32>
        %parallel_loop3A_1921 = arith.index_cast %parallel_loop3A_1872 : i32 to index
        %parallel_loop3A_1922 = arith.constant 96 : index
        %parallel_loop3A_1923 = tpu.vector_load %arg14[%parallel_loop3A_1921, %parallel_loop3A_1922] {strides = array<i32>} : memref<80x128xf32, #tpu.memory_space<vmem>>, vector<16xf32>,
        tpu.vector_store %arg14[%parallel_loop3A_1921, %parallel_loop3A_1922], %parallel_loop3A_1920 {strides = array<i32>} : memref<80x128xf32, #tpu.memory_space<vmem>>, vector<16xf32>,
        %parallel_loop3A_1924 = arith.index_cast %parallel_loop3A_1872 : i32 to index
        %parallel_loop3A_1925 = arith.constant 112 : index
        %parallel_loop3A_1926 = tpu.vector_load %arg14[%parallel_loop3A_1924, %parallel_loop3A_1925] {strides = array<i32>} : memref<80x128xf32, #tpu.memory_space<vmem>>, vector<16xf32>,
        %parallel_loop3A_1927 = arith.mulf %parallel_loop3A_1926, %parallel_loop3A_1874 : vector<16xf32>
        %parallel_loop3A_1928 = arith.index_cast %parallel_loop3A_1872 : i32 to index
        %parallel_loop3A_1929 = arith.constant 112 : index
        %parallel_loop3A_1930 = tpu.vector_load %arg14[%parallel_loop3A_1928, %parallel_loop3A_1929] {strides = array<i32>} : memref<80x128xf32, #tpu.memory_space<vmem>>, vector<16xf32>,
        tpu.vector_store %arg14[%parallel_loop3A_1928, %parallel_loop3A_1929], %parallel_loop3A_1927 {strides = array<i32>} : memref<80x128xf32, #tpu.memory_space<vmem>>, vector<16xf32>,
      } {sc.loop_unroll_factor = 2 : i64, sc.parallel_access}
      %mul3A_1642 = arith.constant 80 : i32
      %mul3A_1643 = arith.muli %add3A_1611, %mul3A_1642 : i32
      %add3A_1644 = arith.addi %mul3A_10, %mul3A_1643 : i32
      %and3A_1645 = arith.constant 7 : i32
      %and3A_1646 = arith.andi %add3A_1611, %and3A_1645 : i32
      %dma_wait3A_1647 = arith.constant 2 : i32
      %dma_wait3A_1648 = arith.constant 0 : i32
      %dma_wait3A_1649 = tpu.memref_slice %arg10[%and3A_1646, %dma_wait3A_1648] : memref<8x80xi32, #tpu.memory_space<vmem>> -> memref<1x80xi32, #tpu.memory_space<vmem>>
      %dma_wait3A_1650 = tpu.memref_squeeze %dma_wait3A_1649 : memref<1x80xi32, #tpu.memory_space<vmem>> -> memref<80xi32, #tpu.memory_space<vmem>>
      %dma_wait3A_1651 = tpu.memref_slice %arg3[%add3A_1644] : memref<640000xi32, #tpu.memory_space<hbm>> -> memref<80xi32, #tpu.memory_space<hbm>>
      %dma_wait3A_1652 = tpu.memref_slice %arg17[%dma_wait3A_1647] : memref<4x!tpu.dma_semaphore, #tpu.memory_space<semaphore_mem>> -> memref<1x!tpu.dma_semaphore, #tpu.memory_space<semaphore_mem>>
      %dma_wait3A_1653 = tpu.memref_squeeze %dma_wait3A_1652 : memref<1x!tpu.dma_semaphore, #tpu.memory_space<semaphore_mem>> -> memref<!tpu.dma_semaphore, #tpu.memory_space<semaphore_mem>>
      %dma_wait3A_1654 = arith.constant 0 : i32
      %dma_wait3A_1655 = tpu.memref_slice %arg10[%and3A_1646, %dma_wait3A_1654] : memref<8x80xi32, #tpu.memory_space<vmem>> -> memref<1x80xi32, #tpu.memory_space<vmem>>
      %dma_wait3A_1656 = tpu.memref_squeeze %dma_wait3A_1655 : memref<1x80xi32, #tpu.memory_space<vmem>> -> memref<80xi32, #tpu.memory_space<vmem>>
      %dma_wait3A_1657 = tpu.memref_slice %arg3[%add3A_1644] : memref<640000xi32, #tpu.memory_space<hbm>> -> memref<80xi32, #tpu.memory_space<hbm>>
      tpu.wait_dma2 semaphore(%dma_wait3A_1653 : memref<!tpu.dma_semaphore, #tpu.memory_space<semaphore_mem>>) src(%dma_wait3A_1657 : memref<80xi32, #tpu.memory_space<hbm>>) dst(%dma_wait3A_1656 : memref<80xi32, #tpu.memory_space<vmem>>)
      %and3A_1658 = arith.constant 7 : i32
      %and3A_1659 = arith.andi %add3A_1611, %and3A_1658 : i32
      %dma_start3A_1660 = arith.constant 2 : i32
      %dma_start3A_1661 = arith.constant 0 : i32
      %dma_start3A_1662 = tpu.memref_slice %arg10[%and3A_1659, %dma_start3A_1661] : memref<8x80xi32, #tpu.memory_space<vmem>> -> memref<1x80xi32, #tpu.memory_space<vmem>>
      %dma_start3A_1663 = tpu.memref_squeeze %dma_start3A_1662 : memref<1x80xi32, #tpu.memory_space<vmem>> -> memref<80xi32, #tpu.memory_space<vmem>>
      %dma_start3A_1664 = arith.constant 0 : i32
      %dma_start3A_1665 = arith.constant 0 : i32
      %dma_start3A_1666 = tpu.memref_slice %arg8[%dma_start3A_1664, %dma_start3A_1665] : memref<10000x128xf32, #tpu.memory_space<vmem_shared>> -> memref<10000x128xf32, #tpu.memory_space<vmem_shared>>
      %dma_start3A_1667 = tpu.memref_slice %arg20[%dma_start3A_1660] : memref<4x!tpu.dma_semaphore, #tpu.memory_space<semaphore_mem>> -> memref<1x!tpu.dma_semaphore, #tpu.memory_space<semaphore_mem>>
      %dma_start3A_1668 = tpu.memref_squeeze %dma_start3A_1667 : memref<1x!tpu.dma_semaphore, #tpu.memory_space<semaphore_mem>> -> memref<!tpu.dma_semaphore, #tpu.memory_space<semaphore_mem>>
      tpu.enqueue_indirect_dma source(%arg14 : memref<80x128xf32, #tpu.memory_space<vmem>>) target(%dma_start3A_1666 : memref<10000x128xf32, #tpu.memory_space<vmem_shared>>) offsets(%dma_start3A_1663 : memref<80xi32, #tpu.memory_space<vmem>>) semaphore(%dma_start3A_1668 : memref<!tpu.dma_semaphore, #tpu.memory_space<semaphore_mem>>) {add = true}
      %add3A_1669 = arith.constant 4 : i32
      %add3A_1670 = arith.addi %add3A_1611, %add3A_1669 : i32
      %add3A_1671 = arith.constant 320000 : i32
      %add3A_1672 = arith.addi %add3A_1671, %mul3A_10 : i32
      %mul3A_1673 = arith.constant 80 : i32
      %mul3A_1674 = arith.muli %add3A_1670, %mul3A_1673 : i32
      %add3A_1675 = arith.addi %add3A_1672, %mul3A_1674 : i32
      %dma_start3A_1676 = arith.constant 2 : i32
      %dma_start3A_1677 = arith.constant 2 : i32
      %dma_start3A_1678 = arith.constant 0 : i32
      %dma_start3A_1679 = tpu.memref_slice %arg9[%dma_start3A_1676, %dma_start3A_1678] : memref<4x80xi32, #tpu.memory_space<vmem>> -> memref<1x80xi32, #tpu.memory_space<vmem>>
      %dma_start3A_1680 = tpu.memref_squeeze %dma_start3A_1679 : memref<1x80xi32, #tpu.memory_space<vmem>> -> memref<80xi32, #tpu.memory_space<vmem>>
      %dma_start3A_1681 = tpu.memref_slice %arg3[%add3A_1675] : memref<640000xi32, #tpu.memory_space<hbm>> -> memref<80xi32, #tpu.memory_space<hbm>>
      %dma_start3A_1682 = tpu.memref_slice %arg16[%dma_start3A_1677] : memref<4x!tpu.dma_semaphore, #tpu.memory_space<semaphore_mem>> -> memref<1x!tpu.dma_semaphore, #tpu.memory_space<semaphore_mem>>
      %dma_start3A_1683 = tpu.memref_squeeze %dma_start3A_1682 : memref<1x!tpu.dma_semaphore, #tpu.memory_space<semaphore_mem>> -> memref<!tpu.dma_semaphore, #tpu.memory_space<semaphore_mem>>
      %dma_start3A_1684 = arith.constant 0 : i32
      %dma_start3A_1685 = tpu.memref_slice %arg9[%dma_start3A_1676, %dma_start3A_1684] : memref<4x80xi32, #tpu.memory_space<vmem>> -> memref<1x80xi32, #tpu.memory_space<vmem>>
      %dma_start3A_1686 = tpu.memref_squeeze %dma_start3A_1685 : memref<1x80xi32, #tpu.memory_space<vmem>> -> memref<80xi32, #tpu.memory_space<vmem>>
      %dma_start3A_1687 = tpu.memref_slice %arg3[%add3A_1675] : memref<640000xi32, #tpu.memory_space<hbm>> -> memref<80xi32, #tpu.memory_space<hbm>>
      tpu.enqueue_dma source(%dma_start3A_1687 : memref<80xi32, #tpu.memory_space<hbm>>) target(%dma_start3A_1686 : memref<80xi32, #tpu.memory_space<vmem>>) target_semaphore(%dma_start3A_1683 : memref<!tpu.dma_semaphore, #tpu.memory_space<semaphore_mem>>)
      %mul3A_1688 = arith.constant 80 : i32
      %mul3A_1689 = arith.muli %add3A_1670, %mul3A_1688 : i32
      %add3A_1690 = arith.addi %mul3A_10, %mul3A_1689 : i32
      %and3A_1691 = arith.constant 7 : i32
      %and3A_1692 = arith.andi %add3A_1670, %and3A_1691 : i32
      %dma_start3A_1693 = arith.constant 2 : i32
      %dma_start3A_1694 = arith.constant 0 : i32
      %dma_start3A_1695 = tpu.memref_slice %arg10[%and3A_1692, %dma_start3A_1694] : memref<8x80xi32, #tpu.memory_space<vmem>> -> memref<1x80xi32, #tpu.memory_space<vmem>>
      %dma_start3A_1696 = tpu.memref_squeeze %dma_start3A_1695 : memref<1x80xi32, #tpu.memory_space<vmem>> -> memref<80xi32, #tpu.memory_space<vmem>>
      %dma_start3A_1697 = tpu.memref_slice %arg3[%add3A_1690] : memref<640000xi32, #tpu.memory_space<hbm>> -> memref<80xi32, #tpu.memory_space<hbm>>
      %dma_start3A_1698 = tpu.memref_slice %arg17[%dma_start3A_1693] : memref<4x!tpu.dma_semaphore, #tpu.memory_space<semaphore_mem>> -> memref<1x!tpu.dma_semaphore, #tpu.memory_space<semaphore_mem>>
      %dma_start3A_1699 = tpu.memref_squeeze %dma_start3A_1698 : memref<1x!tpu.dma_semaphore, #tpu.memory_space<semaphore_mem>> -> memref<!tpu.dma_semaphore, #tpu.memory_space<semaphore_mem>>
      %dma_start3A_1700 = arith.constant 0 : i32
      %dma_start3A_1701 = tpu.memref_slice %arg10[%and3A_1692, %dma_start3A_1700] : memref<8x80xi32, #tpu.memory_space<vmem>> -> memref<1x80xi32, #tpu.memory_space<vmem>>
      %dma_start3A_1702 = tpu.memref_squeeze %dma_start3A_1701 : memref<1x80xi32, #tpu.memory_space<vmem>> -> memref<80xi32, #tpu.memory_space<vmem>>
      %dma_start3A_1703 = tpu.memref_slice %arg3[%add3A_1690] : memref<640000xi32, #tpu.memory_space<hbm>> -> memref<80xi32, #tpu.memory_space<hbm>>
      tpu.enqueue_dma source(%dma_start3A_1703 : memref<80xi32, #tpu.memory_space<hbm>>) target(%dma_start3A_1702 : memref<80xi32, #tpu.memory_space<vmem>>) target_semaphore(%dma_start3A_1699 : memref<!tpu.dma_semaphore, #tpu.memory_space<semaphore_mem>>)
      %mul3A_1704 = arith.constant 80 : i32
      %mul3A_1705 = arith.muli %add3A_1670, %mul3A_1704 : i32
      %add3A_1706 = arith.addi %mul3A_10, %mul3A_1705 : i32
      %dma_start3A_1707 = arith.constant 2 : i32
      %dma_start3A_1708 = arith.constant 2 : i32
      %dma_start3A_1709 = arith.constant 0 : i32
      %dma_start3A_1710 = tpu.memref_slice %arg11[%dma_start3A_1707, %dma_start3A_1709] : memref<4x80xf32, #tpu.memory_space<vmem>> -> memref<1x80xf32, #tpu.memory_space<vmem>>
      %dma_start3A_1711 = tpu.memref_squeeze %dma_start3A_1710 : memref<1x80xf32, #tpu.memory_space<vmem>> -> memref<80xf32, #tpu.memory_space<vmem>>
      %dma_start3A_1712 = tpu.memref_slice %arg4[%add3A_1706] : memref<320000xf32, #tpu.memory_space<hbm>> -> memref<80xf32, #tpu.memory_space<hbm>>
      %dma_start3A_1713 = tpu.memref_slice %arg18[%dma_start3A_1708] : memref<4x!tpu.dma_semaphore, #tpu.memory_space<semaphore_mem>> -> memref<1x!tpu.dma_semaphore, #tpu.memory_space<semaphore_mem>>
      %dma_start3A_1714 = tpu.memref_squeeze %dma_start3A_1713 : memref<1x!tpu.dma_semaphore, #tpu.memory_space<semaphore_mem>> -> memref<!tpu.dma_semaphore, #tpu.memory_space<semaphore_mem>>
      %dma_start3A_1715 = arith.constant 0 : i32
      %dma_start3A_1716 = tpu.memref_slice %arg11[%dma_start3A_1707, %dma_start3A_1715] : memref<4x80xf32, #tpu.memory_space<vmem>> -> memref<1x80xf32, #tpu.memory_space<vmem>>
      %dma_start3A_1717 = tpu.memref_squeeze %dma_start3A_1716 : memref<1x80xf32, #tpu.memory_space<vmem>> -> memref<80xf32, #tpu.memory_space<vmem>>
      %dma_start3A_1718 = tpu.memref_slice %arg4[%add3A_1706] : memref<320000xf32, #tpu.memory_space<hbm>> -> memref<80xf32, #tpu.memory_space<hbm>>
      tpu.enqueue_dma source(%dma_start3A_1718 : memref<80xf32, #tpu.memory_space<hbm>>) target(%dma_start3A_1717 : memref<80xf32, #tpu.memory_space<vmem>>) target_semaphore(%dma_start3A_1714 : memref<!tpu.dma_semaphore, #tpu.memory_space<semaphore_mem>>)
      %add3A_1719 = arith.constant 3 : i32
      %add3A_1720 = arith.addi %mul3A_1260, %add3A_1719 : i32
      %add3A_1721 = arith.constant 2 : i32
      %add3A_1722 = arith.addi %add3A_1720, %add3A_1721 : i32
      %sub3A_1723 = arith.constant 4 : i32
      %sub3A_1724 = arith.subi %add3A_1722, %sub3A_1723 : i32
      %and3A_1725 = arith.constant 7 : i32
      %and3A_1726 = arith.andi %sub3A_1724, %and3A_1725 : i32
      %dma_wait3A_1727 = arith.constant 1 : i32
      %dma_wait3A_1728 = arith.constant 0 : i32
      %dma_wait3A_1729 = tpu.memref_slice %arg10[%and3A_1726, %dma_wait3A_1728] : memref<8x80xi32, #tpu.memory_space<vmem>> -> memref<1x80xi32, #tpu.memory_space<vmem>>
      %dma_wait3A_1730 = tpu.memref_squeeze %dma_wait3A_1729 : memref<1x80xi32, #tpu.memory_space<vmem>> -> memref<80xi32, #tpu.memory_space<vmem>>
      %dma_wait3A_1731 = arith.constant 0 : i32
      %dma_wait3A_1732 = arith.constant 0 : i32
      %dma_wait3A_1733 = tpu.memref_slice %arg8[%dma_wait3A_1731, %dma_wait3A_1732] : memref<10000x128xf32, #tpu.memory_space<vmem_shared>> -> memref<10000x128xf32, #tpu.memory_space<vmem_shared>>
      %dma_wait3A_1734 = tpu.memref_slice %arg20[%dma_wait3A_1727] : memref<4x!tpu.dma_semaphore, #tpu.memory_space<semaphore_mem>> -> memref<1x!tpu.dma_semaphore, #tpu.memory_space<semaphore_mem>>
      %dma_wait3A_1735 = tpu.memref_squeeze %dma_wait3A_1734 : memref<1x!tpu.dma_semaphore, #tpu.memory_space<semaphore_mem>> -> memref<!tpu.dma_semaphore, #tpu.memory_space<semaphore_mem>>
      tpu.wait_indirect_dma semaphore(%dma_wait3A_1735 : memref<!tpu.dma_semaphore, #tpu.memory_space<semaphore_mem>>) src(%arg13 : memref<80x128xf32, #tpu.memory_space<vmem>>) dst(%dma_wait3A_1733 : memref<10000x128xf32, #tpu.memory_space<vmem_shared>>)
      %add3A_1736 = arith.constant 320000 : i32
      %add3A_1737 = arith.addi %add3A_1736, %mul3A_10 : i32
      %mul3A_1738 = arith.constant 80 : i32
      %mul3A_1739 = arith.muli %add3A_1722, %mul3A_1738 : i32
      %add3A_1740 = arith.addi %add3A_1737, %mul3A_1739 : i32
      %dma_wait3A_1741 = arith.constant 1 : i32
      %dma_wait3A_1742 = arith.constant 1 : i32
      %dma_wait3A_1743 = arith.constant 0 : i32
      %dma_wait3A_1744 = tpu.memref_slice %arg9[%dma_wait3A_1741, %dma_wait3A_1743] : memref<4x80xi32, #tpu.memory_space<vmem>> -> memref<1x80xi32, #tpu.memory_space<vmem>>
      %dma_wait3A_1745 = tpu.memref_squeeze %dma_wait3A_1744 : memref<1x80xi32, #tpu.memory_space<vmem>> -> memref<80xi32, #tpu.memory_space<vmem>>
      %dma_wait3A_1746 = tpu.memref_slice %arg3[%add3A_1740] : memref<640000xi32, #tpu.memory_space<hbm>> -> memref<80xi32, #tpu.memory_space<hbm>>
      %dma_wait3A_1747 = tpu.memref_slice %arg16[%dma_wait3A_1742] : memref<4x!tpu.dma_semaphore, #tpu.memory_space<semaphore_mem>> -> memref<1x!tpu.dma_semaphore, #tpu.memory_space<semaphore_mem>>
      %dma_wait3A_1748 = tpu.memref_squeeze %dma_wait3A_1747 : memref<1x!tpu.dma_semaphore, #tpu.memory_space<semaphore_mem>> -> memref<!tpu.dma_semaphore, #tpu.memory_space<semaphore_mem>>
      %dma_wait3A_1749 = arith.constant 0 : i32
      %dma_wait3A_1750 = tpu.memref_slice %arg9[%dma_wait3A_1741, %dma_wait3A_1749] : memref<4x80xi32, #tpu.memory_space<vmem>> -> memref<1x80xi32, #tpu.memory_space<vmem>>
      %dma_wait3A_1751 = tpu.memref_squeeze %dma_wait3A_1750 : memref<1x80xi32, #tpu.memory_space<vmem>> -> memref<80xi32, #tpu.memory_space<vmem>>
      %dma_wait3A_1752 = tpu.memref_slice %arg3[%add3A_1740] : memref<640000xi32, #tpu.memory_space<hbm>> -> memref<80xi32, #tpu.memory_space<hbm>>
      tpu.wait_dma2 semaphore(%dma_wait3A_1748 : memref<!tpu.dma_semaphore, #tpu.memory_space<semaphore_mem>>) src(%dma_wait3A_1752 : memref<80xi32, #tpu.memory_space<hbm>>) dst(%dma_wait3A_1751 : memref<80xi32, #tpu.memory_space<vmem>>)
      %dma_start3A_1753 = arith.constant 1 : i32
      %dma_start3A_1754 = arith.constant 1 : i32
      %dma_start3A_1755 = arith.constant 0 : i32
      %dma_start3A_1756 = tpu.memref_slice %arg9[%dma_start3A_1753, %dma_start3A_1755] : memref<4x80xi32, #tpu.memory_space<vmem>> -> memref<1x80xi32, #tpu.memory_space<vmem>>
      %dma_start3A_1757 = tpu.memref_squeeze %dma_start3A_1756 : memref<1x80xi32, #tpu.memory_space<vmem>> -> memref<80xi32, #tpu.memory_space<vmem>>
      %dma_start3A_1758 = arith.constant 0 : i32
      %dma_start3A_1759 = arith.constant 0 : i32
      %dma_start3A_1760 = tpu.memref_slice %arg2[%dma_start3A_1758, %dma_start3A_1759] : memref<10000x128xf32, #tpu.memory_space<hbm>> -> memref<10000x128xf32, #tpu.memory_space<hbm>>
      %dma_start3A_1761 = tpu.memref_slice %arg19[%dma_start3A_1754] : memref<4x!tpu.dma_semaphore, #tpu.memory_space<semaphore_mem>> -> memref<1x!tpu.dma_semaphore, #tpu.memory_space<semaphore_mem>>
      %dma_start3A_1762 = tpu.memref_squeeze %dma_start3A_1761 : memref<1x!tpu.dma_semaphore, #tpu.memory_space<semaphore_mem>> -> memref<!tpu.dma_semaphore, #tpu.memory_space<semaphore_mem>>
      tpu.enqueue_indirect_dma source(%dma_start3A_1760 : memref<10000x128xf32, #tpu.memory_space<hbm>>) target(%arg13 : memref<80x128xf32, #tpu.memory_space<vmem>>) offsets(%dma_start3A_1757 : memref<80xi32, #tpu.memory_space<vmem>>) semaphore(%dma_start3A_1762 : memref<!tpu.dma_semaphore, #tpu.memory_space<semaphore_mem>>)
      %add3A_1763 = arith.constant 3 : i32
      %add3A_1764 = arith.addi %mul3A_1260, %add3A_1763 : i32
      %dma_wait3A_1765 = arith.constant 3 : i32
      %dma_wait3A_1766 = arith.constant 3 : i32
      %dma_wait3A_1767 = arith.constant 0 : i32
      %dma_wait3A_1768 = tpu.memref_slice %arg9[%dma_wait3A_1765, %dma_wait3A_1767] : memref<4x80xi32, #tpu.memory_space<vmem>> -> memref<1x80xi32, #tpu.memory_space<vmem>>
      %dma_wait3A_1769 = tpu.memref_squeeze %dma_wait3A_1768 : memref<1x80xi32, #tpu.memory_space<vmem>> -> memref<80xi32, #tpu.memory_space<vmem>>
      %dma_wait3A_1770 = arith.constant 0 : i32
      %dma_wait3A_1771 = arith.constant 0 : i32
      %dma_wait3A_1772 = tpu.memref_slice %arg2[%dma_wait3A_1770, %dma_wait3A_1771] : memref<10000x128xf32, #tpu.memory_space<hbm>> -> memref<10000x128xf32, #tpu.memory_space<hbm>>
      %dma_wait3A_1773 = tpu.memref_slice %arg19[%dma_wait3A_1766] : memref<4x!tpu.dma_semaphore, #tpu.memory_space<semaphore_mem>> -> memref<1x!tpu.dma_semaphore, #tpu.memory_space<semaphore_mem>>
      %dma_wait3A_1774 = tpu.memref_squeeze %dma_wait3A_1773 : memref<1x!tpu.dma_semaphore, #tpu.memory_space<semaphore_mem>> -> memref<!tpu.dma_semaphore, #tpu.memory_space<semaphore_mem>>
      tpu.wait_indirect_dma semaphore(%dma_wait3A_1774 : memref<!tpu.dma_semaphore, #tpu.memory_space<semaphore_mem>>) src(%dma_wait3A_1772 : memref<10000x128xf32, #tpu.memory_space<hbm>>) dst(%arg15 : memref<80x128xf32, #tpu.memory_space<vmem>>)
      %mul3A_1775 = arith.constant 80 : i32
      %mul3A_1776 = arith.muli %add3A_1764, %mul3A_1775 : i32
      %add3A_1777 = arith.addi %mul3A_10, %mul3A_1776 : i32
      %dma_wait3A_1778 = arith.constant 3 : i32
      %dma_wait3A_1779 = arith.constant 3 : i32
      %dma_wait3A_1780 = arith.constant 0 : i32
      %dma_wait3A_1781 = tpu.memref_slice %arg11[%dma_wait3A_1778, %dma_wait3A_1780] : memref<4x80xf32, #tpu.memory_space<vmem>> -> memref<1x80xf32, #tpu.memory_space<vmem>>
      %dma_wait3A_1782 = tpu.memref_squeeze %dma_wait3A_1781 : memref<1x80xf32, #tpu.memory_space<vmem>> -> memref<80xf32, #tpu.memory_space<vmem>>
      %dma_wait3A_1783 = tpu.memref_slice %arg4[%add3A_1777] : memref<320000xf32, #tpu.memory_space<hbm>> -> memref<80xf32, #tpu.memory_space<hbm>>
      %dma_wait3A_1784 = tpu.memref_slice %arg18[%dma_wait3A_1779] : memref<4x!tpu.dma_semaphore, #tpu.memory_space<semaphore_mem>> -> memref<1x!tpu.dma_semaphore, #tpu.memory_space<semaphore_mem>>
      %dma_wait3A_1785 = tpu.memref_squeeze %dma_wait3A_1784 : memref<1x!tpu.dma_semaphore, #tpu.memory_space<semaphore_mem>> -> memref<!tpu.dma_semaphore, #tpu.memory_space<semaphore_mem>>
      %dma_wait3A_1786 = arith.constant 0 : i32
      %dma_wait3A_1787 = tpu.memref_slice %arg11[%dma_wait3A_1778, %dma_wait3A_1786] : memref<4x80xf32, #tpu.memory_space<vmem>> -> memref<1x80xf32, #tpu.memory_space<vmem>>
      %dma_wait3A_1788 = tpu.memref_squeeze %dma_wait3A_1787 : memref<1x80xf32, #tpu.memory_space<vmem>> -> memref<80xf32, #tpu.memory_space<vmem>>
      %dma_wait3A_1789 = tpu.memref_slice %arg4[%add3A_1777] : memref<320000xf32, #tpu.memory_space<hbm>> -> memref<80xf32, #tpu.memory_space<hbm>>
      tpu.wait_dma2 semaphore(%dma_wait3A_1785 : memref<!tpu.dma_semaphore, #tpu.memory_space<semaphore_mem>>) src(%dma_wait3A_1789 : memref<80xf32, #tpu.memory_space<hbm>>) dst(%dma_wait3A_1788 : memref<80xf32, #tpu.memory_space<vmem>>)
      %broadcast_in_dim3A_1790 = arith.constant 3 : i32
      %broadcast_in_dim3A_1791 = vector.broadcast %broadcast_in_dim3A_1790 : i32 to vector<16xi32>
      %parallel_loop3A_1792 = arith.constant 0 : i32
      %parallel_loop3A_1793 = arith.constant 80 : i32
      %parallel_loop3A_1794 = arith.constant 1 : i32
      scf.for %parallel_loop3A_1872 = %parallel_loop3A_1792 to %parallel_loop3A_1793 step %parallel_loop3A_1794  : i32 {
        %parallel_loop3A_1873 = vector.broadcast %parallel_loop3A_1872 : i32 to vector<16xi32>
        %parallel_loop3A_1874 = tpu.vector_load_idx %arg11[%broadcast_in_dim3A_1791, %parallel_loop3A_1873] : memref<4x80xf32, #tpu.memory_space<vmem>>[vector<16xi32>, vector<16xi32>], vector<16xf32>,
        %parallel_loop3A_1875 = arith.index_cast %parallel_loop3A_1872 : i32 to index
        %parallel_loop3A_1876 = arith.constant 0 : index
        %parallel_loop3A_1877 = tpu.vector_load %arg15[%parallel_loop3A_1875, %parallel_loop3A_1876] {strides = array<i32>} : memref<80x128xf32, #tpu.memory_space<vmem>>, vector<16xf32>,
        %parallel_loop3A_1878 = arith.mulf %parallel_loop3A_1877, %parallel_loop3A_1874 : vector<16xf32>
        %parallel_loop3A_1879 = arith.index_cast %parallel_loop3A_1872 : i32 to index
        %parallel_loop3A_1880 = arith.constant 0 : index
        %parallel_loop3A_1881 = tpu.vector_load %arg15[%parallel_loop3A_1879, %parallel_loop3A_1880] {strides = array<i32>} : memref<80x128xf32, #tpu.memory_space<vmem>>, vector<16xf32>,
        tpu.vector_store %arg15[%parallel_loop3A_1879, %parallel_loop3A_1880], %parallel_loop3A_1878 {strides = array<i32>} : memref<80x128xf32, #tpu.memory_space<vmem>>, vector<16xf32>,
        %parallel_loop3A_1882 = arith.index_cast %parallel_loop3A_1872 : i32 to index
        %parallel_loop3A_1883 = arith.constant 16 : index
        %parallel_loop3A_1884 = tpu.vector_load %arg15[%parallel_loop3A_1882, %parallel_loop3A_1883] {strides = array<i32>} : memref<80x128xf32, #tpu.memory_space<vmem>>, vector<16xf32>,
        %parallel_loop3A_1885 = arith.mulf %parallel_loop3A_1884, %parallel_loop3A_1874 : vector<16xf32>
        %parallel_loop3A_1886 = arith.index_cast %parallel_loop3A_1872 : i32 to index
        %parallel_loop3A_1887 = arith.constant 16 : index
        %parallel_loop3A_1888 = tpu.vector_load %arg15[%parallel_loop3A_1886, %parallel_loop3A_1887] {strides = array<i32>} : memref<80x128xf32, #tpu.memory_space<vmem>>, vector<16xf32>,
        tpu.vector_store %arg15[%parallel_loop3A_1886, %parallel_loop3A_1887], %parallel_loop3A_1885 {strides = array<i32>} : memref<80x128xf32, #tpu.memory_space<vmem>>, vector<16xf32>,
        %parallel_loop3A_1889 = arith.index_cast %parallel_loop3A_1872 : i32 to index
        %parallel_loop3A_1890 = arith.constant 32 : index
        %parallel_loop3A_1891 = tpu.vector_load %arg15[%parallel_loop3A_1889, %parallel_loop3A_1890] {strides = array<i32>} : memref<80x128xf32, #tpu.memory_space<vmem>>, vector<16xf32>,
        %parallel_loop3A_1892 = arith.mulf %parallel_loop3A_1891, %parallel_loop3A_1874 : vector<16xf32>
        %parallel_loop3A_1893 = arith.index_cast %parallel_loop3A_1872 : i32 to index
        %parallel_loop3A_1894 = arith.constant 32 : index
        %parallel_loop3A_1895 = tpu.vector_load %arg15[%parallel_loop3A_1893, %parallel_loop3A_1894] {strides = array<i32>} : memref<80x128xf32, #tpu.memory_space<vmem>>, vector<16xf32>,
        tpu.vector_store %arg15[%parallel_loop3A_1893, %parallel_loop3A_1894], %parallel_loop3A_1892 {strides = array<i32>} : memref<80x128xf32, #tpu.memory_space<vmem>>, vector<16xf32>,
        %parallel_loop3A_1896 = arith.index_cast %parallel_loop3A_1872 : i32 to index
        %parallel_loop3A_1897 = arith.constant 48 : index
        %parallel_loop3A_1898 = tpu.vector_load %arg15[%parallel_loop3A_1896, %parallel_loop3A_1897] {strides = array<i32>} : memref<80x128xf32, #tpu.memory_space<vmem>>, vector<16xf32>,
        %parallel_loop3A_1899 = arith.mulf %parallel_loop3A_1898, %parallel_loop3A_1874 : vector<16xf32>
        %parallel_loop3A_1900 = arith.index_cast %parallel_loop3A_1872 : i32 to index
        %parallel_loop3A_1901 = arith.constant 48 : index
        %parallel_loop3A_1902 = tpu.vector_load %arg15[%parallel_loop3A_1900, %parallel_loop3A_1901] {strides = array<i32>} : memref<80x128xf32, #tpu.memory_space<vmem>>, vector<16xf32>,
        tpu.vector_store %arg15[%parallel_loop3A_1900, %parallel_loop3A_1901], %parallel_loop3A_1899 {strides = array<i32>} : memref<80x128xf32, #tpu.memory_space<vmem>>, vector<16xf32>,
        %parallel_loop3A_1903 = arith.index_cast %parallel_loop3A_1872 : i32 to index
        %parallel_loop3A_1904 = arith.constant 64 : index
        %parallel_loop3A_1905 = tpu.vector_load %arg15[%parallel_loop3A_1903, %parallel_loop3A_1904] {strides = array<i32>} : memref<80x128xf32, #tpu.memory_space<vmem>>, vector<16xf32>,
        %parallel_loop3A_1906 = arith.mulf %parallel_loop3A_1905, %parallel_loop3A_1874 : vector<16xf32>
        %parallel_loop3A_1907 = arith.index_cast %parallel_loop3A_1872 : i32 to index
        %parallel_loop3A_1908 = arith.constant 64 : index
        %parallel_loop3A_1909 = tpu.vector_load %arg15[%parallel_loop3A_1907, %parallel_loop3A_1908] {strides = array<i32>} : memref<80x128xf32, #tpu.memory_space<vmem>>, vector<16xf32>,
        tpu.vector_store %arg15[%parallel_loop3A_1907, %parallel_loop3A_1908], %parallel_loop3A_1906 {strides = array<i32>} : memref<80x128xf32, #tpu.memory_space<vmem>>, vector<16xf32>,
        %parallel_loop3A_1910 = arith.index_cast %parallel_loop3A_1872 : i32 to index
        %parallel_loop3A_1911 = arith.constant 80 : index
        %parallel_loop3A_1912 = tpu.vector_load %arg15[%parallel_loop3A_1910, %parallel_loop3A_1911] {strides = array<i32>} : memref<80x128xf32, #tpu.memory_space<vmem>>, vector<16xf32>,
        %parallel_loop3A_1913 = arith.mulf %parallel_loop3A_1912, %parallel_loop3A_1874 : vector<16xf32>
        %parallel_loop3A_1914 = arith.index_cast %parallel_loop3A_1872 : i32 to index
        %parallel_loop3A_1915 = arith.constant 80 : index
        %parallel_loop3A_1916 = tpu.vector_load %arg15[%parallel_loop3A_1914, %parallel_loop3A_1915] {strides = array<i32>} : memref<80x128xf32, #tpu.memory_space<vmem>>, vector<16xf32>,
        tpu.vector_store %arg15[%parallel_loop3A_1914, %parallel_loop3A_1915], %parallel_loop3A_1913 {strides = array<i32>} : memref<80x128xf32, #tpu.memory_space<vmem>>, vector<16xf32>,
        %parallel_loop3A_1917 = arith.index_cast %parallel_loop3A_1872 : i32 to index
        %parallel_loop3A_1918 = arith.constant 96 : index
        %parallel_loop3A_1919 = tpu.vector_load %arg15[%parallel_loop3A_1917, %parallel_loop3A_1918] {strides = array<i32>} : memref<80x128xf32, #tpu.memory_space<vmem>>, vector<16xf32>,
        %parallel_loop3A_1920 = arith.mulf %parallel_loop3A_1919, %parallel_loop3A_1874 : vector<16xf32>
        %parallel_loop3A_1921 = arith.index_cast %parallel_loop3A_1872 : i32 to index
        %parallel_loop3A_1922 = arith.constant 96 : index
        %parallel_loop3A_1923 = tpu.vector_load %arg15[%parallel_loop3A_1921, %parallel_loop3A_1922] {strides = array<i32>} : memref<80x128xf32, #tpu.memory_space<vmem>>, vector<16xf32>,
        tpu.vector_store %arg15[%parallel_loop3A_1921, %parallel_loop3A_1922], %parallel_loop3A_1920 {strides = array<i32>} : memref<80x128xf32, #tpu.memory_space<vmem>>, vector<16xf32>,
        %parallel_loop3A_1924 = arith.index_cast %parallel_loop3A_1872 : i32 to index
        %parallel_loop3A_1925 = arith.constant 112 : index
        %parallel_loop3A_1926 = tpu.vector_load %arg15[%parallel_loop3A_1924, %parallel_loop3A_1925] {strides = array<i32>} : memref<80x128xf32, #tpu.memory_space<vmem>>, vector<16xf32>,
        %parallel_loop3A_1927 = arith.mulf %parallel_loop3A_1926, %parallel_loop3A_1874 : vector<16xf32>
        %parallel_loop3A_1928 = arith.index_cast %parallel_loop3A_1872 : i32 to index
        %parallel_loop3A_1929 = arith.constant 112 : index
        %parallel_loop3A_1930 = tpu.vector_load %arg15[%parallel_loop3A_1928, %parallel_loop3A_1929] {strides = array<i32>} : memref<80x128xf32, #tpu.memory_space<vmem>>, vector<16xf32>,
        tpu.vector_store %arg15[%parallel_loop3A_1928, %parallel_loop3A_1929], %parallel_loop3A_1927 {strides = array<i32>} : memref<80x128xf32, #tpu.memory_space<vmem>>, vector<16xf32>,
      } {sc.loop_unroll_factor = 2 : i64, sc.parallel_access}
      %mul3A_1795 = arith.constant 80 : i32
      %mul3A_1796 = arith.muli %add3A_1764, %mul3A_1795 : i32
      %add3A_1797 = arith.addi %mul3A_10, %mul3A_1796 : i32
      %and3A_1798 = arith.constant 7 : i32
      %and3A_1799 = arith.andi %add3A_1764, %and3A_1798 : i32
      %dma_wait3A_1800 = arith.constant 3 : i32
      %dma_wait3A_1801 = arith.constant 0 : i32
      %dma_wait3A_1802 = tpu.memref_slice %arg10[%and3A_1799, %dma_wait3A_1801] : memref<8x80xi32, #tpu.memory_space<vmem>> -> memref<1x80xi32, #tpu.memory_space<vmem>>
      %dma_wait3A_1803 = tpu.memref_squeeze %dma_wait3A_1802 : memref<1x80xi32, #tpu.memory_space<vmem>> -> memref<80xi32, #tpu.memory_space<vmem>>
      %dma_wait3A_1804 = tpu.memref_slice %arg3[%add3A_1797] : memref<640000xi32, #tpu.memory_space<hbm>> -> memref<80xi32, #tpu.memory_space<hbm>>
      %dma_wait3A_1805 = tpu.memref_slice %arg17[%dma_wait3A_1800] : memref<4x!tpu.dma_semaphore, #tpu.memory_space<semaphore_mem>> -> memref<1x!tpu.dma_semaphore, #tpu.memory_space<semaphore_mem>>
      %dma_wait3A_1806 = tpu.memref_squeeze %dma_wait3A_1805 : memref<1x!tpu.dma_semaphore, #tpu.memory_space<semaphore_mem>> -> memref<!tpu.dma_semaphore, #tpu.memory_space<semaphore_mem>>
      %dma_wait3A_1807 = arith.constant 0 : i32
      %dma_wait3A_1808 = tpu.memref_slice %arg10[%and3A_1799, %dma_wait3A_1807] : memref<8x80xi32, #tpu.memory_space<vmem>> -> memref<1x80xi32, #tpu.memory_space<vmem>>
      %dma_wait3A_1809 = tpu.memref_squeeze %dma_wait3A_1808 : memref<1x80xi32, #tpu.memory_space<vmem>> -> memref<80xi32, #tpu.memory_space<vmem>>
      %dma_wait3A_1810 = tpu.memref_slice %arg3[%add3A_1797] : memref<640000xi32, #tpu.memory_space<hbm>> -> memref<80xi32, #tpu.memory_space<hbm>>
      tpu.wait_dma2 semaphore(%dma_wait3A_1806 : memref<!tpu.dma_semaphore, #tpu.memory_space<semaphore_mem>>) src(%dma_wait3A_1810 : memref<80xi32, #tpu.memory_space<hbm>>) dst(%dma_wait3A_1809 : memref<80xi32, #tpu.memory_space<vmem>>)
      %and3A_1811 = arith.constant 7 : i32
      %and3A_1812 = arith.andi %add3A_1764, %and3A_1811 : i32
      %dma_start3A_1813 = arith.constant 3 : i32
      %dma_start3A_1814 = arith.constant 0 : i32
      %dma_start3A_1815 = tpu.memref_slice %arg10[%and3A_1812, %dma_start3A_1814] : memref<8x80xi32, #tpu.memory_space<vmem>> -> memref<1x80xi32, #tpu.memory_space<vmem>>
      %dma_start3A_1816 = tpu.memref_squeeze %dma_start3A_1815 : memref<1x80xi32, #tpu.memory_space<vmem>> -> memref<80xi32, #tpu.memory_space<vmem>>
      %dma_start3A_1817 = arith.constant 0 : i32
      %dma_start3A_1818 = arith.constant 0 : i32
      %dma_start3A_1819 = tpu.memref_slice %arg8[%dma_start3A_1817, %dma_start3A_1818] : memref<10000x128xf32, #tpu.memory_space<vmem_shared>> -> memref<10000x128xf32, #tpu.memory_space<vmem_shared>>
      %dma_start3A_1820 = tpu.memref_slice %arg20[%dma_start3A_1813] : memref<4x!tpu.dma_semaphore, #tpu.memory_space<semaphore_mem>> -> memref<1x!tpu.dma_semaphore, #tpu.memory_space<semaphore_mem>>
      %dma_start3A_1821 = tpu.memref_squeeze %dma_start3A_1820 : memref<1x!tpu.dma_semaphore, #tpu.memory_space<semaphore_mem>> -> memref<!tpu.dma_semaphore, #tpu.memory_space<semaphore_mem>>
      tpu.enqueue_indirect_dma source(%arg15 : memref<80x128xf32, #tpu.memory_space<vmem>>) target(%dma_start3A_1819 : memref<10000x128xf32, #tpu.memory_space<vmem_shared>>) offsets(%dma_start3A_1816 : memref<80xi32, #tpu.memory_space<vmem>>) semaphore(%dma_start3A_1821 : memref<!tpu.dma_semaphore, #tpu.memory_space<semaphore_mem>>) {add = true}
      %add3A_1822 = arith.constant 4 : i32
      %add3A_1823 = arith.addi %add3A_1764, %add3A_1822 : i32
      %add3A_1824 = arith.constant 320000 : i32
      %add3A_1825 = arith.addi %add3A_1824, %mul3A_10 : i32
      %mul3A_1826 = arith.constant 80 : i32
      %mul3A_1827 = arith.muli %add3A_1823, %mul3A_1826 : i32
      %add3A_1828 = arith.addi %add3A_1825, %mul3A_1827 : i32
      %dma_start3A_1829 = arith.constant 3 : i32
      %dma_start3A_1830 = arith.constant 3 : i32
      %dma_start3A_1831 = arith.constant 0 : i32
      %dma_start3A_1832 = tpu.memref_slice %arg9[%dma_start3A_1829, %dma_start3A_1831] : memref<4x80xi32, #tpu.memory_space<vmem>> -> memref<1x80xi32, #tpu.memory_space<vmem>>
      %dma_start3A_1833 = tpu.memref_squeeze %dma_start3A_1832 : memref<1x80xi32, #tpu.memory_space<vmem>> -> memref<80xi32, #tpu.memory_space<vmem>>
      %dma_start3A_1834 = tpu.memref_slice %arg3[%add3A_1828] : memref<640000xi32, #tpu.memory_space<hbm>> -> memref<80xi32, #tpu.memory_space<hbm>>
      %dma_start3A_1835 = tpu.memref_slice %arg16[%dma_start3A_1830] : memref<4x!tpu.dma_semaphore, #tpu.memory_space<semaphore_mem>> -> memref<1x!tpu.dma_semaphore, #tpu.memory_space<semaphore_mem>>
      %dma_start3A_1836 = tpu.memref_squeeze %dma_start3A_1835 : memref<1x!tpu.dma_semaphore, #tpu.memory_space<semaphore_mem>> -> memref<!tpu.dma_semaphore, #tpu.memory_space<semaphore_mem>>
      %dma_start3A_1837 = arith.constant 0 : i32
      %dma_start3A_1838 = tpu.memref_slice %arg9[%dma_start3A_1829, %dma_start3A_1837] : memref<4x80xi32, #tpu.memory_space<vmem>> -> memref<1x80xi32, #tpu.memory_space<vmem>>
      %dma_start3A_1839 = tpu.memref_squeeze %dma_start3A_1838 : memref<1x80xi32, #tpu.memory_space<vmem>> -> memref<80xi32, #tpu.memory_space<vmem>>
      %dma_start3A_1840 = tpu.memref_slice %arg3[%add3A_1828] : memref<640000xi32, #tpu.memory_space<hbm>> -> memref<80xi32, #tpu.memory_space<hbm>>
      tpu.enqueue_dma source(%dma_start3A_1840 : memref<80xi32, #tpu.memory_space<hbm>>) target(%dma_start3A_1839 : memref<80xi32, #tpu.memory_space<vmem>>) target_semaphore(%dma_start3A_1836 : memref<!tpu.dma_semaphore, #tpu.memory_space<semaphore_mem>>)
      %mul3A_1841 = arith.constant 80 : i32
      %mul3A_1842 = arith.muli %add3A_1823, %mul3A_1841 : i32
      %add3A_1843 = arith.addi %mul3A_10, %mul3A_1842 : i32
      %and3A_1844 = arith.constant 7 : i32
      %and3A_1845 = arith.andi %add3A_1823, %and3A_1844 : i32
      %dma_start3A_1846 = arith.constant 3 : i32
      %dma_start3A_1847 = arith.constant 0 : i32
      %dma_start3A_1848 = tpu.memref_slice %arg10[%and3A_1845, %dma_start3A_1847] : memref<8x80xi32, #tpu.memory_space<vmem>> -> memref<1x80xi32, #tpu.memory_space<vmem>>
      %dma_start3A_1849 = tpu.memref_squeeze %dma_start3A_1848 : memref<1x80xi32, #tpu.memory_space<vmem>> -> memref<80xi32, #tpu.memory_space<vmem>>
      %dma_start3A_1850 = tpu.memref_slice %arg3[%add3A_1843] : memref<640000xi32, #tpu.memory_space<hbm>> -> memref<80xi32, #tpu.memory_space<hbm>>
      %dma_start3A_1851 = tpu.memref_slice %arg17[%dma_start3A_1846] : memref<4x!tpu.dma_semaphore, #tpu.memory_space<semaphore_mem>> -> memref<1x!tpu.dma_semaphore, #tpu.memory_space<semaphore_mem>>
      %dma_start3A_1852 = tpu.memref_squeeze %dma_start3A_1851 : memref<1x!tpu.dma_semaphore, #tpu.memory_space<semaphore_mem>> -> memref<!tpu.dma_semaphore, #tpu.memory_space<semaphore_mem>>
      %dma_start3A_1853 = arith.constant 0 : i32
      %dma_start3A_1854 = tpu.memref_slice %arg10[%and3A_1845, %dma_start3A_1853] : memref<8x80xi32, #tpu.memory_space<vmem>> -> memref<1x80xi32, #tpu.memory_space<vmem>>
      %dma_start3A_1855 = tpu.memref_squeeze %dma_start3A_1854 : memref<1x80xi32, #tpu.memory_space<vmem>> -> memref<80xi32, #tpu.memory_space<vmem>>
      %dma_start3A_1856 = tpu.memref_slice %arg3[%add3A_1843] : memref<640000xi32, #tpu.memory_space<hbm>> -> memref<80xi32, #tpu.memory_space<hbm>>
      tpu.enqueue_dma source(%dma_start3A_1856 : memref<80xi32, #tpu.memory_space<hbm>>) target(%dma_start3A_1855 : memref<80xi32, #tpu.memory_space<vmem>>) target_semaphore(%dma_start3A_1852 : memref<!tpu.dma_semaphore, #tpu.memory_space<semaphore_mem>>)
      %mul3A_1857 = arith.constant 80 : i32
      %mul3A_1858 = arith.muli %add3A_1823, %mul3A_1857 : i32
      %add3A_1859 = arith.addi %mul3A_10, %mul3A_1858 : i32
      %dma_start3A_1860 = arith.constant 3 : i32
      %dma_start3A_1861 = arith.constant 3 : i32
      %dma_start3A_1862 = arith.constant 0 : i32
      %dma_start3A_1863 = tpu.memref_slice %arg11[%dma_start3A_1860, %dma_start3A_1862] : memref<4x80xf32, #tpu.memory_space<vmem>> -> memref<1x80xf32, #tpu.memory_space<vmem>>
      %dma_start3A_1864 = tpu.memref_squeeze %dma_start3A_1863 : memref<1x80xf32, #tpu.memory_space<vmem>> -> memref<80xf32, #tpu.memory_space<vmem>>
      %dma_start3A_1865 = tpu.memref_slice %arg4[%add3A_1859] : memref<320000xf32, #tpu.memory_space<hbm>> -> memref<80xf32, #tpu.memory_space<hbm>>
      %dma_start3A_1866 = tpu.memref_slice %arg18[%dma_start3A_1861] : memref<4x!tpu.dma_semaphore, #tpu.memory_space<semaphore_mem>> -> memref<1x!tpu.dma_semaphore, #tpu.memory_space<semaphore_mem>>
      %dma_start3A_1867 = tpu.memref_squeeze %dma_start3A_1866 : memref<1x!tpu.dma_semaphore, #tpu.memory_space<semaphore_mem>> -> memref<!tpu.dma_semaphore, #tpu.memory_space<semaphore_mem>>
      %dma_start3A_1868 = arith.constant 0 : i32
      %dma_start3A_1869 = tpu.memref_slice %arg11[%dma_start3A_1860, %dma_start3A_1868] : memref<4x80xf32, #tpu.memory_space<vmem>> -> memref<1x80xf32, #tpu.memory_space<vmem>>
      %dma_start3A_1870 = tpu.memref_squeeze %dma_start3A_1869 : memref<1x80xf32, #tpu.memory_space<vmem>> -> memref<80xf32, #tpu.memory_space<vmem>>
      %dma_start3A_1871 = tpu.memref_slice %arg4[%add3A_1859] : memref<320000xf32, #tpu.memory_space<hbm>> -> memref<80xf32, #tpu.memory_space<hbm>>
      tpu.enqueue_dma source(%dma_start3A_1871 : memref<80xf32, #tpu.memory_space<hbm>>) target(%dma_start3A_1870 : memref<80xf32, #tpu.memory_space<vmem>>) target_semaphore(%dma_start3A_1867 : memref<!tpu.dma_semaphore, #tpu.memory_space<semaphore_mem>>)
    }
    %scan3A_760 = arith.constant 29 : i32
    %dma_wait3A_761 = arith.constant 6 : i32
    %dma_wait3A_762 = arith.constant 2 : i32
    %dma_wait3A_763 = arith.constant 0 : i32
    %dma_wait3A_764 = tpu.memref_slice %arg10[%dma_wait3A_761, %dma_wait3A_763] : memref<8x80xi32, #tpu.memory_space<vmem>> -> memref<1x80xi32, #tpu.memory_space<vmem>>
    %dma_wait3A_765 = tpu.memref_squeeze %dma_wait3A_764 : memref<1x80xi32, #tpu.memory_space<vmem>> -> memref<80xi32, #tpu.memory_space<vmem>>
    %dma_wait3A_766 = arith.constant 0 : i32
    %dma_wait3A_767 = arith.constant 0 : i32
    %dma_wait3A_768 = tpu.memref_slice %arg8[%dma_wait3A_766, %dma_wait3A_767] : memref<10000x128xf32, #tpu.memory_space<vmem_shared>> -> memref<10000x128xf32, #tpu.memory_space<vmem_shared>>
    %dma_wait3A_769 = tpu.memref_slice %arg20[%dma_wait3A_762] : memref<4x!tpu.dma_semaphore, #tpu.memory_space<semaphore_mem>> -> memref<1x!tpu.dma_semaphore, #tpu.memory_space<semaphore_mem>>
    %dma_wait3A_770 = tpu.memref_squeeze %dma_wait3A_769 : memref<1x!tpu.dma_semaphore, #tpu.memory_space<semaphore_mem>> -> memref<!tpu.dma_semaphore, #tpu.memory_space<semaphore_mem>>
    tpu.wait_indirect_dma semaphore(%dma_wait3A_770 : memref<!tpu.dma_semaphore, #tpu.memory_space<semaphore_mem>>) src(%arg14 : memref<80x128xf32, #tpu.memory_space<vmem>>) dst(%dma_wait3A_768 : memref<10000x128xf32, #tpu.memory_space<vmem_shared>>)
    %add3A_771 = arith.constant 320000 : i32
    %add3A_772 = arith.addi %add3A_771, %mul3A_10 : i32
    %add3A_773 = arith.constant 9760 : i32
    %add3A_774 = arith.addi %add3A_772, %add3A_773 : i32
    %dma_wait3A_775 = arith.constant 2 : i32
    %dma_wait3A_776 = arith.constant 2 : i32
    %dma_wait3A_777 = arith.constant 0 : i32
    %dma_wait3A_778 = tpu.memref_slice %arg9[%dma_wait3A_775, %dma_wait3A_777] : memref<4x80xi32, #tpu.memory_space<vmem>> -> memref<1x80xi32, #tpu.memory_space<vmem>>
    %dma_wait3A_779 = tpu.memref_squeeze %dma_wait3A_778 : memref<1x80xi32, #tpu.memory_space<vmem>> -> memref<80xi32, #tpu.memory_space<vmem>>
    %dma_wait3A_780 = tpu.memref_slice %arg3[%add3A_774] : memref<640000xi32, #tpu.memory_space<hbm>> -> memref<80xi32, #tpu.memory_space<hbm>>
    %dma_wait3A_781 = tpu.memref_slice %arg16[%dma_wait3A_776] : memref<4x!tpu.dma_semaphore, #tpu.memory_space<semaphore_mem>> -> memref<1x!tpu.dma_semaphore, #tpu.memory_space<semaphore_mem>>
    %dma_wait3A_782 = tpu.memref_squeeze %dma_wait3A_781 : memref<1x!tpu.dma_semaphore, #tpu.memory_space<semaphore_mem>> -> memref<!tpu.dma_semaphore, #tpu.memory_space<semaphore_mem>>
    %dma_wait3A_783 = arith.constant 0 : i32
    %dma_wait3A_784 = tpu.memref_slice %arg9[%dma_wait3A_775, %dma_wait3A_783] : memref<4x80xi32, #tpu.memory_space<vmem>> -> memref<1x80xi32, #tpu.memory_space<vmem>>
    %dma_wait3A_785 = tpu.memref_squeeze %dma_wait3A_784 : memref<1x80xi32, #tpu.memory_space<vmem>> -> memref<80xi32, #tpu.memory_space<vmem>>
    %dma_wait3A_786 = tpu.memref_slice %arg3[%add3A_774] : memref<640000xi32, #tpu.memory_space<hbm>> -> memref<80xi32, #tpu.memory_space<hbm>>
    tpu.wait_dma2 semaphore(%dma_wait3A_782 : memref<!tpu.dma_semaphore, #tpu.memory_space<semaphore_mem>>) src(%dma_wait3A_786 : memref<80xi32, #tpu.memory_space<hbm>>) dst(%dma_wait3A_785 : memref<80xi32, #tpu.memory_space<vmem>>)
    %dma_start3A_787 = arith.constant 2 : i32
    %dma_start3A_788 = arith.constant 2 : i32
    %dma_start3A_789 = arith.constant 0 : i32
    %dma_start3A_790 = tpu.memref_slice %arg9[%dma_start3A_787, %dma_start3A_789] : memref<4x80xi32, #tpu.memory_space<vmem>> -> memref<1x80xi32, #tpu.memory_space<vmem>>
    %dma_start3A_791 = tpu.memref_squeeze %dma_start3A_790 : memref<1x80xi32, #tpu.memory_space<vmem>> -> memref<80xi32, #tpu.memory_space<vmem>>
    %dma_start3A_792 = arith.constant 0 : i32
    %dma_start3A_793 = arith.constant 0 : i32
    %dma_start3A_794 = tpu.memref_slice %arg2[%dma_start3A_792, %dma_start3A_793] : memref<10000x128xf32, #tpu.memory_space<hbm>> -> memref<10000x128xf32, #tpu.memory_space<hbm>>
    %dma_start3A_795 = tpu.memref_slice %arg19[%dma_start3A_788] : memref<4x!tpu.dma_semaphore, #tpu.memory_space<semaphore_mem>> -> memref<1x!tpu.dma_semaphore, #tpu.memory_space<semaphore_mem>>
    %dma_start3A_796 = tpu.memref_squeeze %dma_start3A_795 : memref<1x!tpu.dma_semaphore, #tpu.memory_space<semaphore_mem>> -> memref<!tpu.dma_semaphore, #tpu.memory_space<semaphore_mem>>
    tpu.enqueue_indirect_dma source(%dma_start3A_794 : memref<10000x128xf32, #tpu.memory_space<hbm>>) target(%arg14 : memref<80x128xf32, #tpu.memory_space<vmem>>) offsets(%dma_start3A_791 : memref<80xi32, #tpu.memory_space<vmem>>) semaphore(%dma_start3A_796 : memref<!tpu.dma_semaphore, #tpu.memory_space<semaphore_mem>>)
    %dma_wait3A_797 = arith.constant 0 : i32
    %dma_wait3A_798 = arith.constant 0 : i32
    %dma_wait3A_799 = arith.constant 0 : i32
    %dma_wait3A_800 = tpu.memref_slice %arg9[%dma_wait3A_797, %dma_wait3A_799] : memref<4x80xi32, #tpu.memory_space<vmem>> -> memref<1x80xi32, #tpu.memory_space<vmem>>
    %dma_wait3A_801 = tpu.memref_squeeze %dma_wait3A_800 : memref<1x80xi32, #tpu.memory_space<vmem>> -> memref<80xi32, #tpu.memory_space<vmem>>
    %dma_wait3A_802 = arith.constant 0 : i32
    %dma_wait3A_803 = arith.constant 0 : i32
    %dma_wait3A_804 = tpu.memref_slice %arg2[%dma_wait3A_802, %dma_wait3A_803] : memref<10000x128xf32, #tpu.memory_space<hbm>> -> memref<10000x128xf32, #tpu.memory_space<hbm>>
    %dma_wait3A_805 = tpu.memref_slice %arg19[%dma_wait3A_798] : memref<4x!tpu.dma_semaphore, #tpu.memory_space<semaphore_mem>> -> memref<1x!tpu.dma_semaphore, #tpu.memory_space<semaphore_mem>>
    %dma_wait3A_806 = tpu.memref_squeeze %dma_wait3A_805 : memref<1x!tpu.dma_semaphore, #tpu.memory_space<semaphore_mem>> -> memref<!tpu.dma_semaphore, #tpu.memory_space<semaphore_mem>>
    tpu.wait_indirect_dma semaphore(%dma_wait3A_806 : memref<!tpu.dma_semaphore, #tpu.memory_space<semaphore_mem>>) src(%dma_wait3A_804 : memref<10000x128xf32, #tpu.memory_space<hbm>>) dst(%arg12 : memref<80x128xf32, #tpu.memory_space<vmem>>)
    %add3A_807 = arith.constant 9600 : i32
    %add3A_808 = arith.addi %mul3A_10, %add3A_807 : i32
    %dma_wait3A_809 = arith.constant 0 : i32
    %dma_wait3A_810 = arith.constant 0 : i32
    %dma_wait3A_811 = arith.constant 0 : i32
    %dma_wait3A_812 = tpu.memref_slice %arg11[%dma_wait3A_809, %dma_wait3A_811] : memref<4x80xf32, #tpu.memory_space<vmem>> -> memref<1x80xf32, #tpu.memory_space<vmem>>
    %dma_wait3A_813 = tpu.memref_squeeze %dma_wait3A_812 : memref<1x80xf32, #tpu.memory_space<vmem>> -> memref<80xf32, #tpu.memory_space<vmem>>
    %dma_wait3A_814 = tpu.memref_slice %arg4[%add3A_808] : memref<320000xf32, #tpu.memory_space<hbm>> -> memref<80xf32, #tpu.memory_space<hbm>>
    %dma_wait3A_815 = tpu.memref_slice %arg18[%dma_wait3A_810] : memref<4x!tpu.dma_semaphore, #tpu.memory_space<semaphore_mem>> -> memref<1x!tpu.dma_semaphore, #tpu.memory_space<semaphore_mem>>
    %dma_wait3A_816 = tpu.memref_squeeze %dma_wait3A_815 : memref<1x!tpu.dma_semaphore, #tpu.memory_space<semaphore_mem>> -> memref<!tpu.dma_semaphore, #tpu.memory_space<semaphore_mem>>
    %dma_wait3A_817 = arith.constant 0 : i32
    %dma_wait3A_818 = tpu.memref_slice %arg11[%dma_wait3A_809, %dma_wait3A_817] : memref<4x80xf32, #tpu.memory_space<vmem>> -> memref<1x80xf32, #tpu.memory_space<vmem>>
    %dma_wait3A_819 = tpu.memref_squeeze %dma_wait3A_818 : memref<1x80xf32, #tpu.memory_space<vmem>> -> memref<80xf32, #tpu.memory_space<vmem>>
    %dma_wait3A_820 = tpu.memref_slice %arg4[%add3A_808] : memref<320000xf32, #tpu.memory_space<hbm>> -> memref<80xf32, #tpu.memory_space<hbm>>
    tpu.wait_dma2 semaphore(%dma_wait3A_816 : memref<!tpu.dma_semaphore, #tpu.memory_space<semaphore_mem>>) src(%dma_wait3A_820 : memref<80xf32, #tpu.memory_space<hbm>>) dst(%dma_wait3A_819 : memref<80xf32, #tpu.memory_space<vmem>>)
    %broadcast_in_dim3A_821 = arith.constant 0 : i32
    %broadcast_in_dim3A_822 = vector.broadcast %broadcast_in_dim3A_821 : i32 to vector<16xi32>
    %parallel_loop3A_823 = arith.constant 0 : i32
    %parallel_loop3A_824 = arith.constant 80 : i32
    %parallel_loop3A_825 = arith.constant 1 : i32
    scf.for %parallel_loop3A_1254 = %parallel_loop3A_823 to %parallel_loop3A_824 step %parallel_loop3A_825  : i32 {
      %parallel_loop3A_1255 = vector.broadcast %parallel_loop3A_1254 : i32 to vector<16xi32>
      %parallel_loop3A_1256 = tpu.vector_load_idx %arg11[%broadcast_in_dim3A_822, %parallel_loop3A_1255] : memref<4x80xf32, #tpu.memory_space<vmem>>[vector<16xi32>, vector<16xi32>], vector<16xf32>,
      %parallel_loop3A_1257 = arith.index_cast %parallel_loop3A_1254 : i32 to index
      %parallel_loop3A_1258 = arith.constant 0 : index
      %parallel_loop3A_1259 = tpu.vector_load %arg12[%parallel_loop3A_1257, %parallel_loop3A_1258] {strides = array<i32>} : memref<80x128xf32, #tpu.memory_space<vmem>>, vector<16xf32>,
      %parallel_loop3A_1260 = arith.mulf %parallel_loop3A_1259, %parallel_loop3A_1256 : vector<16xf32>
      %parallel_loop3A_1261 = arith.index_cast %parallel_loop3A_1254 : i32 to index
      %parallel_loop3A_1262 = arith.constant 0 : index
      %parallel_loop3A_1263 = tpu.vector_load %arg12[%parallel_loop3A_1261, %parallel_loop3A_1262] {strides = array<i32>} : memref<80x128xf32, #tpu.memory_space<vmem>>, vector<16xf32>,
      tpu.vector_store %arg12[%parallel_loop3A_1261, %parallel_loop3A_1262], %parallel_loop3A_1260 {strides = array<i32>} : memref<80x128xf32, #tpu.memory_space<vmem>>, vector<16xf32>,
      %parallel_loop3A_1264 = arith.index_cast %parallel_loop3A_1254 : i32 to index
      %parallel_loop3A_1265 = arith.constant 16 : index
      %parallel_loop3A_1266 = tpu.vector_load %arg12[%parallel_loop3A_1264, %parallel_loop3A_1265] {strides = array<i32>} : memref<80x128xf32, #tpu.memory_space<vmem>>, vector<16xf32>,
      %parallel_loop3A_1267 = arith.mulf %parallel_loop3A_1266, %parallel_loop3A_1256 : vector<16xf32>
      %parallel_loop3A_1268 = arith.index_cast %parallel_loop3A_1254 : i32 to index
      %parallel_loop3A_1269 = arith.constant 16 : index
      %parallel_loop3A_1270 = tpu.vector_load %arg12[%parallel_loop3A_1268, %parallel_loop3A_1269] {strides = array<i32>} : memref<80x128xf32, #tpu.memory_space<vmem>>, vector<16xf32>,
      tpu.vector_store %arg12[%parallel_loop3A_1268, %parallel_loop3A_1269], %parallel_loop3A_1267 {strides = array<i32>} : memref<80x128xf32, #tpu.memory_space<vmem>>, vector<16xf32>,
      %parallel_loop3A_1271 = arith.index_cast %parallel_loop3A_1254 : i32 to index
      %parallel_loop3A_1272 = arith.constant 32 : index
      %parallel_loop3A_1273 = tpu.vector_load %arg12[%parallel_loop3A_1271, %parallel_loop3A_1272] {strides = array<i32>} : memref<80x128xf32, #tpu.memory_space<vmem>>, vector<16xf32>,
      %parallel_loop3A_1274 = arith.mulf %parallel_loop3A_1273, %parallel_loop3A_1256 : vector<16xf32>
      %parallel_loop3A_1275 = arith.index_cast %parallel_loop3A_1254 : i32 to index
      %parallel_loop3A_1276 = arith.constant 32 : index
      %parallel_loop3A_1277 = tpu.vector_load %arg12[%parallel_loop3A_1275, %parallel_loop3A_1276] {strides = array<i32>} : memref<80x128xf32, #tpu.memory_space<vmem>>, vector<16xf32>,
      tpu.vector_store %arg12[%parallel_loop3A_1275, %parallel_loop3A_1276], %parallel_loop3A_1274 {strides = array<i32>} : memref<80x128xf32, #tpu.memory_space<vmem>>, vector<16xf32>,
      %parallel_loop3A_1278 = arith.index_cast %parallel_loop3A_1254 : i32 to index
      %parallel_loop3A_1279 = arith.constant 48 : index
      %parallel_loop3A_1280 = tpu.vector_load %arg12[%parallel_loop3A_1278, %parallel_loop3A_1279] {strides = array<i32>} : memref<80x128xf32, #tpu.memory_space<vmem>>, vector<16xf32>,
      %parallel_loop3A_1281 = arith.mulf %parallel_loop3A_1280, %parallel_loop3A_1256 : vector<16xf32>
      %parallel_loop3A_1282 = arith.index_cast %parallel_loop3A_1254 : i32 to index
      %parallel_loop3A_1283 = arith.constant 48 : index
      %parallel_loop3A_1284 = tpu.vector_load %arg12[%parallel_loop3A_1282, %parallel_loop3A_1283] {strides = array<i32>} : memref<80x128xf32, #tpu.memory_space<vmem>>, vector<16xf32>,
      tpu.vector_store %arg12[%parallel_loop3A_1282, %parallel_loop3A_1283], %parallel_loop3A_1281 {strides = array<i32>} : memref<80x128xf32, #tpu.memory_space<vmem>>, vector<16xf32>,
      %parallel_loop3A_1285 = arith.index_cast %parallel_loop3A_1254 : i32 to index
      %parallel_loop3A_1286 = arith.constant 64 : index
      %parallel_loop3A_1287 = tpu.vector_load %arg12[%parallel_loop3A_1285, %parallel_loop3A_1286] {strides = array<i32>} : memref<80x128xf32, #tpu.memory_space<vmem>>, vector<16xf32>,
      %parallel_loop3A_1288 = arith.mulf %parallel_loop3A_1287, %parallel_loop3A_1256 : vector<16xf32>
      %parallel_loop3A_1289 = arith.index_cast %parallel_loop3A_1254 : i32 to index
      %parallel_loop3A_1290 = arith.constant 64 : index
      %parallel_loop3A_1291 = tpu.vector_load %arg12[%parallel_loop3A_1289, %parallel_loop3A_1290] {strides = array<i32>} : memref<80x128xf32, #tpu.memory_space<vmem>>, vector<16xf32>,
      tpu.vector_store %arg12[%parallel_loop3A_1289, %parallel_loop3A_1290], %parallel_loop3A_1288 {strides = array<i32>} : memref<80x128xf32, #tpu.memory_space<vmem>>, vector<16xf32>,
      %parallel_loop3A_1292 = arith.index_cast %parallel_loop3A_1254 : i32 to index
      %parallel_loop3A_1293 = arith.constant 80 : index
      %parallel_loop3A_1294 = tpu.vector_load %arg12[%parallel_loop3A_1292, %parallel_loop3A_1293] {strides = array<i32>} : memref<80x128xf32, #tpu.memory_space<vmem>>, vector<16xf32>,
      %parallel_loop3A_1295 = arith.mulf %parallel_loop3A_1294, %parallel_loop3A_1256 : vector<16xf32>
      %parallel_loop3A_1296 = arith.index_cast %parallel_loop3A_1254 : i32 to index
      %parallel_loop3A_1297 = arith.constant 80 : index
      %parallel_loop3A_1298 = tpu.vector_load %arg12[%parallel_loop3A_1296, %parallel_loop3A_1297] {strides = array<i32>} : memref<80x128xf32, #tpu.memory_space<vmem>>, vector<16xf32>,
      tpu.vector_store %arg12[%parallel_loop3A_1296, %parallel_loop3A_1297], %parallel_loop3A_1295 {strides = array<i32>} : memref<80x128xf32, #tpu.memory_space<vmem>>, vector<16xf32>,
      %parallel_loop3A_1299 = arith.index_cast %parallel_loop3A_1254 : i32 to index
      %parallel_loop3A_1300 = arith.constant 96 : index
      %parallel_loop3A_1301 = tpu.vector_load %arg12[%parallel_loop3A_1299, %parallel_loop3A_1300] {strides = array<i32>} : memref<80x128xf32, #tpu.memory_space<vmem>>, vector<16xf32>,
      %parallel_loop3A_1302 = arith.mulf %parallel_loop3A_1301, %parallel_loop3A_1256 : vector<16xf32>
      %parallel_loop3A_1303 = arith.index_cast %parallel_loop3A_1254 : i32 to index
      %parallel_loop3A_1304 = arith.constant 96 : index
      %parallel_loop3A_1305 = tpu.vector_load %arg12[%parallel_loop3A_1303, %parallel_loop3A_1304] {strides = array<i32>} : memref<80x128xf32, #tpu.memory_space<vmem>>, vector<16xf32>,
      tpu.vector_store %arg12[%parallel_loop3A_1303, %parallel_loop3A_1304], %parallel_loop3A_1302 {strides = array<i32>} : memref<80x128xf32, #tpu.memory_space<vmem>>, vector<16xf32>,
      %parallel_loop3A_1306 = arith.index_cast %parallel_loop3A_1254 : i32 to index
      %parallel_loop3A_1307 = arith.constant 112 : index
      %parallel_loop3A_1308 = tpu.vector_load %arg12[%parallel_loop3A_1306, %parallel_loop3A_1307] {strides = array<i32>} : memref<80x128xf32, #tpu.memory_space<vmem>>, vector<16xf32>,
      %parallel_loop3A_1309 = arith.mulf %parallel_loop3A_1308, %parallel_loop3A_1256 : vector<16xf32>
      %parallel_loop3A_1310 = arith.index_cast %parallel_loop3A_1254 : i32 to index
      %parallel_loop3A_1311 = arith.constant 112 : index
      %parallel_loop3A_1312 = tpu.vector_load %arg12[%parallel_loop3A_1310, %parallel_loop3A_1311] {strides = array<i32>} : memref<80x128xf32, #tpu.memory_space<vmem>>, vector<16xf32>,
      tpu.vector_store %arg12[%parallel_loop3A_1310, %parallel_loop3A_1311], %parallel_loop3A_1309 {strides = array<i32>} : memref<80x128xf32, #tpu.memory_space<vmem>>, vector<16xf32>,
    } {sc.loop_unroll_factor = 2 : i64, sc.parallel_access}
    %add3A_826 = arith.constant 9600 : i32
    %add3A_827 = arith.addi %mul3A_10, %add3A_826 : i32
    %dma_wait3A_828 = arith.constant 0 : i32
    %dma_wait3A_829 = arith.constant 0 : i32
    %dma_wait3A_830 = arith.constant 0 : i32
    %dma_wait3A_831 = tpu.memref_slice %arg10[%dma_wait3A_828, %dma_wait3A_830] : memref<8x80xi32, #tpu.memory_space<vmem>> -> memref<1x80xi32, #tpu.memory_space<vmem>>
    %dma_wait3A_832 = tpu.memref_squeeze %dma_wait3A_831 : memref<1x80xi32, #tpu.memory_space<vmem>> -> memref<80xi32, #tpu.memory_space<vmem>>
    %dma_wait3A_833 = tpu.memref_slice %arg3[%add3A_827] : memref<640000xi32, #tpu.memory_space<hbm>> -> memref<80xi32, #tpu.memory_space<hbm>>
    %dma_wait3A_834 = tpu.memref_slice %arg17[%dma_wait3A_829] : memref<4x!tpu.dma_semaphore, #tpu.memory_space<semaphore_mem>> -> memref<1x!tpu.dma_semaphore, #tpu.memory_space<semaphore_mem>>
    %dma_wait3A_835 = tpu.memref_squeeze %dma_wait3A_834 : memref<1x!tpu.dma_semaphore, #tpu.memory_space<semaphore_mem>> -> memref<!tpu.dma_semaphore, #tpu.memory_space<semaphore_mem>>
    %dma_wait3A_836 = arith.constant 0 : i32
    %dma_wait3A_837 = tpu.memref_slice %arg10[%dma_wait3A_828, %dma_wait3A_836] : memref<8x80xi32, #tpu.memory_space<vmem>> -> memref<1x80xi32, #tpu.memory_space<vmem>>
    %dma_wait3A_838 = tpu.memref_squeeze %dma_wait3A_837 : memref<1x80xi32, #tpu.memory_space<vmem>> -> memref<80xi32, #tpu.memory_space<vmem>>
    %dma_wait3A_839 = tpu.memref_slice %arg3[%add3A_827] : memref<640000xi32, #tpu.memory_space<hbm>> -> memref<80xi32, #tpu.memory_space<hbm>>
    tpu.wait_dma2 semaphore(%dma_wait3A_835 : memref<!tpu.dma_semaphore, #tpu.memory_space<semaphore_mem>>) src(%dma_wait3A_839 : memref<80xi32, #tpu.memory_space<hbm>>) dst(%dma_wait3A_838 : memref<80xi32, #tpu.memory_space<vmem>>)
    %dma_start3A_840 = arith.constant 0 : i32
    %dma_start3A_841 = arith.constant 0 : i32
    %dma_start3A_842 = arith.constant 0 : i32
    %dma_start3A_843 = tpu.memref_slice %arg10[%dma_start3A_840, %dma_start3A_842] : memref<8x80xi32, #tpu.memory_space<vmem>> -> memref<1x80xi32, #tpu.memory_space<vmem>>
    %dma_start3A_844 = tpu.memref_squeeze %dma_start3A_843 : memref<1x80xi32, #tpu.memory_space<vmem>> -> memref<80xi32, #tpu.memory_space<vmem>>
    %dma_start3A_845 = arith.constant 0 : i32
    %dma_start3A_846 = arith.constant 0 : i32
    %dma_start3A_847 = tpu.memref_slice %arg8[%dma_start3A_845, %dma_start3A_846] : memref<10000x128xf32, #tpu.memory_space<vmem_shared>> -> memref<10000x128xf32, #tpu.memory_space<vmem_shared>>
    %dma_start3A_848 = tpu.memref_slice %arg20[%dma_start3A_841] : memref<4x!tpu.dma_semaphore, #tpu.memory_space<semaphore_mem>> -> memref<1x!tpu.dma_semaphore, #tpu.memory_space<semaphore_mem>>
    %dma_start3A_849 = tpu.memref_squeeze %dma_start3A_848 : memref<1x!tpu.dma_semaphore, #tpu.memory_space<semaphore_mem>> -> memref<!tpu.dma_semaphore, #tpu.memory_space<semaphore_mem>>
    tpu.enqueue_indirect_dma source(%arg12 : memref<80x128xf32, #tpu.memory_space<vmem>>) target(%dma_start3A_847 : memref<10000x128xf32, #tpu.memory_space<vmem_shared>>) offsets(%dma_start3A_844 : memref<80xi32, #tpu.memory_space<vmem>>) semaphore(%dma_start3A_849 : memref<!tpu.dma_semaphore, #tpu.memory_space<semaphore_mem>>) {add = true}
    %add3A_850 = arith.constant 320000 : i32
    %add3A_851 = arith.addi %add3A_850, %mul3A_10 : i32
    %add3A_852 = arith.constant 9920 : i32
    %add3A_853 = arith.addi %add3A_851, %add3A_852 : i32
    %dma_start3A_854 = arith.constant 0 : i32
    %dma_start3A_855 = arith.constant 0 : i32
    %dma_start3A_856 = arith.constant 0 : i32
    %dma_start3A_857 = tpu.memref_slice %arg9[%dma_start3A_854, %dma_start3A_856] : memref<4x80xi32, #tpu.memory_space<vmem>> -> memref<1x80xi32, #tpu.memory_space<vmem>>
    %dma_start3A_858 = tpu.memref_squeeze %dma_start3A_857 : memref<1x80xi32, #tpu.memory_space<vmem>> -> memref<80xi32, #tpu.memory_space<vmem>>
    %dma_start3A_859 = tpu.memref_slice %arg3[%add3A_853] : memref<640000xi32, #tpu.memory_space<hbm>> -> memref<80xi32, #tpu.memory_space<hbm>>
    %dma_start3A_860 = tpu.memref_slice %arg16[%dma_start3A_855] : memref<4x!tpu.dma_semaphore, #tpu.memory_space<semaphore_mem>> -> memref<1x!tpu.dma_semaphore, #tpu.memory_space<semaphore_mem>>
    %dma_start3A_861 = tpu.memref_squeeze %dma_start3A_860 : memref<1x!tpu.dma_semaphore, #tpu.memory_space<semaphore_mem>> -> memref<!tpu.dma_semaphore, #tpu.memory_space<semaphore_mem>>
    %dma_start3A_862 = arith.constant 0 : i32
    %dma_start3A_863 = tpu.memref_slice %arg9[%dma_start3A_854, %dma_start3A_862] : memref<4x80xi32, #tpu.memory_space<vmem>> -> memref<1x80xi32, #tpu.memory_space<vmem>>
    %dma_start3A_864 = tpu.memref_squeeze %dma_start3A_863 : memref<1x80xi32, #tpu.memory_space<vmem>> -> memref<80xi32, #tpu.memory_space<vmem>>
    %dma_start3A_865 = tpu.memref_slice %arg3[%add3A_853] : memref<640000xi32, #tpu.memory_space<hbm>> -> memref<80xi32, #tpu.memory_space<hbm>>
    tpu.enqueue_dma source(%dma_start3A_865 : memref<80xi32, #tpu.memory_space<hbm>>) target(%dma_start3A_864 : memref<80xi32, #tpu.memory_space<vmem>>) target_semaphore(%dma_start3A_861 : memref<!tpu.dma_semaphore, #tpu.memory_space<semaphore_mem>>)
    %add3A_866 = arith.constant 9920 : i32
    %add3A_867 = arith.addi %mul3A_10, %add3A_866 : i32
    %dma_start3A_868 = arith.constant 4 : i32
    %dma_start3A_869 = arith.constant 0 : i32
    %dma_start3A_870 = arith.constant 0 : i32
    %dma_start3A_871 = tpu.memref_slice %arg10[%dma_start3A_868, %dma_start3A_870] : memref<8x80xi32, #tpu.memory_space<vmem>> -> memref<1x80xi32, #tpu.memory_space<vmem>>
    %dma_start3A_872 = tpu.memref_squeeze %dma_start3A_871 : memref<1x80xi32, #tpu.memory_space<vmem>> -> memref<80xi32, #tpu.memory_space<vmem>>
    %dma_start3A_873 = tpu.memref_slice %arg3[%add3A_867] : memref<640000xi32, #tpu.memory_space<hbm>> -> memref<80xi32, #tpu.memory_space<hbm>>
    %dma_start3A_874 = tpu.memref_slice %arg17[%dma_start3A_869] : memref<4x!tpu.dma_semaphore, #tpu.memory_space<semaphore_mem>> -> memref<1x!tpu.dma_semaphore, #tpu.memory_space<semaphore_mem>>
    %dma_start3A_875 = tpu.memref_squeeze %dma_start3A_874 : memref<1x!tpu.dma_semaphore, #tpu.memory_space<semaphore_mem>> -> memref<!tpu.dma_semaphore, #tpu.memory_space<semaphore_mem>>
    %dma_start3A_876 = arith.constant 0 : i32
    %dma_start3A_877 = tpu.memref_slice %arg10[%dma_start3A_868, %dma_start3A_876] : memref<8x80xi32, #tpu.memory_space<vmem>> -> memref<1x80xi32, #tpu.memory_space<vmem>>
    %dma_start3A_878 = tpu.memref_squeeze %dma_start3A_877 : memref<1x80xi32, #tpu.memory_space<vmem>> -> memref<80xi32, #tpu.memory_space<vmem>>
    %dma_start3A_879 = tpu.memref_slice %arg3[%add3A_867] : memref<640000xi32, #tpu.memory_space<hbm>> -> memref<80xi32, #tpu.memory_space<hbm>>
    tpu.enqueue_dma source(%dma_start3A_879 : memref<80xi32, #tpu.memory_space<hbm>>) target(%dma_start3A_878 : memref<80xi32, #tpu.memory_space<vmem>>) target_semaphore(%dma_start3A_875 : memref<!tpu.dma_semaphore, #tpu.memory_space<semaphore_mem>>)
    %add3A_880 = arith.constant 9920 : i32
    %add3A_881 = arith.addi %mul3A_10, %add3A_880 : i32
    %dma_start3A_882 = arith.constant 0 : i32
    %dma_start3A_883 = arith.constant 0 : i32
    %dma_start3A_884 = arith.constant 0 : i32
    %dma_start3A_885 = tpu.memref_slice %arg11[%dma_start3A_882, %dma_start3A_884] : memref<4x80xf32, #tpu.memory_space<vmem>> -> memref<1x80xf32, #tpu.memory_space<vmem>>
    %dma_start3A_886 = tpu.memref_squeeze %dma_start3A_885 : memref<1x80xf32, #tpu.memory_space<vmem>> -> memref<80xf32, #tpu.memory_space<vmem>>
    %dma_start3A_887 = tpu.memref_slice %arg4[%add3A_881] : memref<320000xf32, #tpu.memory_space<hbm>> -> memref<80xf32, #tpu.memory_space<hbm>>
    %dma_start3A_888 = tpu.memref_slice %arg18[%dma_start3A_883] : memref<4x!tpu.dma_semaphore, #tpu.memory_space<semaphore_mem>> -> memref<1x!tpu.dma_semaphore, #tpu.memory_space<semaphore_mem>>
    %dma_start3A_889 = tpu.memref_squeeze %dma_start3A_888 : memref<1x!tpu.dma_semaphore, #tpu.memory_space<semaphore_mem>> -> memref<!tpu.dma_semaphore, #tpu.memory_space<semaphore_mem>>
    %dma_start3A_890 = arith.constant 0 : i32
    %dma_start3A_891 = tpu.memref_slice %arg11[%dma_start3A_882, %dma_start3A_890] : memref<4x80xf32, #tpu.memory_space<vmem>> -> memref<1x80xf32, #tpu.memory_space<vmem>>
    %dma_start3A_892 = tpu.memref_squeeze %dma_start3A_891 : memref<1x80xf32, #tpu.memory_space<vmem>> -> memref<80xf32, #tpu.memory_space<vmem>>
    %dma_start3A_893 = tpu.memref_slice %arg4[%add3A_881] : memref<320000xf32, #tpu.memory_space<hbm>> -> memref<80xf32, #tpu.memory_space<hbm>>
    tpu.enqueue_dma source(%dma_start3A_893 : memref<80xf32, #tpu.memory_space<hbm>>) target(%dma_start3A_892 : memref<80xf32, #tpu.memory_space<vmem>>) target_semaphore(%dma_start3A_889 : memref<!tpu.dma_semaphore, #tpu.memory_space<semaphore_mem>>)
    %dma_wait3A_894 = arith.constant 7 : i32
    %dma_wait3A_895 = arith.constant 3 : i32
    %dma_wait3A_896 = arith.constant 0 : i32
    %dma_wait3A_897 = tpu.memref_slice %arg10[%dma_wait3A_894, %dma_wait3A_896] : memref<8x80xi32, #tpu.memory_space<vmem>> -> memref<1x80xi32, #tpu.memory_space<vmem>>
    %dma_wait3A_898 = tpu.memref_squeeze %dma_wait3A_897 : memref<1x80xi32, #tpu.memory_space<vmem>> -> memref<80xi32, #tpu.memory_space<vmem>>
    %dma_wait3A_899 = arith.constant 0 : i32
    %dma_wait3A_900 = arith.constant 0 : i32
    %dma_wait3A_901 = tpu.memref_slice %arg8[%dma_wait3A_899, %dma_wait3A_900] : memref<10000x128xf32, #tpu.memory_space<vmem_shared>> -> memref<10000x128xf32, #tpu.memory_space<vmem_shared>>
    %dma_wait3A_902 = tpu.memref_slice %arg20[%dma_wait3A_895] : memref<4x!tpu.dma_semaphore, #tpu.memory_space<semaphore_mem>> -> memref<1x!tpu.dma_semaphore, #tpu.memory_space<semaphore_mem>>
    %dma_wait3A_903 = tpu.memref_squeeze %dma_wait3A_902 : memref<1x!tpu.dma_semaphore, #tpu.memory_space<semaphore_mem>> -> memref<!tpu.dma_semaphore, #tpu.memory_space<semaphore_mem>>
    tpu.wait_indirect_dma semaphore(%dma_wait3A_903 : memref<!tpu.dma_semaphore, #tpu.memory_space<semaphore_mem>>) src(%arg15 : memref<80x128xf32, #tpu.memory_space<vmem>>) dst(%dma_wait3A_901 : memref<10000x128xf32, #tpu.memory_space<vmem_shared>>)
    %add3A_904 = arith.constant 320000 : i32
    %add3A_905 = arith.addi %add3A_904, %mul3A_10 : i32
    %add3A_906 = arith.constant 9840 : i32
    %add3A_907 = arith.addi %add3A_905, %add3A_906 : i32
    %dma_wait3A_908 = arith.constant 3 : i32
    %dma_wait3A_909 = arith.constant 3 : i32
    %dma_wait3A_910 = arith.constant 0 : i32
    %dma_wait3A_911 = tpu.memref_slice %arg9[%dma_wait3A_908, %dma_wait3A_910] : memref<4x80xi32, #tpu.memory_space<vmem>> -> memref<1x80xi32, #tpu.memory_space<vmem>>
    %dma_wait3A_912 = tpu.memref_squeeze %dma_wait3A_911 : memref<1x80xi32, #tpu.memory_space<vmem>> -> memref<80xi32, #tpu.memory_space<vmem>>
    %dma_wait3A_913 = tpu.memref_slice %arg3[%add3A_907] : memref<640000xi32, #tpu.memory_space<hbm>> -> memref<80xi32, #tpu.memory_space<hbm>>
    %dma_wait3A_914 = tpu.memref_slice %arg16[%dma_wait3A_909] : memref<4x!tpu.dma_semaphore, #tpu.memory_space<semaphore_mem>> -> memref<1x!tpu.dma_semaphore, #tpu.memory_space<semaphore_mem>>
    %dma_wait3A_915 = tpu.memref_squeeze %dma_wait3A_914 : memref<1x!tpu.dma_semaphore, #tpu.memory_space<semaphore_mem>> -> memref<!tpu.dma_semaphore, #tpu.memory_space<semaphore_mem>>
    %dma_wait3A_916 = arith.constant 0 : i32
    %dma_wait3A_917 = tpu.memref_slice %arg9[%dma_wait3A_908, %dma_wait3A_916] : memref<4x80xi32, #tpu.memory_space<vmem>> -> memref<1x80xi32, #tpu.memory_space<vmem>>
    %dma_wait3A_918 = tpu.memref_squeeze %dma_wait3A_917 : memref<1x80xi32, #tpu.memory_space<vmem>> -> memref<80xi32, #tpu.memory_space<vmem>>
    %dma_wait3A_919 = tpu.memref_slice %arg3[%add3A_907] : memref<640000xi32, #tpu.memory_space<hbm>> -> memref<80xi32, #tpu.memory_space<hbm>>
    tpu.wait_dma2 semaphore(%dma_wait3A_915 : memref<!tpu.dma_semaphore, #tpu.memory_space<semaphore_mem>>) src(%dma_wait3A_919 : memref<80xi32, #tpu.memory_space<hbm>>) dst(%dma_wait3A_918 : memref<80xi32, #tpu.memory_space<vmem>>)
    %dma_start3A_920 = arith.constant 3 : i32
    %dma_start3A_921 = arith.constant 3 : i32
    %dma_start3A_922 = arith.constant 0 : i32
    %dma_start3A_923 = tpu.memref_slice %arg9[%dma_start3A_920, %dma_start3A_922] : memref<4x80xi32, #tpu.memory_space<vmem>> -> memref<1x80xi32, #tpu.memory_space<vmem>>
    %dma_start3A_924 = tpu.memref_squeeze %dma_start3A_923 : memref<1x80xi32, #tpu.memory_space<vmem>> -> memref<80xi32, #tpu.memory_space<vmem>>
    %dma_start3A_925 = arith.constant 0 : i32
    %dma_start3A_926 = arith.constant 0 : i32
    %dma_start3A_927 = tpu.memref_slice %arg2[%dma_start3A_925, %dma_start3A_926] : memref<10000x128xf32, #tpu.memory_space<hbm>> -> memref<10000x128xf32, #tpu.memory_space<hbm>>
    %dma_start3A_928 = tpu.memref_slice %arg19[%dma_start3A_921] : memref<4x!tpu.dma_semaphore, #tpu.memory_space<semaphore_mem>> -> memref<1x!tpu.dma_semaphore, #tpu.memory_space<semaphore_mem>>
    %dma_start3A_929 = tpu.memref_squeeze %dma_start3A_928 : memref<1x!tpu.dma_semaphore, #tpu.memory_space<semaphore_mem>> -> memref<!tpu.dma_semaphore, #tpu.memory_space<semaphore_mem>>
    tpu.enqueue_indirect_dma source(%dma_start3A_927 : memref<10000x128xf32, #tpu.memory_space<hbm>>) target(%arg15 : memref<80x128xf32, #tpu.memory_space<vmem>>) offsets(%dma_start3A_924 : memref<80xi32, #tpu.memory_space<vmem>>) semaphore(%dma_start3A_929 : memref<!tpu.dma_semaphore, #tpu.memory_space<semaphore_mem>>)
    %dma_wait3A_930 = arith.constant 1 : i32
    %dma_wait3A_931 = arith.constant 1 : i32
    %dma_wait3A_932 = arith.constant 0 : i32
    %dma_wait3A_933 = tpu.memref_slice %arg9[%dma_wait3A_930, %dma_wait3A_932] : memref<4x80xi32, #tpu.memory_space<vmem>> -> memref<1x80xi32, #tpu.memory_space<vmem>>
    %dma_wait3A_934 = tpu.memref_squeeze %dma_wait3A_933 : memref<1x80xi32, #tpu.memory_space<vmem>> -> memref<80xi32, #tpu.memory_space<vmem>>
    %dma_wait3A_935 = arith.constant 0 : i32
    %dma_wait3A_936 = arith.constant 0 : i32
    %dma_wait3A_937 = tpu.memref_slice %arg2[%dma_wait3A_935, %dma_wait3A_936] : memref<10000x128xf32, #tpu.memory_space<hbm>> -> memref<10000x128xf32, #tpu.memory_space<hbm>>
    %dma_wait3A_938 = tpu.memref_slice %arg19[%dma_wait3A_931] : memref<4x!tpu.dma_semaphore, #tpu.memory_space<semaphore_mem>> -> memref<1x!tpu.dma_semaphore, #tpu.memory_space<semaphore_mem>>
    %dma_wait3A_939 = tpu.memref_squeeze %dma_wait3A_938 : memref<1x!tpu.dma_semaphore, #tpu.memory_space<semaphore_mem>> -> memref<!tpu.dma_semaphore, #tpu.memory_space<semaphore_mem>>
    tpu.wait_indirect_dma semaphore(%dma_wait3A_939 : memref<!tpu.dma_semaphore, #tpu.memory_space<semaphore_mem>>) src(%dma_wait3A_937 : memref<10000x128xf32, #tpu.memory_space<hbm>>) dst(%arg13 : memref<80x128xf32, #tpu.memory_space<vmem>>)
    %add3A_940 = arith.constant 9680 : i32
    %add3A_941 = arith.addi %mul3A_10, %add3A_940 : i32
    %dma_wait3A_942 = arith.constant 1 : i32
    %dma_wait3A_943 = arith.constant 1 : i32
    %dma_wait3A_944 = arith.constant 0 : i32
    %dma_wait3A_945 = tpu.memref_slice %arg11[%dma_wait3A_942, %dma_wait3A_944] : memref<4x80xf32, #tpu.memory_space<vmem>> -> memref<1x80xf32, #tpu.memory_space<vmem>>
    %dma_wait3A_946 = tpu.memref_squeeze %dma_wait3A_945 : memref<1x80xf32, #tpu.memory_space<vmem>> -> memref<80xf32, #tpu.memory_space<vmem>>
    %dma_wait3A_947 = tpu.memref_slice %arg4[%add3A_941] : memref<320000xf32, #tpu.memory_space<hbm>> -> memref<80xf32, #tpu.memory_space<hbm>>
    %dma_wait3A_948 = tpu.memref_slice %arg18[%dma_wait3A_943] : memref<4x!tpu.dma_semaphore, #tpu.memory_space<semaphore_mem>> -> memref<1x!tpu.dma_semaphore, #tpu.memory_space<semaphore_mem>>
    %dma_wait3A_949 = tpu.memref_squeeze %dma_wait3A_948 : memref<1x!tpu.dma_semaphore, #tpu.memory_space<semaphore_mem>> -> memref<!tpu.dma_semaphore, #tpu.memory_space<semaphore_mem>>
    %dma_wait3A_950 = arith.constant 0 : i32
    %dma_wait3A_951 = tpu.memref_slice %arg11[%dma_wait3A_942, %dma_wait3A_950] : memref<4x80xf32, #tpu.memory_space<vmem>> -> memref<1x80xf32, #tpu.memory_space<vmem>>
    %dma_wait3A_952 = tpu.memref_squeeze %dma_wait3A_951 : memref<1x80xf32, #tpu.memory_space<vmem>> -> memref<80xf32, #tpu.memory_space<vmem>>
    %dma_wait3A_953 = tpu.memref_slice %arg4[%add3A_941] : memref<320000xf32, #tpu.memory_space<hbm>> -> memref<80xf32, #tpu.memory_space<hbm>>
    tpu.wait_dma2 semaphore(%dma_wait3A_949 : memref<!tpu.dma_semaphore, #tpu.memory_space<semaphore_mem>>) src(%dma_wait3A_953 : memref<80xf32, #tpu.memory_space<hbm>>) dst(%dma_wait3A_952 : memref<80xf32, #tpu.memory_space<vmem>>)
    %broadcast_in_dim3A_954 = arith.constant 1 : i32
    %broadcast_in_dim3A_955 = vector.broadcast %broadcast_in_dim3A_954 : i32 to vector<16xi32>
    %parallel_loop3A_956 = arith.constant 0 : i32
    %parallel_loop3A_957 = arith.constant 80 : i32
    %parallel_loop3A_958 = arith.constant 1 : i32
    scf.for %parallel_loop3A_1254 = %parallel_loop3A_956 to %parallel_loop3A_957 step %parallel_loop3A_958  : i32 {
      %parallel_loop3A_1255 = vector.broadcast %parallel_loop3A_1254 : i32 to vector<16xi32>
      %parallel_loop3A_1256 = tpu.vector_load_idx %arg11[%broadcast_in_dim3A_955, %parallel_loop3A_1255] : memref<4x80xf32, #tpu.memory_space<vmem>>[vector<16xi32>, vector<16xi32>], vector<16xf32>,
      %parallel_loop3A_1257 = arith.index_cast %parallel_loop3A_1254 : i32 to index
      %parallel_loop3A_1258 = arith.constant 0 : index
      %parallel_loop3A_1259 = tpu.vector_load %arg13[%parallel_loop3A_1257, %parallel_loop3A_1258] {strides = array<i32>} : memref<80x128xf32, #tpu.memory_space<vmem>>, vector<16xf32>,
      %parallel_loop3A_1260 = arith.mulf %parallel_loop3A_1259, %parallel_loop3A_1256 : vector<16xf32>
      %parallel_loop3A_1261 = arith.index_cast %parallel_loop3A_1254 : i32 to index
      %parallel_loop3A_1262 = arith.constant 0 : index
      %parallel_loop3A_1263 = tpu.vector_load %arg13[%parallel_loop3A_1261, %parallel_loop3A_1262] {strides = array<i32>} : memref<80x128xf32, #tpu.memory_space<vmem>>, vector<16xf32>,
      tpu.vector_store %arg13[%parallel_loop3A_1261, %parallel_loop3A_1262], %parallel_loop3A_1260 {strides = array<i32>} : memref<80x128xf32, #tpu.memory_space<vmem>>, vector<16xf32>,
      %parallel_loop3A_1264 = arith.index_cast %parallel_loop3A_1254 : i32 to index
      %parallel_loop3A_1265 = arith.constant 16 : index
      %parallel_loop3A_1266 = tpu.vector_load %arg13[%parallel_loop3A_1264, %parallel_loop3A_1265] {strides = array<i32>} : memref<80x128xf32, #tpu.memory_space<vmem>>, vector<16xf32>,
      %parallel_loop3A_1267 = arith.mulf %parallel_loop3A_1266, %parallel_loop3A_1256 : vector<16xf32>
      %parallel_loop3A_1268 = arith.index_cast %parallel_loop3A_1254 : i32 to index
      %parallel_loop3A_1269 = arith.constant 16 : index
      %parallel_loop3A_1270 = tpu.vector_load %arg13[%parallel_loop3A_1268, %parallel_loop3A_1269] {strides = array<i32>} : memref<80x128xf32, #tpu.memory_space<vmem>>, vector<16xf32>,
      tpu.vector_store %arg13[%parallel_loop3A_1268, %parallel_loop3A_1269], %parallel_loop3A_1267 {strides = array<i32>} : memref<80x128xf32, #tpu.memory_space<vmem>>, vector<16xf32>,
      %parallel_loop3A_1271 = arith.index_cast %parallel_loop3A_1254 : i32 to index
      %parallel_loop3A_1272 = arith.constant 32 : index
      %parallel_loop3A_1273 = tpu.vector_load %arg13[%parallel_loop3A_1271, %parallel_loop3A_1272] {strides = array<i32>} : memref<80x128xf32, #tpu.memory_space<vmem>>, vector<16xf32>,
      %parallel_loop3A_1274 = arith.mulf %parallel_loop3A_1273, %parallel_loop3A_1256 : vector<16xf32>
      %parallel_loop3A_1275 = arith.index_cast %parallel_loop3A_1254 : i32 to index
      %parallel_loop3A_1276 = arith.constant 32 : index
      %parallel_loop3A_1277 = tpu.vector_load %arg13[%parallel_loop3A_1275, %parallel_loop3A_1276] {strides = array<i32>} : memref<80x128xf32, #tpu.memory_space<vmem>>, vector<16xf32>,
      tpu.vector_store %arg13[%parallel_loop3A_1275, %parallel_loop3A_1276], %parallel_loop3A_1274 {strides = array<i32>} : memref<80x128xf32, #tpu.memory_space<vmem>>, vector<16xf32>,
      %parallel_loop3A_1278 = arith.index_cast %parallel_loop3A_1254 : i32 to index
      %parallel_loop3A_1279 = arith.constant 48 : index
      %parallel_loop3A_1280 = tpu.vector_load %arg13[%parallel_loop3A_1278, %parallel_loop3A_1279] {strides = array<i32>} : memref<80x128xf32, #tpu.memory_space<vmem>>, vector<16xf32>,
      %parallel_loop3A_1281 = arith.mulf %parallel_loop3A_1280, %parallel_loop3A_1256 : vector<16xf32>
      %parallel_loop3A_1282 = arith.index_cast %parallel_loop3A_1254 : i32 to index
      %parallel_loop3A_1283 = arith.constant 48 : index
      %parallel_loop3A_1284 = tpu.vector_load %arg13[%parallel_loop3A_1282, %parallel_loop3A_1283] {strides = array<i32>} : memref<80x128xf32, #tpu.memory_space<vmem>>, vector<16xf32>,
      tpu.vector_store %arg13[%parallel_loop3A_1282, %parallel_loop3A_1283], %parallel_loop3A_1281 {strides = array<i32>} : memref<80x128xf32, #tpu.memory_space<vmem>>, vector<16xf32>,
      %parallel_loop3A_1285 = arith.index_cast %parallel_loop3A_1254 : i32 to index
      %parallel_loop3A_1286 = arith.constant 64 : index
      %parallel_loop3A_1287 = tpu.vector_load %arg13[%parallel_loop3A_1285, %parallel_loop3A_1286] {strides = array<i32>} : memref<80x128xf32, #tpu.memory_space<vmem>>, vector<16xf32>,
      %parallel_loop3A_1288 = arith.mulf %parallel_loop3A_1287, %parallel_loop3A_1256 : vector<16xf32>
      %parallel_loop3A_1289 = arith.index_cast %parallel_loop3A_1254 : i32 to index
      %parallel_loop3A_1290 = arith.constant 64 : index
      %parallel_loop3A_1291 = tpu.vector_load %arg13[%parallel_loop3A_1289, %parallel_loop3A_1290] {strides = array<i32>} : memref<80x128xf32, #tpu.memory_space<vmem>>, vector<16xf32>,
      tpu.vector_store %arg13[%parallel_loop3A_1289, %parallel_loop3A_1290], %parallel_loop3A_1288 {strides = array<i32>} : memref<80x128xf32, #tpu.memory_space<vmem>>, vector<16xf32>,
      %parallel_loop3A_1292 = arith.index_cast %parallel_loop3A_1254 : i32 to index
      %parallel_loop3A_1293 = arith.constant 80 : index
      %parallel_loop3A_1294 = tpu.vector_load %arg13[%parallel_loop3A_1292, %parallel_loop3A_1293] {strides = array<i32>} : memref<80x128xf32, #tpu.memory_space<vmem>>, vector<16xf32>,
      %parallel_loop3A_1295 = arith.mulf %parallel_loop3A_1294, %parallel_loop3A_1256 : vector<16xf32>
      %parallel_loop3A_1296 = arith.index_cast %parallel_loop3A_1254 : i32 to index
      %parallel_loop3A_1297 = arith.constant 80 : index
      %parallel_loop3A_1298 = tpu.vector_load %arg13[%parallel_loop3A_1296, %parallel_loop3A_1297] {strides = array<i32>} : memref<80x128xf32, #tpu.memory_space<vmem>>, vector<16xf32>,
      tpu.vector_store %arg13[%parallel_loop3A_1296, %parallel_loop3A_1297], %parallel_loop3A_1295 {strides = array<i32>} : memref<80x128xf32, #tpu.memory_space<vmem>>, vector<16xf32>,
      %parallel_loop3A_1299 = arith.index_cast %parallel_loop3A_1254 : i32 to index
      %parallel_loop3A_1300 = arith.constant 96 : index
      %parallel_loop3A_1301 = tpu.vector_load %arg13[%parallel_loop3A_1299, %parallel_loop3A_1300] {strides = array<i32>} : memref<80x128xf32, #tpu.memory_space<vmem>>, vector<16xf32>,
      %parallel_loop3A_1302 = arith.mulf %parallel_loop3A_1301, %parallel_loop3A_1256 : vector<16xf32>
      %parallel_loop3A_1303 = arith.index_cast %parallel_loop3A_1254 : i32 to index
      %parallel_loop3A_1304 = arith.constant 96 : index
      %parallel_loop3A_1305 = tpu.vector_load %arg13[%parallel_loop3A_1303, %parallel_loop3A_1304] {strides = array<i32>} : memref<80x128xf32, #tpu.memory_space<vmem>>, vector<16xf32>,
      tpu.vector_store %arg13[%parallel_loop3A_1303, %parallel_loop3A_1304], %parallel_loop3A_1302 {strides = array<i32>} : memref<80x128xf32, #tpu.memory_space<vmem>>, vector<16xf32>,
      %parallel_loop3A_1306 = arith.index_cast %parallel_loop3A_1254 : i32 to index
      %parallel_loop3A_1307 = arith.constant 112 : index
      %parallel_loop3A_1308 = tpu.vector_load %arg13[%parallel_loop3A_1306, %parallel_loop3A_1307] {strides = array<i32>} : memref<80x128xf32, #tpu.memory_space<vmem>>, vector<16xf32>,
      %parallel_loop3A_1309 = arith.mulf %parallel_loop3A_1308, %parallel_loop3A_1256 : vector<16xf32>
      %parallel_loop3A_1310 = arith.index_cast %parallel_loop3A_1254 : i32 to index
      %parallel_loop3A_1311 = arith.constant 112 : index
      %parallel_loop3A_1312 = tpu.vector_load %arg13[%parallel_loop3A_1310, %parallel_loop3A_1311] {strides = array<i32>} : memref<80x128xf32, #tpu.memory_space<vmem>>, vector<16xf32>,
      tpu.vector_store %arg13[%parallel_loop3A_1310, %parallel_loop3A_1311], %parallel_loop3A_1309 {strides = array<i32>} : memref<80x128xf32, #tpu.memory_space<vmem>>, vector<16xf32>,
    } {sc.loop_unroll_factor = 2 : i64, sc.parallel_access}
    %add3A_959 = arith.constant 9680 : i32
    %add3A_960 = arith.addi %mul3A_10, %add3A_959 : i32
    %dma_wait3A_961 = arith.constant 1 : i32
    %dma_wait3A_962 = arith.constant 1 : i32
    %dma_wait3A_963 = arith.constant 0 : i32
    %dma_wait3A_964 = tpu.memref_slice %arg10[%dma_wait3A_961, %dma_wait3A_963] : memref<8x80xi32, #tpu.memory_space<vmem>> -> memref<1x80xi32, #tpu.memory_space<vmem>>
    %dma_wait3A_965 = tpu.memref_squeeze %dma_wait3A_964 : memref<1x80xi32, #tpu.memory_space<vmem>> -> memref<80xi32, #tpu.memory_space<vmem>>
    %dma_wait3A_966 = tpu.memref_slice %arg3[%add3A_960] : memref<640000xi32, #tpu.memory_space<hbm>> -> memref<80xi32, #tpu.memory_space<hbm>>
    %dma_wait3A_967 = tpu.memref_slice %arg17[%dma_wait3A_962] : memref<4x!tpu.dma_semaphore, #tpu.memory_space<semaphore_mem>> -> memref<1x!tpu.dma_semaphore, #tpu.memory_space<semaphore_mem>>
    %dma_wait3A_968 = tpu.memref_squeeze %dma_wait3A_967 : memref<1x!tpu.dma_semaphore, #tpu.memory_space<semaphore_mem>> -> memref<!tpu.dma_semaphore, #tpu.memory_space<semaphore_mem>>
    %dma_wait3A_969 = arith.constant 0 : i32
    %dma_wait3A_970 = tpu.memref_slice %arg10[%dma_wait3A_961, %dma_wait3A_969] : memref<8x80xi32, #tpu.memory_space<vmem>> -> memref<1x80xi32, #tpu.memory_space<vmem>>
    %dma_wait3A_971 = tpu.memref_squeeze %dma_wait3A_970 : memref<1x80xi32, #tpu.memory_space<vmem>> -> memref<80xi32, #tpu.memory_space<vmem>>
    %dma_wait3A_972 = tpu.memref_slice %arg3[%add3A_960] : memref<640000xi32, #tpu.memory_space<hbm>> -> memref<80xi32, #tpu.memory_space<hbm>>
    tpu.wait_dma2 semaphore(%dma_wait3A_968 : memref<!tpu.dma_semaphore, #tpu.memory_space<semaphore_mem>>) src(%dma_wait3A_972 : memref<80xi32, #tpu.memory_space<hbm>>) dst(%dma_wait3A_971 : memref<80xi32, #tpu.memory_space<vmem>>)
    %dma_start3A_973 = arith.constant 1 : i32
    %dma_start3A_974 = arith.constant 1 : i32
    %dma_start3A_975 = arith.constant 0 : i32
    %dma_start3A_976 = tpu.memref_slice %arg10[%dma_start3A_973, %dma_start3A_975] : memref<8x80xi32, #tpu.memory_space<vmem>> -> memref<1x80xi32, #tpu.memory_space<vmem>>
    %dma_start3A_977 = tpu.memref_squeeze %dma_start3A_976 : memref<1x80xi32, #tpu.memory_space<vmem>> -> memref<80xi32, #tpu.memory_space<vmem>>
    %dma_start3A_978 = arith.constant 0 : i32
    %dma_start3A_979 = arith.constant 0 : i32
    %dma_start3A_980 = tpu.memref_slice %arg8[%dma_start3A_978, %dma_start3A_979] : memref<10000x128xf32, #tpu.memory_space<vmem_shared>> -> memref<10000x128xf32, #tpu.memory_space<vmem_shared>>
    %dma_start3A_981 = tpu.memref_slice %arg20[%dma_start3A_974] : memref<4x!tpu.dma_semaphore, #tpu.memory_space<semaphore_mem>> -> memref<1x!tpu.dma_semaphore, #tpu.memory_space<semaphore_mem>>
    %dma_start3A_982 = tpu.memref_squeeze %dma_start3A_981 : memref<1x!tpu.dma_semaphore, #tpu.memory_space<semaphore_mem>> -> memref<!tpu.dma_semaphore, #tpu.memory_space<semaphore_mem>>
    tpu.enqueue_indirect_dma source(%arg13 : memref<80x128xf32, #tpu.memory_space<vmem>>) target(%dma_start3A_980 : memref<10000x128xf32, #tpu.memory_space<vmem_shared>>) offsets(%dma_start3A_977 : memref<80xi32, #tpu.memory_space<vmem>>) semaphore(%dma_start3A_982 : memref<!tpu.dma_semaphore, #tpu.memory_space<semaphore_mem>>) {add = true}
    %dma_wait3A_983 = arith.constant 0 : i32
    %dma_wait3A_984 = arith.constant 0 : i32
    %dma_wait3A_985 = arith.constant 0 : i32
    %dma_wait3A_986 = tpu.memref_slice %arg10[%dma_wait3A_983, %dma_wait3A_985] : memref<8x80xi32, #tpu.memory_space<vmem>> -> memref<1x80xi32, #tpu.memory_space<vmem>>
    %dma_wait3A_987 = tpu.memref_squeeze %dma_wait3A_986 : memref<1x80xi32, #tpu.memory_space<vmem>> -> memref<80xi32, #tpu.memory_space<vmem>>
    %dma_wait3A_988 = arith.constant 0 : i32
    %dma_wait3A_989 = arith.constant 0 : i32
    %dma_wait3A_990 = tpu.memref_slice %arg8[%dma_wait3A_988, %dma_wait3A_989] : memref<10000x128xf32, #tpu.memory_space<vmem_shared>> -> memref<10000x128xf32, #tpu.memory_space<vmem_shared>>
    %dma_wait3A_991 = tpu.memref_slice %arg20[%dma_wait3A_984] : memref<4x!tpu.dma_semaphore, #tpu.memory_space<semaphore_mem>> -> memref<1x!tpu.dma_semaphore, #tpu.memory_space<semaphore_mem>>
    %dma_wait3A_992 = tpu.memref_squeeze %dma_wait3A_991 : memref<1x!tpu.dma_semaphore, #tpu.memory_space<semaphore_mem>> -> memref<!tpu.dma_semaphore, #tpu.memory_space<semaphore_mem>>
    tpu.wait_indirect_dma semaphore(%dma_wait3A_992 : memref<!tpu.dma_semaphore, #tpu.memory_space<semaphore_mem>>) src(%arg12 : memref<80x128xf32, #tpu.memory_space<vmem>>) dst(%dma_wait3A_990 : memref<10000x128xf32, #tpu.memory_space<vmem_shared>>)
    %add3A_993 = arith.constant 320000 : i32
    %add3A_994 = arith.addi %add3A_993, %mul3A_10 : i32
    %add3A_995 = arith.constant 9920 : i32
    %add3A_996 = arith.addi %add3A_994, %add3A_995 : i32
    %dma_wait3A_997 = arith.constant 0 : i32
    %dma_wait3A_998 = arith.constant 0 : i32
    %dma_wait3A_999 = arith.constant 0 : i32
    %dma_wait3A_1000 = tpu.memref_slice %arg9[%dma_wait3A_997, %dma_wait3A_999] : memref<4x80xi32, #tpu.memory_space<vmem>> -> memref<1x80xi32, #tpu.memory_space<vmem>>
    %dma_wait3A_1001 = tpu.memref_squeeze %dma_wait3A_1000 : memref<1x80xi32, #tpu.memory_space<vmem>> -> memref<80xi32, #tpu.memory_space<vmem>>
    %dma_wait3A_1002 = tpu.memref_slice %arg3[%add3A_996] : memref<640000xi32, #tpu.memory_space<hbm>> -> memref<80xi32, #tpu.memory_space<hbm>>
    %dma_wait3A_1003 = tpu.memref_slice %arg16[%dma_wait3A_998] : memref<4x!tpu.dma_semaphore, #tpu.memory_space<semaphore_mem>> -> memref<1x!tpu.dma_semaphore, #tpu.memory_space<semaphore_mem>>
    %dma_wait3A_1004 = tpu.memref_squeeze %dma_wait3A_1003 : memref<1x!tpu.dma_semaphore, #tpu.memory_space<semaphore_mem>> -> memref<!tpu.dma_semaphore, #tpu.memory_space<semaphore_mem>>
    %dma_wait3A_1005 = arith.constant 0 : i32
    %dma_wait3A_1006 = tpu.memref_slice %arg9[%dma_wait3A_997, %dma_wait3A_1005] : memref<4x80xi32, #tpu.memory_space<vmem>> -> memref<1x80xi32, #tpu.memory_space<vmem>>
    %dma_wait3A_1007 = tpu.memref_squeeze %dma_wait3A_1006 : memref<1x80xi32, #tpu.memory_space<vmem>> -> memref<80xi32, #tpu.memory_space<vmem>>
    %dma_wait3A_1008 = tpu.memref_slice %arg3[%add3A_996] : memref<640000xi32, #tpu.memory_space<hbm>> -> memref<80xi32, #tpu.memory_space<hbm>>
    tpu.wait_dma2 semaphore(%dma_wait3A_1004 : memref<!tpu.dma_semaphore, #tpu.memory_space<semaphore_mem>>) src(%dma_wait3A_1008 : memref<80xi32, #tpu.memory_space<hbm>>) dst(%dma_wait3A_1007 : memref<80xi32, #tpu.memory_space<vmem>>)
    %dma_start3A_1009 = arith.constant 0 : i32
    %dma_start3A_1010 = arith.constant 0 : i32
    %dma_start3A_1011 = arith.constant 0 : i32
    %dma_start3A_1012 = tpu.memref_slice %arg9[%dma_start3A_1009, %dma_start3A_1011] : memref<4x80xi32, #tpu.memory_space<vmem>> -> memref<1x80xi32, #tpu.memory_space<vmem>>
    %dma_start3A_1013 = tpu.memref_squeeze %dma_start3A_1012 : memref<1x80xi32, #tpu.memory_space<vmem>> -> memref<80xi32, #tpu.memory_space<vmem>>
    %dma_start3A_1014 = arith.constant 0 : i32
    %dma_start3A_1015 = arith.constant 0 : i32
    %dma_start3A_1016 = tpu.memref_slice %arg2[%dma_start3A_1014, %dma_start3A_1015] : memref<10000x128xf32, #tpu.memory_space<hbm>> -> memref<10000x128xf32, #tpu.memory_space<hbm>>
    %dma_start3A_1017 = tpu.memref_slice %arg19[%dma_start3A_1010] : memref<4x!tpu.dma_semaphore, #tpu.memory_space<semaphore_mem>> -> memref<1x!tpu.dma_semaphore, #tpu.memory_space<semaphore_mem>>
    %dma_start3A_1018 = tpu.memref_squeeze %dma_start3A_1017 : memref<1x!tpu.dma_semaphore, #tpu.memory_space<semaphore_mem>> -> memref<!tpu.dma_semaphore, #tpu.memory_space<semaphore_mem>>
    tpu.enqueue_indirect_dma source(%dma_start3A_1016 : memref<10000x128xf32, #tpu.memory_space<hbm>>) target(%arg12 : memref<80x128xf32, #tpu.memory_space<vmem>>) offsets(%dma_start3A_1013 : memref<80xi32, #tpu.memory_space<vmem>>) semaphore(%dma_start3A_1018 : memref<!tpu.dma_semaphore, #tpu.memory_space<semaphore_mem>>)
    %dma_wait3A_1019 = arith.constant 2 : i32
    %dma_wait3A_1020 = arith.constant 2 : i32
    %dma_wait3A_1021 = arith.constant 0 : i32
    %dma_wait3A_1022 = tpu.memref_slice %arg9[%dma_wait3A_1019, %dma_wait3A_1021] : memref<4x80xi32, #tpu.memory_space<vmem>> -> memref<1x80xi32, #tpu.memory_space<vmem>>
    %dma_wait3A_1023 = tpu.memref_squeeze %dma_wait3A_1022 : memref<1x80xi32, #tpu.memory_space<vmem>> -> memref<80xi32, #tpu.memory_space<vmem>>
    %dma_wait3A_1024 = arith.constant 0 : i32
    %dma_wait3A_1025 = arith.constant 0 : i32
    %dma_wait3A_1026 = tpu.memref_slice %arg2[%dma_wait3A_1024, %dma_wait3A_1025] : memref<10000x128xf32, #tpu.memory_space<hbm>> -> memref<10000x128xf32, #tpu.memory_space<hbm>>
    %dma_wait3A_1027 = tpu.memref_slice %arg19[%dma_wait3A_1020] : memref<4x!tpu.dma_semaphore, #tpu.memory_space<semaphore_mem>> -> memref<1x!tpu.dma_semaphore, #tpu.memory_space<semaphore_mem>>
    %dma_wait3A_1028 = tpu.memref_squeeze %dma_wait3A_1027 : memref<1x!tpu.dma_semaphore, #tpu.memory_space<semaphore_mem>> -> memref<!tpu.dma_semaphore, #tpu.memory_space<semaphore_mem>>
    tpu.wait_indirect_dma semaphore(%dma_wait3A_1028 : memref<!tpu.dma_semaphore, #tpu.memory_space<semaphore_mem>>) src(%dma_wait3A_1026 : memref<10000x128xf32, #tpu.memory_space<hbm>>) dst(%arg14 : memref<80x128xf32, #tpu.memory_space<vmem>>)
    %add3A_1029 = arith.constant 9760 : i32
    %add3A_1030 = arith.addi %mul3A_10, %add3A_1029 : i32
    %dma_wait3A_1031 = arith.constant 2 : i32
    %dma_wait3A_1032 = arith.constant 2 : i32
    %dma_wait3A_1033 = arith.constant 0 : i32
    %dma_wait3A_1034 = tpu.memref_slice %arg11[%dma_wait3A_1031, %dma_wait3A_1033] : memref<4x80xf32, #tpu.memory_space<vmem>> -> memref<1x80xf32, #tpu.memory_space<vmem>>
    %dma_wait3A_1035 = tpu.memref_squeeze %dma_wait3A_1034 : memref<1x80xf32, #tpu.memory_space<vmem>> -> memref<80xf32, #tpu.memory_space<vmem>>
    %dma_wait3A_1036 = tpu.memref_slice %arg4[%add3A_1030] : memref<320000xf32, #tpu.memory_space<hbm>> -> memref<80xf32, #tpu.memory_space<hbm>>
    %dma_wait3A_1037 = tpu.memref_slice %arg18[%dma_wait3A_1032] : memref<4x!tpu.dma_semaphore, #tpu.memory_space<semaphore_mem>> -> memref<1x!tpu.dma_semaphore, #tpu.memory_space<semaphore_mem>>
    %dma_wait3A_1038 = tpu.memref_squeeze %dma_wait3A_1037 : memref<1x!tpu.dma_semaphore, #tpu.memory_space<semaphore_mem>> -> memref<!tpu.dma_semaphore, #tpu.memory_space<semaphore_mem>>
    %dma_wait3A_1039 = arith.constant 0 : i32
    %dma_wait3A_1040 = tpu.memref_slice %arg11[%dma_wait3A_1031, %dma_wait3A_1039] : memref<4x80xf32, #tpu.memory_space<vmem>> -> memref<1x80xf32, #tpu.memory_space<vmem>>
    %dma_wait3A_1041 = tpu.memref_squeeze %dma_wait3A_1040 : memref<1x80xf32, #tpu.memory_space<vmem>> -> memref<80xf32, #tpu.memory_space<vmem>>
    %dma_wait3A_1042 = tpu.memref_slice %arg4[%add3A_1030] : memref<320000xf32, #tpu.memory_space<hbm>> -> memref<80xf32, #tpu.memory_space<hbm>>
    tpu.wait_dma2 semaphore(%dma_wait3A_1038 : memref<!tpu.dma_semaphore, #tpu.memory_space<semaphore_mem>>) src(%dma_wait3A_1042 : memref<80xf32, #tpu.memory_space<hbm>>) dst(%dma_wait3A_1041 : memref<80xf32, #tpu.memory_space<vmem>>)
    %broadcast_in_dim3A_1043 = arith.constant 2 : i32
    %broadcast_in_dim3A_1044 = vector.broadcast %broadcast_in_dim3A_1043 : i32 to vector<16xi32>
    %parallel_loop3A_1045 = arith.constant 0 : i32
    %parallel_loop3A_1046 = arith.constant 80 : i32
    %parallel_loop3A_1047 = arith.constant 1 : i32
    scf.for %parallel_loop3A_1254 = %parallel_loop3A_1045 to %parallel_loop3A_1046 step %parallel_loop3A_1047  : i32 {
      %parallel_loop3A_1255 = vector.broadcast %parallel_loop3A_1254 : i32 to vector<16xi32>
      %parallel_loop3A_1256 = tpu.vector_load_idx %arg11[%broadcast_in_dim3A_1044, %parallel_loop3A_1255] : memref<4x80xf32, #tpu.memory_space<vmem>>[vector<16xi32>, vector<16xi32>], vector<16xf32>,
      %parallel_loop3A_1257 = arith.index_cast %parallel_loop3A_1254 : i32 to index
      %parallel_loop3A_1258 = arith.constant 0 : index
      %parallel_loop3A_1259 = tpu.vector_load %arg14[%parallel_loop3A_1257, %parallel_loop3A_1258] {strides = array<i32>} : memref<80x128xf32, #tpu.memory_space<vmem>>, vector<16xf32>,
      %parallel_loop3A_1260 = arith.mulf %parallel_loop3A_1259, %parallel_loop3A_1256 : vector<16xf32>
      %parallel_loop3A_1261 = arith.index_cast %parallel_loop3A_1254 : i32 to index
      %parallel_loop3A_1262 = arith.constant 0 : index
      %parallel_loop3A_1263 = tpu.vector_load %arg14[%parallel_loop3A_1261, %parallel_loop3A_1262] {strides = array<i32>} : memref<80x128xf32, #tpu.memory_space<vmem>>, vector<16xf32>,
      tpu.vector_store %arg14[%parallel_loop3A_1261, %parallel_loop3A_1262], %parallel_loop3A_1260 {strides = array<i32>} : memref<80x128xf32, #tpu.memory_space<vmem>>, vector<16xf32>,
      %parallel_loop3A_1264 = arith.index_cast %parallel_loop3A_1254 : i32 to index
      %parallel_loop3A_1265 = arith.constant 16 : index
      %parallel_loop3A_1266 = tpu.vector_load %arg14[%parallel_loop3A_1264, %parallel_loop3A_1265] {strides = array<i32>} : memref<80x128xf32, #tpu.memory_space<vmem>>, vector<16xf32>,
      %parallel_loop3A_1267 = arith.mulf %parallel_loop3A_1266, %parallel_loop3A_1256 : vector<16xf32>
      %parallel_loop3A_1268 = arith.index_cast %parallel_loop3A_1254 : i32 to index
      %parallel_loop3A_1269 = arith.constant 16 : index
      %parallel_loop3A_1270 = tpu.vector_load %arg14[%parallel_loop3A_1268, %parallel_loop3A_1269] {strides = array<i32>} : memref<80x128xf32, #tpu.memory_space<vmem>>, vector<16xf32>,
      tpu.vector_store %arg14[%parallel_loop3A_1268, %parallel_loop3A_1269], %parallel_loop3A_1267 {strides = array<i32>} : memref<80x128xf32, #tpu.memory_space<vmem>>, vector<16xf32>,
      %parallel_loop3A_1271 = arith.index_cast %parallel_loop3A_1254 : i32 to index
      %parallel_loop3A_1272 = arith.constant 32 : index
      %parallel_loop3A_1273 = tpu.vector_load %arg14[%parallel_loop3A_1271, %parallel_loop3A_1272] {strides = array<i32>} : memref<80x128xf32, #tpu.memory_space<vmem>>, vector<16xf32>,
      %parallel_loop3A_1274 = arith.mulf %parallel_loop3A_1273, %parallel_loop3A_1256 : vector<16xf32>
      %parallel_loop3A_1275 = arith.index_cast %parallel_loop3A_1254 : i32 to index
      %parallel_loop3A_1276 = arith.constant 32 : index
      %parallel_loop3A_1277 = tpu.vector_load %arg14[%parallel_loop3A_1275, %parallel_loop3A_1276] {strides = array<i32>} : memref<80x128xf32, #tpu.memory_space<vmem>>, vector<16xf32>,
      tpu.vector_store %arg14[%parallel_loop3A_1275, %parallel_loop3A_1276], %parallel_loop3A_1274 {strides = array<i32>} : memref<80x128xf32, #tpu.memory_space<vmem>>, vector<16xf32>,
      %parallel_loop3A_1278 = arith.index_cast %parallel_loop3A_1254 : i32 to index
      %parallel_loop3A_1279 = arith.constant 48 : index
      %parallel_loop3A_1280 = tpu.vector_load %arg14[%parallel_loop3A_1278, %parallel_loop3A_1279] {strides = array<i32>} : memref<80x128xf32, #tpu.memory_space<vmem>>, vector<16xf32>,
      %parallel_loop3A_1281 = arith.mulf %parallel_loop3A_1280, %parallel_loop3A_1256 : vector<16xf32>
      %parallel_loop3A_1282 = arith.index_cast %parallel_loop3A_1254 : i32 to index
      %parallel_loop3A_1283 = arith.constant 48 : index
      %parallel_loop3A_1284 = tpu.vector_load %arg14[%parallel_loop3A_1282, %parallel_loop3A_1283] {strides = array<i32>} : memref<80x128xf32, #tpu.memory_space<vmem>>, vector<16xf32>,
      tpu.vector_store %arg14[%parallel_loop3A_1282, %parallel_loop3A_1283], %parallel_loop3A_1281 {strides = array<i32>} : memref<80x128xf32, #tpu.memory_space<vmem>>, vector<16xf32>,
      %parallel_loop3A_1285 = arith.index_cast %parallel_loop3A_1254 : i32 to index
      %parallel_loop3A_1286 = arith.constant 64 : index
      %parallel_loop3A_1287 = tpu.vector_load %arg14[%parallel_loop3A_1285, %parallel_loop3A_1286] {strides = array<i32>} : memref<80x128xf32, #tpu.memory_space<vmem>>, vector<16xf32>,
      %parallel_loop3A_1288 = arith.mulf %parallel_loop3A_1287, %parallel_loop3A_1256 : vector<16xf32>
      %parallel_loop3A_1289 = arith.index_cast %parallel_loop3A_1254 : i32 to index
      %parallel_loop3A_1290 = arith.constant 64 : index
      %parallel_loop3A_1291 = tpu.vector_load %arg14[%parallel_loop3A_1289, %parallel_loop3A_1290] {strides = array<i32>} : memref<80x128xf32, #tpu.memory_space<vmem>>, vector<16xf32>,
      tpu.vector_store %arg14[%parallel_loop3A_1289, %parallel_loop3A_1290], %parallel_loop3A_1288 {strides = array<i32>} : memref<80x128xf32, #tpu.memory_space<vmem>>, vector<16xf32>,
      %parallel_loop3A_1292 = arith.index_cast %parallel_loop3A_1254 : i32 to index
      %parallel_loop3A_1293 = arith.constant 80 : index
      %parallel_loop3A_1294 = tpu.vector_load %arg14[%parallel_loop3A_1292, %parallel_loop3A_1293] {strides = array<i32>} : memref<80x128xf32, #tpu.memory_space<vmem>>, vector<16xf32>,
      %parallel_loop3A_1295 = arith.mulf %parallel_loop3A_1294, %parallel_loop3A_1256 : vector<16xf32>
      %parallel_loop3A_1296 = arith.index_cast %parallel_loop3A_1254 : i32 to index
      %parallel_loop3A_1297 = arith.constant 80 : index
      %parallel_loop3A_1298 = tpu.vector_load %arg14[%parallel_loop3A_1296, %parallel_loop3A_1297] {strides = array<i32>} : memref<80x128xf32, #tpu.memory_space<vmem>>, vector<16xf32>,
      tpu.vector_store %arg14[%parallel_loop3A_1296, %parallel_loop3A_1297], %parallel_loop3A_1295 {strides = array<i32>} : memref<80x128xf32, #tpu.memory_space<vmem>>, vector<16xf32>,
      %parallel_loop3A_1299 = arith.index_cast %parallel_loop3A_1254 : i32 to index
      %parallel_loop3A_1300 = arith.constant 96 : index
      %parallel_loop3A_1301 = tpu.vector_load %arg14[%parallel_loop3A_1299, %parallel_loop3A_1300] {strides = array<i32>} : memref<80x128xf32, #tpu.memory_space<vmem>>, vector<16xf32>,
      %parallel_loop3A_1302 = arith.mulf %parallel_loop3A_1301, %parallel_loop3A_1256 : vector<16xf32>
      %parallel_loop3A_1303 = arith.index_cast %parallel_loop3A_1254 : i32 to index
      %parallel_loop3A_1304 = arith.constant 96 : index
      %parallel_loop3A_1305 = tpu.vector_load %arg14[%parallel_loop3A_1303, %parallel_loop3A_1304] {strides = array<i32>} : memref<80x128xf32, #tpu.memory_space<vmem>>, vector<16xf32>,
      tpu.vector_store %arg14[%parallel_loop3A_1303, %parallel_loop3A_1304], %parallel_loop3A_1302 {strides = array<i32>} : memref<80x128xf32, #tpu.memory_space<vmem>>, vector<16xf32>,
      %parallel_loop3A_1306 = arith.index_cast %parallel_loop3A_1254 : i32 to index
      %parallel_loop3A_1307 = arith.constant 112 : index
      %parallel_loop3A_1308 = tpu.vector_load %arg14[%parallel_loop3A_1306, %parallel_loop3A_1307] {strides = array<i32>} : memref<80x128xf32, #tpu.memory_space<vmem>>, vector<16xf32>,
      %parallel_loop3A_1309 = arith.mulf %parallel_loop3A_1308, %parallel_loop3A_1256 : vector<16xf32>
      %parallel_loop3A_1310 = arith.index_cast %parallel_loop3A_1254 : i32 to index
      %parallel_loop3A_1311 = arith.constant 112 : index
      %parallel_loop3A_1312 = tpu.vector_load %arg14[%parallel_loop3A_1310, %parallel_loop3A_1311] {strides = array<i32>} : memref<80x128xf32, #tpu.memory_space<vmem>>, vector<16xf32>,
      tpu.vector_store %arg14[%parallel_loop3A_1310, %parallel_loop3A_1311], %parallel_loop3A_1309 {strides = array<i32>} : memref<80x128xf32, #tpu.memory_space<vmem>>, vector<16xf32>,
    } {sc.loop_unroll_factor = 2 : i64, sc.parallel_access}
    %add3A_1048 = arith.constant 9760 : i32
    %add3A_1049 = arith.addi %mul3A_10, %add3A_1048 : i32
    %dma_wait3A_1050 = arith.constant 2 : i32
    %dma_wait3A_1051 = arith.constant 2 : i32
    %dma_wait3A_1052 = arith.constant 0 : i32
    %dma_wait3A_1053 = tpu.memref_slice %arg10[%dma_wait3A_1050, %dma_wait3A_1052] : memref<8x80xi32, #tpu.memory_space<vmem>> -> memref<1x80xi32, #tpu.memory_space<vmem>>
    %dma_wait3A_1054 = tpu.memref_squeeze %dma_wait3A_1053 : memref<1x80xi32, #tpu.memory_space<vmem>> -> memref<80xi32, #tpu.memory_space<vmem>>
    %dma_wait3A_1055 = tpu.memref_slice %arg3[%add3A_1049] : memref<640000xi32, #tpu.memory_space<hbm>> -> memref<80xi32, #tpu.memory_space<hbm>>
    %dma_wait3A_1056 = tpu.memref_slice %arg17[%dma_wait3A_1051] : memref<4x!tpu.dma_semaphore, #tpu.memory_space<semaphore_mem>> -> memref<1x!tpu.dma_semaphore, #tpu.memory_space<semaphore_mem>>
    %dma_wait3A_1057 = tpu.memref_squeeze %dma_wait3A_1056 : memref<1x!tpu.dma_semaphore, #tpu.memory_space<semaphore_mem>> -> memref<!tpu.dma_semaphore, #tpu.memory_space<semaphore_mem>>
    %dma_wait3A_1058 = arith.constant 0 : i32
    %dma_wait3A_1059 = tpu.memref_slice %arg10[%dma_wait3A_1050, %dma_wait3A_1058] : memref<8x80xi32, #tpu.memory_space<vmem>> -> memref<1x80xi32, #tpu.memory_space<vmem>>
    %dma_wait3A_1060 = tpu.memref_squeeze %dma_wait3A_1059 : memref<1x80xi32, #tpu.memory_space<vmem>> -> memref<80xi32, #tpu.memory_space<vmem>>
    %dma_wait3A_1061 = tpu.memref_slice %arg3[%add3A_1049] : memref<640000xi32, #tpu.memory_space<hbm>> -> memref<80xi32, #tpu.memory_space<hbm>>
    tpu.wait_dma2 semaphore(%dma_wait3A_1057 : memref<!tpu.dma_semaphore, #tpu.memory_space<semaphore_mem>>) src(%dma_wait3A_1061 : memref<80xi32, #tpu.memory_space<hbm>>) dst(%dma_wait3A_1060 : memref<80xi32, #tpu.memory_space<vmem>>)
    %dma_start3A_1062 = arith.constant 2 : i32
    %dma_start3A_1063 = arith.constant 2 : i32
    %dma_start3A_1064 = arith.constant 0 : i32
    %dma_start3A_1065 = tpu.memref_slice %arg10[%dma_start3A_1062, %dma_start3A_1064] : memref<8x80xi32, #tpu.memory_space<vmem>> -> memref<1x80xi32, #tpu.memory_space<vmem>>
    %dma_start3A_1066 = tpu.memref_squeeze %dma_start3A_1065 : memref<1x80xi32, #tpu.memory_space<vmem>> -> memref<80xi32, #tpu.memory_space<vmem>>
    %dma_start3A_1067 = arith.constant 0 : i32
    %dma_start3A_1068 = arith.constant 0 : i32
    %dma_start3A_1069 = tpu.memref_slice %arg8[%dma_start3A_1067, %dma_start3A_1068] : memref<10000x128xf32, #tpu.memory_space<vmem_shared>> -> memref<10000x128xf32, #tpu.memory_space<vmem_shared>>
    %dma_start3A_1070 = tpu.memref_slice %arg20[%dma_start3A_1063] : memref<4x!tpu.dma_semaphore, #tpu.memory_space<semaphore_mem>> -> memref<1x!tpu.dma_semaphore, #tpu.memory_space<semaphore_mem>>
    %dma_start3A_1071 = tpu.memref_squeeze %dma_start3A_1070 : memref<1x!tpu.dma_semaphore, #tpu.memory_space<semaphore_mem>> -> memref<!tpu.dma_semaphore, #tpu.memory_space<semaphore_mem>>
    tpu.enqueue_indirect_dma source(%arg14 : memref<80x128xf32, #tpu.memory_space<vmem>>) target(%dma_start3A_1069 : memref<10000x128xf32, #tpu.memory_space<vmem_shared>>) offsets(%dma_start3A_1066 : memref<80xi32, #tpu.memory_space<vmem>>) semaphore(%dma_start3A_1071 : memref<!tpu.dma_semaphore, #tpu.memory_space<semaphore_mem>>) {add = true}
    %dma_wait3A_1072 = arith.constant 3 : i32
    %dma_wait3A_1073 = arith.constant 3 : i32
    %dma_wait3A_1074 = arith.constant 0 : i32
    %dma_wait3A_1075 = tpu.memref_slice %arg9[%dma_wait3A_1072, %dma_wait3A_1074] : memref<4x80xi32, #tpu.memory_space<vmem>> -> memref<1x80xi32, #tpu.memory_space<vmem>>
    %dma_wait3A_1076 = tpu.memref_squeeze %dma_wait3A_1075 : memref<1x80xi32, #tpu.memory_space<vmem>> -> memref<80xi32, #tpu.memory_space<vmem>>
    %dma_wait3A_1077 = arith.constant 0 : i32
    %dma_wait3A_1078 = arith.constant 0 : i32
    %dma_wait3A_1079 = tpu.memref_slice %arg2[%dma_wait3A_1077, %dma_wait3A_1078] : memref<10000x128xf32, #tpu.memory_space<hbm>> -> memref<10000x128xf32, #tpu.memory_space<hbm>>
    %dma_wait3A_1080 = tpu.memref_slice %arg19[%dma_wait3A_1073] : memref<4x!tpu.dma_semaphore, #tpu.memory_space<semaphore_mem>> -> memref<1x!tpu.dma_semaphore, #tpu.memory_space<semaphore_mem>>
    %dma_wait3A_1081 = tpu.memref_squeeze %dma_wait3A_1080 : memref<1x!tpu.dma_semaphore, #tpu.memory_space<semaphore_mem>> -> memref<!tpu.dma_semaphore, #tpu.memory_space<semaphore_mem>>
    tpu.wait_indirect_dma semaphore(%dma_wait3A_1081 : memref<!tpu.dma_semaphore, #tpu.memory_space<semaphore_mem>>) src(%dma_wait3A_1079 : memref<10000x128xf32, #tpu.memory_space<hbm>>) dst(%arg15 : memref<80x128xf32, #tpu.memory_space<vmem>>)
    %add3A_1082 = arith.constant 9840 : i32
    %add3A_1083 = arith.addi %mul3A_10, %add3A_1082 : i32
    %dma_wait3A_1084 = arith.constant 3 : i32
    %dma_wait3A_1085 = arith.constant 3 : i32
    %dma_wait3A_1086 = arith.constant 0 : i32
    %dma_wait3A_1087 = tpu.memref_slice %arg11[%dma_wait3A_1084, %dma_wait3A_1086] : memref<4x80xf32, #tpu.memory_space<vmem>> -> memref<1x80xf32, #tpu.memory_space<vmem>>
    %dma_wait3A_1088 = tpu.memref_squeeze %dma_wait3A_1087 : memref<1x80xf32, #tpu.memory_space<vmem>> -> memref<80xf32, #tpu.memory_space<vmem>>
    %dma_wait3A_1089 = tpu.memref_slice %arg4[%add3A_1083] : memref<320000xf32, #tpu.memory_space<hbm>> -> memref<80xf32, #tpu.memory_space<hbm>>
    %dma_wait3A_1090 = tpu.memref_slice %arg18[%dma_wait3A_1085] : memref<4x!tpu.dma_semaphore, #tpu.memory_space<semaphore_mem>> -> memref<1x!tpu.dma_semaphore, #tpu.memory_space<semaphore_mem>>
    %dma_wait3A_1091 = tpu.memref_squeeze %dma_wait3A_1090 : memref<1x!tpu.dma_semaphore, #tpu.memory_space<semaphore_mem>> -> memref<!tpu.dma_semaphore, #tpu.memory_space<semaphore_mem>>
    %dma_wait3A_1092 = arith.constant 0 : i32
    %dma_wait3A_1093 = tpu.memref_slice %arg11[%dma_wait3A_1084, %dma_wait3A_1092] : memref<4x80xf32, #tpu.memory_space<vmem>> -> memref<1x80xf32, #tpu.memory_space<vmem>>
    %dma_wait3A_1094 = tpu.memref_squeeze %dma_wait3A_1093 : memref<1x80xf32, #tpu.memory_space<vmem>> -> memref<80xf32, #tpu.memory_space<vmem>>
    %dma_wait3A_1095 = tpu.memref_slice %arg4[%add3A_1083] : memref<320000xf32, #tpu.memory_space<hbm>> -> memref<80xf32, #tpu.memory_space<hbm>>
    tpu.wait_dma2 semaphore(%dma_wait3A_1091 : memref<!tpu.dma_semaphore, #tpu.memory_space<semaphore_mem>>) src(%dma_wait3A_1095 : memref<80xf32, #tpu.memory_space<hbm>>) dst(%dma_wait3A_1094 : memref<80xf32, #tpu.memory_space<vmem>>)
    %broadcast_in_dim3A_1096 = arith.constant 3 : i32
    %broadcast_in_dim3A_1097 = vector.broadcast %broadcast_in_dim3A_1096 : i32 to vector<16xi32>
    %parallel_loop3A_1098 = arith.constant 0 : i32
    %parallel_loop3A_1099 = arith.constant 80 : i32
    %parallel_loop3A_1100 = arith.constant 1 : i32
    scf.for %parallel_loop3A_1254 = %parallel_loop3A_1098 to %parallel_loop3A_1099 step %parallel_loop3A_1100  : i32 {
      %parallel_loop3A_1255 = vector.broadcast %parallel_loop3A_1254 : i32 to vector<16xi32>
      %parallel_loop3A_1256 = tpu.vector_load_idx %arg11[%broadcast_in_dim3A_1097, %parallel_loop3A_1255] : memref<4x80xf32, #tpu.memory_space<vmem>>[vector<16xi32>, vector<16xi32>], vector<16xf32>,
      %parallel_loop3A_1257 = arith.index_cast %parallel_loop3A_1254 : i32 to index
      %parallel_loop3A_1258 = arith.constant 0 : index
      %parallel_loop3A_1259 = tpu.vector_load %arg15[%parallel_loop3A_1257, %parallel_loop3A_1258] {strides = array<i32>} : memref<80x128xf32, #tpu.memory_space<vmem>>, vector<16xf32>,
      %parallel_loop3A_1260 = arith.mulf %parallel_loop3A_1259, %parallel_loop3A_1256 : vector<16xf32>
      %parallel_loop3A_1261 = arith.index_cast %parallel_loop3A_1254 : i32 to index
      %parallel_loop3A_1262 = arith.constant 0 : index
      %parallel_loop3A_1263 = tpu.vector_load %arg15[%parallel_loop3A_1261, %parallel_loop3A_1262] {strides = array<i32>} : memref<80x128xf32, #tpu.memory_space<vmem>>, vector<16xf32>,
      tpu.vector_store %arg15[%parallel_loop3A_1261, %parallel_loop3A_1262], %parallel_loop3A_1260 {strides = array<i32>} : memref<80x128xf32, #tpu.memory_space<vmem>>, vector<16xf32>,
      %parallel_loop3A_1264 = arith.index_cast %parallel_loop3A_1254 : i32 to index
      %parallel_loop3A_1265 = arith.constant 16 : index
      %parallel_loop3A_1266 = tpu.vector_load %arg15[%parallel_loop3A_1264, %parallel_loop3A_1265] {strides = array<i32>} : memref<80x128xf32, #tpu.memory_space<vmem>>, vector<16xf32>,
      %parallel_loop3A_1267 = arith.mulf %parallel_loop3A_1266, %parallel_loop3A_1256 : vector<16xf32>
      %parallel_loop3A_1268 = arith.index_cast %parallel_loop3A_1254 : i32 to index
      %parallel_loop3A_1269 = arith.constant 16 : index
      %parallel_loop3A_1270 = tpu.vector_load %arg15[%parallel_loop3A_1268, %parallel_loop3A_1269] {strides = array<i32>} : memref<80x128xf32, #tpu.memory_space<vmem>>, vector<16xf32>,
      tpu.vector_store %arg15[%parallel_loop3A_1268, %parallel_loop3A_1269], %parallel_loop3A_1267 {strides = array<i32>} : memref<80x128xf32, #tpu.memory_space<vmem>>, vector<16xf32>,
      %parallel_loop3A_1271 = arith.index_cast %parallel_loop3A_1254 : i32 to index
      %parallel_loop3A_1272 = arith.constant 32 : index
      %parallel_loop3A_1273 = tpu.vector_load %arg15[%parallel_loop3A_1271, %parallel_loop3A_1272] {strides = array<i32>} : memref<80x128xf32, #tpu.memory_space<vmem>>, vector<16xf32>,
      %parallel_loop3A_1274 = arith.mulf %parallel_loop3A_1273, %parallel_loop3A_1256 : vector<16xf32>
      %parallel_loop3A_1275 = arith.index_cast %parallel_loop3A_1254 : i32 to index
      %parallel_loop3A_1276 = arith.constant 32 : index
      %parallel_loop3A_1277 = tpu.vector_load %arg15[%parallel_loop3A_1275, %parallel_loop3A_1276] {strides = array<i32>} : memref<80x128xf32, #tpu.memory_space<vmem>>, vector<16xf32>,
      tpu.vector_store %arg15[%parallel_loop3A_1275, %parallel_loop3A_1276], %parallel_loop3A_1274 {strides = array<i32>} : memref<80x128xf32, #tpu.memory_space<vmem>>, vector<16xf32>,
      %parallel_loop3A_1278 = arith.index_cast %parallel_loop3A_1254 : i32 to index
      %parallel_loop3A_1279 = arith.constant 48 : index
      %parallel_loop3A_1280 = tpu.vector_load %arg15[%parallel_loop3A_1278, %parallel_loop3A_1279] {strides = array<i32>} : memref<80x128xf32, #tpu.memory_space<vmem>>, vector<16xf32>,
      %parallel_loop3A_1281 = arith.mulf %parallel_loop3A_1280, %parallel_loop3A_1256 : vector<16xf32>
      %parallel_loop3A_1282 = arith.index_cast %parallel_loop3A_1254 : i32 to index
      %parallel_loop3A_1283 = arith.constant 48 : index
      %parallel_loop3A_1284 = tpu.vector_load %arg15[%parallel_loop3A_1282, %parallel_loop3A_1283] {strides = array<i32>} : memref<80x128xf32, #tpu.memory_space<vmem>>, vector<16xf32>,
      tpu.vector_store %arg15[%parallel_loop3A_1282, %parallel_loop3A_1283], %parallel_loop3A_1281 {strides = array<i32>} : memref<80x128xf32, #tpu.memory_space<vmem>>, vector<16xf32>,
      %parallel_loop3A_1285 = arith.index_cast %parallel_loop3A_1254 : i32 to index
      %parallel_loop3A_1286 = arith.constant 64 : index
      %parallel_loop3A_1287 = tpu.vector_load %arg15[%parallel_loop3A_1285, %parallel_loop3A_1286] {strides = array<i32>} : memref<80x128xf32, #tpu.memory_space<vmem>>, vector<16xf32>,
      %parallel_loop3A_1288 = arith.mulf %parallel_loop3A_1287, %parallel_loop3A_1256 : vector<16xf32>
      %parallel_loop3A_1289 = arith.index_cast %parallel_loop3A_1254 : i32 to index
      %parallel_loop3A_1290 = arith.constant 64 : index
      %parallel_loop3A_1291 = tpu.vector_load %arg15[%parallel_loop3A_1289, %parallel_loop3A_1290] {strides = array<i32>} : memref<80x128xf32, #tpu.memory_space<vmem>>, vector<16xf32>,
      tpu.vector_store %arg15[%parallel_loop3A_1289, %parallel_loop3A_1290], %parallel_loop3A_1288 {strides = array<i32>} : memref<80x128xf32, #tpu.memory_space<vmem>>, vector<16xf32>,
      %parallel_loop3A_1292 = arith.index_cast %parallel_loop3A_1254 : i32 to index
      %parallel_loop3A_1293 = arith.constant 80 : index
      %parallel_loop3A_1294 = tpu.vector_load %arg15[%parallel_loop3A_1292, %parallel_loop3A_1293] {strides = array<i32>} : memref<80x128xf32, #tpu.memory_space<vmem>>, vector<16xf32>,
      %parallel_loop3A_1295 = arith.mulf %parallel_loop3A_1294, %parallel_loop3A_1256 : vector<16xf32>
      %parallel_loop3A_1296 = arith.index_cast %parallel_loop3A_1254 : i32 to index
      %parallel_loop3A_1297 = arith.constant 80 : index
      %parallel_loop3A_1298 = tpu.vector_load %arg15[%parallel_loop3A_1296, %parallel_loop3A_1297] {strides = array<i32>} : memref<80x128xf32, #tpu.memory_space<vmem>>, vector<16xf32>,
      tpu.vector_store %arg15[%parallel_loop3A_1296, %parallel_loop3A_1297], %parallel_loop3A_1295 {strides = array<i32>} : memref<80x128xf32, #tpu.memory_space<vmem>>, vector<16xf32>,
      %parallel_loop3A_1299 = arith.index_cast %parallel_loop3A_1254 : i32 to index
      %parallel_loop3A_1300 = arith.constant 96 : index
      %parallel_loop3A_1301 = tpu.vector_load %arg15[%parallel_loop3A_1299, %parallel_loop3A_1300] {strides = array<i32>} : memref<80x128xf32, #tpu.memory_space<vmem>>, vector<16xf32>,
      %parallel_loop3A_1302 = arith.mulf %parallel_loop3A_1301, %parallel_loop3A_1256 : vector<16xf32>
      %parallel_loop3A_1303 = arith.index_cast %parallel_loop3A_1254 : i32 to index
      %parallel_loop3A_1304 = arith.constant 96 : index
      %parallel_loop3A_1305 = tpu.vector_load %arg15[%parallel_loop3A_1303, %parallel_loop3A_1304] {strides = array<i32>} : memref<80x128xf32, #tpu.memory_space<vmem>>, vector<16xf32>,
      tpu.vector_store %arg15[%parallel_loop3A_1303, %parallel_loop3A_1304], %parallel_loop3A_1302 {strides = array<i32>} : memref<80x128xf32, #tpu.memory_space<vmem>>, vector<16xf32>,
      %parallel_loop3A_1306 = arith.index_cast %parallel_loop3A_1254 : i32 to index
      %parallel_loop3A_1307 = arith.constant 112 : index
      %parallel_loop3A_1308 = tpu.vector_load %arg15[%parallel_loop3A_1306, %parallel_loop3A_1307] {strides = array<i32>} : memref<80x128xf32, #tpu.memory_space<vmem>>, vector<16xf32>,
      %parallel_loop3A_1309 = arith.mulf %parallel_loop3A_1308, %parallel_loop3A_1256 : vector<16xf32>
      %parallel_loop3A_1310 = arith.index_cast %parallel_loop3A_1254 : i32 to index
      %parallel_loop3A_1311 = arith.constant 112 : index
      %parallel_loop3A_1312 = tpu.vector_load %arg15[%parallel_loop3A_1310, %parallel_loop3A_1311] {strides = array<i32>} : memref<80x128xf32, #tpu.memory_space<vmem>>, vector<16xf32>,
      tpu.vector_store %arg15[%parallel_loop3A_1310, %parallel_loop3A_1311], %parallel_loop3A_1309 {strides = array<i32>} : memref<80x128xf32, #tpu.memory_space<vmem>>, vector<16xf32>,
    } {sc.loop_unroll_factor = 2 : i64, sc.parallel_access}
    %add3A_1101 = arith.constant 9840 : i32
    %add3A_1102 = arith.addi %mul3A_10, %add3A_1101 : i32
    %dma_wait3A_1103 = arith.constant 3 : i32
    %dma_wait3A_1104 = arith.constant 3 : i32
    %dma_wait3A_1105 = arith.constant 0 : i32
    %dma_wait3A_1106 = tpu.memref_slice %arg10[%dma_wait3A_1103, %dma_wait3A_1105] : memref<8x80xi32, #tpu.memory_space<vmem>> -> memref<1x80xi32, #tpu.memory_space<vmem>>
    %dma_wait3A_1107 = tpu.memref_squeeze %dma_wait3A_1106 : memref<1x80xi32, #tpu.memory_space<vmem>> -> memref<80xi32, #tpu.memory_space<vmem>>
    %dma_wait3A_1108 = tpu.memref_slice %arg3[%add3A_1102] : memref<640000xi32, #tpu.memory_space<hbm>> -> memref<80xi32, #tpu.memory_space<hbm>>
    %dma_wait3A_1109 = tpu.memref_slice %arg17[%dma_wait3A_1104] : memref<4x!tpu.dma_semaphore, #tpu.memory_space<semaphore_mem>> -> memref<1x!tpu.dma_semaphore, #tpu.memory_space<semaphore_mem>>
    %dma_wait3A_1110 = tpu.memref_squeeze %dma_wait3A_1109 : memref<1x!tpu.dma_semaphore, #tpu.memory_space<semaphore_mem>> -> memref<!tpu.dma_semaphore, #tpu.memory_space<semaphore_mem>>
    %dma_wait3A_1111 = arith.constant 0 : i32
    %dma_wait3A_1112 = tpu.memref_slice %arg10[%dma_wait3A_1103, %dma_wait3A_1111] : memref<8x80xi32, #tpu.memory_space<vmem>> -> memref<1x80xi32, #tpu.memory_space<vmem>>
    %dma_wait3A_1113 = tpu.memref_squeeze %dma_wait3A_1112 : memref<1x80xi32, #tpu.memory_space<vmem>> -> memref<80xi32, #tpu.memory_space<vmem>>
    %dma_wait3A_1114 = tpu.memref_slice %arg3[%add3A_1102] : memref<640000xi32, #tpu.memory_space<hbm>> -> memref<80xi32, #tpu.memory_space<hbm>>
    tpu.wait_dma2 semaphore(%dma_wait3A_1110 : memref<!tpu.dma_semaphore, #tpu.memory_space<semaphore_mem>>) src(%dma_wait3A_1114 : memref<80xi32, #tpu.memory_space<hbm>>) dst(%dma_wait3A_1113 : memref<80xi32, #tpu.memory_space<vmem>>)
    %dma_start3A_1115 = arith.constant 3 : i32
    %dma_start3A_1116 = arith.constant 3 : i32
    %dma_start3A_1117 = arith.constant 0 : i32
    %dma_start3A_1118 = tpu.memref_slice %arg10[%dma_start3A_1115, %dma_start3A_1117] : memref<8x80xi32, #tpu.memory_space<vmem>> -> memref<1x80xi32, #tpu.memory_space<vmem>>
    %dma_start3A_1119 = tpu.memref_squeeze %dma_start3A_1118 : memref<1x80xi32, #tpu.memory_space<vmem>> -> memref<80xi32, #tpu.memory_space<vmem>>
    %dma_start3A_1120 = arith.constant 0 : i32
    %dma_start3A_1121 = arith.constant 0 : i32
    %dma_start3A_1122 = tpu.memref_slice %arg8[%dma_start3A_1120, %dma_start3A_1121] : memref<10000x128xf32, #tpu.memory_space<vmem_shared>> -> memref<10000x128xf32, #tpu.memory_space<vmem_shared>>
    %dma_start3A_1123 = tpu.memref_slice %arg20[%dma_start3A_1116] : memref<4x!tpu.dma_semaphore, #tpu.memory_space<semaphore_mem>> -> memref<1x!tpu.dma_semaphore, #tpu.memory_space<semaphore_mem>>
    %dma_start3A_1124 = tpu.memref_squeeze %dma_start3A_1123 : memref<1x!tpu.dma_semaphore, #tpu.memory_space<semaphore_mem>> -> memref<!tpu.dma_semaphore, #tpu.memory_space<semaphore_mem>>
    tpu.enqueue_indirect_dma source(%arg15 : memref<80x128xf32, #tpu.memory_space<vmem>>) target(%dma_start3A_1122 : memref<10000x128xf32, #tpu.memory_space<vmem_shared>>) offsets(%dma_start3A_1119 : memref<80xi32, #tpu.memory_space<vmem>>) semaphore(%dma_start3A_1124 : memref<!tpu.dma_semaphore, #tpu.memory_space<semaphore_mem>>) {add = true}
    %dma_wait3A_1125 = arith.constant 0 : i32
    %dma_wait3A_1126 = arith.constant 0 : i32
    %dma_wait3A_1127 = arith.constant 0 : i32
    %dma_wait3A_1128 = tpu.memref_slice %arg9[%dma_wait3A_1125, %dma_wait3A_1127] : memref<4x80xi32, #tpu.memory_space<vmem>> -> memref<1x80xi32, #tpu.memory_space<vmem>>
    %dma_wait3A_1129 = tpu.memref_squeeze %dma_wait3A_1128 : memref<1x80xi32, #tpu.memory_space<vmem>> -> memref<80xi32, #tpu.memory_space<vmem>>
    %dma_wait3A_1130 = arith.constant 0 : i32
    %dma_wait3A_1131 = arith.constant 0 : i32
    %dma_wait3A_1132 = tpu.memref_slice %arg2[%dma_wait3A_1130, %dma_wait3A_1131] : memref<10000x128xf32, #tpu.memory_space<hbm>> -> memref<10000x128xf32, #tpu.memory_space<hbm>>
    %dma_wait3A_1133 = tpu.memref_slice %arg19[%dma_wait3A_1126] : memref<4x!tpu.dma_semaphore, #tpu.memory_space<semaphore_mem>> -> memref<1x!tpu.dma_semaphore, #tpu.memory_space<semaphore_mem>>
    %dma_wait3A_1134 = tpu.memref_squeeze %dma_wait3A_1133 : memref<1x!tpu.dma_semaphore, #tpu.memory_space<semaphore_mem>> -> memref<!tpu.dma_semaphore, #tpu.memory_space<semaphore_mem>>
    tpu.wait_indirect_dma semaphore(%dma_wait3A_1134 : memref<!tpu.dma_semaphore, #tpu.memory_space<semaphore_mem>>) src(%dma_wait3A_1132 : memref<10000x128xf32, #tpu.memory_space<hbm>>) dst(%arg12 : memref<80x128xf32, #tpu.memory_space<vmem>>)
    %add3A_1135 = arith.constant 9920 : i32
    %add3A_1136 = arith.addi %mul3A_10, %add3A_1135 : i32
    %dma_wait3A_1137 = arith.constant 0 : i32
    %dma_wait3A_1138 = arith.constant 0 : i32
    %dma_wait3A_1139 = arith.constant 0 : i32
    %dma_wait3A_1140 = tpu.memref_slice %arg11[%dma_wait3A_1137, %dma_wait3A_1139] : memref<4x80xf32, #tpu.memory_space<vmem>> -> memref<1x80xf32, #tpu.memory_space<vmem>>
    %dma_wait3A_1141 = tpu.memref_squeeze %dma_wait3A_1140 : memref<1x80xf32, #tpu.memory_space<vmem>> -> memref<80xf32, #tpu.memory_space<vmem>>
    %dma_wait3A_1142 = tpu.memref_slice %arg4[%add3A_1136] : memref<320000xf32, #tpu.memory_space<hbm>> -> memref<80xf32, #tpu.memory_space<hbm>>
    %dma_wait3A_1143 = tpu.memref_slice %arg18[%dma_wait3A_1138] : memref<4x!tpu.dma_semaphore, #tpu.memory_space<semaphore_mem>> -> memref<1x!tpu.dma_semaphore, #tpu.memory_space<semaphore_mem>>
    %dma_wait3A_1144 = tpu.memref_squeeze %dma_wait3A_1143 : memref<1x!tpu.dma_semaphore, #tpu.memory_space<semaphore_mem>> -> memref<!tpu.dma_semaphore, #tpu.memory_space<semaphore_mem>>
    %dma_wait3A_1145 = arith.constant 0 : i32
    %dma_wait3A_1146 = tpu.memref_slice %arg11[%dma_wait3A_1137, %dma_wait3A_1145] : memref<4x80xf32, #tpu.memory_space<vmem>> -> memref<1x80xf32, #tpu.memory_space<vmem>>
    %dma_wait3A_1147 = tpu.memref_squeeze %dma_wait3A_1146 : memref<1x80xf32, #tpu.memory_space<vmem>> -> memref<80xf32, #tpu.memory_space<vmem>>
    %dma_wait3A_1148 = tpu.memref_slice %arg4[%add3A_1136] : memref<320000xf32, #tpu.memory_space<hbm>> -> memref<80xf32, #tpu.memory_space<hbm>>
    tpu.wait_dma2 semaphore(%dma_wait3A_1144 : memref<!tpu.dma_semaphore, #tpu.memory_space<semaphore_mem>>) src(%dma_wait3A_1148 : memref<80xf32, #tpu.memory_space<hbm>>) dst(%dma_wait3A_1147 : memref<80xf32, #tpu.memory_space<vmem>>)
    %broadcast_in_dim3A_1149 = arith.constant 0 : i32
    %broadcast_in_dim3A_1150 = vector.broadcast %broadcast_in_dim3A_1149 : i32 to vector<16xi32>
    %parallel_loop3A_1151 = arith.constant 0 : i32
    %parallel_loop3A_1152 = arith.constant 80 : i32
    %parallel_loop3A_1153 = arith.constant 1 : i32
    scf.for %parallel_loop3A_1254 = %parallel_loop3A_1151 to %parallel_loop3A_1152 step %parallel_loop3A_1153  : i32 {
      %parallel_loop3A_1255 = vector.broadcast %parallel_loop3A_1254 : i32 to vector<16xi32>
      %parallel_loop3A_1256 = tpu.vector_load_idx %arg11[%broadcast_in_dim3A_1150, %parallel_loop3A_1255] : memref<4x80xf32, #tpu.memory_space<vmem>>[vector<16xi32>, vector<16xi32>], vector<16xf32>,
      %parallel_loop3A_1257 = arith.index_cast %parallel_loop3A_1254 : i32 to index
      %parallel_loop3A_1258 = arith.constant 0 : index
      %parallel_loop3A_1259 = tpu.vector_load %arg12[%parallel_loop3A_1257, %parallel_loop3A_1258] {strides = array<i32>} : memref<80x128xf32, #tpu.memory_space<vmem>>, vector<16xf32>,
      %parallel_loop3A_1260 = arith.mulf %parallel_loop3A_1259, %parallel_loop3A_1256 : vector<16xf32>
      %parallel_loop3A_1261 = arith.index_cast %parallel_loop3A_1254 : i32 to index
      %parallel_loop3A_1262 = arith.constant 0 : index
      %parallel_loop3A_1263 = tpu.vector_load %arg12[%parallel_loop3A_1261, %parallel_loop3A_1262] {strides = array<i32>} : memref<80x128xf32, #tpu.memory_space<vmem>>, vector<16xf32>,
      tpu.vector_store %arg12[%parallel_loop3A_1261, %parallel_loop3A_1262], %parallel_loop3A_1260 {strides = array<i32>} : memref<80x128xf32, #tpu.memory_space<vmem>>, vector<16xf32>,
      %parallel_loop3A_1264 = arith.index_cast %parallel_loop3A_1254 : i32 to index
      %parallel_loop3A_1265 = arith.constant 16 : index
      %parallel_loop3A_1266 = tpu.vector_load %arg12[%parallel_loop3A_1264, %parallel_loop3A_1265] {strides = array<i32>} : memref<80x128xf32, #tpu.memory_space<vmem>>, vector<16xf32>,
      %parallel_loop3A_1267 = arith.mulf %parallel_loop3A_1266, %parallel_loop3A_1256 : vector<16xf32>
      %parallel_loop3A_1268 = arith.index_cast %parallel_loop3A_1254 : i32 to index
      %parallel_loop3A_1269 = arith.constant 16 : index
      %parallel_loop3A_1270 = tpu.vector_load %arg12[%parallel_loop3A_1268, %parallel_loop3A_1269] {strides = array<i32>} : memref<80x128xf32, #tpu.memory_space<vmem>>, vector<16xf32>,
      tpu.vector_store %arg12[%parallel_loop3A_1268, %parallel_loop3A_1269], %parallel_loop3A_1267 {strides = array<i32>} : memref<80x128xf32, #tpu.memory_space<vmem>>, vector<16xf32>,
      %parallel_loop3A_1271 = arith.index_cast %parallel_loop3A_1254 : i32 to index
      %parallel_loop3A_1272 = arith.constant 32 : index
      %parallel_loop3A_1273 = tpu.vector_load %arg12[%parallel_loop3A_1271, %parallel_loop3A_1272] {strides = array<i32>} : memref<80x128xf32, #tpu.memory_space<vmem>>, vector<16xf32>,
      %parallel_loop3A_1274 = arith.mulf %parallel_loop3A_1273, %parallel_loop3A_1256 : vector<16xf32>
      %parallel_loop3A_1275 = arith.index_cast %parallel_loop3A_1254 : i32 to index
      %parallel_loop3A_1276 = arith.constant 32 : index
      %parallel_loop3A_1277 = tpu.vector_load %arg12[%parallel_loop3A_1275, %parallel_loop3A_1276] {strides = array<i32>} : memref<80x128xf32, #tpu.memory_space<vmem>>, vector<16xf32>,
      tpu.vector_store %arg12[%parallel_loop3A_1275, %parallel_loop3A_1276], %parallel_loop3A_1274 {strides = array<i32>} : memref<80x128xf32, #tpu.memory_space<vmem>>, vector<16xf32>,
      %parallel_loop3A_1278 = arith.index_cast %parallel_loop3A_1254 : i32 to index
      %parallel_loop3A_1279 = arith.constant 48 : index
      %parallel_loop3A_1280 = tpu.vector_load %arg12[%parallel_loop3A_1278, %parallel_loop3A_1279] {strides = array<i32>} : memref<80x128xf32, #tpu.memory_space<vmem>>, vector<16xf32>,
      %parallel_loop3A_1281 = arith.mulf %parallel_loop3A_1280, %parallel_loop3A_1256 : vector<16xf32>
      %parallel_loop3A_1282 = arith.index_cast %parallel_loop3A_1254 : i32 to index
      %parallel_loop3A_1283 = arith.constant 48 : index
      %parallel_loop3A_1284 = tpu.vector_load %arg12[%parallel_loop3A_1282, %parallel_loop3A_1283] {strides = array<i32>} : memref<80x128xf32, #tpu.memory_space<vmem>>, vector<16xf32>,
      tpu.vector_store %arg12[%parallel_loop3A_1282, %parallel_loop3A_1283], %parallel_loop3A_1281 {strides = array<i32>} : memref<80x128xf32, #tpu.memory_space<vmem>>, vector<16xf32>,
      %parallel_loop3A_1285 = arith.index_cast %parallel_loop3A_1254 : i32 to index
      %parallel_loop3A_1286 = arith.constant 64 : index
      %parallel_loop3A_1287 = tpu.vector_load %arg12[%parallel_loop3A_1285, %parallel_loop3A_1286] {strides = array<i32>} : memref<80x128xf32, #tpu.memory_space<vmem>>, vector<16xf32>,
      %parallel_loop3A_1288 = arith.mulf %parallel_loop3A_1287, %parallel_loop3A_1256 : vector<16xf32>
      %parallel_loop3A_1289 = arith.index_cast %parallel_loop3A_1254 : i32 to index
      %parallel_loop3A_1290 = arith.constant 64 : index
      %parallel_loop3A_1291 = tpu.vector_load %arg12[%parallel_loop3A_1289, %parallel_loop3A_1290] {strides = array<i32>} : memref<80x128xf32, #tpu.memory_space<vmem>>, vector<16xf32>,
      tpu.vector_store %arg12[%parallel_loop3A_1289, %parallel_loop3A_1290], %parallel_loop3A_1288 {strides = array<i32>} : memref<80x128xf32, #tpu.memory_space<vmem>>, vector<16xf32>,
      %parallel_loop3A_1292 = arith.index_cast %parallel_loop3A_1254 : i32 to index
      %parallel_loop3A_1293 = arith.constant 80 : index
      %parallel_loop3A_1294 = tpu.vector_load %arg12[%parallel_loop3A_1292, %parallel_loop3A_1293] {strides = array<i32>} : memref<80x128xf32, #tpu.memory_space<vmem>>, vector<16xf32>,
      %parallel_loop3A_1295 = arith.mulf %parallel_loop3A_1294, %parallel_loop3A_1256 : vector<16xf32>
      %parallel_loop3A_1296 = arith.index_cast %parallel_loop3A_1254 : i32 to index
      %parallel_loop3A_1297 = arith.constant 80 : index
      %parallel_loop3A_1298 = tpu.vector_load %arg12[%parallel_loop3A_1296, %parallel_loop3A_1297] {strides = array<i32>} : memref<80x128xf32, #tpu.memory_space<vmem>>, vector<16xf32>,
      tpu.vector_store %arg12[%parallel_loop3A_1296, %parallel_loop3A_1297], %parallel_loop3A_1295 {strides = array<i32>} : memref<80x128xf32, #tpu.memory_space<vmem>>, vector<16xf32>,
      %parallel_loop3A_1299 = arith.index_cast %parallel_loop3A_1254 : i32 to index
      %parallel_loop3A_1300 = arith.constant 96 : index
      %parallel_loop3A_1301 = tpu.vector_load %arg12[%parallel_loop3A_1299, %parallel_loop3A_1300] {strides = array<i32>} : memref<80x128xf32, #tpu.memory_space<vmem>>, vector<16xf32>,
      %parallel_loop3A_1302 = arith.mulf %parallel_loop3A_1301, %parallel_loop3A_1256 : vector<16xf32>
      %parallel_loop3A_1303 = arith.index_cast %parallel_loop3A_1254 : i32 to index
      %parallel_loop3A_1304 = arith.constant 96 : index
      %parallel_loop3A_1305 = tpu.vector_load %arg12[%parallel_loop3A_1303, %parallel_loop3A_1304] {strides = array<i32>} : memref<80x128xf32, #tpu.memory_space<vmem>>, vector<16xf32>,
      tpu.vector_store %arg12[%parallel_loop3A_1303, %parallel_loop3A_1304], %parallel_loop3A_1302 {strides = array<i32>} : memref<80x128xf32, #tpu.memory_space<vmem>>, vector<16xf32>,
      %parallel_loop3A_1306 = arith.index_cast %parallel_loop3A_1254 : i32 to index
      %parallel_loop3A_1307 = arith.constant 112 : index
      %parallel_loop3A_1308 = tpu.vector_load %arg12[%parallel_loop3A_1306, %parallel_loop3A_1307] {strides = array<i32>} : memref<80x128xf32, #tpu.memory_space<vmem>>, vector<16xf32>,
      %parallel_loop3A_1309 = arith.mulf %parallel_loop3A_1308, %parallel_loop3A_1256 : vector<16xf32>
      %parallel_loop3A_1310 = arith.index_cast %parallel_loop3A_1254 : i32 to index
      %parallel_loop3A_1311 = arith.constant 112 : index
      %parallel_loop3A_1312 = tpu.vector_load %arg12[%parallel_loop3A_1310, %parallel_loop3A_1311] {strides = array<i32>} : memref<80x128xf32, #tpu.memory_space<vmem>>, vector<16xf32>,
      tpu.vector_store %arg12[%parallel_loop3A_1310, %parallel_loop3A_1311], %parallel_loop3A_1309 {strides = array<i32>} : memref<80x128xf32, #tpu.memory_space<vmem>>, vector<16xf32>,
    } {sc.loop_unroll_factor = 2 : i64, sc.parallel_access}
    %add3A_1154 = arith.constant 9920 : i32
    %add3A_1155 = arith.addi %mul3A_10, %add3A_1154 : i32
    %dma_wait3A_1156 = arith.constant 4 : i32
    %dma_wait3A_1157 = arith.constant 0 : i32
    %dma_wait3A_1158 = arith.constant 0 : i32
    %dma_wait3A_1159 = tpu.memref_slice %arg10[%dma_wait3A_1156, %dma_wait3A_1158] : memref<8x80xi32, #tpu.memory_space<vmem>> -> memref<1x80xi32, #tpu.memory_space<vmem>>
    %dma_wait3A_1160 = tpu.memref_squeeze %dma_wait3A_1159 : memref<1x80xi32, #tpu.memory_space<vmem>> -> memref<80xi32, #tpu.memory_space<vmem>>
    %dma_wait3A_1161 = tpu.memref_slice %arg3[%add3A_1155] : memref<640000xi32, #tpu.memory_space<hbm>> -> memref<80xi32, #tpu.memory_space<hbm>>
    %dma_wait3A_1162 = tpu.memref_slice %arg17[%dma_wait3A_1157] : memref<4x!tpu.dma_semaphore, #tpu.memory_space<semaphore_mem>> -> memref<1x!tpu.dma_semaphore, #tpu.memory_space<semaphore_mem>>
    %dma_wait3A_1163 = tpu.memref_squeeze %dma_wait3A_1162 : memref<1x!tpu.dma_semaphore, #tpu.memory_space<semaphore_mem>> -> memref<!tpu.dma_semaphore, #tpu.memory_space<semaphore_mem>>
    %dma_wait3A_1164 = arith.constant 0 : i32
    %dma_wait3A_1165 = tpu.memref_slice %arg10[%dma_wait3A_1156, %dma_wait3A_1164] : memref<8x80xi32, #tpu.memory_space<vmem>> -> memref<1x80xi32, #tpu.memory_space<vmem>>
    %dma_wait3A_1166 = tpu.memref_squeeze %dma_wait3A_1165 : memref<1x80xi32, #tpu.memory_space<vmem>> -> memref<80xi32, #tpu.memory_space<vmem>>
    %dma_wait3A_1167 = tpu.memref_slice %arg3[%add3A_1155] : memref<640000xi32, #tpu.memory_space<hbm>> -> memref<80xi32, #tpu.memory_space<hbm>>
    tpu.wait_dma2 semaphore(%dma_wait3A_1163 : memref<!tpu.dma_semaphore, #tpu.memory_space<semaphore_mem>>) src(%dma_wait3A_1167 : memref<80xi32, #tpu.memory_space<hbm>>) dst(%dma_wait3A_1166 : memref<80xi32, #tpu.memory_space<vmem>>)
    %dma_start3A_1168 = arith.constant 4 : i32
    %dma_start3A_1169 = arith.constant 0 : i32
    %dma_start3A_1170 = arith.constant 0 : i32
    %dma_start3A_1171 = tpu.memref_slice %arg10[%dma_start3A_1168, %dma_start3A_1170] : memref<8x80xi32, #tpu.memory_space<vmem>> -> memref<1x80xi32, #tpu.memory_space<vmem>>
    %dma_start3A_1172 = tpu.memref_squeeze %dma_start3A_1171 : memref<1x80xi32, #tpu.memory_space<vmem>> -> memref<80xi32, #tpu.memory_space<vmem>>
    %dma_start3A_1173 = arith.constant 0 : i32
    %dma_start3A_1174 = arith.constant 0 : i32
    %dma_start3A_1175 = tpu.memref_slice %arg8[%dma_start3A_1173, %dma_start3A_1174] : memref<10000x128xf32, #tpu.memory_space<vmem_shared>> -> memref<10000x128xf32, #tpu.memory_space<vmem_shared>>
    %dma_start3A_1176 = tpu.memref_slice %arg20[%dma_start3A_1169] : memref<4x!tpu.dma_semaphore, #tpu.memory_space<semaphore_mem>> -> memref<1x!tpu.dma_semaphore, #tpu.memory_space<semaphore_mem>>
    %dma_start3A_1177 = tpu.memref_squeeze %dma_start3A_1176 : memref<1x!tpu.dma_semaphore, #tpu.memory_space<semaphore_mem>> -> memref<!tpu.dma_semaphore, #tpu.memory_space<semaphore_mem>>
    tpu.enqueue_indirect_dma source(%arg12 : memref<80x128xf32, #tpu.memory_space<vmem>>) target(%dma_start3A_1175 : memref<10000x128xf32, #tpu.memory_space<vmem_shared>>) offsets(%dma_start3A_1172 : memref<80xi32, #tpu.memory_space<vmem>>) semaphore(%dma_start3A_1177 : memref<!tpu.dma_semaphore, #tpu.memory_space<semaphore_mem>>) {add = true}
    %dma_wait3A_1178 = arith.constant 1 : i32
    %dma_wait3A_1179 = arith.constant 1 : i32
    %dma_wait3A_1180 = arith.constant 0 : i32
    %dma_wait3A_1181 = tpu.memref_slice %arg10[%dma_wait3A_1178, %dma_wait3A_1180] : memref<8x80xi32, #tpu.memory_space<vmem>> -> memref<1x80xi32, #tpu.memory_space<vmem>>
    %dma_wait3A_1182 = tpu.memref_squeeze %dma_wait3A_1181 : memref<1x80xi32, #tpu.memory_space<vmem>> -> memref<80xi32, #tpu.memory_space<vmem>>
    %dma_wait3A_1183 = arith.constant 0 : i32
    %dma_wait3A_1184 = arith.constant 0 : i32
    %dma_wait3A_1185 = tpu.memref_slice %arg8[%dma_wait3A_1183, %dma_wait3A_1184] : memref<10000x128xf32, #tpu.memory_space<vmem_shared>> -> memref<10000x128xf32, #tpu.memory_space<vmem_shared>>
    %dma_wait3A_1186 = tpu.memref_slice %arg20[%dma_wait3A_1179] : memref<4x!tpu.dma_semaphore, #tpu.memory_space<semaphore_mem>> -> memref<1x!tpu.dma_semaphore, #tpu.memory_space<semaphore_mem>>
    %dma_wait3A_1187 = tpu.memref_squeeze %dma_wait3A_1186 : memref<1x!tpu.dma_semaphore, #tpu.memory_space<semaphore_mem>> -> memref<!tpu.dma_semaphore, #tpu.memory_space<semaphore_mem>>
    tpu.wait_indirect_dma semaphore(%dma_wait3A_1187 : memref<!tpu.dma_semaphore, #tpu.memory_space<semaphore_mem>>) src(%arg13 : memref<80x128xf32, #tpu.memory_space<vmem>>) dst(%dma_wait3A_1185 : memref<10000x128xf32, #tpu.memory_space<vmem_shared>>)
    %dma_wait3A_1188 = arith.constant 2 : i32
    %dma_wait3A_1189 = arith.constant 2 : i32
    %dma_wait3A_1190 = arith.constant 0 : i32
    %dma_wait3A_1191 = tpu.memref_slice %arg10[%dma_wait3A_1188, %dma_wait3A_1190] : memref<8x80xi32, #tpu.memory_space<vmem>> -> memref<1x80xi32, #tpu.memory_space<vmem>>
    %dma_wait3A_1192 = tpu.memref_squeeze %dma_wait3A_1191 : memref<1x80xi32, #tpu.memory_space<vmem>> -> memref<80xi32, #tpu.memory_space<vmem>>
    %dma_wait3A_1193 = arith.constant 0 : i32
    %dma_wait3A_1194 = arith.constant 0 : i32
    %dma_wait3A_1195 = tpu.memref_slice %arg8[%dma_wait3A_1193, %dma_wait3A_1194] : memref<10000x128xf32, #tpu.memory_space<vmem_shared>> -> memref<10000x128xf32, #tpu.memory_space<vmem_shared>>
    %dma_wait3A_1196 = tpu.memref_slice %arg20[%dma_wait3A_1189] : memref<4x!tpu.dma_semaphore, #tpu.memory_space<semaphore_mem>> -> memref<1x!tpu.dma_semaphore, #tpu.memory_space<semaphore_mem>>
    %dma_wait3A_1197 = tpu.memref_squeeze %dma_wait3A_1196 : memref<1x!tpu.dma_semaphore, #tpu.memory_space<semaphore_mem>> -> memref<!tpu.dma_semaphore, #tpu.memory_space<semaphore_mem>>
    tpu.wait_indirect_dma semaphore(%dma_wait3A_1197 : memref<!tpu.dma_semaphore, #tpu.memory_space<semaphore_mem>>) src(%arg14 : memref<80x128xf32, #tpu.memory_space<vmem>>) dst(%dma_wait3A_1195 : memref<10000x128xf32, #tpu.memory_space<vmem_shared>>)
    %dma_wait3A_1198 = arith.constant 3 : i32
    %dma_wait3A_1199 = arith.constant 3 : i32
    %dma_wait3A_1200 = arith.constant 0 : i32
    %dma_wait3A_1201 = tpu.memref_slice %arg10[%dma_wait3A_1198, %dma_wait3A_1200] : memref<8x80xi32, #tpu.memory_space<vmem>> -> memref<1x80xi32, #tpu.memory_space<vmem>>
    %dma_wait3A_1202 = tpu.memref_squeeze %dma_wait3A_1201 : memref<1x80xi32, #tpu.memory_space<vmem>> -> memref<80xi32, #tpu.memory_space<vmem>>
    %dma_wait3A_1203 = arith.constant 0 : i32
    %dma_wait3A_1204 = arith.constant 0 : i32
    %dma_wait3A_1205 = tpu.memref_slice %arg8[%dma_wait3A_1203, %dma_wait3A_1204] : memref<10000x128xf32, #tpu.memory_space<vmem_shared>> -> memref<10000x128xf32, #tpu.memory_space<vmem_shared>>
    %dma_wait3A_1206 = tpu.memref_slice %arg20[%dma_wait3A_1199] : memref<4x!tpu.dma_semaphore, #tpu.memory_space<semaphore_mem>> -> memref<1x!tpu.dma_semaphore, #tpu.memory_space<semaphore_mem>>
    %dma_wait3A_1207 = tpu.memref_squeeze %dma_wait3A_1206 : memref<1x!tpu.dma_semaphore, #tpu.memory_space<semaphore_mem>> -> memref<!tpu.dma_semaphore, #tpu.memory_space<semaphore_mem>>
    tpu.wait_indirect_dma semaphore(%dma_wait3A_1207 : memref<!tpu.dma_semaphore, #tpu.memory_space<semaphore_mem>>) src(%arg15 : memref<80x128xf32, #tpu.memory_space<vmem>>) dst(%dma_wait3A_1205 : memref<10000x128xf32, #tpu.memory_space<vmem_shared>>)
    %dma_wait3A_1208 = arith.constant 4 : i32
    %dma_wait3A_1209 = arith.constant 0 : i32
    %dma_wait3A_1210 = arith.constant 0 : i32
    %dma_wait3A_1211 = tpu.memref_slice %arg10[%dma_wait3A_1208, %dma_wait3A_1210] : memref<8x80xi32, #tpu.memory_space<vmem>> -> memref<1x80xi32, #tpu.memory_space<vmem>>
    %dma_wait3A_1212 = tpu.memref_squeeze %dma_wait3A_1211 : memref<1x80xi32, #tpu.memory_space<vmem>> -> memref<80xi32, #tpu.memory_space<vmem>>
    %dma_wait3A_1213 = arith.constant 0 : i32
    %dma_wait3A_1214 = arith.constant 0 : i32
    %dma_wait3A_1215 = tpu.memref_slice %arg8[%dma_wait3A_1213, %dma_wait3A_1214] : memref<10000x128xf32, #tpu.memory_space<vmem_shared>> -> memref<10000x128xf32, #tpu.memory_space<vmem_shared>>
    %dma_wait3A_1216 = tpu.memref_slice %arg20[%dma_wait3A_1209] : memref<4x!tpu.dma_semaphore, #tpu.memory_space<semaphore_mem>> -> memref<1x!tpu.dma_semaphore, #tpu.memory_space<semaphore_mem>>
    %dma_wait3A_1217 = tpu.memref_squeeze %dma_wait3A_1216 : memref<1x!tpu.dma_semaphore, #tpu.memory_space<semaphore_mem>> -> memref<!tpu.dma_semaphore, #tpu.memory_space<semaphore_mem>>
    tpu.wait_indirect_dma semaphore(%dma_wait3A_1217 : memref<!tpu.dma_semaphore, #tpu.memory_space<semaphore_mem>>) src(%arg12 : memref<80x128xf32, #tpu.memory_space<vmem>>) dst(%dma_wait3A_1215 : memref<10000x128xf32, #tpu.memory_space<vmem_shared>>)
    %barrier3A_1218 = arith.constant 0 : index
    tpu.barrier barrier_id(%barrier3A_1218)
    %delay3A_1219 = arith.constant 2000 : i32
    tpu.delay %delay3A_1219
    %barrier3A_1220 = arith.constant 0 : index
    tpu.barrier barrier_id(%barrier3A_1220)
    %mul3A_1221 = arith.constant 632 : i32
    %mul3A_1222 = arith.muli %arg1, %mul3A_1221 : i32
    %eq3A_1223 = arith.constant 0 : i32
    %eq3A_1224 = arith.cmpi eq, %arg0, %eq3A_1223 : i32
    %lt3A_1225 = arith.constant 15 : i32
    %lt3A_1226 = arith.cmpi slt, %arg1, %lt3A_1225 : i32
    %and3A = arith.andi %eq3A_1224, %lt3A_1226 : i1
    %convert_element_type3A_1227 = arith.extui %and3A : i1 to i32
    %cond3A_1228 = arith.constant 0 : i32
    %cond3A_1229 = arith.cmpi ne, %convert_element_type3A_1227, %cond3A_1228 : i32
    scf.if %cond3A_1229 {
      "tpu.region"() ({
        %run_scoped3A = tpu.sem_alloc : memref<!tpu.dma_semaphore, #tpu.memory_space<semaphore_mem>>
        %dma_start3A_1254 = arith.constant 0 : i32
        %dma_start3A_1255 = tpu.memref_slice %arg6[%mul3A_1222, %dma_start3A_1254] : memref<10000x128xf32, #tpu.memory_space<hbm>> -> memref<632x128xf32, #tpu.memory_space<hbm>>
        %dma_start3A_1256 = arith.constant 0 : i32
        %dma_start3A_1257 = tpu.memref_slice %arg8[%mul3A_1222, %dma_start3A_1256] : memref<10000x128xf32, #tpu.memory_space<vmem_shared>> -> memref<632x128xf32, #tpu.memory_space<vmem_shared>>
        tpu.enqueue_dma source(%dma_start3A_1257 : memref<632x128xf32, #tpu.memory_space<vmem_shared>>) target(%dma_start3A_1255 : memref<632x128xf32, #tpu.memory_space<hbm>>) target_semaphore(%run_scoped3A : memref<!tpu.dma_semaphore, #tpu.memory_space<semaphore_mem>>)
        %dma_wait3A_1258 = arith.constant 0 : i32
        %dma_wait3A_1259 = tpu.memref_slice %arg6[%mul3A_1222, %dma_wait3A_1258] : memref<10000x128xf32, #tpu.memory_space<hbm>> -> memref<632x128xf32, #tpu.memory_space<hbm>>
        %dma_wait3A_1260 = arith.constant 0 : i32
        %dma_wait3A_1261 = tpu.memref_slice %arg8[%mul3A_1222, %dma_wait3A_1260] : memref<10000x128xf32, #tpu.memory_space<vmem_shared>> -> memref<632x128xf32, #tpu.memory_space<vmem_shared>>
        tpu.wait_dma2 semaphore(%run_scoped3A : memref<!tpu.dma_semaphore, #tpu.memory_space<semaphore_mem>>) src(%dma_wait3A_1261 : memref<632x128xf32, #tpu.memory_space<vmem_shared>>) dst(%dma_wait3A_1259 : memref<632x128xf32, #tpu.memory_space<hbm>>)
        tpu.yield
      }) : () -> ()
    } else {
    }
    %eq3A_1230 = arith.constant 0 : i32
    %eq3A_1231 = arith.cmpi eq, %arg0, %eq3A_1230 : i32
    %eq3A_1232 = arith.constant 15 : i32
    %eq3A_1233 = arith.cmpi eq, %arg1, %eq3A_1232 : i32
    %and3A_1234 = arith.andi %eq3A_1231, %eq3A_1233 : i1
    %convert_element_type3A_1235 = arith.extui %and3A_1234 : i1 to i32
    %cond3A_1236 = arith.constant 0 : i32
    %cond3A_1237 = arith.cmpi ne, %convert_element_type3A_1235, %cond3A_1236 : i32
    scf.if %cond3A_1237 {
      "tpu.region"() ({
        %run_scoped3A = tpu.sem_alloc : memref<!tpu.dma_semaphore, #tpu.memory_space<semaphore_mem>>
        %dma_start3A_1254 = arith.constant 0 : i32
        %dma_start3A_1255 = tpu.memref_slice %arg6[%mul3A_1222, %dma_start3A_1254] : memref<10000x128xf32, #tpu.memory_space<hbm>> -> memref<520x128xf32, #tpu.memory_space<hbm>>
        %dma_start3A_1256 = arith.constant 0 : i32
        %dma_start3A_1257 = tpu.memref_slice %arg8[%mul3A_1222, %dma_start3A_1256] : memref<10000x128xf32, #tpu.memory_space<vmem_shared>> -> memref<520x128xf32, #tpu.memory_space<vmem_shared>>
        tpu.enqueue_dma source(%dma_start3A_1257 : memref<520x128xf32, #tpu.memory_space<vmem_shared>>) target(%dma_start3A_1255 : memref<520x128xf32, #tpu.memory_space<hbm>>) target_semaphore(%run_scoped3A : memref<!tpu.dma_semaphore, #tpu.memory_space<semaphore_mem>>)
        %dma_wait3A_1258 = arith.constant 0 : i32
        %dma_wait3A_1259 = tpu.memref_slice %arg6[%mul3A_1222, %dma_wait3A_1258] : memref<10000x128xf32, #tpu.memory_space<hbm>> -> memref<520x128xf32, #tpu.memory_space<hbm>>
        %dma_wait3A_1260 = arith.constant 0 : i32
        %dma_wait3A_1261 = tpu.memref_slice %arg8[%mul3A_1222, %dma_wait3A_1260] : memref<10000x128xf32, #tpu.memory_space<vmem_shared>> -> memref<520x128xf32, #tpu.memory_space<vmem_shared>>
        tpu.wait_dma2 semaphore(%run_scoped3A : memref<!tpu.dma_semaphore, #tpu.memory_space<semaphore_mem>>) src(%dma_wait3A_1261 : memref<520x128xf32, #tpu.memory_space<vmem_shared>>) dst(%dma_wait3A_1259 : memref<520x128xf32, #tpu.memory_space<hbm>>)
        tpu.yield
      }) : () -> ()
    } else {
    }
    %eq3A_1238 = arith.constant 1 : i32
    %eq3A_1239 = arith.cmpi eq, %arg0, %eq3A_1238 : i32
    %lt3A_1240 = arith.constant 15 : i32
    %lt3A_1241 = arith.cmpi slt, %arg1, %lt3A_1240 : i32
    %and3A_1242 = arith.andi %eq3A_1239, %lt3A_1241 : i1
    %convert_element_type3A_1243 = arith.extui %and3A_1242 : i1 to i32
    %cond3A_1244 = arith.constant 0 : i32
    %cond3A_1245 = arith.cmpi ne, %convert_element_type3A_1243, %cond3A_1244 : i32
    scf.if %cond3A_1245 {
      "tpu.region"() ({
        %run_scoped3A = tpu.sem_alloc : memref<!tpu.dma_semaphore, #tpu.memory_space<semaphore_mem>>
        %dma_start3A_1254 = arith.constant 0 : i32
        %dma_start3A_1255 = tpu.memref_slice %arg7[%mul3A_1222, %dma_start3A_1254] : memref<10000x128xf32, #tpu.memory_space<hbm>> -> memref<632x128xf32, #tpu.memory_space<hbm>>
        %dma_start3A_1256 = arith.constant 0 : i32
        %dma_start3A_1257 = tpu.memref_slice %arg8[%mul3A_1222, %dma_start3A_1256] : memref<10000x128xf32, #tpu.memory_space<vmem_shared>> -> memref<632x128xf32, #tpu.memory_space<vmem_shared>>
        tpu.enqueue_dma source(%dma_start3A_1257 : memref<632x128xf32, #tpu.memory_space<vmem_shared>>) target(%dma_start3A_1255 : memref<632x128xf32, #tpu.memory_space<hbm>>) target_semaphore(%run_scoped3A : memref<!tpu.dma_semaphore, #tpu.memory_space<semaphore_mem>>)
        %dma_wait3A_1258 = arith.constant 0 : i32
        %dma_wait3A_1259 = tpu.memref_slice %arg7[%mul3A_1222, %dma_wait3A_1258] : memref<10000x128xf32, #tpu.memory_space<hbm>> -> memref<632x128xf32, #tpu.memory_space<hbm>>
        %dma_wait3A_1260 = arith.constant 0 : i32
        %dma_wait3A_1261 = tpu.memref_slice %arg8[%mul3A_1222, %dma_wait3A_1260] : memref<10000x128xf32, #tpu.memory_space<vmem_shared>> -> memref<632x128xf32, #tpu.memory_space<vmem_shared>>
        tpu.wait_dma2 semaphore(%run_scoped3A : memref<!tpu.dma_semaphore, #tpu.memory_space<semaphore_mem>>) src(%dma_wait3A_1261 : memref<632x128xf32, #tpu.memory_space<vmem_shared>>) dst(%dma_wait3A_1259 : memref<632x128xf32, #tpu.memory_space<hbm>>)
        tpu.yield
      }) : () -> ()
    } else {
    }
    %eq3A_1246 = arith.constant 1 : i32
    %eq3A_1247 = arith.cmpi eq, %arg0, %eq3A_1246 : i32
    %eq3A_1248 = arith.constant 15 : i32
    %eq3A_1249 = arith.cmpi eq, %arg1, %eq3A_1248 : i32
    %and3A_1250 = arith.andi %eq3A_1247, %eq3A_1249 : i1
    %convert_element_type3A_1251 = arith.extui %and3A_1250 : i1 to i32
    %cond3A_1252 = arith.constant 0 : i32
    %cond3A_1253 = arith.cmpi ne, %convert_element_type3A_1251, %cond3A_1252 : i32
    scf.if %cond3A_1253 {
      "tpu.region"() ({
        %run_scoped3A = tpu.sem_alloc : memref<!tpu.dma_semaphore, #tpu.memory_space<semaphore_mem>>
        %dma_start3A_1254 = arith.constant 0 : i32
        %dma_start3A_1255 = tpu.memref_slice %arg7[%mul3A_1222, %dma_start3A_1254] : memref<10000x128xf32, #tpu.memory_space<hbm>> -> memref<520x128xf32, #tpu.memory_space<hbm>>
        %dma_start3A_1256 = arith.constant 0 : i32
        %dma_start3A_1257 = tpu.memref_slice %arg8[%mul3A_1222, %dma_start3A_1256] : memref<10000x128xf32, #tpu.memory_space<vmem_shared>> -> memref<520x128xf32, #tpu.memory_space<vmem_shared>>
        tpu.enqueue_dma source(%dma_start3A_1257 : memref<520x128xf32, #tpu.memory_space<vmem_shared>>) target(%dma_start3A_1255 : memref<520x128xf32, #tpu.memory_space<hbm>>) target_semaphore(%run_scoped3A : memref<!tpu.dma_semaphore, #tpu.memory_space<semaphore_mem>>)
        %dma_wait3A_1258 = arith.constant 0 : i32
        %dma_wait3A_1259 = tpu.memref_slice %arg7[%mul3A_1222, %dma_wait3A_1258] : memref<10000x128xf32, #tpu.memory_space<hbm>> -> memref<520x128xf32, #tpu.memory_space<hbm>>
        %dma_wait3A_1260 = arith.constant 0 : i32
        %dma_wait3A_1261 = tpu.memref_slice %arg8[%mul3A_1222, %dma_wait3A_1260] : memref<10000x128xf32, #tpu.memory_space<vmem_shared>> -> memref<520x128xf32, #tpu.memory_space<vmem_shared>>
        tpu.wait_dma2 semaphore(%run_scoped3A : memref<!tpu.dma_semaphore, #tpu.memory_space<semaphore_mem>>) src(%dma_wait3A_1261 : memref<520x128xf32, #tpu.memory_space<vmem_shared>>) dst(%dma_wait3A_1259 : memref<520x128xf32, #tpu.memory_space<hbm>>)
        tpu.yield
      }) : () -> ()
    } else {
    }
    return
  }
}

module attributes {stable_mosaic.version = 14 : i64} {
  func.func @_mlp_body(%arg0: memref<10000x128xf32, #tpu.memory_space<vmem>>, %arg1: memref<128x128xf32, #tpu.memory_space<vmem>>, %arg2: memref<128x128xf32, #tpu.memory_space<vmem>>, %arg3: memref<128x128xf32, #tpu.memory_space<vmem>>, %arg4: memref<10000x128xf32, #tpu.memory_space<vmem>>, %arg5: memref<10000x128xf32, #tpu.memory_space<vmem>>) attributes {dimension_semantics = [], scalar_prefetch = 0 : i64, scratch_operands = 0 : i64, tpu.core_type = #tpu.core_type<tc>} {
    %get3A = arith.constant 0 : index
    %get3A_0 = arith.constant 0 : index
    %get3A_1 = vector.load %arg0[%get3A, %get3A_0] : memref<10000x128xf32, #tpu.memory_space<vmem>>, vector<10000x128xf32>
    %get3A_2 = arith.constant 0 : index
    %get3A_3 = arith.constant 0 : index
    %get3A_4 = vector.load %arg1[%get3A_2, %get3A_3] : memref<128x128xf32, #tpu.memory_space<vmem>>, vector<128x128xf32>
    %dot_general3A = arith.constant dense<0.000000e+00> : vector<10000x128xf32>
    %dot_general3A_5 = tpu.matmul %get3A_1, %get3A_4, %dot_general3A {dimension_numbers = #tpu.dot_dimension_numbers<[1], [0], [0], [1], [0, 0, 1, 1], [], []>, transpose_lhs_hint = false} : vector<10000x128xf32>, vector<128x128xf32>, vector<10000x128xf32> -> vector<10000x128xf32>
    %mul3A = arith.constant 0.00999999977 : f32
    %mul3A_6 = vector.broadcast %mul3A : f32 to vector<10000x128xf32>
    %mul3A_7 = arith.mulf %mul3A_6, %dot_general3A_5 : vector<10000x128xf32>
    %max3A = arith.maximumf %dot_general3A_5, %mul3A_7 : vector<10000x128xf32>
    %get3A_8 = arith.constant 0 : index
    %get3A_9 = arith.constant 0 : index
    %get3A_10 = vector.load %arg2[%get3A_8, %get3A_9] : memref<128x128xf32, #tpu.memory_space<vmem>>, vector<128x128xf32>
    %dot_general3A_11 = arith.constant dense<0.000000e+00> : vector<10000x128xf32>
    %dot_general3A_12 = tpu.matmul %max3A, %get3A_10, %dot_general3A_11 {dimension_numbers = #tpu.dot_dimension_numbers<[1], [0], [0], [1], [0, 0, 1, 1], [], []>, transpose_lhs_hint = false} : vector<10000x128xf32>, vector<128x128xf32>, vector<10000x128xf32> -> vector<10000x128xf32>
    %swap3A = arith.constant 0 : index
    %swap3A_13 = arith.constant 0 : index
    %swap3A_14 = vector.load %arg4[%swap3A, %swap3A_13] : memref<10000x128xf32, #tpu.memory_space<vmem>>, vector<10000x128xf32>
    tpu.vector_store %arg4[%swap3A, %swap3A_13], %dot_general3A_12 {strides = array<i32>} : memref<10000x128xf32, #tpu.memory_space<vmem>>, vector<10000x128xf32>,
    %get3A_15 = arith.constant 0 : index
    %get3A_16 = arith.constant 0 : index
    %get3A_17 = vector.load %arg3[%get3A_15, %get3A_16] : memref<128x128xf32, #tpu.memory_space<vmem>>, vector<128x128xf32>
    %dot_general3A_18 = arith.constant dense<0.000000e+00> : vector<10000x128xf32>
    %dot_general3A_19 = tpu.matmul %dot_general3A_12, %get3A_17, %dot_general3A_18 {dimension_numbers = #tpu.dot_dimension_numbers<[1], [0], [0], [1], [0, 0, 1, 1], [], []>, transpose_lhs_hint = false} : vector<10000x128xf32>, vector<128x128xf32>, vector<10000x128xf32> -> vector<10000x128xf32>
    %swap3A_20 = arith.constant 0 : index
    %swap3A_21 = arith.constant 0 : index
    %swap3A_22 = vector.load %arg5[%swap3A_20, %swap3A_21] : memref<10000x128xf32, #tpu.memory_space<vmem>>, vector<10000x128xf32>
    tpu.vector_store %arg5[%swap3A_20, %swap3A_21], %dot_general3A_19 {strides = array<i32>} : memref<10000x128xf32, #tpu.memory_space<vmem>>, vector<10000x128xf32>,
    return
  }
}

module attributes {stable_mosaic.version = 14 : i64} {
  func.func @_finish_body(%arg0: memref<10000x128xf32, #tpu.memory_space<vmem>>, %arg1: memref<10000x128xf32, #tpu.memory_space<vmem>>, %arg2: memref<10000x128xf32, #tpu.memory_space<vmem>>, %arg3: memref<128x128xf32, #tpu.memory_space<vmem>>, %arg4: memref<128xf32, #tpu.memory_space<vmem>>, %arg5: memref<128xf32, #tpu.memory_space<vmem>>, %arg6: memref<10000x128xf32, #tpu.memory_space<vmem>>) attributes {dimension_semantics = [], scalar_prefetch = 0 : i64, scratch_operands = 0 : i64, tpu.core_type = #tpu.core_type<tc>} {
    %get3A = arith.constant 0 : index
    %get3A_0 = arith.constant 0 : index
    %get3A_1 = vector.load %arg1[%get3A, %get3A_0] : memref<10000x128xf32, #tpu.memory_space<vmem>>, vector<10000x128xf32>
    %get3A_2 = arith.constant 0 : index
    %get3A_3 = arith.constant 0 : index
    %get3A_4 = vector.load %arg2[%get3A_2, %get3A_3] : memref<10000x128xf32, #tpu.memory_space<vmem>>, vector<10000x128xf32>
    %add3A = arith.addf %get3A_1, %get3A_4 : vector<10000x128xf32>
    %mul3A = arith.constant 0.00999999977 : f32
    %mul3A_5 = vector.broadcast %mul3A : f32 to vector<10000x128xf32>
    %mul3A_6 = arith.mulf %mul3A_5, %add3A : vector<10000x128xf32>
    %max3A = arith.maximumf %add3A, %mul3A_6 : vector<10000x128xf32>
    %get3A_7 = arith.constant 0 : index
    %get3A_8 = arith.constant 0 : index
    %get3A_9 = vector.load %arg0[%get3A_7, %get3A_8] : memref<10000x128xf32, #tpu.memory_space<vmem>>, vector<10000x128xf32>
    %get3A_10 = arith.constant 0 : index
    %get3A_11 = arith.constant 0 : index
    %get3A_12 = vector.load %arg3[%get3A_10, %get3A_11] : memref<128x128xf32, #tpu.memory_space<vmem>>, vector<128x128xf32>
    %dot_general3A = arith.constant dense<0.000000e+00> : vector<10000x128xf32>
    %dot_general3A_13 = tpu.matmul %max3A, %get3A_12, %dot_general3A {dimension_numbers = #tpu.dot_dimension_numbers<[1], [0], [0], [1], [0, 0, 1, 1], [], []>, transpose_lhs_hint = false} : vector<10000x128xf32>, vector<128x128xf32>, vector<10000x128xf32> -> vector<10000x128xf32>
    %add3A_14 = arith.addf %get3A_9, %dot_general3A_13 : vector<10000x128xf32>
    %reduce_sum3A = arith.constant dense<0.000000e+00> : vector<128xf32>
    %reduce_sum3A_15 = vector.multi_reduction <add>, %add3A_14, %reduce_sum3A [0] : vector<10000x128xf32> to vector<128xf32>
    %broadcast_in_dim3A = vector.shape_cast %reduce_sum3A_15 : vector<128xf32> to vector<1x128xf32>
    %mul3A_16 = arith.constant 9.99999974E-5 : f32
    %mul3A_17 = vector.broadcast %mul3A_16 : f32 to vector<1x128xf32>
    %mul3A_18 = arith.mulf %broadcast_in_dim3A, %mul3A_17 : vector<1x128xf32>
    %sub3A = vector.broadcast %mul3A_18 : vector<1x128xf32> to vector<10000x128xf32>
    %sub3A_19 = arith.subf %add3A_14, %sub3A : vector<10000x128xf32>
    %mul3A_20 = arith.mulf %sub3A_19, %sub3A_19 : vector<10000x128xf32>
    %reduce_sum3A_21 = arith.constant dense<0.000000e+00> : vector<128xf32>
    %reduce_sum3A_22 = vector.multi_reduction <add>, %mul3A_20, %reduce_sum3A_21 [0] : vector<10000x128xf32> to vector<128xf32>
    %broadcast_in_dim3A_23 = vector.shape_cast %reduce_sum3A_22 : vector<128xf32> to vector<1x128xf32>
    %mul3A_24 = arith.constant 1.000100e-04 : f32
    %mul3A_25 = vector.broadcast %mul3A_24 : f32 to vector<1x128xf32>
    %mul3A_26 = arith.mulf %broadcast_in_dim3A_23, %mul3A_25 : vector<1x128xf32>
    %get3A_27 = arith.constant 0 : index
    %get3A_28 = vector.load %arg4[%get3A_27] : memref<128xf32, #tpu.memory_space<vmem>>, vector<128xf32>
    %reshape3A = vector.shape_cast %get3A_28 : vector<128xf32> to vector<1x128xf32>
    %get3A_29 = arith.constant 0 : index
    %get3A_30 = vector.load %arg5[%get3A_29] : memref<128xf32, #tpu.memory_space<vmem>>, vector<128xf32>
    %reshape3A_31 = vector.shape_cast %get3A_30 : vector<128xf32> to vector<1x128xf32>
    %sqrt3A = math.sqrt %mul3A_26 : vector<1x128xf32>
    %add3A_32 = arith.constant 9.99999997E-7 : f32
    %add3A_33 = vector.broadcast %add3A_32 : f32 to vector<1x128xf32>
    %add3A_34 = arith.addf %sqrt3A, %add3A_33 : vector<1x128xf32>
    %div3A = vector.broadcast %add3A_34 : vector<1x128xf32> to vector<10000x128xf32>
    %div3A_35 = arith.divf %sub3A_19, %div3A : vector<10000x128xf32>
    %mul3A_36 = vector.broadcast %reshape3A : vector<1x128xf32> to vector<10000x128xf32>
    %mul3A_37 = arith.mulf %div3A_35, %mul3A_36 : vector<10000x128xf32>
    %add3A_38 = vector.broadcast %reshape3A_31 : vector<1x128xf32> to vector<10000x128xf32>
    %add3A_39 = arith.addf %mul3A_37, %add3A_38 : vector<10000x128xf32>
    %swap3A = arith.constant 0 : index
    %swap3A_40 = arith.constant 0 : index
    %swap3A_41 = vector.load %arg6[%swap3A, %swap3A_40] : memref<10000x128xf32, #tpu.memory_space<vmem>>, vector<10000x128xf32>
    tpu.vector_store %arg6[%swap3A, %swap3A_40], %add3A_39 {strides = array<i32>} : memref<10000x128xf32, #tpu.memory_space<vmem>>, vector<10000x128xf32>,
    return
  }
}

</mosaic_0001>

<sc_bundles>
// kernel: kernel.5.cloned.1.call-start
scs
__scs_entry_jumppad:
0x0: {  	(pc) =	sbr.rel $0x88, $3  }
0x1: {  	(tag) =	ssettag $0x0;
	lr =	simm.s32 $0x1  }
0x2: {  	[smem:$0x3F98] =	sst lr;
	_ =	strace $0xD0000000  }
0x3: {  	_ = 	snop  }
0x4: {  	_ = 	snop  }
0x5: {  	_ = 	snop  }
0x6: {  	_ = 	snop  }
0x7: {  	_ = 	snop  }
__scs_overlays_trampoline_lowered:
0x8: {  	[smem:$0x3FA7] =	sst s0  }
0x9: {  	[smem:$0x3FA8] =	sst s1  }
0xa: {  	[smem:$0x3FA9] =	sst s2  }
0xb: {  	[smem:$0x3FAA] =	sst s3  }
0xc: {  	[smem:$0x3FAB] =	sst s4  }
0xd: {  	[smem:$0x3FAC] =	sst s5  }
0xe: {  	[smem:$0x3FAD] =	sst s6  }
0xf: {  	[smem:$0x3FAE] =	sst s7  }
0x10: {  	[smem:$0x3FAF] =	sst s8  }
0x11: {  	[smem:$0x3FB0] =	sst s9;
	s0 =	simm.s32 @!p0 $0x0  }
0x12: {  	s1 =	sld [smem:$0x3F96];
	s0 =	simm.s32 @p0 $0x1  }
0x13: {  	[smem:$0x3FB1] =	sst s0;
	s0 =	simm.s32 @!p1 $0x0  }
0x14: {  	s2 =	sld [smem:$0x3F95];
	s0 =	simm.s32 @p1 $0x1  }
0x15: {  	[smem:$0x3FB2] =	sst s0;
	s0 =	simm.s32 @!p2 $0x0  }
0x16: {  	s3 =	sld [smem:$0x3FDB];
	s0 =	simm.s32 @p2 $0x1  }
0x17: {  	s4 =	simm.s32 $0x1BF5;
	[smem:$0x3FB4] =	sst s0  }
0x18: {  	s0 =	sld [smem:$0x3F97];
	_ =	swait.ge [sflag:s4], $0x0  }
0x19: {  	s7 =	sld [smem:$0x3F98]  }
0x1a: {  	s8 =	sadd.s32 $0xFFFFE003, lr  }
0x1b: {  	s9 =	sadd.s32 $0xFFFFFEF7, lr;
	s5 =	simm.s32 $0xFFFFFFFF;
	p2 =	slt.u32 s8, $0xFFFFF086  }
0x1c: {  	p1 =	slt.u32 s9, $0xF7A;
	s5 =	simm.s32 @!p2 $0x0  }
0x1d: {  	s5 =	simm.s32 @p1 $0x1;
	p0 =	seq.s32 s7, s2  }
0x1e: {  	s7 =	smul.u32 @!p0 $0xF7A, s2;
	p2 =	seq.s32 @!p0 s5, $0x0  }
0x1f: {  	s9 =	smul.u32 $0xF7A, s1;
	s8 =	simm.s32 @!p0 $0x1BF5;
	p2 =	por !p2, p0  }
0x20: {  	[sflag:s8] =	ssyncset.s32 @!p0 $0xFFFFF086;
	s6 =	sadd.s32 @!p0 s3, s7;
	s7 =	simm.s32 @!p0 $0x108  }
0x21: {  	s3 =	sadd.s32 s3, s9;
	s6 =	sadd.s32 @!p0 $0x88, s6;
	s7 =	simm.s32 @p2 $0x1082  }
0x22: {  	[simem:s7], [sflag:s8] =	dma.local @!p0 [hbm:s6], $0xF7A  }
0x23: {  	s9 =	sor.u32 $0xD0000000, s2;
	s6 =	simm.s32 $0x108;
	_ =	swait.ge @!p0 [sflag:s8], $0x0  }
0x24: {  	s3 =	sadd.s32 $0x88, s3;
	s6 =	simm.s32 @!p1 $0x1082;
	[sflag:s4] =	ssyncset.s32 $0xFFFFF086  }
0x25: {  	[simem:s6], [sflag:s4] =	dma.local [hbm:s3], $0xF7A  }
0x26: {  	[smem:$0x3F98] =	sst s1;
	(tag) =	ssettag s2;
	_ =	strace s9  }
0x27: {  	s1 =	sld [smem:$0x3FA8]  }
0x28: {  	s2 =	sld [smem:$0x3FA9]  }
0x29: {  	s4 =	sld [smem:$0x3FAB]  }
0x2a: {  	p0 =	seq.s32 s5, $0x0;
	s5 =	sld [smem:$0x3FAC]  }
0x2b: {  	s6 =	sld [smem:$0x3FAD]  }
0x2c: {  	s7 =	sld [smem:$0x3FAE]  }
0x2d: {  	s3 =	simm.s32 $0x108;
	s8 =	sld [smem:$0x3FAF]  }
0x2e: {  	s3 =	simm.s32 @!p0 $0x1082;
	s9 =	sld [smem:$0x3FB0]  }
0x2f: {  	lr =	sadd.s32 s0, s3;
	s0 =	sld [smem:$0x3FA7]  }
0x30: {  	s3 =	sld [smem:$0x3FAA]  }
0x31: {  	[smem:$0x3FB3] =	sst s10  }
0x32: {  	s10 =	sld [smem:$0x3FB1];
	_ =	sdelay $0x3  }
0x33: {  	p0 =	seq.s32 s10, $0x1;
	s10 =	sld [smem:$0x3FB3];
	_ =	sdelay $0x3  }
0x34: {  	[smem:$0x3FB3] =	sst s10  }
0x35: {  	s10 =	sld [smem:$0x3FB2];
	_ =	sdelay $0x3  }
0x36: {  	p1 =	seq.s32 s10, $0x1;
	s10 =	sld [smem:$0x3FB3];
	_ =	sdelay $0x3  }
0x37: {  	[smem:$0x3FB3] =	sst s10  }
0x38: {  	s10 =	sld [smem:$0x3FB4]  }
0x39: {  	_ = 	snop;
	(pc) =	sbr.ind lr, $3  }
0x3a: {  	_ = 	snop  }
0x3b: {  	_ = 	snop  }
0x3c: {  	p2 =	seq.s32 s10, $0x1;
	s10 =	sld [smem:$0x3FB3]  }
0x3d: {  	_ =	shalt  }
0x3e: {  	_ =	shalt  }
0x3f: {  	_ =	shalt  }
0x40: {  	_ =	shalt  }
0x41: {  	_ =	shalt  }
0x42: {  	_ =	shalt  }
0x43: {  	_ =	shalt  }
0x44: {  	_ =	shalt  }
0x45: {  	_ =	shalt  }
0x46: {  	_ =	shalt  }
0x47: {  	_ =	shalt  }
0x48: {  	_ =	shalt  }
0x49: {  	_ =	shalt  }
0x4a: {  	_ =	shalt  }
0x4b: {  	_ =	shalt  }
0x4c: {  	_ =	shalt  }
0x4d: {  	_ =	shalt  }
0x4e: {  	_ =	shalt  }
0x4f: {  	_ =	shalt  }
0x50: {  	_ =	shalt  }
0x51: {  	_ =	shalt  }
0x52: {  	_ =	shalt  }
0x53: {  	_ =	shalt  }
0x54: {  	_ =	shalt  }
0x55: {  	_ =	shalt  }
0x56: {  	_ =	shalt  }
0x57: {  	_ =	shalt  }
0x58: {  	_ =	shalt  }
0x59: {  	_ =	shalt  }
0x5a: {  	_ =	shalt  }
0x5b: {  	_ =	shalt  }
0x5c: {  	_ =	shalt  }
0x5d: {  	_ =	shalt  }
0x5e: {  	_ =	shalt  }
0x5f: {  	_ =	shalt  }
0x60: {  	_ =	shalt  }
0x61: {  	_ =	shalt  }
0x62: {  	_ =	shalt  }
0x63: {  	_ =	shalt  }
0x64: {  	_ =	shalt  }
0x65: {  	_ =	shalt  }
0x66: {  	_ =	shalt  }
0x67: {  	_ =	shalt  }
0x68: {  	_ =	shalt  }
0x69: {  	_ =	shalt  }
0x6a: {  	_ =	shalt  }
0x6b: {  	_ =	shalt  }
0x6c: {  	_ =	shalt  }
0x6d: {  	_ =	shalt  }
0x6e: {  	_ =	shalt  }
0x6f: {  	_ =	shalt  }
0x70: {  	_ =	shalt  }
0x71: {  	_ =	shalt  }
0x72: {  	_ =	shalt  }
0x73: {  	_ =	shalt  }
0x74: {  	_ =	shalt  }
0x75: {  	_ =	shalt  }
0x76: {  	_ =	shalt  }
0x77: {  	_ =	shalt  }
0x78: {  	_ =	shalt  }
0x79: {  	_ =	shalt  }
0x7a: {  	_ =	shalt  }
0x7b: {  	_ =	shalt  }
0x7c: {  	_ =	shalt  }
0x7d: {  	_ =	shalt  }
0x7e: {  	_ =	shalt  }
0x7f: {  	_ =	shalt  }
0x80: {  	_ =	shalt  }
0x81: {  	_ =	shalt  }
0x82: {  	_ =	shalt  }
0x83: {  	_ =	shalt  }
0x84: {  	_ =	shalt  }
0x85: {  	_ =	shalt  }
0x86: {  	_ =	shalt  }
0x87: {  	_ =	shalt  }
.Lfunc_end0:
.L_simem_size_0:
called_computation_lowered:
.L_overlay_start_0:
0x88: {  	s2 =	sld [smem:$0x3FD9]  }
0x89: {  	s3 =	sld [smem:$0x3FFE];
	_ =	sdelay $0x1  }
0x8a: {  	s1 =	srdreg.scid  }
0x8b: {  	s0 =	sand.u32 $0x1, s1  }
0x8c: {  	s17 =	sshll.u32 s0, $0xA;
	s2 =	sadd.s32 s3, s2  }
0x8d: {  	s2 =	sadd.s32 s2, s17  }
0x8e: {  	[smem:$0x3FBF] =	sst s2  }
0x8f: {  	_ = 	snop  }
0x90: {  	s2 =	sld [smem:$0x3FD0];
	(tm) =	ssettm $0x1  }
0x91: {  	s18 =	sld [smem:$0x3FFB];
	_ =	sdelay $0x3  }
0x92: {  	_ =	strace s18  }
0x93: {  	s3 =	sld [smem:$0x3FFC];
	_ =	sdelay $0x3  }
0x94: {  	_ =	strace s3  }
0x95: {  	s3 =	sld [smem:$0x3FFD];
	_ =	sdelay $0x3  }
0x96: {  	_ =	strace s3  }
0x97: {  	_ =	strace $0x8FFFFFFF  }
0x98: {  	s19 =	sld [smem:$0x3FDB];
	_ =	sdelay $0x1  }
0x99: {  	s4 =	simm.s32 $_scs_section_size  }
0x9a: {  	s5 =	simm.s32 $_size__tile_overlayer_lowered;
	s6 =	simm.s32 $_tile_overlayer_lowered  }
0x9b: {  	s22 =	simm.s32 $0x1BFF;
	s21 =	sshll.u32 s6, $0x1;
	s3 =	sadd.s32 s4, s19  }
0x9c: {  	s7 =	simm.s32 $0x0;
	s20 =	sshll.u32 s5, $0x1;
	s5 =	sadd.s32 s21, s3  }
0x9d: {  	[timem:s7], [sflag:s22] =	dma.local [hbm:s5], s20  }
0x9e: {  	_ =	swait.ge [sflag:s22], s20  }
0x9f: {  	s4 =	ssub.s32 $0x0, s20;
	[sflag:s22] =	ssyncset.done $0x0  }
0xa0: {  	[sflag:s22] =	ssyncadd.s32 s4;
	_ =	sdelay $0x1  }
0xa1: {  	s23 =	simm.s32 $0x1B8B  }
0xa2: {  	_ =	swait.ge [sflag:s23], $0x1  }
0xa3: {  	[sflag:s23] =	ssyncset.done $0x0  }
0xa4: {  	s25 =	simm.s32 $0x1B8E;
	s24 =	sld [smem:$0x3FFE];
	[sflag:s23] =	ssyncadd.s32 $0xFFFFFFFF  }
0xa5: {  	s26 =	simm.s32 $execute0_lowered;
	[smem:$0x3FD2] =	sst s25  }
0xa6: {  	s5 =	sshll.u32 s26, $0x1;
	_ =	strace $0x80000046;
	[dreg:$0x1] =	wrdreg $0xFFFFFFFF  }
0xa7: {  	s28 =	simm.s32 $_size_execute0_lowered;
	s3 =	sadd.s32 s3, s5;
	[dreg:$0x0] =	wrdreg $0x0  }
0xa8: {  	s5 =	sshll.u32 s28, $0x1;
	[dreg:$0x2] =	wrdreg s3  }
0xa9: {  	[dreg:$0x3] =	wrdreg s5  }
0xaa: {  	[dreg:$0x4] =	wrdreg $0xC0  }
0xab: {  	_ =	task [dreg:s7], $0x5FFFF  }
0xac: {  	[dreg:$0x1] =	wrdreg $0xFFFFFFFF  }
0xad: {  	[dreg:$0x0] =	wrdreg $0x60  }
0xae: {  	[dreg:$0x2] =	wrdreg s2  }
0xaf: {  	[dreg:$0x3] =	wrdreg s24  }
0xb0: {  	[dreg:$0x4] =	wrdreg $0x0  }
0xb1: {  	[dreg:$0x5] =	wrdreg $0x9  }
0xb2: {  	_ =	task.clear_ibuf [dreg:s7], $0x6FFFF;
	_ =	strace $0x90000046  }
0xb3: {  	s29 =	simm.s32 $0x9;
	_ =	strace $0x80000048  }
0xb4: {  	_ =	swait.ge [sflag:s29], $0x1  }
0xb5: {  	[sflag:s29] =	ssyncadd.s32 $0xFFFFFFFF  }
0xb6: {  	_ =	strace $0x90000048  }
0xb7: {  	_ =	sfence  }
0xb8: {  	s30 =	sld [smem:$0x0];
	_ =	sdelay $0x2  }
0xb9: {  	s31 =	sshll.u32 s1, $0xD;
	s1 =	sshrl.u32 s1, $0x2  }
0xba: {  	s3 =	sand.u32 $0x4000, s31;
	s1 =	sadd.s32 s1, s30  }
0xbb: {  	s0 =	sor.u32 s3, s0;
	s1 =	sshll.u32 s1, $0x11  }
0xbc: {  	s0 =	sor.u32 s1, s0  }
0xbd: {  	s0 =	sadd.s32 $0x8F2B, s0  }
0xbe: {  	[sflag:s0] =	ssyncadd.remote.s32 $0x1  }
0xbf: {  	_ =	sfence.sel $0xFFFF  }
0xc0: {  	[dreg:$0x0] =	wrdreg $0xFFFFFFFF;
	(pc) =	sbr.abs _section_cstart, $3  }
0xc1: {  	[dreg:$0x1] =	wrdreg $0xFFFFFFFF  }
0xc2: {  	_ =	task.clear_ibuf [dreg:s7], $0x2FFFF;
	_ =	strace $0x9FFFFFFF  }
0xc3: {  	(tm) =	ssettm $0x7FFFFFFF  }
tec
execute0_lowered:
.L_overlay_start_1:
0x0: {  	(tag) =	ssettag $0x1  }
0x1: {  	s1 =	rddreg [dreg:$0x0]  }
0x2: {  	s0 =	rddreg [dreg:$0x1]  }
0x3: {  	s3 =	rddreg [dreg:$0x2]  }
0x4: {  	s4 =	simm.s32 $0x0;
	s14 =	stileid.u32;
	s8 =	srdreg.scid  }
0x5: {  	s30 =	simm.s32 $0x13900;
	s29 =	simm.s32 $0x13B80;
	s28 =	simm.s32 $0x9  }
0x6: {  	s31 =	simm.s32 $0x10;
	[smem:$0x7FF] =	sst s4;
	s2 =	smul.u32 $0x2780, s14  }
0x7: {  	s5 =	sadd.s32 $0x1600, s0;
	s6 =	sadd.s32 $0x15000, s0;
	s13 =	sadd.s32 $0x46000, s0  }
0x8: {  	s8 =	sand.u32 $0x1, s8;
	s9 =	sshll.u32 s14, $0x1;
	s11 =	smul.u32 $0x4F000, s14  }
0x9: {  	s15 =	sadd.s32 $0x6D200, s0;
	p0 =	seq.s32 s14, $0xF;
	p2 =	sne.s32 s14, $0xF  }
0xa: {  	_ =	strace $0x80000047;
	s10 =	ssub.s32 $0x2, s8;
	s9 =	sor.u32 s8, s9  }
0xb: {  	p3 =	seq.s32 s8, $0x0;
	p1 =	seq.s32 s8, $0x1;
	[dreg:$0x4] =	wrdreg s13  }
0xc: {  	[dreg:$0x5] =	wrdreg s15;
	s7 =	sadd.s32 s2, s0;
	s12 =	sshrl.u32 s10, $0x1  }
0xd: {  	s9 =	smul.u32 $0x2710, s9;
	s0 =	sadd.s32 $0x43E80, s0;
	s18 =	sshrl.u32 s11, $0x2  }
0xe: {  	s13 =	sadd.s32 s13, s2;
	s15 =	sadd.s32 s15, s2;
	[dreg:$0x6] =	wrdreg s0  }
0xf: {  	s10 =	ssub.s32 s10, s12;
	s18 =	sadd.s32 s18, s3;
	[dreg:$0x1c] =	wrdreg s13  }
0x10: {  	s7 =	sadd.s32 $0x1EE00, s7;
	[dreg:$0x1d] =	wrdreg s15;
	s11 =	sadd.s32 $0x4E200, s9  }
0x11: {  	s12 =	sshrl.u32 s9, $0x3;
	[dreg:$0x8] =	wrdreg s7;
	s19 =	sshrl.u32 s11, $0x3  }
0x12: {  	[dreg:$0x7] =	wrdreg s18;
	s20 =	sadd.s32 $0xA, s12;
	s0 =	sadd.s32 s5, s19  }
0x13: {  	s22 =	sadd.s32 $0x14, s12;
	s21 =	sadd.s32 s5, s20;
	[dreg:$0x9] =	wrdreg s0  }
0x14: {  	s24 =	sadd.s32 $0x1E, s12;
	s23 =	sadd.s32 s5, s22;
	[dreg:$0xa] =	wrdreg s21  }
0x15: {  	s26 =	sadd.s32 $0x28, s12;
	s25 =	sadd.s32 s5, s24;
	[dreg:$0xc] =	wrdreg s23  }
0x16: {  	s16 =	sadd.s32 $0x32, s12;
	s8 =	sadd.s32 s5, s26;
	[dreg:$0xe] =	wrdreg s25  }
0x17: {  	p4 =	por !p3, !p2;
	s19 =	sadd.s32 s5, s16;
	[dreg:$0x10] =	wrdreg s8  }
0x18: {  	s17 =	sadd.s32 $0x3C, s12;
	s0 =	sadd.s32 s6, s20;
	[dreg:$0x12] =	wrdreg s19  }
0x19: {  	p3 =	por !p3, !p0;
	s20 =	sadd.s32 s5, s17;
	[dreg:$0xb] =	wrdreg s0  }
0x1a: {  	p5 =	por !p2, !p1;
	s21 =	sadd.s32 s6, s17;
	[dreg:$0x14] =	wrdreg s20  }
0x1b: {  	p2 =	por !p4, !p4;
	s23 =	sadd.s32 s6, s12;
	[dreg:$0x15] =	wrdreg s21  }
0x1c: {  	p3 =	por !p3, !p3;
	s17 =	sadd.s32 $0x128400, s3;
	[dreg:$0x17] =	wrdreg s23  }
0x1d: {  	p6 =	por !p5, !p5;
	s8 =	sadd.s32 s5, s12;
	[dreg:$0x1f] =	wrdreg s17  }
0x1e: {  	s15 =	simm.s32 $0x1;
	s0 =	sadd.s32 s6, s22;
	[dreg:$0x16] =	wrdreg s8  }
0x1f: {  	s13 =	simm.s32 $0x7;
	s19 =	sadd.s32 $0x9C4A, s8;
	[dreg:$0xd] =	wrdreg s0  }
0x20: {  	p4 =	por !p6, p3;
	s20 =	sadd.s32 $0x9C54, s8;
	[smem:$0x7F6] =	sst s19  }
0x21: {  	s22 =	sadd.s32 $0x46, s12;
	s21 =	sadd.s32 $0x9C5E, s8;
	[smem:$0x7F7] =	sst s20  }
0x22: {  	s23 =	sadd.s32 $0x9C72, s8;
	s17 =	simm.s32 $0x0;
	[smem:$0x7F8] =	sst s21  }
0x23: {  	s0 =	sadd.s32 s6, s24;
	s24 =	sadd.s32 $0x4D8, s12;
	[smem:$0x7FA] =	sst s23  }
0x24: {  	s25 =	sadd.s32 s5, s22;
	s20 =	simm.s32 $0x13A80;
	[dreg:$0xf] =	wrdreg s0  }
0x25: {  	s23 =	simm.s32 $0x13B00;
	s0 =	sadd.s32 s6, s26;
	[dreg:$0x18] =	wrdreg s25  }
0x26: {  	s19 =	simm.s32 $0x8;
	s26 =	sadd.s32 s5, s24;
	[dreg:$0x11] =	wrdreg s0  }
0x27: {  	s21 =	simm.s32 $0x13;
	s12 =	sadd.s32 s6, s24;
	[dreg:$0x1a] =	wrdreg s26  }
0x28: {  	s24 =	sadd.s32 $0x9C7C, s8;
	s25 =	sadd.s32 $0x9C86, s8;
	[dreg:$0x1b] =	wrdreg s12  }
0x29: {  	s0 =	sadd.s32 s6, s16;
	s16 =	smax.u32 s10, $0x1;
	[smem:$0x7FB] =	sst s24  }
0x2a: {  	[smem:$0x7FC] =	sst s25;
	s26 =	sadd.s32 $0xA118, s8;
	s25 =	simm.s32 $0x13E80  }
.Ltmp0:
0x2b: {  	s24 =	simm.s32 $0x5;
	[dreg:$0x13] =	wrdreg s0;
	(pc) =	sbr.rel .LBB2_1-.Ltmp0, $4  }
0x2c: {  	s12 =	simm.s32 $0x11;
	s10 =	simm.s32 $0x14;
	[dreg:$0x1e] =	wrdreg s16  }
0x2d: {  	s0 =	sadd.s32 s6, s22;
	s22 =	sadd.s32 $0x9C68, s8;
	[smem:$0x7FD] =	sst s26  }
0x2e: {  	s16 =	simm.s32 $0x50;
	s26 =	simm.s32 $0x12;
	[dreg:$0x19] =	wrdreg s0  }
0x2f: {  	s8 =	simm.s32 $0xC;
	[smem:$0x7F9] =	sst s22;
	s22 =	simm.s32 $0xD  }
.LBB2_31:
0x30: {  	s17 =	sadd.s32 $0x1, s17;
	s0 =	rddreg [dreg:$0x1e]  }
0x31: {  	p5 =	sne.s32 s17, s0  }
.Ltmp1:
0x32: {  	_ = 	snop;
	(pc) =	sbr.rel @!p5 .LBB2_32-.Ltmp1, $1  }
0x33: {  	_ =	sdelay $0x3  }
.LBB2_1:
0x34: {  	[smem:$0x7F5] =	sst s17  }
0x35: {  	s0 =	rddreg [dreg:$0x1f]  }
0x36: {  	s2 =	simm.s32 @p0 $0x1FD5;
	s17 =	rddreg [dreg:$0x6];
	s0 =	sshrl.u32 @p0 s0, $0x3  }
0x37: {  	[spmem:s0], [sflag:s2] =	dma.local @p0 [hbm:s17], $0x2080  }
0x38: {  	s0 =	sshll.u32 @!p0 s14, $0x6  }
0x39: {  	s2 =	sshrl.u32 @!p0 s18, $0x3;
	s0 =	sor.u32 @!p0 $0x1C15, s0;
	s14 =	rddreg [dreg:$0x8]  }
0x3a: {  	[spmem:s2], [sflag:s0] =	dma.local @!p0 [hbm:s14], $0x2780  }
0x3b: {  	s0 =	rddreg [dreg:$0x9]  }
0x3c: {  	s2 =	simm.s32 $0x13880;
	s17 =	rddreg [dreg:$0x16]  }
0x3d: {  	[tilespmem:s2], [sflag:$0x1] =	stream.linear.gather [hbm4b:s0+s4], $0x50, $0x38;
	[tilespmem:$0x1E080] =	vst v63  }
0x3e: {  	s18 =	rddreg [dreg:$0x17]  }
0x3f: {  	[tilespmem:s20], [sflag:$0x5] =	stream.linear.gather [hbm4b:s17+s4], $0x50, $0x38;
	[tilespmem:$0x1E080] =	vst v63  }
0x40: {  	s7 =	sld [smem:$0x7F6]  }
0x41: {  	[tilespmem:s25], [sflag:$0x9] =	stream.linear.gather [hbm4b:s18+s4], $0x50, $0x38;
	[tilespmem:$0x1E080] =	vst v63  }
0x42: {  	s14 =	rddreg [dreg:$0xa]  }
0x43: {  	[tilespmem:s30], [sflag:$0x2] =	stream.linear.gather [hbm4b:s7+s4], $0x50, $0x38;
	[tilespmem:$0x1E080] =	vst v63  }
0x44: {  	s17 =	rddreg [dreg:$0xb]  }
0x45: {  	[tilespmem:s23], [sflag:$0x6] =	stream.linear.gather [hbm4b:s14+s4], $0x50, $0x38;
	[tilespmem:$0x1E080] =	vst v63  }
0x46: {  	s18 =	simm.s32 $0x13F00;
	s7 =	sld [smem:$0x7F7]  }
0x47: {  	[tilespmem:s18], [sflag:$0xA] =	stream.linear.gather [hbm4b:s17+s4], $0x50, $0x38;
	[tilespmem:$0x1E080] =	vst v63  }
0x48: {  	s14 =	simm.s32 $0x13980;
	s17 =	rddreg [dreg:$0xc]  }
0x49: {  	[tilespmem:s14], [sflag:$0x3] =	stream.linear.gather [hbm4b:s7+s4], $0x50, $0x38;
	[tilespmem:$0x1E080] =	vst v63  }
0x4a: {  	s18 =	rddreg [dreg:$0xd]  }
0x4b: {  	[tilespmem:s29], [sflag:$0x7] =	stream.linear.gather [hbm4b:s17+s4], $0x50, $0x38;
	[tilespmem:$0x1E080] =	vst v63  }
0x4c: {  	s7 =	simm.s32 $0x13F80;
	s17 =	sld [smem:$0x7F8]  }
0x4d: {  	[tilespmem:s7], [sflag:$0xB] =	stream.linear.gather [hbm4b:s18+s4], $0x50, $0x38;
	[tilespmem:$0x1E080] =	vst v63  }
0x4e: {  	s18 =	simm.s32 $0x13A00  }
0x4f: {  	[tilespmem:s18], [sflag:$0x4] =	stream.linear.gather [hbm4b:s17+s4], $0x50, $0x38;
	[tilespmem:$0x1E080] =	vst v63  }
0x50: {  	s17 =	rddreg [dreg:$0xe];
	s18 =	simm.s32 $0x13C00  }
0x51: {  	[tilespmem:s18], [sflag:$0x8] =	stream.linear.gather [hbm4b:s17+s4], $0x50, $0x38;
	[tilespmem:$0x1E080] =	vst v63  }
0x52: {  	s17 =	rddreg [dreg:$0xf];
	s18 =	simm.s32 $0x14000  }
0x53: {  	[tilespmem:s18], [sflag:$0xC] =	stream.linear.gather [hbm4b:s17+s4], $0x50, $0x38;
	[tilespmem:$0x1E080] =	vst v63  }
0x54: {  	_ =	swait.ge [sflag:s15], $0x50  }
0x55: {  	[sflag:s15] =	ssyncset.done $0x0  }
0x56: {  	s17 =	simm.s32 $0x14080;
	s18 =	simm.s32 $0x2;
	[sflag:s15] =	ssyncadd.s32 $0xFFFFFFB0  }
0x57: {  	[tilespmem:s17], [sflag:$0xD] =	stream.indirect.gather [hbm4b:s1+s16], $0x80, s2, s16, $0xb8;
	[tilespmem:$0x1E080] =	vst v63  }
0x58: {  	_ =	swait.ge [sflag:s18], $0x50  }
0x59: {  	[sflag:s18] =	ssyncset.done $0x0  }
0x5a: {  	s7 =	simm.s32 $0x3;
	s2 =	simm.s32 $0x16880;
	[sflag:s18] =	ssyncadd.s32 $0xFFFFFFB0  }
0x5b: {  	[tilespmem:s2], [sflag:$0xE] =	stream.indirect.gather [hbm4b:s1+s16], $0x80, s30, s16, $0xb8;
	[tilespmem:$0x1E080] =	vst v63  }
0x5c: {  	_ =	swait.ge [sflag:s7], $0x50  }
0x5d: {  	[sflag:s7] =	ssyncset.done $0x0  }
0x5e: {  	s0 =	simm.s32 @p0 $0x15;
	s17 =	simm.s32 $0x19080;
	[sflag:s7] =	ssyncadd.s32 $0xFFFFFFB0  }
0x5f: {  	[tilespmem:s17], [sflag:$0xF] =	stream.indirect.gather [hbm4b:s1+s16], $0x80, s14, s16, $0xb8;
	[tilespmem:$0x1E080] =	vst v63  }
0x60: {  	_ =	swait.ge @p0 [sflag:s0], $0x2080  }
0x61: {  	[sflag:s0] =	ssyncset.done @p0 $0x0  }
0x62: {  	[sflag:s0] =	ssyncadd.s32 @p0 $0xFFFFDF80;
	s0 =	simm.s32 @!p0 $0x15  }
0x63: {  	_ =	swait.ge @!p0 [sflag:s0], $0x2780  }
0x64: {  	[sflag:s0] =	ssyncset.done @!p0 $0x0  }
0x65: {  	[sflag:s0] =	ssyncadd.s32 @!p0 $0xFFFFD880  }
0x66: {  	_ =	sdelay $0x7ff  }
0x67: {  	_ =	sdelay $0x7ff  }
0x68: {  	v0 =	vmov s4;
	_ =	sdelay $0x5ad  }
0x69: {  	v0 =	vand.u32 $0xFFFFFFFE, v0;
	[bflag:$0x0] =	sbarrier.arrive $0xFFFF  }
0x6a: {  	v0 =	vbroadcast v0, $0x0;
	_ =	swait.ge [sflag:s22], $0x2800  }
0x6b: {  	[sflag:s22] =	ssyncset.done $0x0  }
0x6c: {  	[sflag:s22] =	ssyncadd.s32 $0xFFFFD800  }
0x6d: {  	_ =	swait.ge [sflag:s28], $0x50  }
0x6e: {  	[sflag:s28] =	ssyncset.done $0x0  }
0x6f: {  	[sflag:s28] =	ssyncadd.s32 $0xFFFFFFB0  }
0x70: {  	s0 =	simm.s32 $0x14100;
	v1 =	vld.idx.msk [tilespmem:v0+s25+$0x0], $0xffff  }
0x71: {  	v0 =	vld [tilespmem:s0+$0xFFFFFFF0]  }
0x72: {  	v2 =	vld [tilespmem:s0+$0xFFFFFF80]  }
0x73: {  	s18 =	simm.s32 $0x1;
	v5 =	vld [tilespmem:s0+$0xFFFFFF90]  }
0x74: {  	v6 =	vmov s18;
	v7 =	vld [tilespmem:s0+$0xFFFFFFA0]  }
0x75: {  	v10 =	vld [tilespmem:s0+$0xFFFFFFB0]  }
0x76: {  	v4 =	vld [tilespmem:s0+$0xFFFFFFC0]  }
0x77: {  	v3 =	vld [tilespmem:s0+$0xFFFFFFD0];
	v8 =	vmul.f32 v0, v1  }
0x78: {  	v9 =	vmul.f32 v2, v1;
	v2 =	vld [tilespmem:s0+$0xFFFFFFE0]  }
0x79: {  	v0 =	vld.idx.msk [tilespmem:v6+s25+$0x0], $0xffff;
	v5 =	vmul.f32 v5, v1;
	[tilespmem:s0+$0xFFFFFFF0] =	vst v8  }
0x7a: {  	s18 =	simm.s32 $0x2;
	v6 =	vld [tilespmem:s0+$0x0];
	[tilespmem:s0+$0xFFFFFF80] =	vst v9;
	v8 =	vmul.f32 v7, v1  }
0x7b: {  	s7 =	simm.s32 $0x13980;
	s14 =	simm.s32 $0x4;
	s17 =	simm.s32 $0x14100;
	v9 =	vmov s18;
	[tilespmem:s0+$0xFFFFFF90] =	vst v5;
	v7 =	vmul.f32 v10, v1;
	v5 =	vld [tilespmem:s0+$0x10]  }
.LBB2_2:
0x7c: {  	p5 =	slt.u32 s14, $0x4E;
	v9 =	vand.u32 $0xFFFFFFFE, v9;
	s2 =	sadd.s32 $0x1, s18;
	[tilespmem:s0+$0xFFFFFFA0] =	vst v8;
	v4 =	vmul.f32 v4, v1;
	v8 =	vld [tilespmem:s0+$0x20];
	s18 =	smov.u32 s14  }
0x7d: {  	v9 =	vbroadcast v9, $0x0;
	v10 =	vmov s2;
	[tilespmem:s0+$0xFFFFFFB0] =	vst v7;
	v3 =	vmul.f32 v3, v1;
	v7 =	vld [tilespmem:s0+$0x30]  }
0x7e: {  	[tilespmem:s0+$0xFFFFFFC0] =	vst v4;
	v1 =	vmul.f32 v2, v1;
	v2 =	vld [tilespmem:s0+$0x40]  }
0x7f: {  	[tilespmem:s0+$0xFFFFFFD0] =	vst v3;
	v3 =	vmul.f32 v6, v0;
	v4 =	vld [tilespmem:s0+$0x50]  }
0x80: {  	[tilespmem:s0+$0xFFFFFFE0] =	vst v1;
	v1 =	vmul.f32 v5, v0;
	v5 =	vld [tilespmem:s0+$0x60]  }
0x81: {  	[tilespmem:s0+$0x0] =	vst v3;
	v3 =	vmul.f32 v8, v0;
	v6 =	vld [tilespmem:s0+$0x70]  }
0x82: {  	v8 =	vld.idx.msk [tilespmem:v10+s25+$0x0], $0xffff;
	[tilespmem:s0+$0x10] =	vst v1;
	v7 =	vmul.f32 v7, v0  }
0x83: {  	s0 =	sadd.s32 $0x100, s0;
	v1 =	vld.idx.msk [tilespmem:v9+s25+$0x0], $0xffff;
	[tilespmem:s17+$0x20] =	vst v3;
	v2 =	vmul.f32 v2, v0  }
0x84: {  	v3 =	vld [tilespmem:s0+$0xFFFFFFF0];
	[tilespmem:s17+$0x30] =	vst v7;
	v4 =	vmul.f32 v4, v0  }
0x85: {  	v7 =	vld [tilespmem:s0+$0xFFFFFF80];
	[tilespmem:s17+$0x40] =	vst v2;
	v2 =	vmul.f32 v5, v0  }
0x86: {  	v5 =	vld [tilespmem:s0+$0xFFFFFF90];
	[tilespmem:s17+$0x50] =	vst v4;
	v4 =	vmul.f32 v6, v0  }
0x87: {  	v6 =	vld [tilespmem:s0+$0xFFFFFFA0];
	[tilespmem:s17+$0x60] =	vst v2  }
0x88: {  	v0 =	vmov v8;
	v10 =	vld [tilespmem:s0+$0xFFFFFFB0];
	[tilespmem:s17+$0x70] =	vst v4;
	s17 =	smov.u32 s0  }
.Ltmp2:
0x89: {  	v4 =	vld [tilespmem:s0+$0xFFFFFFC0];
	v8 =	vmul.f32 v3, v1;
	(pc) =	sbr.rel @p5 .LBB2_2-.Ltmp2, $4  }
0x8a: {  	v7 =	vmul.f32 v7, v1;
	v3 =	vld [tilespmem:s0+$0xFFFFFFD0]  }
0x8b: {  	v5 =	vmul.f32 v5, v1;
	v2 =	vld [tilespmem:s0+$0xFFFFFFE0];
	[tilespmem:s0+$0xFFFFFFF0] =	vst v8  }
0x8c: {  	[tilespmem:s0+$0xFFFFFF80] =	vst v7;
	v8 =	vmul.f32 v6, v1;
	v6 =	vld [tilespmem:s0+$0x0]  }
0x8d: {  	s14 =	sadd.s32 $0x2, s14;
	v9 =	vmov s18;
	[tilespmem:s0+$0xFFFFFF90] =	vst v5;
	v7 =	vmul.f32 v10, v1;
	v5 =	vld [tilespmem:s0+$0x10]  }
0x8e: {  	v10 =	vld [tilespmem:s0+$0x20]  }
0x8f: {  	v9 =	vand.u32 $0xFFFFFFFE, v9;
	s2 =	sadd.s32 $0x1, s18;
	v11 =	vld [tilespmem:s0+$0x30]  }
0x90: {  	v13 =	vld [tilespmem:s0+$0x40];
	[tilespmem:s0+$0xFFFFFFA0] =	vst v8;
	v4 =	vmul.f32 v4, v1;
	v9 =	vbroadcast v9, $0x0;
	v12 =	vmov s2  }
0x91: {  	v8 =	vld [tilespmem:s0+$0x50];
	[tilespmem:s0+$0xFFFFFFB0] =	vst v7;
	v3 =	vmul.f32 v3, v1  }
0x92: {  	v7 =	vld [tilespmem:s0+$0x60];
	[tilespmem:s0+$0xFFFFFFC0] =	vst v4;
	v6 =	vmul.f32 v6, v0  }
0x93: {  	s18 =	sadd.s32 $0x100, s0;
	v1 =	vmul.f32 v2, v1;
	v2 =	vld [tilespmem:s0+$0x70];
	[tilespmem:s0+$0xFFFFFFD0] =	vst v3  }
0x94: {  	v3 =	vmul.f32 v5, v0;
	[tilespmem:s0+$0x0] =	vst v6;
	v6 =	vld [tilespmem:s18+$0xFFFFFFF0]  }
0x95: {  	[tilespmem:s0+$0xFFFFFFE0] =	vst v1;
	v1 =	vmul.f32 v10, v0;
	v4 =	vld.idx.msk [tilespmem:v12+s25+$0x0], $0xffff  }
0x96: {  	[tilespmem:s0+$0x10] =	vst v3;
	v3 =	vmul.f32 v11, v0;
	v5 =	vld.idx.msk [tilespmem:v9+s25+$0x0], $0xffff  }
0x97: {  	[tilespmem:s17+$0x20] =	vst v1;
	v1 =	vmul.f32 v13, v0;
	v9 =	vld [tilespmem:s18+$0xFFFFFF80]  }
0x98: {  	[tilespmem:s17+$0x30] =	vst v3;
	v3 =	vmul.f32 v8, v0;
	v8 =	vld [tilespmem:s18+$0xFFFFFF90]  }
0x99: {  	[tilespmem:s17+$0x40] =	vst v1;
	v1 =	vmul.f32 v7, v0;
	v7 =	vld [tilespmem:s18+$0xFFFFFFA0]  }
0x9a: {  	v0 =	vmul.f32 v2, v0;
	v2 =	vld [tilespmem:s18+$0xFFFFFFB0];
	[tilespmem:s17+$0x50] =	vst v3  }
0x9b: {  	[tilespmem:s17+$0x60] =	vst v1;
	v1 =	vld [tilespmem:s18+$0xFFFFFFC0];
	v3 =	vmul.f32 v6, v5  }
0x9c: {  	[tilespmem:s17+$0x70] =	vst v0;
	v0 =	vmul.f32 v9, v5;
	v6 =	vld [tilespmem:s18+$0xFFFFFFD0]  }
0x9d: {  	v9 =	vld [tilespmem:s18+$0xFFFFFFE0];
	v8 =	vmul.f32 v8, v5;
	[tilespmem:s18+$0xFFFFFFF0] =	vst v3  }
0x9e: {  	[tilespmem:s18+$0xFFFFFF80] =	vst v0;
	v0 =	vmul.f32 v7, v5;
	v3 =	vld [tilespmem:s18+$0x0]  }
0x9f: {  	v2 =	vmul.f32 v2, v5;
	v7 =	vld [tilespmem:s18+$0x10];
	[tilespmem:s18+$0xFFFFFF90] =	vst v8  }
0xa0: {  	[tilespmem:s18+$0xFFFFFFA0] =	vst v0;
	v0 =	vmul.f32 v1, v5;
	v1 =	vld [tilespmem:s18+$0x20]  }
0xa1: {  	[tilespmem:s18+$0xFFFFFFB0] =	vst v2;
	v2 =	vmul.f32 v6, v5;
	v6 =	vld [tilespmem:s18+$0x30]  }
0xa2: {  	[tilespmem:s18+$0xFFFFFFC0] =	vst v0;
	v0 =	vmul.f32 v9, v5;
	v5 =	vld [tilespmem:s18+$0x40]  }
0xa3: {  	[tilespmem:s18+$0xFFFFFFD0] =	vst v2;
	v2 =	vmul.f32 v3, v4;
	v3 =	vld [tilespmem:s18+$0x50]  }
0xa4: {  	[tilespmem:s18+$0xFFFFFFE0] =	vst v0;
	v0 =	vmul.f32 v7, v4;
	v7 =	vld [tilespmem:s18+$0x60]  }
0xa5: {  	[tilespmem:s18+$0x0] =	vst v2;
	v1 =	vmul.f32 v1, v4;
	v2 =	vld [tilespmem:s18+$0x70]  }
0xa6: {  	[tilespmem:s18+$0x10] =	vst v0;
	v0 =	vmul.f32 v6, v4  }
0xa7: {  	[tilespmem:s18+$0x20] =	vst v1;
	v1 =	vmul.f32 v5, v4  }
0xa8: {  	[tilespmem:s18+$0x30] =	vst v0;
	v0 =	vmul.f32 v3, v4  }
0xa9: {  	[tilespmem:s18+$0x40] =	vst v1;
	v1 =	vmul.f32 v7, v4  }
0xaa: {  	[tilespmem:s18+$0x50] =	vst v0;
	v0 =	vmul.f32 v2, v4  }
0xab: {  	[tilespmem:s18+$0x60] =	vst v1  }
0xac: {  	[tilespmem:s18+$0x70] =	vst v0  }
0xad: {  	_ =	swait.ge [sflag:s24], $0x50  }
0xae: {  	[sflag:s24] =	ssyncset.done $0x0  }
0xaf: {  	s14 =	simm.s32 $0x14080;
	s17 =	sld [smem:$0x7F9];
	[sflag:s24] =	ssyncadd.s32 $0xFFFFFFB0  }
0xb0: {  	[spmem:s3] =	stream.indirect.scatter.add.f32 [tilespmem:s14], [sflag:$0x11], $0x80, s20, s16, $0xb8;
	[tilespmem:$0x1E080] =	vst v63  }
0xb1: {  	s0 =	simm.s32 $0x0;
	s14 =	simm.s32 $0x13880  }
0xb2: {  	[tilespmem:s14], [sflag:$0x1] =	stream.linear.gather [hbm4b:s17+s0], $0x50, $0x38;
	[tilespmem:$0x1E080] =	vst v63  }
0xb3: {  	s18 =	rddreg [dreg:$0x10];
	s20 =	simm.s32 $0x13C80  }
0xb4: {  	[tilespmem:s20], [sflag:$0x5] =	stream.linear.gather [hbm4b:s18+s0], $0x50, $0x38;
	[tilespmem:$0x1E080] =	vst v63  }
0xb5: {  	s17 =	rddreg [dreg:$0x11];
	s18 =	simm.s32 $0x4  }
0xb6: {  	[tilespmem:s25], [sflag:$0x9] =	stream.linear.gather [hbm4b:s17+s0], $0x50, $0x38;
	[tilespmem:$0x1E080] =	vst v63  }
0xb7: {  	_ =	swait.ge [sflag:s18], $0x50  }
0xb8: {  	s2 =	simm.s32 $0x13A00;
	v0 =	vmov s0;
	s20 =	simm.s32 $0x1;
	[sflag:s18] =	ssyncset.done $0x0  }
0xb9: {  	v0 =	vand.u32 $0x7E, v0;
	s14 =	simm.s32 $0x1B880;
	v1 =	vmov s20;
	s17 =	simm.s32 $0xE;
	[sflag:s18] =	ssyncadd.s32 $0xFFFFFFB0  }
0xba: {  	v0 =	vor.u32 $0x80, v0;
	v1 =	vand.u32 $0x7F, v1;
	[tilespmem:s14], [sflag:$0x10] =	stream.indirect.gather [hbm4b:s1+s16], $0x80, s2, s16, $0xb8;
	[tilespmem:$0x1E080] =	vst v63  }
0xbb: {  	v0 =	vbroadcast v0, $0x0;
	v1 =	vor.u32 $0x80, v1;
	_ =	swait.ge [sflag:s17], $0x2800  }
0xbc: {  	v2 =	vbroadcast v1, $0x0;
	[sflag:s17] =	ssyncset.done $0x0  }
0xbd: {  	s18 =	simm.s32 $0xA;
	[sflag:s17] =	ssyncadd.s32 $0xFFFFD800  }
0xbe: {  	_ =	swait.ge [sflag:s18], $0x50  }
0xbf: {  	[sflag:s18] =	ssyncset.done $0x0  }
0xc0: {  	[sflag:s18] =	ssyncadd.s32 $0xFFFFFFB0  }
0xc1: {  	v1 =	vld.idx.msk [tilespmem:v0+s25+$0x0], $0xffff  }
0xc2: {  	s17 =	simm.s32 $0x16900;
	v0 =	vld.idx.msk [tilespmem:v2+s25+$0x0], $0xffff  }
0xc3: {  	v3 =	vld [tilespmem:s17+$0x70]  }
0xc4: {  	v5 =	vld [tilespmem:s17+$0xFFFFFF80]  }
0xc5: {  	v7 =	vld [tilespmem:s17+$0xFFFFFF90]  }
0xc6: {  	v6 =	vld [tilespmem:s17+$0xFFFFFFA0]  }
0xc7: {  	v4 =	vld [tilespmem:s17+$0xFFFFFFB0]  }
0xc8: {  	v2 =	vld [tilespmem:s17+$0xFFFFFFC0];
	v10 =	vmul.f32 v3, v0  }
0xc9: {  	s20 =	simm.s32 $0x2;
	v3 =	vld [tilespmem:s17+$0xFFFFFFD0];
	v8 =	vmul.f32 v5, v1  }
0xca: {  	v9 =	vmov s20;
	s0 =	simm.s32 $0x16900;
	s14 =	simm.s32 $0x3;
	s18 =	simm.s32 $0x4;
	v7 =	vmul.f32 v7, v1;
	v5 =	vld [tilespmem:s17+$0xFFFFFFE0];
	[tilespmem:s17+$0x70] =	vst v10  }
.LBB2_4:
0xcb: {  	p5 =	slt.u32 s18, $0x4E;
	v9 =	vand.u32 $0x7E, v9;
	v10 =	vmov s14;
	[tilespmem:s17+$0xFFFFFF80] =	vst v8;
	v6 =	vmul.f32 v6, v1;
	v8 =	vld [tilespmem:s17+$0xFFFFFFF0]  }
0xcc: {  	v9 =	vor.u32 $0x80, v9;
	v10 =	vand.u32 $0x7F, v10;
	[tilespmem:s17+$0xFFFFFF90] =	vst v7;
	v4 =	vmul.f32 v4, v1;
	v7 =	vld [tilespmem:s17+$0x0]  }
0xcd: {  	v9 =	vbroadcast v9, $0x0;
	v10 =	vor.u32 $0x80, v10;
	[tilespmem:s17+$0xFFFFFFA0] =	vst v6;
	v2 =	vmul.f32 v2, v1;
	v6 =	vld [tilespmem:s17+$0x10]  }
0xce: {  	v10 =	vbroadcast v10, $0x0;
	[tilespmem:s17+$0xFFFFFFB0] =	vst v4;
	v3 =	vmul.f32 v3, v1;
	v4 =	vld [tilespmem:s17+$0x20]  }
0xcf: {  	[tilespmem:s17+$0xFFFFFFC0] =	vst v2;
	v2 =	vmul.f32 v5, v1;
	v5 =	vld [tilespmem:s17+$0x30]  }
0xd0: {  	[tilespmem:s17+$0xFFFFFFD0] =	vst v3;
	v1 =	vmul.f32 v8, v1;
	v3 =	vld [tilespmem:s17+$0x40]  }
0xd1: {  	[tilespmem:s17+$0xFFFFFFE0] =	vst v2;
	v2 =	vmul.f32 v7, v0;
	v7 =	vld [tilespmem:s17+$0x50]  }
0xd2: {  	[tilespmem:s17+$0xFFFFFFF0] =	vst v1;
	v6 =	vmul.f32 v6, v0;
	v8 =	vld [tilespmem:s17+$0x60]  }
0xd3: {  	v1 =	vld.idx.msk [tilespmem:v9+s25+$0x0], $0xffff;
	[tilespmem:s17+$0x0] =	vst v2;
	v2 =	vmul.f32 v4, v0  }
0xd4: {  	s17 =	sadd.s32 $0x100, s17;
	v9 =	vld.idx.msk [tilespmem:v10+s25+$0x0], $0xffff;
	[tilespmem:s0+$0x10] =	vst v6;
	v4 =	vmul.f32 v5, v0  }
0xd5: {  	v5 =	vld [tilespmem:s17+$0x70];
	[tilespmem:s0+$0x20] =	vst v2;
	v2 =	vmul.f32 v3, v0  }
0xd6: {  	v3 =	vld [tilespmem:s17+$0xFFFFFF80];
	[tilespmem:s0+$0x30] =	vst v4;
	v4 =	vmul.f32 v7, v0  }
0xd7: {  	v7 =	vld [tilespmem:s17+$0xFFFFFF90];
	[tilespmem:s0+$0x40] =	vst v2;
	v8 =	vmul.f32 v8, v0  }
.Ltmp3:
0xd8: {  	v6 =	vld [tilespmem:s17+$0xFFFFFFA0];
	[tilespmem:s0+$0x50] =	vst v4;
	(pc) =	sbr.rel @p5 .LBB2_4-.Ltmp3, $4  }
0xd9: {  	v4 =	vld [tilespmem:s17+$0xFFFFFFB0];
	[tilespmem:s0+$0x60] =	vst v8;
	s0 =	smov.u32 s17  }
0xda: {  	v0 =	vmov v9;
	v2 =	vld [tilespmem:s17+$0xFFFFFFC0];
	v10 =	vmul.f32 v5, v9  }
0xdb: {  	v8 =	vmul.f32 v3, v1;
	v3 =	vld [tilespmem:s17+$0xFFFFFFD0]  }
0xdc: {  	s14 =	sadd.s32 $0x1, s18;
	v9 =	vmov s18;
	s18 =	sadd.s32 $0x2, s18;
	v7 =	vmul.f32 v7, v1;
	v5 =	vld [tilespmem:s17+$0xFFFFFFE0];
	[tilespmem:s17+$0x70] =	vst v10  }
0xdd: {  	[tilespmem:s17+$0xFFFFFF80] =	vst v8;
	v8 =	vand.u32 $0x7E, v9;
	v10 =	vld [tilespmem:s17+$0xFFFFFFF0]  }
0xde: {  	v9 =	vmov s14;
	v11 =	vld [tilespmem:s17+$0x0];
	v6 =	vmul.f32 v6, v1;
	v8 =	vor.u32 $0x80, v8  }
0xdf: {  	v12 =	vld [tilespmem:s17+$0x10];
	v9 =	vand.u32 $0x7F, v9;
	[tilespmem:s17+$0xFFFFFF90] =	vst v7;
	v4 =	vmul.f32 v4, v1;
	v8 =	vbroadcast v8, $0x0  }
0xe0: {  	v9 =	vor.u32 $0x80, v9;
	[tilespmem:s17+$0xFFFFFFA0] =	vst v6;
	v2 =	vmul.f32 v2, v1;
	v6 =	vld [tilespmem:s17+$0x30]  }
0xe1: {  	v7 =	vbroadcast v9, $0x0;
	v9 =	vld [tilespmem:s17+$0x20];
	[tilespmem:s17+$0xFFFFFFB0] =	vst v4;
	v3 =	vmul.f32 v3, v1  }
0xe2: {  	v4 =	vld [tilespmem:s17+$0x40];
	[tilespmem:s17+$0xFFFFFFC0] =	vst v2;
	v2 =	vmul.f32 v5, v1  }
0xe3: {  	v5 =	vld [tilespmem:s17+$0x50];
	[tilespmem:s17+$0xFFFFFFD0] =	vst v3;
	v1 =	vmul.f32 v10, v1  }
0xe4: {  	v3 =	vld [tilespmem:s17+$0x60];
	[tilespmem:s17+$0xFFFFFFE0] =	vst v2;
	v2 =	vmul.f32 v11, v0  }
0xe5: {  	s2 =	sadd.s32 $0x100, s17;
	[tilespmem:s17+$0xFFFFFFF0] =	vst v1;
	v8 =	vld.idx.msk [tilespmem:v8+s25+$0x0], $0xffff  }
0xe6: {  	v1 =	vmul.f32 v12, v0;
	[tilespmem:s17+$0x0] =	vst v2;
	v2 =	vmul.f32 v9, v0;
	v9 =	vld [tilespmem:s2+$0x70]  }
0xe7: {  	v7 =	vld.idx.msk [tilespmem:v7+s25+$0x0], $0xffff  }
0xe8: {  	[tilespmem:s0+$0x10] =	vst v1;
	v1 =	vmul.f32 v6, v0;
	v6 =	vld [tilespmem:s2+$0xFFFFFF80]  }
0xe9: {  	[tilespmem:s0+$0x20] =	vst v2;
	v2 =	vmul.f32 v4, v0;
	v4 =	vld [tilespmem:s2+$0xFFFFFF90]  }
0xea: {  	[tilespmem:s0+$0x30] =	vst v1;
	v1 =	vmul.f32 v5, v0;
	v5 =	vld [tilespmem:s2+$0xFFFFFFA0]  }
0xeb: {  	v0 =	vmul.f32 v3, v0;
	[tilespmem:s0+$0x40] =	vst v2;
	v2 =	vld [tilespmem:s2+$0xFFFFFFB0]  }
0xec: {  	[tilespmem:s0+$0x50] =	vst v1;
	v1 =	vld [tilespmem:s2+$0xFFFFFFC0];
	v3 =	vmul.f32 v9, v7  }
0xed: {  	[tilespmem:s0+$0x60] =	vst v0;
	v0 =	vmul.f32 v6, v8;
	v6 =	vld [tilespmem:s2+$0xFFFFFFD0]  }
0xee: {  	v9 =	vld [tilespmem:s2+$0xFFFFFFE0];
	v4 =	vmul.f32 v4, v8;
	[tilespmem:s2+$0x70] =	vst v3  }
0xef: {  	[tilespmem:s2+$0xFFFFFF80] =	vst v0;
	v0 =	vmul.f32 v5, v8;
	v3 =	vld [tilespmem:s2+$0xFFFFFFF0]  }
0xf0: {  	[tilespmem:s2+$0xFFFFFF90] =	vst v4;
	v2 =	vmul.f32 v2, v8;
	v4 =	vld [tilespmem:s2+$0x0]  }
0xf1: {  	[tilespmem:s2+$0xFFFFFFA0] =	vst v0;
	v0 =	vmul.f32 v1, v8;
	v1 =	vld [tilespmem:s2+$0x10]  }
0xf2: {  	v5 =	vld [tilespmem:s2+$0x20];
	[tilespmem:s2+$0xFFFFFFB0] =	vst v2;
	v2 =	vmul.f32 v6, v8  }
0xf3: {  	v6 =	vld [tilespmem:s2+$0x30];
	[tilespmem:s2+$0xFFFFFFC0] =	vst v0;
	v0 =	vmul.f32 v9, v8  }
0xf4: {  	[tilespmem:s2+$0xFFFFFFD0] =	vst v2;
	v2 =	vmul.f32 v3, v8;
	v3 =	vld [tilespmem:s2+$0x40]  }
0xf5: {  	[tilespmem:s2+$0xFFFFFFE0] =	vst v0;
	v0 =	vmul.f32 v4, v7;
	v4 =	vld [tilespmem:s2+$0x50]  }
0xf6: {  	[tilespmem:s2+$0xFFFFFFF0] =	vst v2;
	v1 =	vmul.f32 v1, v7;
	v2 =	vld [tilespmem:s2+$0x60]  }
0xf7: {  	[tilespmem:s2+$0x0] =	vst v0;
	v0 =	vmul.f32 v5, v7  }
0xf8: {  	[tilespmem:s2+$0x10] =	vst v1;
	v1 =	vmul.f32 v6, v7  }
0xf9: {  	[tilespmem:s2+$0x20] =	vst v0;
	v0 =	vmul.f32 v3, v7  }
0xfa: {  	[tilespmem:s2+$0x30] =	vst v1;
	v1 =	vmul.f32 v4, v7  }
0xfb: {  	[tilespmem:s2+$0x40] =	vst v0;
	v0 =	vmul.f32 v2, v7  }
0xfc: {  	[tilespmem:s2+$0x50] =	vst v1  }
0xfd: {  	s20 =	simm.s32 $0x6;
	[tilespmem:s2+$0x60] =	vst v0  }
0xfe: {  	_ =	swait.ge [sflag:s20], $0x50  }
0xff: {  	[sflag:s20] =	ssyncset.done $0x0  }
0x100: {  	s2 =	simm.s32 $0x16880;
	s14 =	sld [smem:$0x7FA];
	[sflag:s20] =	ssyncadd.s32 $0xFFFFFFB0  }
0x101: {  	[spmem:s3] =	stream.indirect.scatter.add.f32 [tilespmem:s2], [sflag:$0x12], $0x80, s23, s16, $0xb8;
	[tilespmem:$0x1E080] =	vst v63  }
0x102: {  	s0 =	simm.s32 $0x0  }
0x103: {  	[tilespmem:s30], [sflag:$0x2] =	stream.linear.gather [hbm4b:s14+s0], $0x50, $0x38;
	[tilespmem:$0x1E080] =	vst v63  }
0x104: {  	s18 =	simm.s32 $0x13D00;
	s17 =	rddreg [dreg:$0x12]  }
0x105: {  	[tilespmem:s18], [sflag:$0x6] =	stream.linear.gather [hbm4b:s17+s0], $0x50, $0x38;
	[tilespmem:$0x1E080] =	vst v63  }
0x106: {  	s20 =	rddreg [dreg:$0x13];
	s23 =	simm.s32 $0x13F00  }
0x107: {  	[tilespmem:s23], [sflag:$0xA] =	stream.linear.gather [hbm4b:s20+s0], $0x50, $0x38;
	[tilespmem:$0x1E080] =	vst v63  }
0x108: {  	_ =	swait.ge [sflag:s12], $0x2800  }
0x109: {  	[sflag:s12] =	ssyncset.done $0x0  }
0x10a: {  	[sflag:s12] =	ssyncadd.s32 $0xFFFFD800  }
0x10b: {  	_ =	swait.ge [sflag:s15], $0x50  }
0x10c: {  	v0 =	vmov s0;
	s2 =	simm.s32 $0x1;
	s14 =	simm.s32 $0x13880;
	[sflag:s15] =	ssyncset.done $0x0  }
0x10d: {  	v0 =	vand.u32 $0x7E, v0;
	v1 =	vmov s2;
	s17 =	simm.s32 $0x14080;
	s18 =	simm.s32 $0xF;
	[sflag:s15] =	ssyncadd.s32 $0xFFFFFFB0  }
0x10e: {  	v0 =	vor.u32 $0x100, v0;
	v1 =	vand.u32 $0x7F, v1;
	[tilespmem:s17], [sflag:$0xD] =	stream.indirect.gather [hbm4b:s1+s16], $0x80, s14, s16, $0xb8;
	[tilespmem:$0x1E080] =	vst v63  }
0x10f: {  	v0 =	vbroadcast v0, $0x0;
	v1 =	vor.u32 $0x100, v1;
	_ =	swait.ge [sflag:s18], $0x2800  }
0x110: {  	v2 =	vbroadcast v1, $0x0;
	[sflag:s18] =	ssyncset.done $0x0  }
0x111: {  	s20 =	simm.s32 $0xB;
	[sflag:s18] =	ssyncadd.s32 $0xFFFFD800  }
0x112: {  	_ =	swait.ge [sflag:s20], $0x50  }
0x113: {  	[sflag:s20] =	ssyncset.done $0x0  }
0x114: {  	[sflag:s20] =	ssyncadd.s32 $0xFFFFFFB0  }
0x115: {  	v1 =	vld.idx.msk [tilespmem:v0+s25+$0x0], $0xffff  }
0x116: {  	s17 =	simm.s32 $0x19100;
	v0 =	vld.idx.msk [tilespmem:v2+s25+$0x0], $0xffff  }
0x117: {  	v3 =	vld [tilespmem:s17+$0x70]  }
0x118: {  	v5 =	vld [tilespmem:s17+$0xFFFFFF80]  }
0x119: {  	v7 =	vld [tilespmem:s17+$0xFFFFFF90]  }
0x11a: {  	v6 =	vld [tilespmem:s17+$0xFFFFFFA0]  }
0x11b: {  	v4 =	vld [tilespmem:s17+$0xFFFFFFB0]  }
0x11c: {  	v2 =	vld [tilespmem:s17+$0xFFFFFFC0];
	v10 =	vmul.f32 v3, v0  }
0x11d: {  	s23 =	simm.s32 $0x2;
	v3 =	vld [tilespmem:s17+$0xFFFFFFD0];
	v8 =	vmul.f32 v5, v1  }
0x11e: {  	s0 =	simm.s32 $0x19100;
	v9 =	vmov s23;
	s14 =	simm.s32 $0x3;
	s18 =	simm.s32 $0x4;
	v7 =	vmul.f32 v7, v1;
	v5 =	vld [tilespmem:s17+$0xFFFFFFE0];
	[tilespmem:s17+$0x70] =	vst v10  }
.LBB2_6:
0x11f: {  	p5 =	slt.u32 s18, $0x4E;
	v9 =	vand.u32 $0x7E, v9;
	v10 =	vmov s14;
	[tilespmem:s17+$0xFFFFFF80] =	vst v8;
	v6 =	vmul.f32 v6, v1;
	v8 =	vld [tilespmem:s17+$0xFFFFFFF0]  }
0x120: {  	v9 =	vor.u32 $0x100, v9;
	v10 =	vand.u32 $0x7F, v10;
	[tilespmem:s17+$0xFFFFFF90] =	vst v7;
	v4 =	vmul.f32 v4, v1;
	v7 =	vld [tilespmem:s17+$0x0]  }
0x121: {  	v9 =	vbroadcast v9, $0x0;
	v10 =	vor.u32 $0x100, v10;
	[tilespmem:s17+$0xFFFFFFA0] =	vst v6;
	v2 =	vmul.f32 v2, v1;
	v6 =	vld [tilespmem:s17+$0x10]  }
0x122: {  	v10 =	vbroadcast v10, $0x0;
	[tilespmem:s17+$0xFFFFFFB0] =	vst v4;
	v3 =	vmul.f32 v3, v1;
	v4 =	vld [tilespmem:s17+$0x20]  }
0x123: {  	[tilespmem:s17+$0xFFFFFFC0] =	vst v2;
	v2 =	vmul.f32 v5, v1;
	v5 =	vld [tilespmem:s17+$0x30]  }
0x124: {  	[tilespmem:s17+$0xFFFFFFD0] =	vst v3;
	v1 =	vmul.f32 v8, v1;
	v3 =	vld [tilespmem:s17+$0x40]  }
0x125: {  	[tilespmem:s17+$0xFFFFFFE0] =	vst v2;
	v2 =	vmul.f32 v7, v0;
	v7 =	vld [tilespmem:s17+$0x50]  }
0x126: {  	[tilespmem:s17+$0xFFFFFFF0] =	vst v1;
	v6 =	vmul.f32 v6, v0;
	v8 =	vld [tilespmem:s17+$0x60]  }
0x127: {  	v1 =	vld.idx.msk [tilespmem:v9+s25+$0x0], $0xffff;
	[tilespmem:s17+$0x0] =	vst v2;
	v2 =	vmul.f32 v4, v0  }
0x128: {  	s17 =	sadd.s32 $0x100, s17;
	v9 =	vld.idx.msk [tilespmem:v10+s25+$0x0], $0xffff;
	[tilespmem:s0+$0x10] =	vst v6;
	v4 =	vmul.f32 v5, v0  }
0x129: {  	v5 =	vld [tilespmem:s17+$0x70];
	[tilespmem:s0+$0x20] =	vst v2;
	v2 =	vmul.f32 v3, v0  }
0x12a: {  	v3 =	vld [tilespmem:s17+$0xFFFFFF80];
	[tilespmem:s0+$0x30] =	vst v4;
	v4 =	vmul.f32 v7, v0  }
0x12b: {  	v7 =	vld [tilespmem:s17+$0xFFFFFF90];
	[tilespmem:s0+$0x40] =	vst v2;
	v8 =	vmul.f32 v8, v0  }
.Ltmp4:
0x12c: {  	v6 =	vld [tilespmem:s17+$0xFFFFFFA0];
	[tilespmem:s0+$0x50] =	vst v4;
	(pc) =	sbr.rel @p5 .LBB2_6-.Ltmp4, $4  }
0x12d: {  	v4 =	vld [tilespmem:s17+$0xFFFFFFB0];
	[tilespmem:s0+$0x60] =	vst v8;
	s0 =	smov.u32 s17  }
0x12e: {  	v0 =	vmov v9;
	v2 =	vld [tilespmem:s17+$0xFFFFFFC0];
	v10 =	vmul.f32 v5, v9  }
0x12f: {  	v8 =	vmul.f32 v3, v1;
	v3 =	vld [tilespmem:s17+$0xFFFFFFD0]  }
0x130: {  	s14 =	sadd.s32 $0x1, s18;
	v9 =	vmov s18;
	s18 =	sadd.s32 $0x2, s18;
	v7 =	vmul.f32 v7, v1;
	v5 =	vld [tilespmem:s17+$0xFFFFFFE0];
	[tilespmem:s17+$0x70] =	vst v10  }
0x131: {  	[tilespmem:s17+$0xFFFFFF80] =	vst v8;
	v8 =	vand.u32 $0x7E, v9;
	v10 =	vld [tilespmem:s17+$0xFFFFFFF0]  }
0x132: {  	v9 =	vmov s14;
	v11 =	vld [tilespmem:s17+$0x0];
	v6 =	vmul.f32 v6, v1;
	v8 =	vor.u32 $0x100, v8  }
0x133: {  	v12 =	vld [tilespmem:s17+$0x10];
	v9 =	vand.u32 $0x7F, v9;
	[tilespmem:s17+$0xFFFFFF90] =	vst v7;
	v4 =	vmul.f32 v4, v1;
	v8 =	vbroadcast v8, $0x0  }
0x134: {  	v9 =	vor.u32 $0x100, v9;
	[tilespmem:s17+$0xFFFFFFA0] =	vst v6;
	v2 =	vmul.f32 v2, v1;
	v6 =	vld [tilespmem:s17+$0x30]  }
0x135: {  	v7 =	vbroadcast v9, $0x0;
	v9 =	vld [tilespmem:s17+$0x20];
	[tilespmem:s17+$0xFFFFFFB0] =	vst v4;
	v3 =	vmul.f32 v3, v1  }
0x136: {  	v4 =	vld [tilespmem:s17+$0x40];
	[tilespmem:s17+$0xFFFFFFC0] =	vst v2;
	v2 =	vmul.f32 v5, v1  }
0x137: {  	v5 =	vld [tilespmem:s17+$0x50];
	[tilespmem:s17+$0xFFFFFFD0] =	vst v3;
	v1 =	vmul.f32 v10, v1  }
0x138: {  	v3 =	vld [tilespmem:s17+$0x60];
	[tilespmem:s17+$0xFFFFFFE0] =	vst v2;
	v2 =	vmul.f32 v11, v0  }
0x139: {  	s2 =	sadd.s32 $0x100, s17;
	[tilespmem:s17+$0xFFFFFFF0] =	vst v1;
	v8 =	vld.idx.msk [tilespmem:v8+s25+$0x0], $0xffff  }
0x13a: {  	v1 =	vmul.f32 v12, v0;
	[tilespmem:s17+$0x0] =	vst v2;
	v2 =	vmul.f32 v9, v0;
	v9 =	vld [tilespmem:s2+$0x70]  }
0x13b: {  	v7 =	vld.idx.msk [tilespmem:v7+s25+$0x0], $0xffff  }
0x13c: {  	[tilespmem:s0+$0x10] =	vst v1;
	v1 =	vmul.f32 v6, v0;
	v6 =	vld [tilespmem:s2+$0xFFFFFF80]  }
0x13d: {  	[tilespmem:s0+$0x20] =	vst v2;
	v2 =	vmul.f32 v4, v0;
	v4 =	vld [tilespmem:s2+$0xFFFFFF90]  }
0x13e: {  	[tilespmem:s0+$0x30] =	vst v1;
	v1 =	vmul.f32 v5, v0;
	v5 =	vld [tilespmem:s2+$0xFFFFFFA0]  }
0x13f: {  	v0 =	vmul.f32 v3, v0;
	[tilespmem:s0+$0x40] =	vst v2;
	v2 =	vld [tilespmem:s2+$0xFFFFFFB0]  }
0x140: {  	[tilespmem:s0+$0x50] =	vst v1;
	v1 =	vld [tilespmem:s2+$0xFFFFFFC0];
	v3 =	vmul.f32 v9, v7  }
0x141: {  	[tilespmem:s0+$0x60] =	vst v0;
	v0 =	vmul.f32 v6, v8;
	v6 =	vld [tilespmem:s2+$0xFFFFFFD0]  }
0x142: {  	v9 =	vld [tilespmem:s2+$0xFFFFFFE0];
	v4 =	vmul.f32 v4, v8;
	[tilespmem:s2+$0x70] =	vst v3  }
0x143: {  	[tilespmem:s2+$0xFFFFFF80] =	vst v0;
	v0 =	vmul.f32 v5, v8;
	v3 =	vld [tilespmem:s2+$0xFFFFFFF0]  }
0x144: {  	[tilespmem:s2+$0xFFFFFF90] =	vst v4;
	v2 =	vmul.f32 v2, v8;
	v4 =	vld [tilespmem:s2+$0x0]  }
0x145: {  	[tilespmem:s2+$0xFFFFFFA0] =	vst v0;
	v0 =	vmul.f32 v1, v8;
	v1 =	vld [tilespmem:s2+$0x10]  }
0x146: {  	v5 =	vld [tilespmem:s2+$0x20];
	[tilespmem:s2+$0xFFFFFFB0] =	vst v2;
	v2 =	vmul.f32 v6, v8  }
0x147: {  	v6 =	vld [tilespmem:s2+$0x30];
	[tilespmem:s2+$0xFFFFFFC0] =	vst v0;
	v0 =	vmul.f32 v9, v8  }
0x148: {  	[tilespmem:s2+$0xFFFFFFD0] =	vst v2;
	v2 =	vmul.f32 v3, v8;
	v3 =	vld [tilespmem:s2+$0x40]  }
0x149: {  	[tilespmem:s2+$0xFFFFFFE0] =	vst v0;
	v0 =	vmul.f32 v4, v7;
	v4 =	vld [tilespmem:s2+$0x50]  }
0x14a: {  	[tilespmem:s2+$0xFFFFFFF0] =	vst v2;
	v1 =	vmul.f32 v1, v7;
	v2 =	vld [tilespmem:s2+$0x60]  }
0x14b: {  	[tilespmem:s2+$0x0] =	vst v0;
	v0 =	vmul.f32 v5, v7  }
0x14c: {  	[tilespmem:s2+$0x10] =	vst v1;
	v1 =	vmul.f32 v6, v7  }
0x14d: {  	[tilespmem:s2+$0x20] =	vst v0;
	v0 =	vmul.f32 v3, v7  }
0x14e: {  	[tilespmem:s2+$0x30] =	vst v1;
	v1 =	vmul.f32 v4, v7  }
0x14f: {  	[tilespmem:s2+$0x40] =	vst v0;
	v0 =	vmul.f32 v2, v7  }
0x150: {  	[tilespmem:s2+$0x50] =	vst v1  }
0x151: {  	[tilespmem:s2+$0x60] =	vst v0  }
0x152: {  	_ =	swait.ge [sflag:s13], $0x50  }
0x153: {  	[sflag:s13] =	ssyncset.done $0x0  }
0x154: {  	s18 =	simm.s32 $0x19080;
	s20 =	sld [smem:$0x7FB];
	[sflag:s13] =	ssyncadd.s32 $0xFFFFFFB0  }
0x155: {  	[spmem:s3] =	stream.indirect.scatter.add.f32 [tilespmem:s18], [sflag:$0x13], $0x80, s29, s16, $0xb8;
	[tilespmem:$0x1E080] =	vst v63  }
0x156: {  	s0 =	simm.s32 $0x0  }
0x157: {  	[tilespmem:s7], [sflag:$0x3] =	stream.linear.gather [hbm4b:s20+s0], $0x50, $0x38;
	[tilespmem:$0x1E080] =	vst v63  }
0x158: {  	s23 =	rddreg [dreg:$0x14];
	s29 =	simm.s32 $0x13D80  }
0x159: {  	[tilespmem:s29], [sflag:$0x7] =	stream.linear.gather [hbm4b:s23+s0], $0x50, $0x38;
	[tilespmem:$0x1E080] =	vst v63  }
0x15a: {  	s17 =	rddreg [dreg:$0x15];
	s18 =	simm.s32 $0x13F80  }
0x15b: {  	[tilespmem:s18], [sflag:$0xB] =	stream.linear.gather [hbm4b:s17+s0], $0x50, $0x38;
	[tilespmem:$0x1E080] =	vst v63  }
0x15c: {  	_ =	swait.ge [sflag:s26], $0x2800  }
0x15d: {  	[sflag:s26] =	ssyncset.done $0x0  }
0x15e: {  	s20 =	simm.s32 $0x2;
	[sflag:s26] =	ssyncadd.s32 $0xFFFFD800  }
0x15f: {  	_ =	swait.ge [sflag:s20], $0x50  }
0x160: {  	v0 =	vmov s0;
	s23 =	simm.s32 $0x1;
	[sflag:s20] =	ssyncset.done $0x0  }
0x161: {  	v0 =	vand.u32 $0x7E, v0;
	s29 =	simm.s32 $0x16880;
	v1 =	vmov s23;
	[sflag:s20] =	ssyncadd.s32 $0xFFFFFFB0  }
0x162: {  	v0 =	vor.u32 $0x180, v0;
	v1 =	vand.u32 $0x7F, v1;
	[tilespmem:s29], [sflag:$0xE] =	stream.indirect.gather [hbm4b:s1+s16], $0x80, s30, s16, $0xb8;
	[tilespmem:$0x1E080] =	vst v63  }
0x163: {  	v0 =	vbroadcast v0, $0x0;
	v1 =	vor.u32 $0x180, v1;
	_ =	swait.ge [sflag:s31], $0x2800  }
0x164: {  	v2 =	vbroadcast v1, $0x0;
	[sflag:s31] =	ssyncset.done $0x0  }
0x165: {  	[sflag:s31] =	ssyncadd.s32 $0xFFFFD800  }
0x166: {  	_ =	swait.ge [sflag:s8], $0x50  }
0x167: {  	[sflag:s8] =	ssyncset.done $0x0  }
0x168: {  	[sflag:s8] =	ssyncadd.s32 $0xFFFFFFB0  }
0x169: {  	v1 =	vld.idx.msk [tilespmem:v0+s25+$0x0], $0xffff  }
0x16a: {  	s17 =	simm.s32 $0x1B900;
	v0 =	vld.idx.msk [tilespmem:v2+s25+$0x0], $0xffff  }
0x16b: {  	v3 =	vld [tilespmem:s17+$0x70]  }
0x16c: {  	v5 =	vld [tilespmem:s17+$0xFFFFFF80]  }
0x16d: {  	v7 =	vld [tilespmem:s17+$0xFFFFFF90]  }
0x16e: {  	v6 =	vld [tilespmem:s17+$0xFFFFFFA0]  }
0x16f: {  	v4 =	vld [tilespmem:s17+$0xFFFFFFB0]  }
0x170: {  	v2 =	vld [tilespmem:s17+$0xFFFFFFC0];
	v10 =	vmul.f32 v3, v0  }
0x171: {  	s30 =	simm.s32 $0x2;
	v3 =	vld [tilespmem:s17+$0xFFFFFFD0];
	v8 =	vmul.f32 v5, v1  }
0x172: {  	s14 =	simm.s32 $0x3;
	s18 =	simm.s32 $0x4;
	s0 =	simm.s32 $0x1B900;
	v9 =	vmov s30;
	v7 =	vmul.f32 v7, v1;
	v5 =	vld [tilespmem:s17+$0xFFFFFFE0];
	[tilespmem:s17+$0x70] =	vst v10  }
.LBB2_8:
0x173: {  	p5 =	slt.u32 s18, $0x4E;
	v9 =	vand.u32 $0x7E, v9;
	v10 =	vmov s14;
	[tilespmem:s17+$0xFFFFFF80] =	vst v8;
	v6 =	vmul.f32 v6, v1;
	v8 =	vld [tilespmem:s17+$0xFFFFFFF0]  }
0x174: {  	v9 =	vor.u32 $0x180, v9;
	v10 =	vand.u32 $0x7F, v10;
	[tilespmem:s17+$0xFFFFFF90] =	vst v7;
	v4 =	vmul.f32 v4, v1;
	v7 =	vld [tilespmem:s17+$0x0]  }
0x175: {  	v9 =	vbroadcast v9, $0x0;
	v10 =	vor.u32 $0x180, v10;
	[tilespmem:s17+$0xFFFFFFA0] =	vst v6;
	v2 =	vmul.f32 v2, v1;
	v6 =	vld [tilespmem:s17+$0x10]  }
0x176: {  	v10 =	vbroadcast v10, $0x0;
	[tilespmem:s17+$0xFFFFFFB0] =	vst v4;
	v3 =	vmul.f32 v3, v1;
	v4 =	vld [tilespmem:s17+$0x20]  }
0x177: {  	[tilespmem:s17+$0xFFFFFFC0] =	vst v2;
	v2 =	vmul.f32 v5, v1;
	v5 =	vld [tilespmem:s17+$0x30]  }
0x178: {  	[tilespmem:s17+$0xFFFFFFD0] =	vst v3;
	v1 =	vmul.f32 v8, v1;
	v3 =	vld [tilespmem:s17+$0x40]  }
0x179: {  	[tilespmem:s17+$0xFFFFFFE0] =	vst v2;
	v2 =	vmul.f32 v7, v0;
	v7 =	vld [tilespmem:s17+$0x50]  }
0x17a: {  	[tilespmem:s17+$0xFFFFFFF0] =	vst v1;
	v6 =	vmul.f32 v6, v0;
	v8 =	vld [tilespmem:s17+$0x60]  }
0x17b: {  	v1 =	vld.idx.msk [tilespmem:v9+s25+$0x0], $0xffff;
	[tilespmem:s17+$0x0] =	vst v2;
	v2 =	vmul.f32 v4, v0  }
0x17c: {  	s17 =	sadd.s32 $0x100, s17;
	v9 =	vld.idx.msk [tilespmem:v10+s25+$0x0], $0xffff;
	[tilespmem:s0+$0x10] =	vst v6;
	v4 =	vmul.f32 v5, v0  }
0x17d: {  	v5 =	vld [tilespmem:s17+$0x70];
	[tilespmem:s0+$0x20] =	vst v2;
	v2 =	vmul.f32 v3, v0  }
0x17e: {  	v3 =	vld [tilespmem:s17+$0xFFFFFF80];
	[tilespmem:s0+$0x30] =	vst v4;
	v4 =	vmul.f32 v7, v0  }
0x17f: {  	v7 =	vld [tilespmem:s17+$0xFFFFFF90];
	[tilespmem:s0+$0x40] =	vst v2;
	v8 =	vmul.f32 v8, v0  }
.Ltmp5:
0x180: {  	v6 =	vld [tilespmem:s17+$0xFFFFFFA0];
	[tilespmem:s0+$0x50] =	vst v4;
	(pc) =	sbr.rel @p5 .LBB2_8-.Ltmp5, $4  }
0x181: {  	v4 =	vld [tilespmem:s17+$0xFFFFFFB0];
	[tilespmem:s0+$0x60] =	vst v8;
	s0 =	smov.u32 s17  }
0x182: {  	v0 =	vmov v9;
	v2 =	vld [tilespmem:s17+$0xFFFFFFC0];
	v10 =	vmul.f32 v5, v9  }
0x183: {  	v8 =	vmul.f32 v3, v1;
	v3 =	vld [tilespmem:s17+$0xFFFFFFD0]  }
0x184: {  	s14 =	sadd.s32 $0x1, s18;
	v9 =	vmov s18;
	s18 =	sadd.s32 $0x2, s18;
	v7 =	vmul.f32 v7, v1;
	v5 =	vld [tilespmem:s17+$0xFFFFFFE0];
	[tilespmem:s17+$0x70] =	vst v10  }
0x185: {  	v10 =	vld [tilespmem:s17+$0xFFFFFFF0]  }
0x186: {  	v11 =	vld [tilespmem:s17+$0x0]  }
0x187: {  	[tilespmem:s17+$0xFFFFFF80] =	vst v8;
	v18 =	vand.u32 $0x7E, v9;
	v6 =	vmul.f32 v6, v1;
	v12 =	vld [tilespmem:s17+$0x10]  }
0x188: {  	v21 =	vld [tilespmem:s17+$0x20];
	v8 =	vor.u32 $0x180, v18;
	[tilespmem:s17+$0xFFFFFF90] =	vst v7;
	v4 =	vmul.f32 v4, v1  }
0x189: {  	v22 =	vld [tilespmem:s17+$0x30];
	v8 =	vbroadcast v8, $0x0;
	[tilespmem:s17+$0xFFFFFFA0] =	vst v6;
	v2 =	vmul.f32 v2, v1  }
0x18a: {  	v23 =	vld [tilespmem:s17+$0x40];
	[tilespmem:s17+$0xFFFFFFB0] =	vst v4;
	v3 =	vmul.f32 v3, v1  }
0x18b: {  	v25 =	vld [tilespmem:s17+$0x50];
	[tilespmem:s17+$0xFFFFFFC0] =	vst v2;
	v24 =	vmul.f32 v5, v1  }
0x18c: {  	v27 =	vld [tilespmem:s17+$0x60];
	s2 =	sadd.s32 $0x100, s17;
	[tilespmem:s17+$0xFFFFFFD0] =	vst v3;
	v26 =	vmul.f32 v10, v1  }
0x18d: {  	v31 =	vld [tilespmem:s2+$0x70];
	v28 =	vmul.f32 v11, v0;
	[tilespmem:s17+$0xFFFFFFE0] =	vst v24  }
0x18e: {  	v19 =	vmov s14;
	v33 =	vld [tilespmem:s2+$0xFFFFFF80];
	v29 =	vmul.f32 v12, v0;
	[tilespmem:s17+$0xFFFFFFF0] =	vst v26  }
0x18f: {  	v9 =	vand.u32 $0x7F, v19;
	v30 =	vmul.f32 v21, v0;
	[tilespmem:s17+$0x0] =	vst v28;
	v8 =	vld.idx.msk [tilespmem:v8+s25+$0x0], $0xffff  }
0x190: {  	v35 =	vld [tilespmem:s2+$0xFFFFFF90];
	v9 =	vor.u32 $0x180, v9;
	v32 =	vmul.f32 v22, v0;
	[tilespmem:s0+$0x10] =	vst v29  }
0x191: {  	v37 =	vld [tilespmem:s2+$0xFFFFFFA0];
	v20 =	vbroadcast v9, $0x0;
	v34 =	vmul.f32 v23, v0;
	[tilespmem:s0+$0x20] =	vst v30  }
0x192: {  	v39 =	vld [tilespmem:s2+$0xFFFFFFB0];
	v36 =	vmul.f32 v25, v0;
	[tilespmem:s0+$0x30] =	vst v32  }
0x193: {  	v40 =	vld [tilespmem:s2+$0xFFFFFFC0];
	v38 =	vmul.f32 v27, v0;
	[tilespmem:s0+$0x40] =	vst v34  }
0x194: {  	v43 =	vld [tilespmem:s2+$0xFFFFFFD0];
	[tilespmem:s0+$0x50] =	vst v36;
	v42 =	vmul.f32 v33, v8  }
0x195: {  	v44 =	vld [tilespmem:s2+$0xFFFFFFE0];
	[tilespmem:s0+$0x60] =	vst v38;
	v4 =	vmul.f32 v35, v8  }
0x196: {  	v46 =	vld [tilespmem:s2+$0xFFFFFFF0];
	v45 =	vmul.f32 v37, v8;
	[tilespmem:s2+$0xFFFFFF80] =	vst v42  }
0x197: {  	v7 =	vld.idx.msk [tilespmem:v20+s25+$0x0], $0xffff;
	v2 =	vmul.f32 v39, v8;
	[tilespmem:s2+$0xFFFFFF90] =	vst v4  }
0x198: {  	v47 =	vld [tilespmem:s2+$0x0];
	v48 =	vmul.f32 v40, v8;
	[tilespmem:s2+$0xFFFFFFA0] =	vst v45  }
0x199: {  	v49 =	vld [tilespmem:s2+$0x10];
	v50 =	vmul.f32 v43, v8;
	[tilespmem:s2+$0xFFFFFFB0] =	vst v2  }
0x19a: {  	v51 =	vld [tilespmem:s2+$0x20];
	v52 =	vmul.f32 v44, v8;
	[tilespmem:s2+$0xFFFFFFC0] =	vst v48  }
0x19b: {  	v53 =	vld [tilespmem:s2+$0x30];
	v54 =	vmul.f32 v46, v8;
	[tilespmem:s2+$0xFFFFFFD0] =	vst v50  }
0x19c: {  	v55 =	vld [tilespmem:s2+$0x40];
	v41 =	vmul.f32 v31, v7;
	[tilespmem:s2+$0xFFFFFFE0] =	vst v52  }
0x19d: {  	v57 =	vld [tilespmem:s2+$0x50];
	v56 =	vmul.f32 v47, v7;
	[tilespmem:s2+$0xFFFFFFF0] =	vst v54  }
0x19e: {  	v58 =	vld [tilespmem:s2+$0x60];
	v1 =	vmul.f32 v49, v7;
	[tilespmem:s2+$0x70] =	vst v41  }
0x19f: {  	v59 =	vmul.f32 v51, v7;
	[tilespmem:s2+$0x0] =	vst v56  }
0x1a0: {  	v60 =	vmul.f32 v53, v7;
	[tilespmem:s2+$0x10] =	vst v1  }
0x1a1: {  	v61 =	vmul.f32 v55, v7;
	[tilespmem:s2+$0x20] =	vst v59  }
0x1a2: {  	v62 =	vmul.f32 v57, v7;
	[tilespmem:s2+$0x30] =	vst v60  }
0x1a3: {  	v63 =	vmul.f32 v58, v7;
	[tilespmem:s2+$0x40] =	vst v61  }
0x1a4: {  	[tilespmem:s2+$0x50] =	vst v62  }
0x1a5: {  	[tilespmem:s2+$0x60] =	vst v63  }
0x1a6: {  	_ =	swait.ge [sflag:s19], $0x50  }
0x1a7: {  	s29 =	simm.s32 $0x13C00;
	[sflag:s19] =	ssyncset.done $0x0  }
0x1a8: {  	s30 =	simm.s32 $0x1B880;
	s14 =	sld [smem:$0x7FC];
	[sflag:s19] =	ssyncadd.s32 $0xFFFFFFB0  }
0x1a9: {  	[spmem:s3] =	stream.indirect.scatter.add.f32 [tilespmem:s30], [sflag:$0x14], $0x80, s29, s16, $0xb8;
	[tilespmem:$0x1E080] =	vst v63  }
0x1aa: {  	s23 =	simm.s32 $0x0;
	s17 =	simm.s32 $0x13A00  }
0x1ab: {  	[tilespmem:s17], [sflag:$0x4] =	stream.linear.gather [hbm4b:s14+s23], $0x50, $0x38;
	[tilespmem:$0x1E080] =	vst v63  }
0x1ac: {  	s20 =	simm.s32 $0x13E00;
	s18 =	rddreg [dreg:$0x18]  }
0x1ad: {  	[tilespmem:s20], [sflag:$0x8] =	stream.linear.gather [hbm4b:s18+s23], $0x50, $0x38;
	[tilespmem:$0x1E080] =	vst v63  }
0x1ae: {  	s29 =	rddreg [dreg:$0x19];
	s30 =	simm.s32 $0x14000;
	s17 =	simm.s32 $0x0  }
0x1af: {  	[tilespmem:s30], [sflag:$0xC] =	stream.linear.gather [hbm4b:s29+s23], $0x50, $0x38;
	[tilespmem:$0x1E080] =	vst v63  }
.LBB2_10:
0x1b0: {  	_ =	swait.ge [sflag:s21], $0x2800  }
0x1b1: {  	[sflag:s21] =	ssyncset.done $0x0  }
0x1b2: {  	s0 =	simm.s32 $0x3;
	[sflag:s21] =	ssyncadd.s32 $0xFFFFD800  }
0x1b3: {  	_ =	swait.ge [sflag:s0], $0x50  }
0x1b4: {  	[sflag:s0] =	ssyncset.done $0x0  }
0x1b5: {  	v0 =	vmov s23;
	s30 =	simm.s32 $0x19080;
	[sflag:s0] =	ssyncadd.s32 $0xFFFFFFB0  }
0x1b6: {  	v0 =	vand.u32 $0xFFFFFFFE, v0;
	[tilespmem:s30], [sflag:$0xF] =	stream.indirect.gather [hbm4b:s1+s16], $0x80, s7, s16, $0xb8;
	[tilespmem:$0x1E080] =	vst v63  }
0x1b7: {  	v0 =	vbroadcast v0, $0x0;
	_ =	swait.ge [sflag:s22], $0x2800  }
0x1b8: {  	[sflag:s22] =	ssyncset.done $0x0  }
0x1b9: {  	[sflag:s22] =	ssyncadd.s32 $0xFFFFD800  }
0x1ba: {  	_ =	swait.ge [sflag:s28], $0x50  }
0x1bb: {  	[sflag:s28] =	ssyncset.done $0x0  }
0x1bc: {  	[sflag:s28] =	ssyncadd.s32 $0xFFFFFFB0  }
0x1bd: {  	s0 =	simm.s32 $0x14100;
	v1 =	vld.idx.msk [tilespmem:v0+s25+$0x0], $0xffff  }
0x1be: {  	v0 =	vld [tilespmem:s0+$0xFFFFFFF0]  }
0x1bf: {  	v2 =	vld [tilespmem:s0+$0xFFFFFF80]  }
0x1c0: {  	s2 =	simm.s32 $0x1;
	v5 =	vld [tilespmem:s0+$0xFFFFFF90]  }
0x1c1: {  	v6 =	vmov s2;
	v7 =	vld [tilespmem:s0+$0xFFFFFFA0]  }
0x1c2: {  	v10 =	vld [tilespmem:s0+$0xFFFFFFB0]  }
0x1c3: {  	v4 =	vld [tilespmem:s0+$0xFFFFFFC0]  }
0x1c4: {  	v3 =	vld [tilespmem:s0+$0xFFFFFFD0];
	v8 =	vmul.f32 v0, v1  }
0x1c5: {  	v9 =	vmul.f32 v2, v1;
	v2 =	vld [tilespmem:s0+$0xFFFFFFE0]  }
0x1c6: {  	v0 =	vld.idx.msk [tilespmem:v6+s25+$0x0], $0xffff;
	v5 =	vmul.f32 v5, v1;
	[tilespmem:s0+$0xFFFFFFF0] =	vst v8  }
0x1c7: {  	s20 =	simm.s32 $0x2;
	v6 =	vld [tilespmem:s0+$0x0];
	[tilespmem:s0+$0xFFFFFF80] =	vst v9;
	v8 =	vmul.f32 v7, v1  }
0x1c8: {  	s14 =	simm.s32 $0x4;
	s18 =	simm.s32 $0x14100;
	v9 =	vmov s20;
	[tilespmem:s0+$0xFFFFFF90] =	vst v5;
	v7 =	vmul.f32 v10, v1;
	v5 =	vld [tilespmem:s0+$0x10]  }
.LBB2_11:
0x1c9: {  	p5 =	slt.u32 s14, $0x4E;
	v9 =	vand.u32 $0xFFFFFFFE, v9;
	s2 =	sadd.s32 $0x1, s20;
	[tilespmem:s0+$0xFFFFFFA0] =	vst v8;
	v4 =	vmul.f32 v4, v1;
	v8 =	vld [tilespmem:s0+$0x20];
	s20 =	smov.u32 s14  }
0x1ca: {  	v9 =	vbroadcast v9, $0x0;
	v10 =	vmov s2;
	[tilespmem:s0+$0xFFFFFFB0] =	vst v7;
	v3 =	vmul.f32 v3, v1;
	v7 =	vld [tilespmem:s0+$0x30]  }
0x1cb: {  	[tilespmem:s0+$0xFFFFFFC0] =	vst v4;
	v1 =	vmul.f32 v2, v1;
	v2 =	vld [tilespmem:s0+$0x40]  }
0x1cc: {  	[tilespmem:s0+$0xFFFFFFD0] =	vst v3;
	v3 =	vmul.f32 v6, v0;
	v4 =	vld [tilespmem:s0+$0x50]  }
0x1cd: {  	[tilespmem:s0+$0xFFFFFFE0] =	vst v1;
	v1 =	vmul.f32 v5, v0;
	v5 =	vld [tilespmem:s0+$0x60]  }
0x1ce: {  	[tilespmem:s0+$0x0] =	vst v3;
	v3 =	vmul.f32 v8, v0;
	v6 =	vld [tilespmem:s0+$0x70]  }
0x1cf: {  	v8 =	vld.idx.msk [tilespmem:v10+s25+$0x0], $0xffff;
	[tilespmem:s0+$0x10] =	vst v1;
	v7 =	vmul.f32 v7, v0  }
0x1d0: {  	s0 =	sadd.s32 $0x100, s0;
	v1 =	vld.idx.msk [tilespmem:v9+s25+$0x0], $0xffff;
	[tilespmem:s18+$0x20] =	vst v3;
	v2 =	vmul.f32 v2, v0  }
0x1d1: {  	v3 =	vld [tilespmem:s0+$0xFFFFFFF0];
	[tilespmem:s18+$0x30] =	vst v7;
	v4 =	vmul.f32 v4, v0  }
0x1d2: {  	v7 =	vld [tilespmem:s0+$0xFFFFFF80];
	[tilespmem:s18+$0x40] =	vst v2;
	v2 =	vmul.f32 v5, v0  }
0x1d3: {  	v5 =	vld [tilespmem:s0+$0xFFFFFF90];
	[tilespmem:s18+$0x50] =	vst v4;
	v4 =	vmul.f32 v6, v0  }
0x1d4: {  	v6 =	vld [tilespmem:s0+$0xFFFFFFA0];
	[tilespmem:s18+$0x60] =	vst v2  }
0x1d5: {  	v0 =	vmov v8;
	v10 =	vld [tilespmem:s0+$0xFFFFFFB0];
	[tilespmem:s18+$0x70] =	vst v4;
	s18 =	smov.u32 s0  }
.Ltmp6:
0x1d6: {  	v4 =	vld [tilespmem:s0+$0xFFFFFFC0];
	v8 =	vmul.f32 v3, v1;
	(pc) =	sbr.rel @p5 .LBB2_11-.Ltmp6, $4  }
0x1d7: {  	v7 =	vmul.f32 v7, v1;
	v3 =	vld [tilespmem:s0+$0xFFFFFFD0]  }
0x1d8: {  	v5 =	vmul.f32 v5, v1;
	v2 =	vld [tilespmem:s0+$0xFFFFFFE0];
	[tilespmem:s0+$0xFFFFFFF0] =	vst v8  }
0x1d9: {  	[tilespmem:s0+$0xFFFFFF80] =	vst v7;
	v8 =	vmul.f32 v6, v1;
	v6 =	vld [tilespmem:s0+$0x0]  }
0x1da: {  	s14 =	sadd.s32 $0x2, s14;
	v9 =	vmov s20;
	[tilespmem:s0+$0xFFFFFF90] =	vst v5;
	v7 =	vmul.f32 v10, v1;
	v5 =	vld [tilespmem:s0+$0x10]  }
0x1db: {  	v10 =	vld [tilespmem:s0+$0x20]  }
0x1dc: {  	v9 =	vand.u32 $0xFFFFFFFE, v9;
	s2 =	sadd.s32 $0x1, s20;
	v11 =	vld [tilespmem:s0+$0x30]  }
0x1dd: {  	v13 =	vld [tilespmem:s0+$0x40];
	[tilespmem:s0+$0xFFFFFFA0] =	vst v8;
	v4 =	vmul.f32 v4, v1;
	v9 =	vbroadcast v9, $0x0;
	v12 =	vmov s2  }
0x1de: {  	v8 =	vld [tilespmem:s0+$0x50];
	[tilespmem:s0+$0xFFFFFFB0] =	vst v7;
	v3 =	vmul.f32 v3, v1  }
0x1df: {  	v7 =	vld [tilespmem:s0+$0x60];
	[tilespmem:s0+$0xFFFFFFC0] =	vst v4;
	v6 =	vmul.f32 v6, v0  }
0x1e0: {  	s14 =	sadd.s32 $0x100, s0;
	v1 =	vmul.f32 v2, v1;
	v2 =	vld [tilespmem:s0+$0x70];
	[tilespmem:s0+$0xFFFFFFD0] =	vst v3  }
0x1e1: {  	v3 =	vmul.f32 v5, v0;
	[tilespmem:s0+$0x0] =	vst v6;
	v6 =	vld [tilespmem:s14+$0xFFFFFFF0]  }
0x1e2: {  	[tilespmem:s0+$0xFFFFFFE0] =	vst v1;
	v1 =	vmul.f32 v10, v0;
	v4 =	vld.idx.msk [tilespmem:v12+s25+$0x0], $0xffff  }
0x1e3: {  	[tilespmem:s0+$0x10] =	vst v3;
	v3 =	vmul.f32 v11, v0;
	v5 =	vld.idx.msk [tilespmem:v9+s25+$0x0], $0xffff  }
0x1e4: {  	[tilespmem:s18+$0x20] =	vst v1;
	v1 =	vmul.f32 v13, v0;
	v9 =	vld [tilespmem:s14+$0xFFFFFF80]  }
0x1e5: {  	[tilespmem:s18+$0x30] =	vst v3;
	v3 =	vmul.f32 v8, v0;
	v8 =	vld [tilespmem:s14+$0xFFFFFF90]  }
0x1e6: {  	[tilespmem:s18+$0x40] =	vst v1;
	v1 =	vmul.f32 v7, v0;
	v7 =	vld [tilespmem:s14+$0xFFFFFFA0]  }
0x1e7: {  	v0 =	vmul.f32 v2, v0;
	v2 =	vld [tilespmem:s14+$0xFFFFFFB0];
	[tilespmem:s18+$0x50] =	vst v3  }
0x1e8: {  	[tilespmem:s18+$0x60] =	vst v1;
	v1 =	vld [tilespmem:s14+$0xFFFFFFC0];
	v3 =	vmul.f32 v6, v5  }
0x1e9: {  	[tilespmem:s18+$0x70] =	vst v0;
	v0 =	vmul.f32 v9, v5;
	v6 =	vld [tilespmem:s14+$0xFFFFFFD0]  }
0x1ea: {  	v9 =	vld [tilespmem:s14+$0xFFFFFFE0];
	v8 =	vmul.f32 v8, v5;
	[tilespmem:s14+$0xFFFFFFF0] =	vst v3  }
0x1eb: {  	[tilespmem:s14+$0xFFFFFF80] =	vst v0;
	v0 =	vmul.f32 v7, v5;
	v3 =	vld [tilespmem:s14+$0x0]  }
0x1ec: {  	v2 =	vmul.f32 v2, v5;
	v7 =	vld [tilespmem:s14+$0x10];
	[tilespmem:s14+$0xFFFFFF90] =	vst v8  }
0x1ed: {  	[tilespmem:s14+$0xFFFFFFA0] =	vst v0;
	v0 =	vmul.f32 v1, v5;
	v1 =	vld [tilespmem:s14+$0x20]  }
0x1ee: {  	[tilespmem:s14+$0xFFFFFFB0] =	vst v2;
	v2 =	vmul.f32 v6, v5;
	v6 =	vld [tilespmem:s14+$0x30]  }
0x1ef: {  	[tilespmem:s14+$0xFFFFFFC0] =	vst v0;
	v0 =	vmul.f32 v9, v5;
	v5 =	vld [tilespmem:s14+$0x40]  }
0x1f0: {  	[tilespmem:s14+$0xFFFFFFD0] =	vst v2;
	v2 =	vmul.f32 v3, v4;
	v3 =	vld [tilespmem:s14+$0x50]  }
0x1f1: {  	[tilespmem:s14+$0xFFFFFFE0] =	vst v0;
	v0 =	vmul.f32 v7, v4;
	v7 =	vld [tilespmem:s14+$0x60]  }
0x1f2: {  	[tilespmem:s14+$0x0] =	vst v2;
	v1 =	vmul.f32 v1, v4;
	v2 =	vld [tilespmem:s14+$0x70]  }
0x1f3: {  	[tilespmem:s14+$0x10] =	vst v0;
	v0 =	vmul.f32 v6, v4  }
0x1f4: {  	[tilespmem:s14+$0x20] =	vst v1;
	v1 =	vmul.f32 v5, v4  }
0x1f5: {  	[tilespmem:s14+$0x30] =	vst v0;
	v0 =	vmul.f32 v3, v4  }
0x1f6: {  	[tilespmem:s14+$0x40] =	vst v1;
	v1 =	vmul.f32 v7, v4  }
0x1f7: {  	[tilespmem:s14+$0x50] =	vst v0;
	v0 =	vmul.f32 v2, v4  }
0x1f8: {  	[tilespmem:s14+$0x60] =	vst v1  }
0x1f9: {  	s17 =	sadd.s32 $0x1, s17;
	s29 =	simm.s32 $0x14080;
	[tilespmem:s14+$0x70] =	vst v0  }
0x1fa: {  	s20 =	sshll.u32 s17, $0x9;
	s18 =	sshll.u32 s17, $0x2;
	_ =	swait.ge [sflag:s24], $0x50  }
0x1fb: {  	s20 =	sand.u32 $0x200, s20;
	s0 =	sadd.s32 $0x4, s18;
	[sflag:s24] =	ssyncset.done $0x0  }
0x1fc: {  	s30 =	sadd.s32 $0x13A80, s20;
	s14 =	smul.u32 $0x50, s0;
	[sflag:s24] =	ssyncadd.s32 $0xFFFFFFB0  }
0x1fd: {  	[spmem:s3] =	stream.indirect.scatter.add.f32 [tilespmem:s29], [sflag:$0x11], $0x80, s30, s16, $0xb8;
	[tilespmem:$0x1E080] =	vst v63  }
0x1fe: {  	s30 =	sadd.s32 s11, s14  }
0x1ff: {  	s0 =	sshll.u32 s0, $0x7;
	s29 =	simm.s32 $0x0;
	s2 =	sshrl.u32 s30, $0x3  }
0x200: {  	s14 =	sadd.s32 s9, s14;
	s30 =	simm.s32 $0x13880;
	s2 =	sadd.s32 s5, s2  }
0x201: {  	[tilespmem:s30], [sflag:$0x1] =	stream.linear.gather [hbm4b:s2+s29], $0x50, $0x38;
	[tilespmem:$0x1E080] =	vst v63  }
0x202: {  	s0 =	sand.u32 $0x200, s0;
	s2 =	sshrl.u32 s14, $0x3  }
0x203: {  	s0 =	sadd.s32 $0x13A80, s0;
	s30 =	sadd.s32 s5, s2  }
0x204: {  	[tilespmem:s0], [sflag:$0x5] =	stream.linear.gather [hbm4b:s30+s29], $0x50, $0x38;
	[tilespmem:$0x1E080] =	vst v63  }
0x205: {  	s2 =	sadd.s32 s6, s2  }
0x206: {  	[tilespmem:s25], [sflag:$0x9] =	stream.linear.gather [hbm4b:s2+s29], $0x50, $0x38;
	[tilespmem:$0x1E080] =	vst v63  }
0x207: {  	_ =	swait.ge [sflag:s10], $0x2800  }
0x208: {  	[sflag:s10] =	ssyncset.done $0x0  }
0x209: {  	s14 =	simm.s32 $0x4;
	[sflag:s10] =	ssyncadd.s32 $0xFFFFD800  }
0x20a: {  	s30 =	simm.s32 $0x1;
	_ =	swait.ge [sflag:s14], $0x50  }
0x20b: {  	v0 =	vmov s29;
	v1 =	vmov s30;
	s30 =	simm.s32 $0x1B880;
	[sflag:s14] =	ssyncset.done $0x0  }
0x20c: {  	v0 =	vand.u32 $0x7E, v0;
	s2 =	simm.s32 $0xE;
	[sflag:s14] =	ssyncadd.s32 $0xFFFFFFB0;
	s14 =	simm.s32 $0x13A00  }
0x20d: {  	v0 =	vor.u32 $0x80, v0;
	v1 =	vand.u32 $0x7F, v1;
	[tilespmem:s30], [sflag:$0x10] =	stream.indirect.gather [hbm4b:s1+s16], $0x80, s14, s16, $0xb8;
	[tilespmem:$0x1E080] =	vst v63  }
0x20e: {  	v0 =	vbroadcast v0, $0x0;
	v1 =	vor.u32 $0x80, v1;
	_ =	swait.ge [sflag:s2], $0x2800  }
0x20f: {  	v2 =	vbroadcast v1, $0x0;
	[sflag:s2] =	ssyncset.done $0x0  }
0x210: {  	s14 =	simm.s32 $0xA;
	[sflag:s2] =	ssyncadd.s32 $0xFFFFD800  }
0x211: {  	_ =	swait.ge [sflag:s14], $0x50  }
0x212: {  	[sflag:s14] =	ssyncset.done $0x0  }
0x213: {  	[sflag:s14] =	ssyncadd.s32 $0xFFFFFFB0  }
0x214: {  	v1 =	vld.idx.msk [tilespmem:v0+s25+$0x0], $0xffff  }
0x215: {  	s0 =	simm.s32 $0x16900;
	v0 =	vld.idx.msk [tilespmem:v2+s25+$0x0], $0xffff  }
0x216: {  	v3 =	vld [tilespmem:s0+$0x70]  }
0x217: {  	v5 =	vld [tilespmem:s0+$0xFFFFFF80]  }
0x218: {  	v7 =	vld [tilespmem:s0+$0xFFFFFF90]  }
0x219: {  	v6 =	vld [tilespmem:s0+$0xFFFFFFA0]  }
0x21a: {  	v4 =	vld [tilespmem:s0+$0xFFFFFFB0]  }
0x21b: {  	v2 =	vld [tilespmem:s0+$0xFFFFFFC0];
	v10 =	vmul.f32 v3, v0  }
0x21c: {  	s30 =	simm.s32 $0x2;
	v3 =	vld [tilespmem:s0+$0xFFFFFFD0];
	v8 =	vmul.f32 v5, v1  }
0x21d: {  	s29 =	simm.s32 $0x16900;
	v9 =	vmov s30;
	s2 =	simm.s32 $0x3;
	s14 =	simm.s32 $0x4;
	v7 =	vmul.f32 v7, v1;
	v5 =	vld [tilespmem:s0+$0xFFFFFFE0];
	[tilespmem:s0+$0x70] =	vst v10  }
.LBB2_13:
0x21e: {  	p5 =	slt.u32 s14, $0x4E;
	v9 =	vand.u32 $0x7E, v9;
	v10 =	vmov s2;
	[tilespmem:s0+$0xFFFFFF80] =	vst v8;
	v6 =	vmul.f32 v6, v1;
	v8 =	vld [tilespmem:s0+$0xFFFFFFF0]  }
0x21f: {  	v9 =	vor.u32 $0x80, v9;
	v10 =	vand.u32 $0x7F, v10;
	[tilespmem:s0+$0xFFFFFF90] =	vst v7;
	v4 =	vmul.f32 v4, v1;
	v7 =	vld [tilespmem:s0+$0x0]  }
0x220: {  	v9 =	vbroadcast v9, $0x0;
	v10 =	vor.u32 $0x80, v10;
	[tilespmem:s0+$0xFFFFFFA0] =	vst v6;
	v2 =	vmul.f32 v2, v1;
	v6 =	vld [tilespmem:s0+$0x10]  }
0x221: {  	v10 =	vbroadcast v10, $0x0;
	[tilespmem:s0+$0xFFFFFFB0] =	vst v4;
	v3 =	vmul.f32 v3, v1;
	v4 =	vld [tilespmem:s0+$0x20]  }
0x222: {  	[tilespmem:s0+$0xFFFFFFC0] =	vst v2;
	v2 =	vmul.f32 v5, v1;
	v5 =	vld [tilespmem:s0+$0x30]  }
0x223: {  	[tilespmem:s0+$0xFFFFFFD0] =	vst v3;
	v1 =	vmul.f32 v8, v1;
	v3 =	vld [tilespmem:s0+$0x40]  }
0x224: {  	[tilespmem:s0+$0xFFFFFFE0] =	vst v2;
	v2 =	vmul.f32 v7, v0;
	v7 =	vld [tilespmem:s0+$0x50]  }
0x225: {  	[tilespmem:s0+$0xFFFFFFF0] =	vst v1;
	v6 =	vmul.f32 v6, v0;
	v8 =	vld [tilespmem:s0+$0x60]  }
0x226: {  	v1 =	vld.idx.msk [tilespmem:v9+s25+$0x0], $0xffff;
	[tilespmem:s0+$0x0] =	vst v2;
	v2 =	vmul.f32 v4, v0  }
0x227: {  	s0 =	sadd.s32 $0x100, s0;
	v9 =	vld.idx.msk [tilespmem:v10+s25+$0x0], $0xffff;
	[tilespmem:s29+$0x10] =	vst v6;
	v4 =	vmul.f32 v5, v0  }
0x228: {  	v5 =	vld [tilespmem:s0+$0x70];
	[tilespmem:s29+$0x20] =	vst v2;
	v2 =	vmul.f32 v3, v0  }
0x229: {  	v3 =	vld [tilespmem:s0+$0xFFFFFF80];
	[tilespmem:s29+$0x30] =	vst v4;
	v4 =	vmul.f32 v7, v0  }
0x22a: {  	v7 =	vld [tilespmem:s0+$0xFFFFFF90];
	[tilespmem:s29+$0x40] =	vst v2;
	v8 =	vmul.f32 v8, v0  }
.Ltmp7:
0x22b: {  	v6 =	vld [tilespmem:s0+$0xFFFFFFA0];
	[tilespmem:s29+$0x50] =	vst v4;
	(pc) =	sbr.rel @p5 .LBB2_13-.Ltmp7, $4  }
0x22c: {  	v4 =	vld [tilespmem:s0+$0xFFFFFFB0];
	[tilespmem:s29+$0x60] =	vst v8;
	s29 =	smov.u32 s0  }
0x22d: {  	v0 =	vmov v9;
	v2 =	vld [tilespmem:s0+$0xFFFFFFC0];
	v10 =	vmul.f32 v5, v9  }
0x22e: {  	v8 =	vmul.f32 v3, v1;
	v3 =	vld [tilespmem:s0+$0xFFFFFFD0]  }
0x22f: {  	s2 =	sadd.s32 $0x1, s14;
	v9 =	vmov s14;
	s14 =	sadd.s32 $0x2, s14;
	v7 =	vmul.f32 v7, v1;
	v5 =	vld [tilespmem:s0+$0xFFFFFFE0];
	[tilespmem:s0+$0x70] =	vst v10  }
0x230: {  	[tilespmem:s0+$0xFFFFFF80] =	vst v8;
	v8 =	vand.u32 $0x7E, v9;
	v10 =	vld [tilespmem:s0+$0xFFFFFFF0]  }
0x231: {  	v9 =	vmov s2;
	v11 =	vld [tilespmem:s0+$0x0];
	v6 =	vmul.f32 v6, v1;
	v8 =	vor.u32 $0x80, v8  }
0x232: {  	v12 =	vld [tilespmem:s0+$0x10];
	v9 =	vand.u32 $0x7F, v9;
	[tilespmem:s0+$0xFFFFFF90] =	vst v7;
	v4 =	vmul.f32 v4, v1;
	v8 =	vbroadcast v8, $0x0  }
0x233: {  	v9 =	vor.u32 $0x80, v9;
	[tilespmem:s0+$0xFFFFFFA0] =	vst v6;
	v2 =	vmul.f32 v2, v1;
	v6 =	vld [tilespmem:s0+$0x30]  }
0x234: {  	v7 =	vbroadcast v9, $0x0;
	v9 =	vld [tilespmem:s0+$0x20];
	[tilespmem:s0+$0xFFFFFFB0] =	vst v4;
	v3 =	vmul.f32 v3, v1  }
0x235: {  	v4 =	vld [tilespmem:s0+$0x40];
	[tilespmem:s0+$0xFFFFFFC0] =	vst v2;
	v2 =	vmul.f32 v5, v1  }
0x236: {  	v5 =	vld [tilespmem:s0+$0x50];
	[tilespmem:s0+$0xFFFFFFD0] =	vst v3;
	v1 =	vmul.f32 v10, v1  }
0x237: {  	v3 =	vld [tilespmem:s0+$0x60];
	[tilespmem:s0+$0xFFFFFFE0] =	vst v2;
	v2 =	vmul.f32 v11, v0  }
0x238: {  	s14 =	sadd.s32 $0x100, s0;
	[tilespmem:s0+$0xFFFFFFF0] =	vst v1;
	v8 =	vld.idx.msk [tilespmem:v8+s25+$0x0], $0xffff  }
0x239: {  	v1 =	vmul.f32 v12, v0;
	[tilespmem:s0+$0x0] =	vst v2;
	v2 =	vmul.f32 v9, v0;
	v9 =	vld [tilespmem:s14+$0x70]  }
0x23a: {  	v7 =	vld.idx.msk [tilespmem:v7+s25+$0x0], $0xffff  }
0x23b: {  	[tilespmem:s29+$0x10] =	vst v1;
	v1 =	vmul.f32 v6, v0;
	v6 =	vld [tilespmem:s14+$0xFFFFFF80]  }
0x23c: {  	[tilespmem:s29+$0x20] =	vst v2;
	v2 =	vmul.f32 v4, v0;
	v4 =	vld [tilespmem:s14+$0xFFFFFF90]  }
0x23d: {  	[tilespmem:s29+$0x30] =	vst v1;
	v1 =	vmul.f32 v5, v0;
	v5 =	vld [tilespmem:s14+$0xFFFFFFA0]  }
0x23e: {  	v0 =	vmul.f32 v3, v0;
	[tilespmem:s29+$0x40] =	vst v2;
	v2 =	vld [tilespmem:s14+$0xFFFFFFB0]  }
0x23f: {  	[tilespmem:s29+$0x50] =	vst v1;
	v1 =	vld [tilespmem:s14+$0xFFFFFFC0];
	v3 =	vmul.f32 v9, v7  }
0x240: {  	[tilespmem:s29+$0x60] =	vst v0;
	v0 =	vmul.f32 v6, v8;
	v6 =	vld [tilespmem:s14+$0xFFFFFFD0]  }
0x241: {  	v9 =	vld [tilespmem:s14+$0xFFFFFFE0];
	v4 =	vmul.f32 v4, v8;
	[tilespmem:s14+$0x70] =	vst v3  }
0x242: {  	[tilespmem:s14+$0xFFFFFF80] =	vst v0;
	v0 =	vmul.f32 v5, v8;
	v3 =	vld [tilespmem:s14+$0xFFFFFFF0]  }
0x243: {  	[tilespmem:s14+$0xFFFFFF90] =	vst v4;
	v2 =	vmul.f32 v2, v8;
	v4 =	vld [tilespmem:s14+$0x0]  }
0x244: {  	[tilespmem:s14+$0xFFFFFFA0] =	vst v0;
	v0 =	vmul.f32 v1, v8;
	v1 =	vld [tilespmem:s14+$0x10]  }
0x245: {  	v5 =	vld [tilespmem:s14+$0x20];
	[tilespmem:s14+$0xFFFFFFB0] =	vst v2;
	v2 =	vmul.f32 v6, v8  }
0x246: {  	v6 =	vld [tilespmem:s14+$0x30];
	[tilespmem:s14+$0xFFFFFFC0] =	vst v0;
	v0 =	vmul.f32 v9, v8  }
0x247: {  	[tilespmem:s14+$0xFFFFFFD0] =	vst v2;
	v2 =	vmul.f32 v3, v8;
	v3 =	vld [tilespmem:s14+$0x40]  }
0x248: {  	[tilespmem:s14+$0xFFFFFFE0] =	vst v0;
	v0 =	vmul.f32 v4, v7;
	v4 =	vld [tilespmem:s14+$0x50]  }
0x249: {  	[tilespmem:s14+$0xFFFFFFF0] =	vst v2;
	v1 =	vmul.f32 v1, v7;
	v2 =	vld [tilespmem:s14+$0x60]  }
0x24a: {  	[tilespmem:s14+$0x0] =	vst v0;
	v0 =	vmul.f32 v5, v7  }
0x24b: {  	[tilespmem:s14+$0x10] =	vst v1;
	v1 =	vmul.f32 v6, v7  }
0x24c: {  	[tilespmem:s14+$0x20] =	vst v0;
	v0 =	vmul.f32 v3, v7  }
0x24d: {  	[tilespmem:s14+$0x30] =	vst v1;
	v1 =	vmul.f32 v4, v7  }
0x24e: {  	[tilespmem:s14+$0x40] =	vst v0;
	v0 =	vmul.f32 v2, v7  }
0x24f: {  	[tilespmem:s14+$0x50] =	vst v1  }
0x250: {  	[tilespmem:s14+$0x60] =	vst v0;
	s14 =	simm.s32 $0x6  }
0x251: {  	_ =	swait.ge [sflag:s14], $0x50  }
0x252: {  	s2 =	sadd.s32 $0x13B00, s20;
	s0 =	sadd.s32 $0x5, s18;
	[sflag:s14] =	ssyncset.done $0x0  }
0x253: {  	s29 =	simm.s32 $0x16880;
	[sflag:s14] =	ssyncadd.s32 $0xFFFFFFB0;
	s14 =	smul.u32 $0x50, s0  }
0x254: {  	[spmem:s3] =	stream.indirect.scatter.add.f32 [tilespmem:s29], [sflag:$0x12], $0x80, s2, s16, $0xb8;
	[tilespmem:$0x1E080] =	vst v63  }
0x255: {  	s2 =	sadd.s32 s11, s14  }
0x256: {  	s30 =	simm.s32 $0x13900;
	s0 =	sshll.u32 s0, $0x7;
	s2 =	sshrl.u32 s2, $0x3  }
0x257: {  	s29 =	simm.s32 $0x0;
	s14 =	sadd.s32 s9, s14;
	s2 =	sadd.s32 s5, s2  }
0x258: {  	[tilespmem:s30], [sflag:$0x2] =	stream.linear.gather [hbm4b:s2+s29], $0x50, $0x38;
	[tilespmem:$0x1E080] =	vst v63  }
0x259: {  	s0 =	sand.u32 $0x280, s0;
	s2 =	sshrl.u32 s14, $0x3  }
0x25a: {  	s0 =	sadd.s32 $0x13A80, s0;
	s14 =	sadd.s32 s5, s2  }
0x25b: {  	[tilespmem:s0], [sflag:$0x6] =	stream.linear.gather [hbm4b:s14+s29], $0x50, $0x38;
	[tilespmem:$0x1E080] =	vst v63  }
0x25c: {  	s2 =	sadd.s32 s6, s2;
	s14 =	simm.s32 $0x13F00  }
0x25d: {  	[tilespmem:s14], [sflag:$0xA] =	stream.linear.gather [hbm4b:s2+s29], $0x50, $0x38;
	[tilespmem:$0x1E080] =	vst v63  }
0x25e: {  	_ =	swait.ge [sflag:s12], $0x2800  }
0x25f: {  	[sflag:s12] =	ssyncset.done $0x0  }
0x260: {  	[sflag:s12] =	ssyncadd.s32 $0xFFFFD800  }
0x261: {  	_ =	swait.ge [sflag:s15], $0x50  }
0x262: {  	s14 =	simm.s32 $0x1;
	[sflag:s15] =	ssyncset.done $0x0  }
0x263: {  	v0 =	vmov s29;
	s2 =	simm.s32 $0x13880;
	v1 =	vmov s14;
	s14 =	simm.s32 $0x14080;
	[sflag:s15] =	ssyncadd.s32 $0xFFFFFFB0  }
0x264: {  	v0 =	vand.u32 $0x7E, v0;
	[tilespmem:s14], [sflag:$0xD] =	stream.indirect.gather [hbm4b:s1+s16], $0x80, s2, s16, $0xb8;
	[tilespmem:$0x1E080] =	vst v63  }
0x265: {  	v0 =	vor.u32 $0x100, v0;
	v1 =	vand.u32 $0x7F, v1;
	s14 =	simm.s32 $0xF  }
0x266: {  	v0 =	vbroadcast v0, $0x0;
	v1 =	vor.u32 $0x100, v1;
	_ =	swait.ge [sflag:s14], $0x2800  }
0x267: {  	v2 =	vbroadcast v1, $0x0;
	[sflag:s14] =	ssyncset.done $0x0  }
0x268: {  	s2 =	simm.s32 $0xB;
	[sflag:s14] =	ssyncadd.s32 $0xFFFFD800  }
0x269: {  	_ =	swait.ge [sflag:s2], $0x50  }
0x26a: {  	[sflag:s2] =	ssyncset.done $0x0  }
0x26b: {  	[sflag:s2] =	ssyncadd.s32 $0xFFFFFFB0  }
0x26c: {  	v1 =	vld.idx.msk [tilespmem:v0+s25+$0x0], $0xffff  }
0x26d: {  	s0 =	simm.s32 $0x19100;
	v0 =	vld.idx.msk [tilespmem:v2+s25+$0x0], $0xffff  }
0x26e: {  	v3 =	vld [tilespmem:s0+$0x70]  }
0x26f: {  	v5 =	vld [tilespmem:s0+$0xFFFFFF80]  }
0x270: {  	v7 =	vld [tilespmem:s0+$0xFFFFFF90]  }
0x271: {  	v6 =	vld [tilespmem:s0+$0xFFFFFFA0]  }
0x272: {  	v4 =	vld [tilespmem:s0+$0xFFFFFFB0]  }
0x273: {  	v2 =	vld [tilespmem:s0+$0xFFFFFFC0];
	v10 =	vmul.f32 v3, v0  }
0x274: {  	s14 =	simm.s32 $0x2;
	v3 =	vld [tilespmem:s0+$0xFFFFFFD0];
	v8 =	vmul.f32 v5, v1  }
0x275: {  	s29 =	simm.s32 $0x19100;
	v9 =	vmov s14;
	s14 =	simm.s32 $0x4;
	s2 =	simm.s32 $0x3;
	v7 =	vmul.f32 v7, v1;
	v5 =	vld [tilespmem:s0+$0xFFFFFFE0];
	[tilespmem:s0+$0x70] =	vst v10  }
.LBB2_15:
0x276: {  	p5 =	slt.u32 s14, $0x4E;
	v9 =	vand.u32 $0x7E, v9;
	v10 =	vmov s2;
	[tilespmem:s0+$0xFFFFFF80] =	vst v8;
	v6 =	vmul.f32 v6, v1;
	v8 =	vld [tilespmem:s0+$0xFFFFFFF0]  }
0x277: {  	v9 =	vor.u32 $0x100, v9;
	v10 =	vand.u32 $0x7F, v10;
	[tilespmem:s0+$0xFFFFFF90] =	vst v7;
	v4 =	vmul.f32 v4, v1;
	v7 =	vld [tilespmem:s0+$0x0]  }
0x278: {  	v9 =	vbroadcast v9, $0x0;
	v10 =	vor.u32 $0x100, v10;
	[tilespmem:s0+$0xFFFFFFA0] =	vst v6;
	v2 =	vmul.f32 v2, v1;
	v6 =	vld [tilespmem:s0+$0x10]  }
0x279: {  	v10 =	vbroadcast v10, $0x0;
	[tilespmem:s0+$0xFFFFFFB0] =	vst v4;
	v3 =	vmul.f32 v3, v1;
	v4 =	vld [tilespmem:s0+$0x20]  }
0x27a: {  	[tilespmem:s0+$0xFFFFFFC0] =	vst v2;
	v2 =	vmul.f32 v5, v1;
	v5 =	vld [tilespmem:s0+$0x30]  }
0x27b: {  	[tilespmem:s0+$0xFFFFFFD0] =	vst v3;
	v1 =	vmul.f32 v8, v1;
	v3 =	vld [tilespmem:s0+$0x40]  }
0x27c: {  	[tilespmem:s0+$0xFFFFFFE0] =	vst v2;
	v2 =	vmul.f32 v7, v0;
	v7 =	vld [tilespmem:s0+$0x50]  }
0x27d: {  	[tilespmem:s0+$0xFFFFFFF0] =	vst v1;
	v6 =	vmul.f32 v6, v0;
	v8 =	vld [tilespmem:s0+$0x60]  }
0x27e: {  	v1 =	vld.idx.msk [tilespmem:v9+s25+$0x0], $0xffff;
	[tilespmem:s0+$0x0] =	vst v2;
	v2 =	vmul.f32 v4, v0  }
0x27f: {  	s0 =	sadd.s32 $0x100, s0;
	v9 =	vld.idx.msk [tilespmem:v10+s25+$0x0], $0xffff;
	[tilespmem:s29+$0x10] =	vst v6;
	v4 =	vmul.f32 v5, v0  }
0x280: {  	v5 =	vld [tilespmem:s0+$0x70];
	[tilespmem:s29+$0x20] =	vst v2;
	v2 =	vmul.f32 v3, v0  }
0x281: {  	v3 =	vld [tilespmem:s0+$0xFFFFFF80];
	[tilespmem:s29+$0x30] =	vst v4;
	v4 =	vmul.f32 v7, v0  }
0x282: {  	v7 =	vld [tilespmem:s0+$0xFFFFFF90];
	[tilespmem:s29+$0x40] =	vst v2;
	v8 =	vmul.f32 v8, v0  }
.Ltmp8:
0x283: {  	v6 =	vld [tilespmem:s0+$0xFFFFFFA0];
	[tilespmem:s29+$0x50] =	vst v4;
	(pc) =	sbr.rel @p5 .LBB2_15-.Ltmp8, $4  }
0x284: {  	v4 =	vld [tilespmem:s0+$0xFFFFFFB0];
	[tilespmem:s29+$0x60] =	vst v8;
	s29 =	smov.u32 s0  }
0x285: {  	v0 =	vmov v9;
	v2 =	vld [tilespmem:s0+$0xFFFFFFC0];
	v10 =	vmul.f32 v5, v9  }
0x286: {  	v8 =	vmul.f32 v3, v1;
	v3 =	vld [tilespmem:s0+$0xFFFFFFD0]  }
0x287: {  	s2 =	sadd.s32 $0x1, s14;
	v9 =	vmov s14;
	s14 =	sadd.s32 $0x2, s14;
	v7 =	vmul.f32 v7, v1;
	v5 =	vld [tilespmem:s0+$0xFFFFFFE0];
	[tilespmem:s0+$0x70] =	vst v10  }
0x288: {  	[tilespmem:s0+$0xFFFFFF80] =	vst v8;
	v8 =	vand.u32 $0x7E, v9;
	v10 =	vld [tilespmem:s0+$0xFFFFFFF0]  }
0x289: {  	v9 =	vmov s2;
	v11 =	vld [tilespmem:s0+$0x0];
	v6 =	vmul.f32 v6, v1;
	v8 =	vor.u32 $0x100, v8  }
0x28a: {  	v12 =	vld [tilespmem:s0+$0x10];
	v9 =	vand.u32 $0x7F, v9;
	[tilespmem:s0+$0xFFFFFF90] =	vst v7;
	v4 =	vmul.f32 v4, v1;
	v8 =	vbroadcast v8, $0x0  }
0x28b: {  	v9 =	vor.u32 $0x100, v9;
	[tilespmem:s0+$0xFFFFFFA0] =	vst v6;
	v2 =	vmul.f32 v2, v1;
	v6 =	vld [tilespmem:s0+$0x30]  }
0x28c: {  	v7 =	vbroadcast v9, $0x0;
	v9 =	vld [tilespmem:s0+$0x20];
	[tilespmem:s0+$0xFFFFFFB0] =	vst v4;
	v3 =	vmul.f32 v3, v1  }
0x28d: {  	v4 =	vld [tilespmem:s0+$0x40];
	[tilespmem:s0+$0xFFFFFFC0] =	vst v2;
	v2 =	vmul.f32 v5, v1  }
0x28e: {  	v5 =	vld [tilespmem:s0+$0x50];
	[tilespmem:s0+$0xFFFFFFD0] =	vst v3;
	v1 =	vmul.f32 v10, v1  }
0x28f: {  	v3 =	vld [tilespmem:s0+$0x60];
	[tilespmem:s0+$0xFFFFFFE0] =	vst v2;
	v2 =	vmul.f32 v11, v0  }
0x290: {  	s14 =	sadd.s32 $0x100, s0;
	[tilespmem:s0+$0xFFFFFFF0] =	vst v1;
	v8 =	vld.idx.msk [tilespmem:v8+s25+$0x0], $0xffff  }
0x291: {  	v1 =	vmul.f32 v12, v0;
	[tilespmem:s0+$0x0] =	vst v2;
	v2 =	vmul.f32 v9, v0;
	v9 =	vld [tilespmem:s14+$0x70]  }
0x292: {  	v7 =	vld.idx.msk [tilespmem:v7+s25+$0x0], $0xffff  }
0x293: {  	[tilespmem:s29+$0x10] =	vst v1;
	v1 =	vmul.f32 v6, v0;
	v6 =	vld [tilespmem:s14+$0xFFFFFF80]  }
0x294: {  	[tilespmem:s29+$0x20] =	vst v2;
	v2 =	vmul.f32 v4, v0;
	v4 =	vld [tilespmem:s14+$0xFFFFFF90]  }
0x295: {  	[tilespmem:s29+$0x30] =	vst v1;
	v1 =	vmul.f32 v5, v0;
	v5 =	vld [tilespmem:s14+$0xFFFFFFA0]  }
0x296: {  	v0 =	vmul.f32 v3, v0;
	[tilespmem:s29+$0x40] =	vst v2;
	v2 =	vld [tilespmem:s14+$0xFFFFFFB0]  }
0x297: {  	[tilespmem:s29+$0x50] =	vst v1;
	v1 =	vld [tilespmem:s14+$0xFFFFFFC0];
	v3 =	vmul.f32 v9, v7  }
0x298: {  	[tilespmem:s29+$0x60] =	vst v0;
	v0 =	vmul.f32 v6, v8;
	v6 =	vld [tilespmem:s14+$0xFFFFFFD0]  }
0x299: {  	v9 =	vld [tilespmem:s14+$0xFFFFFFE0];
	v4 =	vmul.f32 v4, v8;
	[tilespmem:s14+$0x70] =	vst v3  }
0x29a: {  	[tilespmem:s14+$0xFFFFFF80] =	vst v0;
	v0 =	vmul.f32 v5, v8;
	v3 =	vld [tilespmem:s14+$0xFFFFFFF0]  }
0x29b: {  	[tilespmem:s14+$0xFFFFFF90] =	vst v4;
	v2 =	vmul.f32 v2, v8;
	v4 =	vld [tilespmem:s14+$0x0]  }
0x29c: {  	[tilespmem:s14+$0xFFFFFFA0] =	vst v0;
	v0 =	vmul.f32 v1, v8;
	v1 =	vld [tilespmem:s14+$0x10]  }
0x29d: {  	v5 =	vld [tilespmem:s14+$0x20];
	[tilespmem:s14+$0xFFFFFFB0] =	vst v2;
	v2 =	vmul.f32 v6, v8  }
0x29e: {  	v6 =	vld [tilespmem:s14+$0x30];
	[tilespmem:s14+$0xFFFFFFC0] =	vst v0;
	v0 =	vmul.f32 v9, v8  }
0x29f: {  	[tilespmem:s14+$0xFFFFFFD0] =	vst v2;
	v2 =	vmul.f32 v3, v8;
	v3 =	vld [tilespmem:s14+$0x40]  }
0x2a0: {  	[tilespmem:s14+$0xFFFFFFE0] =	vst v0;
	v0 =	vmul.f32 v4, v7;
	v4 =	vld [tilespmem:s14+$0x50]  }
0x2a1: {  	[tilespmem:s14+$0xFFFFFFF0] =	vst v2;
	v1 =	vmul.f32 v1, v7;
	v2 =	vld [tilespmem:s14+$0x60]  }
0x2a2: {  	[tilespmem:s14+$0x0] =	vst v0;
	v0 =	vmul.f32 v5, v7  }
0x2a3: {  	[tilespmem:s14+$0x10] =	vst v1;
	v1 =	vmul.f32 v6, v7  }
0x2a4: {  	[tilespmem:s14+$0x20] =	vst v0;
	v0 =	vmul.f32 v3, v7  }
0x2a5: {  	[tilespmem:s14+$0x30] =	vst v1;
	v1 =	vmul.f32 v4, v7  }
0x2a6: {  	[tilespmem:s14+$0x40] =	vst v0;
	v0 =	vmul.f32 v2, v7  }
0x2a7: {  	[tilespmem:s14+$0x50] =	vst v1  }
0x2a8: {  	[tilespmem:s14+$0x60] =	vst v0  }
0x2a9: {  	_ =	swait.ge [sflag:s13], $0x50  }
0x2aa: {  	s2 =	sadd.s32 $0x13B80, s20;
	s0 =	sadd.s32 $0x6, s18;
	[sflag:s13] =	ssyncset.done $0x0  }
0x2ab: {  	s29 =	simm.s32 $0x19080;
	s14 =	smul.u32 $0x50, s0;
	[sflag:s13] =	ssyncadd.s32 $0xFFFFFFB0  }
0x2ac: {  	[spmem:s3] =	stream.indirect.scatter.add.f32 [tilespmem:s29], [sflag:$0x13], $0x80, s2, s16, $0xb8;
	[tilespmem:$0x1E080] =	vst v63  }
0x2ad: {  	s2 =	sadd.s32 s11, s14  }
0x2ae: {  	s0 =	sshll.u32 s0, $0x7;
	s2 =	sshrl.u32 s2, $0x3  }
0x2af: {  	s29 =	simm.s32 $0x0;
	s14 =	sadd.s32 s9, s14;
	s2 =	sadd.s32 s5, s2  }
0x2b0: {  	[tilespmem:s7], [sflag:$0x3] =	stream.linear.gather [hbm4b:s2+s29], $0x50, $0x38;
	[tilespmem:$0x1E080] =	vst v63  }
0x2b1: {  	s0 =	sand.u32 $0x300, s0;
	s2 =	sshrl.u32 s14, $0x3  }
0x2b2: {  	s0 =	sadd.s32 $0x13A80, s0;
	s14 =	sadd.s32 s5, s2  }
0x2b3: {  	[tilespmem:s0], [sflag:$0x7] =	stream.linear.gather [hbm4b:s14+s29], $0x50, $0x38;
	[tilespmem:$0x1E080] =	vst v63  }
0x2b4: {  	s2 =	sadd.s32 s6, s2;
	s14 =	simm.s32 $0x13F80  }
0x2b5: {  	[tilespmem:s14], [sflag:$0xB] =	stream.linear.gather [hbm4b:s2+s29], $0x50, $0x38;
	[tilespmem:$0x1E080] =	vst v63  }
0x2b6: {  	_ =	swait.ge [sflag:s26], $0x2800  }
0x2b7: {  	[sflag:s26] =	ssyncset.done $0x0  }
0x2b8: {  	s0 =	simm.s32 $0x2;
	[sflag:s26] =	ssyncadd.s32 $0xFFFFD800  }
0x2b9: {  	_ =	swait.ge [sflag:s0], $0x50  }
0x2ba: {  	v0 =	vmov s29;
	s14 =	simm.s32 $0x1;
	[sflag:s0] =	ssyncset.done $0x0  }
0x2bb: {  	v0 =	vand.u32 $0x7E, v0;
	s2 =	simm.s32 $0x16880;
	v1 =	vmov s14;
	[sflag:s0] =	ssyncadd.s32 $0xFFFFFFB0  }
0x2bc: {  	v0 =	vor.u32 $0x180, v0;
	v1 =	vand.u32 $0x7F, v1;
	[tilespmem:s2], [sflag:$0xE] =	stream.indirect.gather [hbm4b:s1+s16], $0x80, s30, s16, $0xb8;
	[tilespmem:$0x1E080] =	vst v63  }
0x2bd: {  	v0 =	vbroadcast v0, $0x0;
	v1 =	vor.u32 $0x180, v1;
	_ =	swait.ge [sflag:s31], $0x2800  }
0x2be: {  	v2 =	vbroadcast v1, $0x0;
	[sflag:s31] =	ssyncset.done $0x0  }
0x2bf: {  	[sflag:s31] =	ssyncadd.s32 $0xFFFFD800  }
0x2c0: {  	_ =	swait.ge [sflag:s8], $0x50  }
0x2c1: {  	[sflag:s8] =	ssyncset.done $0x0  }
0x2c2: {  	[sflag:s8] =	ssyncadd.s32 $0xFFFFFFB0  }
0x2c3: {  	v1 =	vld.idx.msk [tilespmem:v0+s25+$0x0], $0xffff  }
0x2c4: {  	s0 =	simm.s32 $0x1B900;
	v0 =	vld.idx.msk [tilespmem:v2+s25+$0x0], $0xffff  }
0x2c5: {  	v3 =	vld [tilespmem:s0+$0x70]  }
0x2c6: {  	v5 =	vld [tilespmem:s0+$0xFFFFFF80]  }
0x2c7: {  	v7 =	vld [tilespmem:s0+$0xFFFFFF90]  }
0x2c8: {  	v6 =	vld [tilespmem:s0+$0xFFFFFFA0]  }
0x2c9: {  	v4 =	vld [tilespmem:s0+$0xFFFFFFB0]  }
0x2ca: {  	v2 =	vld [tilespmem:s0+$0xFFFFFFC0];
	v10 =	vmul.f32 v3, v0  }
0x2cb: {  	s14 =	simm.s32 $0x2;
	v3 =	vld [tilespmem:s0+$0xFFFFFFD0];
	v8 =	vmul.f32 v5, v1  }
0x2cc: {  	s29 =	simm.s32 $0x1B900;
	v9 =	vmov s14;
	s14 =	simm.s32 $0x4;
	s2 =	simm.s32 $0x3;
	v7 =	vmul.f32 v7, v1;
	v5 =	vld [tilespmem:s0+$0xFFFFFFE0];
	[tilespmem:s0+$0x70] =	vst v10  }
.LBB2_17:
0x2cd: {  	p5 =	slt.u32 s14, $0x4E;
	v9 =	vand.u32 $0x7E, v9;
	v10 =	vmov s2;
	[tilespmem:s0+$0xFFFFFF80] =	vst v8;
	v6 =	vmul.f32 v6, v1;
	v8 =	vld [tilespmem:s0+$0xFFFFFFF0]  }
0x2ce: {  	v9 =	vor.u32 $0x180, v9;
	v10 =	vand.u32 $0x7F, v10;
	[tilespmem:s0+$0xFFFFFF90] =	vst v7;
	v4 =	vmul.f32 v4, v1;
	v7 =	vld [tilespmem:s0+$0x0]  }
0x2cf: {  	v9 =	vbroadcast v9, $0x0;
	v10 =	vor.u32 $0x180, v10;
	[tilespmem:s0+$0xFFFFFFA0] =	vst v6;
	v2 =	vmul.f32 v2, v1;
	v6 =	vld [tilespmem:s0+$0x10]  }
0x2d0: {  	v10 =	vbroadcast v10, $0x0;
	[tilespmem:s0+$0xFFFFFFB0] =	vst v4;
	v3 =	vmul.f32 v3, v1;
	v4 =	vld [tilespmem:s0+$0x20]  }
0x2d1: {  	[tilespmem:s0+$0xFFFFFFC0] =	vst v2;
	v2 =	vmul.f32 v5, v1;
	v5 =	vld [tilespmem:s0+$0x30]  }
0x2d2: {  	[tilespmem:s0+$0xFFFFFFD0] =	vst v3;
	v1 =	vmul.f32 v8, v1;
	v3 =	vld [tilespmem:s0+$0x40]  }
0x2d3: {  	[tilespmem:s0+$0xFFFFFFE0] =	vst v2;
	v2 =	vmul.f32 v7, v0;
	v7 =	vld [tilespmem:s0+$0x50]  }
0x2d4: {  	[tilespmem:s0+$0xFFFFFFF0] =	vst v1;
	v6 =	vmul.f32 v6, v0;
	v8 =	vld [tilespmem:s0+$0x60]  }
0x2d5: {  	v1 =	vld.idx.msk [tilespmem:v9+s25+$0x0], $0xffff;
	[tilespmem:s0+$0x0] =	vst v2;
	v2 =	vmul.f32 v4, v0  }
0x2d6: {  	s0 =	sadd.s32 $0x100, s0;
	v9 =	vld.idx.msk [tilespmem:v10+s25+$0x0], $0xffff;
	[tilespmem:s29+$0x10] =	vst v6;
	v4 =	vmul.f32 v5, v0  }
0x2d7: {  	v5 =	vld [tilespmem:s0+$0x70];
	[tilespmem:s29+$0x20] =	vst v2;
	v2 =	vmul.f32 v3, v0  }
0x2d8: {  	v3 =	vld [tilespmem:s0+$0xFFFFFF80];
	[tilespmem:s29+$0x30] =	vst v4;
	v4 =	vmul.f32 v7, v0  }
0x2d9: {  	v7 =	vld [tilespmem:s0+$0xFFFFFF90];
	[tilespmem:s29+$0x40] =	vst v2;
	v8 =	vmul.f32 v8, v0  }
.Ltmp9:
0x2da: {  	v6 =	vld [tilespmem:s0+$0xFFFFFFA0];
	[tilespmem:s29+$0x50] =	vst v4;
	(pc) =	sbr.rel @p5 .LBB2_17-.Ltmp9, $4  }
0x2db: {  	v4 =	vld [tilespmem:s0+$0xFFFFFFB0];
	[tilespmem:s29+$0x60] =	vst v8;
	s29 =	smov.u32 s0  }
0x2dc: {  	v0 =	vmov v9;
	v2 =	vld [tilespmem:s0+$0xFFFFFFC0];
	v10 =	vmul.f32 v5, v9  }
0x2dd: {  	v8 =	vmul.f32 v3, v1;
	v3 =	vld [tilespmem:s0+$0xFFFFFFD0]  }
0x2de: {  	s2 =	sadd.s32 $0x1, s14;
	v9 =	vmov s14;
	s14 =	sadd.s32 $0x2, s14;
	v7 =	vmul.f32 v7, v1;
	v5 =	vld [tilespmem:s0+$0xFFFFFFE0];
	[tilespmem:s0+$0x70] =	vst v10  }
0x2df: {  	v10 =	vld [tilespmem:s0+$0xFFFFFFF0]  }
0x2e0: {  	v11 =	vld [tilespmem:s0+$0x0]  }
0x2e1: {  	[tilespmem:s0+$0xFFFFFF80] =	vst v8;
	v18 =	vand.u32 $0x7E, v9;
	v6 =	vmul.f32 v6, v1;
	v12 =	vld [tilespmem:s0+$0x10]  }
0x2e2: {  	v21 =	vld [tilespmem:s0+$0x20];
	v8 =	vor.u32 $0x180, v18;
	[tilespmem:s0+$0xFFFFFF90] =	vst v7;
	v4 =	vmul.f32 v4, v1  }
0x2e3: {  	v22 =	vld [tilespmem:s0+$0x30];
	v8 =	vbroadcast v8, $0x0;
	[tilespmem:s0+$0xFFFFFFA0] =	vst v6;
	v2 =	vmul.f32 v2, v1  }
0x2e4: {  	v23 =	vld [tilespmem:s0+$0x40];
	[tilespmem:s0+$0xFFFFFFB0] =	vst v4;
	v3 =	vmul.f32 v3, v1  }
0x2e5: {  	v25 =	vld [tilespmem:s0+$0x50];
	[tilespmem:s0+$0xFFFFFFC0] =	vst v2;
	v24 =	vmul.f32 v5, v1  }
0x2e6: {  	v27 =	vld [tilespmem:s0+$0x60];
	s14 =	sadd.s32 $0x100, s0;
	[tilespmem:s0+$0xFFFFFFD0] =	vst v3;
	v26 =	vmul.f32 v10, v1  }
0x2e7: {  	v31 =	vld [tilespmem:s14+$0x70];
	v28 =	vmul.f32 v11, v0;
	[tilespmem:s0+$0xFFFFFFE0] =	vst v24  }
0x2e8: {  	v19 =	vmov s2;
	v33 =	vld [tilespmem:s14+$0xFFFFFF80];
	v29 =	vmul.f32 v12, v0;
	[tilespmem:s0+$0xFFFFFFF0] =	vst v26  }
0x2e9: {  	v9 =	vand.u32 $0x7F, v19;
	v30 =	vmul.f32 v21, v0;
	[tilespmem:s0+$0x0] =	vst v28;
	v8 =	vld.idx.msk [tilespmem:v8+s25+$0x0], $0xffff  }
0x2ea: {  	v35 =	vld [tilespmem:s14+$0xFFFFFF90];
	v9 =	vor.u32 $0x180, v9;
	v32 =	vmul.f32 v22, v0;
	[tilespmem:s29+$0x10] =	vst v29  }
0x2eb: {  	v37 =	vld [tilespmem:s14+$0xFFFFFFA0];
	v20 =	vbroadcast v9, $0x0;
	v34 =	vmul.f32 v23, v0;
	[tilespmem:s29+$0x20] =	vst v30  }
0x2ec: {  	v39 =	vld [tilespmem:s14+$0xFFFFFFB0];
	v36 =	vmul.f32 v25, v0;
	[tilespmem:s29+$0x30] =	vst v32  }
0x2ed: {  	v40 =	vld [tilespmem:s14+$0xFFFFFFC0];
	v38 =	vmul.f32 v27, v0;
	[tilespmem:s29+$0x40] =	vst v34  }
0x2ee: {  	v43 =	vld [tilespmem:s14+$0xFFFFFFD0];
	[tilespmem:s29+$0x50] =	vst v36;
	v42 =	vmul.f32 v33, v8  }
0x2ef: {  	v44 =	vld [tilespmem:s14+$0xFFFFFFE0];
	[tilespmem:s29+$0x60] =	vst v38;
	v4 =	vmul.f32 v35, v8  }
0x2f0: {  	v46 =	vld [tilespmem:s14+$0xFFFFFFF0];
	v45 =	vmul.f32 v37, v8;
	[tilespmem:s14+$0xFFFFFF80] =	vst v42  }
0x2f1: {  	v7 =	vld.idx.msk [tilespmem:v20+s25+$0x0], $0xffff;
	v2 =	vmul.f32 v39, v8;
	[tilespmem:s14+$0xFFFFFF90] =	vst v4  }
0x2f2: {  	v47 =	vld [tilespmem:s14+$0x0];
	v48 =	vmul.f32 v40, v8;
	[tilespmem:s14+$0xFFFFFFA0] =	vst v45  }
0x2f3: {  	v49 =	vld [tilespmem:s14+$0x10];
	v50 =	vmul.f32 v43, v8;
	[tilespmem:s14+$0xFFFFFFB0] =	vst v2  }
0x2f4: {  	v51 =	vld [tilespmem:s14+$0x20];
	v52 =	vmul.f32 v44, v8;
	[tilespmem:s14+$0xFFFFFFC0] =	vst v48  }
0x2f5: {  	v53 =	vld [tilespmem:s14+$0x30];
	v54 =	vmul.f32 v46, v8;
	[tilespmem:s14+$0xFFFFFFD0] =	vst v50  }
0x2f6: {  	v55 =	vld [tilespmem:s14+$0x40];
	v41 =	vmul.f32 v31, v7;
	[tilespmem:s14+$0xFFFFFFE0] =	vst v52  }
0x2f7: {  	v57 =	vld [tilespmem:s14+$0x50];
	v56 =	vmul.f32 v47, v7;
	[tilespmem:s14+$0xFFFFFFF0] =	vst v54  }
0x2f8: {  	v58 =	vld [tilespmem:s14+$0x60];
	v1 =	vmul.f32 v49, v7;
	[tilespmem:s14+$0x70] =	vst v41  }
0x2f9: {  	v59 =	vmul.f32 v51, v7;
	[tilespmem:s14+$0x0] =	vst v56  }
0x2fa: {  	v60 =	vmul.f32 v53, v7;
	[tilespmem:s14+$0x10] =	vst v1  }
0x2fb: {  	v61 =	vmul.f32 v55, v7;
	[tilespmem:s14+$0x20] =	vst v59  }
0x2fc: {  	v62 =	vmul.f32 v57, v7;
	[tilespmem:s14+$0x30] =	vst v60  }
0x2fd: {  	v63 =	vmul.f32 v58, v7;
	[tilespmem:s14+$0x40] =	vst v61  }
0x2fe: {  	[tilespmem:s14+$0x50] =	vst v62  }
0x2ff: {  	[tilespmem:s14+$0x60] =	vst v63  }
0x300: {  	_ =	swait.ge [sflag:s19], $0x50  }
0x301: {  	s20 =	sor.u32 $0x13C00, s20;
	s0 =	sadd.s32 $0x7, s18;
	[sflag:s19] =	ssyncset.done $0x0  }
0x302: {  	s29 =	simm.s32 $0x1B880;
	s14 =	smul.u32 $0x50, s0;
	[sflag:s19] =	ssyncadd.s32 $0xFFFFFFB0  }
0x303: {  	[spmem:s3] =	stream.indirect.scatter.add.f32 [tilespmem:s29], [sflag:$0x14], $0x80, s20, s16, $0xb8;
	[tilespmem:$0x1E080] =	vst v63  }
0x304: {  	s20 =	sadd.s32 s11, s14  }
0x305: {  	p5 =	sne.s32 s17, $0x1D;
	s0 =	sshll.u32 s0, $0x7;
	s2 =	sshrl.u32 s20, $0x3  }
0x306: {  	s29 =	simm.s32 $0x13A00;
	s14 =	sadd.s32 s9, s14;
	s2 =	sadd.s32 s5, s2  }
0x307: {  	[tilespmem:s29], [sflag:$0x4] =	stream.linear.gather [hbm4b:s2+s4], $0x50, $0x38;
	[tilespmem:$0x1E080] =	vst v63  }
.Ltmp10:
0x308: {  	s0 =	sand.u32 $0x380, s0;
	s2 =	sshrl.u32 s14, $0x3;
	(pc) =	sbr.rel @p5 .LBB2_10-.Ltmp10, $4  }
0x309: {  	s0 =	sadd.s32 $0x13A80, s0;
	s18 =	sadd.s32 s5, s2  }
0x30a: {  	[tilespmem:s0], [sflag:$0x8] =	stream.linear.gather [hbm4b:s18+s4], $0x50, $0x38;
	[tilespmem:$0x1E080] =	vst v63  }
0x30b: {  	s29 =	simm.s32 $0x14000;
	s20 =	sadd.s32 s6, s2  }
0x30c: {  	[tilespmem:s29], [sflag:$0xC] =	stream.linear.gather [hbm4b:s20+s4], $0x50, $0x38;
	[tilespmem:$0x1E080] =	vst v63  }
0x30d: {  	_ =	swait.ge [sflag:s21], $0x2800  }
0x30e: {  	[sflag:s21] =	ssyncset.done $0x0  }
0x30f: {  	s2 =	simm.s32 $0x3;
	[sflag:s21] =	ssyncadd.s32 $0xFFFFD800  }
0x310: {  	_ =	swait.ge [sflag:s2], $0x50  }
0x311: {  	s0 =	simm.s32 $0x0;
	[sflag:s2] =	ssyncset.done $0x0  }
0x312: {  	s23 =	simm.s32 $0x19080;
	v0 =	vmov s0;
	[sflag:s2] =	ssyncadd.s32 $0xFFFFFFB0  }
0x313: {  	v0 =	vand.u32 $0xFFFFFFFE, v0;
	[tilespmem:s23], [sflag:$0xF] =	stream.indirect.gather [hbm4b:s1+s16], $0x80, s7, s16, $0xb8;
	[tilespmem:$0x1E080] =	vst v63  }
0x314: {  	v0 =	vbroadcast v0, $0x0;
	_ =	swait.ge [sflag:s22], $0x2800  }
0x315: {  	[sflag:s22] =	ssyncset.done $0x0  }
0x316: {  	[sflag:s22] =	ssyncadd.s32 $0xFFFFD800  }
0x317: {  	_ =	swait.ge [sflag:s28], $0x50  }
0x318: {  	[sflag:s28] =	ssyncset.done $0x0  }
0x319: {  	[sflag:s28] =	ssyncadd.s32 $0xFFFFFFB0  }
0x31a: {  	s0 =	simm.s32 $0x14100;
	v1 =	vld.idx.msk [tilespmem:v0+s25+$0x0], $0xffff  }
0x31b: {  	v0 =	vld [tilespmem:s0+$0xFFFFFFF0]  }
0x31c: {  	v2 =	vld [tilespmem:s0+$0xFFFFFF80]  }
0x31d: {  	s29 =	simm.s32 $0x1;
	v5 =	vld [tilespmem:s0+$0xFFFFFF90]  }
0x31e: {  	v6 =	vmov s29;
	v7 =	vld [tilespmem:s0+$0xFFFFFFA0]  }
0x31f: {  	v10 =	vld [tilespmem:s0+$0xFFFFFFB0]  }
0x320: {  	v4 =	vld [tilespmem:s0+$0xFFFFFFC0]  }
0x321: {  	v3 =	vld [tilespmem:s0+$0xFFFFFFD0];
	v8 =	vmul.f32 v0, v1  }
0x322: {  	v9 =	vmul.f32 v2, v1;
	v2 =	vld [tilespmem:s0+$0xFFFFFFE0]  }
0x323: {  	v0 =	vld.idx.msk [tilespmem:v6+s25+$0x0], $0xffff;
	v5 =	vmul.f32 v5, v1;
	[tilespmem:s0+$0xFFFFFFF0] =	vst v8  }
0x324: {  	s18 =	simm.s32 $0x2;
	v6 =	vld [tilespmem:s0+$0x0];
	[tilespmem:s0+$0xFFFFFF80] =	vst v9;
	v8 =	vmul.f32 v7, v1  }
0x325: {  	s14 =	simm.s32 $0x4;
	s17 =	simm.s32 $0x14100;
	s23 =	simm.s32 $0x13B00;
	v9 =	vmov s18;
	[tilespmem:s0+$0xFFFFFF90] =	vst v5;
	v7 =	vmul.f32 v10, v1;
	v5 =	vld [tilespmem:s0+$0x10]  }
.LBB2_20:
0x326: {  	p5 =	slt.u32 s14, $0x4E;
	v9 =	vand.u32 $0xFFFFFFFE, v9;
	s2 =	sadd.s32 $0x1, s18;
	[tilespmem:s0+$0xFFFFFFA0] =	vst v8;
	v4 =	vmul.f32 v4, v1;
	v8 =	vld [tilespmem:s0+$0x20];
	s18 =	smov.u32 s14  }
0x327: {  	v9 =	vbroadcast v9, $0x0;
	v10 =	vmov s2;
	[tilespmem:s0+$0xFFFFFFB0] =	vst v7;
	v3 =	vmul.f32 v3, v1;
	v7 =	vld [tilespmem:s0+$0x30]  }
0x328: {  	[tilespmem:s0+$0xFFFFFFC0] =	vst v4;
	v1 =	vmul.f32 v2, v1;
	v2 =	vld [tilespmem:s0+$0x40]  }
0x329: {  	[tilespmem:s0+$0xFFFFFFD0] =	vst v3;
	v3 =	vmul.f32 v6, v0;
	v4 =	vld [tilespmem:s0+$0x50]  }
0x32a: {  	[tilespmem:s0+$0xFFFFFFE0] =	vst v1;
	v1 =	vmul.f32 v5, v0;
	v5 =	vld [tilespmem:s0+$0x60]  }
0x32b: {  	[tilespmem:s0+$0x0] =	vst v3;
	v3 =	vmul.f32 v8, v0;
	v6 =	vld [tilespmem:s0+$0x70]  }
0x32c: {  	v8 =	vld.idx.msk [tilespmem:v10+s25+$0x0], $0xffff;
	[tilespmem:s0+$0x10] =	vst v1;
	v7 =	vmul.f32 v7, v0  }
0x32d: {  	s0 =	sadd.s32 $0x100, s0;
	v1 =	vld.idx.msk [tilespmem:v9+s25+$0x0], $0xffff;
	[tilespmem:s17+$0x20] =	vst v3;
	v2 =	vmul.f32 v2, v0  }
0x32e: {  	v3 =	vld [tilespmem:s0+$0xFFFFFFF0];
	[tilespmem:s17+$0x30] =	vst v7;
	v4 =	vmul.f32 v4, v0  }
0x32f: {  	v7 =	vld [tilespmem:s0+$0xFFFFFF80];
	[tilespmem:s17+$0x40] =	vst v2;
	v2 =	vmul.f32 v5, v0  }
0x330: {  	v5 =	vld [tilespmem:s0+$0xFFFFFF90];
	[tilespmem:s17+$0x50] =	vst v4;
	v4 =	vmul.f32 v6, v0  }
0x331: {  	v6 =	vld [tilespmem:s0+$0xFFFFFFA0];
	[tilespmem:s17+$0x60] =	vst v2  }
0x332: {  	v0 =	vmov v8;
	v10 =	vld [tilespmem:s0+$0xFFFFFFB0];
	[tilespmem:s17+$0x70] =	vst v4;
	s17 =	smov.u32 s0  }
.Ltmp11:
0x333: {  	v4 =	vld [tilespmem:s0+$0xFFFFFFC0];
	v8 =	vmul.f32 v3, v1;
	(pc) =	sbr.rel @p5 .LBB2_20-.Ltmp11, $4  }
0x334: {  	v7 =	vmul.f32 v7, v1;
	v3 =	vld [tilespmem:s0+$0xFFFFFFD0]  }
0x335: {  	v5 =	vmul.f32 v5, v1;
	v2 =	vld [tilespmem:s0+$0xFFFFFFE0];
	[tilespmem:s0+$0xFFFFFFF0] =	vst v8  }
0x336: {  	[tilespmem:s0+$0xFFFFFF80] =	vst v7;
	v8 =	vmul.f32 v6, v1;
	v6 =	vld [tilespmem:s0+$0x0]  }
0x337: {  	s14 =	sadd.s32 $0x2, s14;
	v9 =	vmov s18;
	[tilespmem:s0+$0xFFFFFF90] =	vst v5;
	v7 =	vmul.f32 v10, v1;
	v5 =	vld [tilespmem:s0+$0x10]  }
0x338: {  	v10 =	vld [tilespmem:s0+$0x20]  }
0x339: {  	v9 =	vand.u32 $0xFFFFFFFE, v9;
	s2 =	sadd.s32 $0x1, s18;
	v11 =	vld [tilespmem:s0+$0x30]  }
0x33a: {  	v13 =	vld [tilespmem:s0+$0x40];
	[tilespmem:s0+$0xFFFFFFA0] =	vst v8;
	v4 =	vmul.f32 v4, v1;
	v9 =	vbroadcast v9, $0x0;
	v12 =	vmov s2  }
0x33b: {  	v8 =	vld [tilespmem:s0+$0x50];
	[tilespmem:s0+$0xFFFFFFB0] =	vst v7;
	v3 =	vmul.f32 v3, v1  }
0x33c: {  	v7 =	vld [tilespmem:s0+$0x60];
	[tilespmem:s0+$0xFFFFFFC0] =	vst v4;
	v6 =	vmul.f32 v6, v0  }
0x33d: {  	s7 =	sadd.s32 $0x100, s0;
	v1 =	vmul.f32 v2, v1;
	v2 =	vld [tilespmem:s0+$0x70];
	[tilespmem:s0+$0xFFFFFFD0] =	vst v3  }
0x33e: {  	v3 =	vmul.f32 v5, v0;
	[tilespmem:s0+$0x0] =	vst v6;
	v6 =	vld [tilespmem:s7+$0xFFFFFFF0]  }
0x33f: {  	[tilespmem:s0+$0xFFFFFFE0] =	vst v1;
	v1 =	vmul.f32 v10, v0;
	v4 =	vld.idx.msk [tilespmem:v12+s25+$0x0], $0xffff  }
0x340: {  	[tilespmem:s0+$0x10] =	vst v3;
	v3 =	vmul.f32 v11, v0;
	v5 =	vld.idx.msk [tilespmem:v9+s25+$0x0], $0xffff  }
0x341: {  	[tilespmem:s17+$0x20] =	vst v1;
	v1 =	vmul.f32 v13, v0;
	v9 =	vld [tilespmem:s7+$0xFFFFFF80]  }
0x342: {  	[tilespmem:s17+$0x30] =	vst v3;
	v3 =	vmul.f32 v8, v0;
	v8 =	vld [tilespmem:s7+$0xFFFFFF90]  }
0x343: {  	[tilespmem:s17+$0x40] =	vst v1;
	v1 =	vmul.f32 v7, v0;
	v7 =	vld [tilespmem:s7+$0xFFFFFFA0]  }
0x344: {  	v0 =	vmul.f32 v2, v0;
	v2 =	vld [tilespmem:s7+$0xFFFFFFB0];
	[tilespmem:s17+$0x50] =	vst v3  }
0x345: {  	[tilespmem:s17+$0x60] =	vst v1;
	v1 =	vld [tilespmem:s7+$0xFFFFFFC0];
	v3 =	vmul.f32 v6, v5  }
0x346: {  	[tilespmem:s17+$0x70] =	vst v0;
	v0 =	vmul.f32 v9, v5;
	v6 =	vld [tilespmem:s7+$0xFFFFFFD0]  }
0x347: {  	v9 =	vld [tilespmem:s7+$0xFFFFFFE0];
	v8 =	vmul.f32 v8, v5;
	[tilespmem:s7+$0xFFFFFFF0] =	vst v3  }
0x348: {  	[tilespmem:s7+$0xFFFFFF80] =	vst v0;
	v0 =	vmul.f32 v7, v5;
	v3 =	vld [tilespmem:s7+$0x0]  }
0x349: {  	v2 =	vmul.f32 v2, v5;
	v7 =	vld [tilespmem:s7+$0x10];
	[tilespmem:s7+$0xFFFFFF90] =	vst v8  }
0x34a: {  	[tilespmem:s7+$0xFFFFFFA0] =	vst v0;
	v0 =	vmul.f32 v1, v5;
	v1 =	vld [tilespmem:s7+$0x20]  }
0x34b: {  	[tilespmem:s7+$0xFFFFFFB0] =	vst v2;
	v2 =	vmul.f32 v6, v5;
	v6 =	vld [tilespmem:s7+$0x30]  }
0x34c: {  	[tilespmem:s7+$0xFFFFFFC0] =	vst v0;
	v0 =	vmul.f32 v9, v5;
	v5 =	vld [tilespmem:s7+$0x40]  }
0x34d: {  	[tilespmem:s7+$0xFFFFFFD0] =	vst v2;
	v2 =	vmul.f32 v3, v4;
	v3 =	vld [tilespmem:s7+$0x50]  }
0x34e: {  	[tilespmem:s7+$0xFFFFFFE0] =	vst v0;
	v0 =	vmul.f32 v7, v4;
	v7 =	vld [tilespmem:s7+$0x60]  }
0x34f: {  	[tilespmem:s7+$0x0] =	vst v2;
	v1 =	vmul.f32 v1, v4;
	v2 =	vld [tilespmem:s7+$0x70]  }
0x350: {  	[tilespmem:s7+$0x10] =	vst v0;
	v0 =	vmul.f32 v6, v4  }
0x351: {  	[tilespmem:s7+$0x20] =	vst v1;
	v1 =	vmul.f32 v5, v4  }
0x352: {  	[tilespmem:s7+$0x30] =	vst v0;
	v0 =	vmul.f32 v3, v4  }
0x353: {  	[tilespmem:s7+$0x40] =	vst v1;
	v1 =	vmul.f32 v7, v4  }
0x354: {  	[tilespmem:s7+$0x50] =	vst v0;
	v0 =	vmul.f32 v2, v4  }
0x355: {  	[tilespmem:s7+$0x60] =	vst v1  }
0x356: {  	[tilespmem:s7+$0x70] =	vst v0  }
0x357: {  	_ =	swait.ge [sflag:s24], $0x50  }
0x358: {  	s20 =	simm.s32 $0x13A80;
	[sflag:s24] =	ssyncset.done $0x0  }
0x359: {  	s14 =	simm.s32 $0x14080;
	s17 =	sld [smem:$0x7FD];
	[sflag:s24] =	ssyncadd.s32 $0xFFFFFFB0  }
0x35a: {  	[spmem:s3] =	stream.indirect.scatter.add.f32 [tilespmem:s14], [sflag:$0x11], $0x80, s20, s16, $0xb8;
	[tilespmem:$0x1E080] =	vst v63  }
0x35b: {  	s0 =	simm.s32 $0x0;
	s14 =	simm.s32 $0x13880  }
0x35c: {  	[tilespmem:s14], [sflag:$0x1] =	stream.linear.gather [hbm4b:s17+s0], $0x50, $0x38;
	[tilespmem:$0x1E080] =	vst v63  }
0x35d: {  	s7 =	simm.s32 $0x13C80;
	s18 =	rddreg [dreg:$0x1a]  }
0x35e: {  	[tilespmem:s7], [sflag:$0x5] =	stream.linear.gather [hbm4b:s18+s0], $0x50, $0x38;
	[tilespmem:$0x1E080] =	vst v63  }
0x35f: {  	s14 =	rddreg [dreg:$0x1b]  }
0x360: {  	[tilespmem:s25], [sflag:$0x9] =	stream.linear.gather [hbm4b:s14+s0], $0x50, $0x38;
	[tilespmem:$0x1E080] =	vst v63  }
0x361: {  	_ =	swait.ge [sflag:s10], $0x2800  }
0x362: {  	[sflag:s10] =	ssyncset.done $0x0  }
0x363: {  	s17 =	simm.s32 $0x4;
	[sflag:s10] =	ssyncadd.s32 $0xFFFFD800  }
0x364: {  	_ =	swait.ge [sflag:s17], $0x50  }
0x365: {  	s2 =	simm.s32 $0x13A00;
	v0 =	vmov s0;
	s18 =	simm.s32 $0x1;
	[sflag:s17] =	ssyncset.done $0x0  }
0x366: {  	v0 =	vand.u32 $0x7E, v0;
	s7 =	simm.s32 $0x1B880;
	v1 =	vmov s18;
	s14 =	simm.s32 $0xE;
	[sflag:s17] =	ssyncadd.s32 $0xFFFFFFB0  }
0x367: {  	v0 =	vor.u32 $0x80, v0;
	v1 =	vand.u32 $0x7F, v1;
	[tilespmem:s7], [sflag:$0x10] =	stream.indirect.gather [hbm4b:s1+s16], $0x80, s2, s16, $0xb8;
	[tilespmem:$0x1E080] =	vst v63  }
0x368: {  	v0 =	vbroadcast v0, $0x0;
	v1 =	vor.u32 $0x80, v1;
	_ =	swait.ge [sflag:s14], $0x2800  }
0x369: {  	v2 =	vbroadcast v1, $0x0;
	[sflag:s14] =	ssyncset.done $0x0  }
0x36a: {  	s17 =	simm.s32 $0xA;
	[sflag:s14] =	ssyncadd.s32 $0xFFFFD800  }
0x36b: {  	_ =	swait.ge [sflag:s17], $0x50  }
0x36c: {  	[sflag:s17] =	ssyncset.done $0x0  }
0x36d: {  	[sflag:s17] =	ssyncadd.s32 $0xFFFFFFB0  }
0x36e: {  	v1 =	vld.idx.msk [tilespmem:v0+s25+$0x0], $0xffff  }
0x36f: {  	s0 =	simm.s32 $0x16900;
	v0 =	vld.idx.msk [tilespmem:v2+s25+$0x0], $0xffff  }
0x370: {  	v3 =	vld [tilespmem:s0+$0x70]  }
0x371: {  	v5 =	vld [tilespmem:s0+$0xFFFFFF80]  }
0x372: {  	v7 =	vld [tilespmem:s0+$0xFFFFFF90]  }
0x373: {  	v6 =	vld [tilespmem:s0+$0xFFFFFFA0]  }
0x374: {  	v4 =	vld [tilespmem:s0+$0xFFFFFFB0]  }
0x375: {  	v2 =	vld [tilespmem:s0+$0xFFFFFFC0];
	v10 =	vmul.f32 v3, v0  }
0x376: {  	s29 =	simm.s32 $0x13B80;
	s18 =	simm.s32 $0x2;
	v3 =	vld [tilespmem:s0+$0xFFFFFFD0];
	v8 =	vmul.f32 v5, v1  }
0x377: {  	v9 =	vmov s18;
	s2 =	simm.s32 $0x3;
	s14 =	simm.s32 $0x4;
	s17 =	simm.s32 $0x16900;
	v7 =	vmul.f32 v7, v1;
	v5 =	vld [tilespmem:s0+$0xFFFFFFE0];
	[tilespmem:s0+$0x70] =	vst v10  }
.LBB2_22:
0x378: {  	p5 =	slt.u32 s14, $0x4E;
	v9 =	vand.u32 $0x7E, v9;
	v10 =	vmov s2;
	[tilespmem:s0+$0xFFFFFF80] =	vst v8;
	v6 =	vmul.f32 v6, v1;
	v8 =	vld [tilespmem:s0+$0xFFFFFFF0]  }
0x379: {  	v9 =	vor.u32 $0x80, v9;
	v10 =	vand.u32 $0x7F, v10;
	[tilespmem:s0+$0xFFFFFF90] =	vst v7;
	v4 =	vmul.f32 v4, v1;
	v7 =	vld [tilespmem:s0+$0x0]  }
0x37a: {  	v9 =	vbroadcast v9, $0x0;
	v10 =	vor.u32 $0x80, v10;
	[tilespmem:s0+$0xFFFFFFA0] =	vst v6;
	v2 =	vmul.f32 v2, v1;
	v6 =	vld [tilespmem:s0+$0x10]  }
0x37b: {  	v10 =	vbroadcast v10, $0x0;
	[tilespmem:s0+$0xFFFFFFB0] =	vst v4;
	v3 =	vmul.f32 v3, v1;
	v4 =	vld [tilespmem:s0+$0x20]  }
0x37c: {  	[tilespmem:s0+$0xFFFFFFC0] =	vst v2;
	v2 =	vmul.f32 v5, v1;
	v5 =	vld [tilespmem:s0+$0x30]  }
0x37d: {  	[tilespmem:s0+$0xFFFFFFD0] =	vst v3;
	v1 =	vmul.f32 v8, v1;
	v3 =	vld [tilespmem:s0+$0x40]  }
0x37e: {  	[tilespmem:s0+$0xFFFFFFE0] =	vst v2;
	v2 =	vmul.f32 v7, v0;
	v7 =	vld [tilespmem:s0+$0x50]  }
0x37f: {  	[tilespmem:s0+$0xFFFFFFF0] =	vst v1;
	v6 =	vmul.f32 v6, v0;
	v8 =	vld [tilespmem:s0+$0x60]  }
0x380: {  	v1 =	vld.idx.msk [tilespmem:v9+s25+$0x0], $0xffff;
	[tilespmem:s0+$0x0] =	vst v2;
	v2 =	vmul.f32 v4, v0  }
0x381: {  	s0 =	sadd.s32 $0x100, s0;
	v9 =	vld.idx.msk [tilespmem:v10+s25+$0x0], $0xffff;
	[tilespmem:s17+$0x10] =	vst v6;
	v4 =	vmul.f32 v5, v0  }
0x382: {  	v5 =	vld [tilespmem:s0+$0x70];
	[tilespmem:s17+$0x20] =	vst v2;
	v2 =	vmul.f32 v3, v0  }
0x383: {  	v3 =	vld [tilespmem:s0+$0xFFFFFF80];
	[tilespmem:s17+$0x30] =	vst v4;
	v4 =	vmul.f32 v7, v0  }
0x384: {  	v7 =	vld [tilespmem:s0+$0xFFFFFF90];
	[tilespmem:s17+$0x40] =	vst v2;
	v8 =	vmul.f32 v8, v0  }
.Ltmp12:
0x385: {  	v6 =	vld [tilespmem:s0+$0xFFFFFFA0];
	[tilespmem:s17+$0x50] =	vst v4;
	(pc) =	sbr.rel @p5 .LBB2_22-.Ltmp12, $4  }
0x386: {  	v4 =	vld [tilespmem:s0+$0xFFFFFFB0];
	[tilespmem:s17+$0x60] =	vst v8;
	s17 =	smov.u32 s0  }
0x387: {  	v0 =	vmov v9;
	v2 =	vld [tilespmem:s0+$0xFFFFFFC0];
	v10 =	vmul.f32 v5, v9  }
0x388: {  	v8 =	vmul.f32 v3, v1;
	v3 =	vld [tilespmem:s0+$0xFFFFFFD0]  }
0x389: {  	s2 =	sadd.s32 $0x1, s14;
	v9 =	vmov s14;
	s14 =	sadd.s32 $0x2, s14;
	v7 =	vmul.f32 v7, v1;
	v5 =	vld [tilespmem:s0+$0xFFFFFFE0];
	[tilespmem:s0+$0x70] =	vst v10  }
0x38a: {  	[tilespmem:s0+$0xFFFFFF80] =	vst v8;
	v8 =	vand.u32 $0x7E, v9;
	v10 =	vld [tilespmem:s0+$0xFFFFFFF0]  }
0x38b: {  	v9 =	vmov s2;
	v11 =	vld [tilespmem:s0+$0x0];
	v6 =	vmul.f32 v6, v1;
	v8 =	vor.u32 $0x80, v8  }
0x38c: {  	v12 =	vld [tilespmem:s0+$0x10];
	v9 =	vand.u32 $0x7F, v9;
	[tilespmem:s0+$0xFFFFFF90] =	vst v7;
	v4 =	vmul.f32 v4, v1;
	v8 =	vbroadcast v8, $0x0  }
0x38d: {  	v9 =	vor.u32 $0x80, v9;
	[tilespmem:s0+$0xFFFFFFA0] =	vst v6;
	v2 =	vmul.f32 v2, v1;
	v6 =	vld [tilespmem:s0+$0x30]  }
0x38e: {  	v7 =	vbroadcast v9, $0x0;
	v9 =	vld [tilespmem:s0+$0x20];
	[tilespmem:s0+$0xFFFFFFB0] =	vst v4;
	v3 =	vmul.f32 v3, v1  }
0x38f: {  	v4 =	vld [tilespmem:s0+$0x40];
	[tilespmem:s0+$0xFFFFFFC0] =	vst v2;
	v2 =	vmul.f32 v5, v1  }
0x390: {  	v5 =	vld [tilespmem:s0+$0x50];
	[tilespmem:s0+$0xFFFFFFD0] =	vst v3;
	v1 =	vmul.f32 v10, v1  }
0x391: {  	v3 =	vld [tilespmem:s0+$0x60];
	[tilespmem:s0+$0xFFFFFFE0] =	vst v2;
	v2 =	vmul.f32 v11, v0  }
0x392: {  	s18 =	sadd.s32 $0x100, s0;
	[tilespmem:s0+$0xFFFFFFF0] =	vst v1;
	v8 =	vld.idx.msk [tilespmem:v8+s25+$0x0], $0xffff  }
0x393: {  	v1 =	vmul.f32 v12, v0;
	[tilespmem:s0+$0x0] =	vst v2;
	v2 =	vmul.f32 v9, v0;
	v9 =	vld [tilespmem:s18+$0x70]  }
0x394: {  	v7 =	vld.idx.msk [tilespmem:v7+s25+$0x0], $0xffff  }
0x395: {  	[tilespmem:s17+$0x10] =	vst v1;
	v1 =	vmul.f32 v6, v0;
	v6 =	vld [tilespmem:s18+$0xFFFFFF80]  }
0x396: {  	[tilespmem:s17+$0x20] =	vst v2;
	v2 =	vmul.f32 v4, v0;
	v4 =	vld [tilespmem:s18+$0xFFFFFF90]  }
0x397: {  	[tilespmem:s17+$0x30] =	vst v1;
	v1 =	vmul.f32 v5, v0;
	v5 =	vld [tilespmem:s18+$0xFFFFFFA0]  }
0x398: {  	v0 =	vmul.f32 v3, v0;
	[tilespmem:s17+$0x40] =	vst v2;
	v2 =	vld [tilespmem:s18+$0xFFFFFFB0]  }
0x399: {  	[tilespmem:s17+$0x50] =	vst v1;
	v1 =	vld [tilespmem:s18+$0xFFFFFFC0];
	v3 =	vmul.f32 v9, v7  }
0x39a: {  	[tilespmem:s17+$0x60] =	vst v0;
	v0 =	vmul.f32 v6, v8;
	v6 =	vld [tilespmem:s18+$0xFFFFFFD0]  }
0x39b: {  	v9 =	vld [tilespmem:s18+$0xFFFFFFE0];
	v4 =	vmul.f32 v4, v8;
	[tilespmem:s18+$0x70] =	vst v3  }
0x39c: {  	[tilespmem:s18+$0xFFFFFF80] =	vst v0;
	v0 =	vmul.f32 v5, v8;
	v3 =	vld [tilespmem:s18+$0xFFFFFFF0]  }
0x39d: {  	[tilespmem:s18+$0xFFFFFF90] =	vst v4;
	v2 =	vmul.f32 v2, v8;
	v4 =	vld [tilespmem:s18+$0x0]  }
0x39e: {  	[tilespmem:s18+$0xFFFFFFA0] =	vst v0;
	v0 =	vmul.f32 v1, v8;
	v1 =	vld [tilespmem:s18+$0x10]  }
0x39f: {  	v5 =	vld [tilespmem:s18+$0x20];
	[tilespmem:s18+$0xFFFFFFB0] =	vst v2;
	v2 =	vmul.f32 v6, v8  }
0x3a0: {  	v6 =	vld [tilespmem:s18+$0x30];
	[tilespmem:s18+$0xFFFFFFC0] =	vst v0;
	v0 =	vmul.f32 v9, v8  }
0x3a1: {  	[tilespmem:s18+$0xFFFFFFD0] =	vst v2;
	v2 =	vmul.f32 v3, v8;
	v3 =	vld [tilespmem:s18+$0x40]  }
0x3a2: {  	[tilespmem:s18+$0xFFFFFFE0] =	vst v0;
	v0 =	vmul.f32 v4, v7;
	v4 =	vld [tilespmem:s18+$0x50]  }
0x3a3: {  	[tilespmem:s18+$0xFFFFFFF0] =	vst v2;
	v1 =	vmul.f32 v1, v7;
	v2 =	vld [tilespmem:s18+$0x60]  }
0x3a4: {  	[tilespmem:s18+$0x0] =	vst v0;
	v0 =	vmul.f32 v5, v7  }
0x3a5: {  	[tilespmem:s18+$0x10] =	vst v1;
	v1 =	vmul.f32 v6, v7  }
0x3a6: {  	[tilespmem:s18+$0x20] =	vst v0;
	v0 =	vmul.f32 v3, v7  }
0x3a7: {  	[tilespmem:s18+$0x30] =	vst v1;
	v1 =	vmul.f32 v4, v7  }
0x3a8: {  	[tilespmem:s18+$0x40] =	vst v0;
	v0 =	vmul.f32 v2, v7  }
0x3a9: {  	[tilespmem:s18+$0x50] =	vst v1  }
0x3aa: {  	s7 =	simm.s32 $0x6;
	[tilespmem:s18+$0x60] =	vst v0  }
0x3ab: {  	_ =	swait.ge [sflag:s7], $0x50  }
0x3ac: {  	[sflag:s7] =	ssyncset.done $0x0  }
0x3ad: {  	s14 =	simm.s32 $0x16880;
	[sflag:s7] =	ssyncadd.s32 $0xFFFFFFB0  }
0x3ae: {  	[spmem:s3] =	stream.indirect.scatter.add.f32 [tilespmem:s14], [sflag:$0x12], $0x80, s23, s16, $0xb8;
	[tilespmem:$0x1E080] =	vst v63  }
0x3af: {  	_ =	swait.ge [sflag:s12], $0x2800  }
0x3b0: {  	[sflag:s12] =	ssyncset.done $0x0  }
0x3b1: {  	[sflag:s12] =	ssyncadd.s32 $0xFFFFD800  }
0x3b2: {  	s17 =	simm.s32 $0x0;
	_ =	swait.ge [sflag:s15], $0x50  }
0x3b3: {  	s2 =	simm.s32 $0x13880;
	v0 =	vmov s17;
	s18 =	simm.s32 $0x1;
	[sflag:s15] =	ssyncset.done $0x0  }
0x3b4: {  	v0 =	vand.u32 $0x7E, v0;
	v1 =	vmov s18;
	s7 =	simm.s32 $0x14080;
	s14 =	simm.s32 $0xF;
	[sflag:s15] =	ssyncadd.s32 $0xFFFFFFB0  }
0x3b5: {  	v0 =	vor.u32 $0x100, v0;
	v1 =	vand.u32 $0x7F, v1;
	[tilespmem:s7], [sflag:$0xD] =	stream.indirect.gather [hbm4b:s1+s16], $0x80, s2, s16, $0xb8;
	[tilespmem:$0x1E080] =	vst v63  }
0x3b6: {  	v0 =	vbroadcast v0, $0x0;
	v1 =	vor.u32 $0x100, v1;
	_ =	swait.ge [sflag:s14], $0x2800  }
0x3b7: {  	v2 =	vbroadcast v1, $0x0;
	[sflag:s14] =	ssyncset.done $0x0  }
0x3b8: {  	s17 =	simm.s32 $0xB;
	[sflag:s14] =	ssyncadd.s32 $0xFFFFD800  }
0x3b9: {  	_ =	swait.ge [sflag:s17], $0x50  }
0x3ba: {  	[sflag:s17] =	ssyncset.done $0x0  }
0x3bb: {  	[sflag:s17] =	ssyncadd.s32 $0xFFFFFFB0  }
0x3bc: {  	v1 =	vld.idx.msk [tilespmem:v0+s25+$0x0], $0xffff  }
0x3bd: {  	s0 =	simm.s32 $0x19100;
	v0 =	vld.idx.msk [tilespmem:v2+s25+$0x0], $0xffff  }
0x3be: {  	v3 =	vld [tilespmem:s0+$0x70]  }
0x3bf: {  	v5 =	vld [tilespmem:s0+$0xFFFFFF80]  }
0x3c0: {  	v7 =	vld [tilespmem:s0+$0xFFFFFF90]  }
0x3c1: {  	v6 =	vld [tilespmem:s0+$0xFFFFFFA0]  }
0x3c2: {  	v4 =	vld [tilespmem:s0+$0xFFFFFFB0]  }
0x3c3: {  	v2 =	vld [tilespmem:s0+$0xFFFFFFC0];
	v10 =	vmul.f32 v3, v0  }
0x3c4: {  	s18 =	simm.s32 $0x2;
	v3 =	vld [tilespmem:s0+$0xFFFFFFD0];
	v8 =	vmul.f32 v5, v1  }
0x3c5: {  	v9 =	vmov s18;
	s2 =	simm.s32 $0x3;
	s14 =	simm.s32 $0x4;
	s17 =	simm.s32 $0x19100;
	v7 =	vmul.f32 v7, v1;
	v5 =	vld [tilespmem:s0+$0xFFFFFFE0];
	[tilespmem:s0+$0x70] =	vst v10  }
.LBB2_24:
0x3c6: {  	p5 =	slt.u32 s14, $0x4E;
	v9 =	vand.u32 $0x7E, v9;
	v10 =	vmov s2;
	[tilespmem:s0+$0xFFFFFF80] =	vst v8;
	v6 =	vmul.f32 v6, v1;
	v8 =	vld [tilespmem:s0+$0xFFFFFFF0]  }
0x3c7: {  	v9 =	vor.u32 $0x100, v9;
	v10 =	vand.u32 $0x7F, v10;
	[tilespmem:s0+$0xFFFFFF90] =	vst v7;
	v4 =	vmul.f32 v4, v1;
	v7 =	vld [tilespmem:s0+$0x0]  }
0x3c8: {  	v9 =	vbroadcast v9, $0x0;
	v10 =	vor.u32 $0x100, v10;
	[tilespmem:s0+$0xFFFFFFA0] =	vst v6;
	v2 =	vmul.f32 v2, v1;
	v6 =	vld [tilespmem:s0+$0x10]  }
0x3c9: {  	v10 =	vbroadcast v10, $0x0;
	[tilespmem:s0+$0xFFFFFFB0] =	vst v4;
	v3 =	vmul.f32 v3, v1;
	v4 =	vld [tilespmem:s0+$0x20]  }
0x3ca: {  	[tilespmem:s0+$0xFFFFFFC0] =	vst v2;
	v2 =	vmul.f32 v5, v1;
	v5 =	vld [tilespmem:s0+$0x30]  }
0x3cb: {  	[tilespmem:s0+$0xFFFFFFD0] =	vst v3;
	v1 =	vmul.f32 v8, v1;
	v3 =	vld [tilespmem:s0+$0x40]  }
0x3cc: {  	[tilespmem:s0+$0xFFFFFFE0] =	vst v2;
	v2 =	vmul.f32 v7, v0;
	v7 =	vld [tilespmem:s0+$0x50]  }
0x3cd: {  	[tilespmem:s0+$0xFFFFFFF0] =	vst v1;
	v6 =	vmul.f32 v6, v0;
	v8 =	vld [tilespmem:s0+$0x60]  }
0x3ce: {  	v1 =	vld.idx.msk [tilespmem:v9+s25+$0x0], $0xffff;
	[tilespmem:s0+$0x0] =	vst v2;
	v2 =	vmul.f32 v4, v0  }
0x3cf: {  	s0 =	sadd.s32 $0x100, s0;
	v9 =	vld.idx.msk [tilespmem:v10+s25+$0x0], $0xffff;
	[tilespmem:s17+$0x10] =	vst v6;
	v4 =	vmul.f32 v5, v0  }
0x3d0: {  	v5 =	vld [tilespmem:s0+$0x70];
	[tilespmem:s17+$0x20] =	vst v2;
	v2 =	vmul.f32 v3, v0  }
0x3d1: {  	v3 =	vld [tilespmem:s0+$0xFFFFFF80];
	[tilespmem:s17+$0x30] =	vst v4;
	v4 =	vmul.f32 v7, v0  }
0x3d2: {  	v7 =	vld [tilespmem:s0+$0xFFFFFF90];
	[tilespmem:s17+$0x40] =	vst v2;
	v8 =	vmul.f32 v8, v0  }
.Ltmp13:
0x3d3: {  	v6 =	vld [tilespmem:s0+$0xFFFFFFA0];
	[tilespmem:s17+$0x50] =	vst v4;
	(pc) =	sbr.rel @p5 .LBB2_24-.Ltmp13, $4  }
0x3d4: {  	v4 =	vld [tilespmem:s0+$0xFFFFFFB0];
	[tilespmem:s17+$0x60] =	vst v8;
	s17 =	smov.u32 s0  }
0x3d5: {  	v0 =	vmov v9;
	v2 =	vld [tilespmem:s0+$0xFFFFFFC0];
	v10 =	vmul.f32 v5, v9  }
0x3d6: {  	v8 =	vmul.f32 v3, v1;
	v3 =	vld [tilespmem:s0+$0xFFFFFFD0]  }
0x3d7: {  	s2 =	sadd.s32 $0x1, s14;
	v9 =	vmov s14;
	s14 =	sadd.s32 $0x2, s14;
	v7 =	vmul.f32 v7, v1;
	v5 =	vld [tilespmem:s0+$0xFFFFFFE0];
	[tilespmem:s0+$0x70] =	vst v10  }
0x3d8: {  	[tilespmem:s0+$0xFFFFFF80] =	vst v8;
	v8 =	vand.u32 $0x7E, v9;
	v10 =	vld [tilespmem:s0+$0xFFFFFFF0]  }
0x3d9: {  	v9 =	vmov s2;
	v11 =	vld [tilespmem:s0+$0x0];
	v6 =	vmul.f32 v6, v1;
	v8 =	vor.u32 $0x100, v8  }
0x3da: {  	v12 =	vld [tilespmem:s0+$0x10];
	v9 =	vand.u32 $0x7F, v9;
	[tilespmem:s0+$0xFFFFFF90] =	vst v7;
	v4 =	vmul.f32 v4, v1;
	v8 =	vbroadcast v8, $0x0  }
0x3db: {  	v9 =	vor.u32 $0x100, v9;
	[tilespmem:s0+$0xFFFFFFA0] =	vst v6;
	v2 =	vmul.f32 v2, v1;
	v6 =	vld [tilespmem:s0+$0x30]  }
0x3dc: {  	v7 =	vbroadcast v9, $0x0;
	v9 =	vld [tilespmem:s0+$0x20];
	[tilespmem:s0+$0xFFFFFFB0] =	vst v4;
	v3 =	vmul.f32 v3, v1  }
0x3dd: {  	v4 =	vld [tilespmem:s0+$0x40];
	[tilespmem:s0+$0xFFFFFFC0] =	vst v2;
	v2 =	vmul.f32 v5, v1  }
0x3de: {  	v5 =	vld [tilespmem:s0+$0x50];
	[tilespmem:s0+$0xFFFFFFD0] =	vst v3;
	v1 =	vmul.f32 v10, v1  }
0x3df: {  	v3 =	vld [tilespmem:s0+$0x60];
	[tilespmem:s0+$0xFFFFFFE0] =	vst v2;
	v2 =	vmul.f32 v11, v0  }
0x3e0: {  	s18 =	sadd.s32 $0x100, s0;
	[tilespmem:s0+$0xFFFFFFF0] =	vst v1;
	v8 =	vld.idx.msk [tilespmem:v8+s25+$0x0], $0xffff  }
0x3e1: {  	v1 =	vmul.f32 v12, v0;
	[tilespmem:s0+$0x0] =	vst v2;
	v2 =	vmul.f32 v9, v0;
	v9 =	vld [tilespmem:s18+$0x70]  }
0x3e2: {  	v7 =	vld.idx.msk [tilespmem:v7+s25+$0x0], $0xffff  }
0x3e3: {  	[tilespmem:s17+$0x10] =	vst v1;
	v1 =	vmul.f32 v6, v0;
	v6 =	vld [tilespmem:s18+$0xFFFFFF80]  }
0x3e4: {  	[tilespmem:s17+$0x20] =	vst v2;
	v2 =	vmul.f32 v4, v0;
	v4 =	vld [tilespmem:s18+$0xFFFFFF90]  }
0x3e5: {  	[tilespmem:s17+$0x30] =	vst v1;
	v1 =	vmul.f32 v5, v0;
	v5 =	vld [tilespmem:s18+$0xFFFFFFA0]  }
0x3e6: {  	v0 =	vmul.f32 v3, v0;
	[tilespmem:s17+$0x40] =	vst v2;
	v2 =	vld [tilespmem:s18+$0xFFFFFFB0]  }
0x3e7: {  	[tilespmem:s17+$0x50] =	vst v1;
	v1 =	vld [tilespmem:s18+$0xFFFFFFC0];
	v3 =	vmul.f32 v9, v7  }
0x3e8: {  	[tilespmem:s17+$0x60] =	vst v0;
	v0 =	vmul.f32 v6, v8;
	v6 =	vld [tilespmem:s18+$0xFFFFFFD0]  }
0x3e9: {  	v9 =	vld [tilespmem:s18+$0xFFFFFFE0];
	v4 =	vmul.f32 v4, v8;
	[tilespmem:s18+$0x70] =	vst v3  }
0x3ea: {  	[tilespmem:s18+$0xFFFFFF80] =	vst v0;
	v0 =	vmul.f32 v5, v8;
	v3 =	vld [tilespmem:s18+$0xFFFFFFF0]  }
0x3eb: {  	[tilespmem:s18+$0xFFFFFF90] =	vst v4;
	v2 =	vmul.f32 v2, v8;
	v4 =	vld [tilespmem:s18+$0x0]  }
0x3ec: {  	[tilespmem:s18+$0xFFFFFFA0] =	vst v0;
	v0 =	vmul.f32 v1, v8;
	v1 =	vld [tilespmem:s18+$0x10]  }
0x3ed: {  	v5 =	vld [tilespmem:s18+$0x20];
	[tilespmem:s18+$0xFFFFFFB0] =	vst v2;
	v2 =	vmul.f32 v6, v8  }
0x3ee: {  	v6 =	vld [tilespmem:s18+$0x30];
	[tilespmem:s18+$0xFFFFFFC0] =	vst v0;
	v0 =	vmul.f32 v9, v8  }
0x3ef: {  	[tilespmem:s18+$0xFFFFFFD0] =	vst v2;
	v2 =	vmul.f32 v3, v8;
	v3 =	vld [tilespmem:s18+$0x40]  }
0x3f0: {  	[tilespmem:s18+$0xFFFFFFE0] =	vst v0;
	v0 =	vmul.f32 v4, v7;
	v4 =	vld [tilespmem:s18+$0x50]  }
0x3f1: {  	[tilespmem:s18+$0xFFFFFFF0] =	vst v2;
	v1 =	vmul.f32 v1, v7;
	v2 =	vld [tilespmem:s18+$0x60]  }
0x3f2: {  	[tilespmem:s18+$0x0] =	vst v0;
	v0 =	vmul.f32 v5, v7  }
0x3f3: {  	[tilespmem:s18+$0x10] =	vst v1;
	v1 =	vmul.f32 v6, v7  }
0x3f4: {  	[tilespmem:s18+$0x20] =	vst v0;
	v0 =	vmul.f32 v3, v7  }
0x3f5: {  	[tilespmem:s18+$0x30] =	vst v1;
	v1 =	vmul.f32 v4, v7  }
0x3f6: {  	[tilespmem:s18+$0x40] =	vst v0;
	v0 =	vmul.f32 v2, v7  }
0x3f7: {  	[tilespmem:s18+$0x50] =	vst v1  }
0x3f8: {  	[tilespmem:s18+$0x60] =	vst v0  }
0x3f9: {  	s7 =	simm.s32 $0x0;
	_ =	swait.ge [sflag:s13], $0x50  }
0x3fa: {  	s14 =	simm.s32 $0x1;
	v0 =	vmov s7;
	[sflag:s13] =	ssyncset.done $0x0  }
0x3fb: {  	s17 =	simm.s32 $0x19080;
	v1 =	vmov s14;
	v0 =	vand.u32 $0x7E, v0;
	[sflag:s13] =	ssyncadd.s32 $0xFFFFFFB0  }
0x3fc: {  	v1 =	vand.u32 $0x7F, v1;
	v0 =	vor.u32 $0x180, v0;
	[spmem:s3] =	stream.indirect.scatter.add.f32 [tilespmem:s17], [sflag:$0x13], $0x80, s29, s16, $0xb8;
	[tilespmem:$0x1E080] =	vst v63  }
0x3fd: {  	v1 =	vor.u32 $0x180, v1;
	v0 =	vbroadcast v0, $0x0;
	_ =	swait.ge [sflag:s31], $0x2800  }
0x3fe: {  	v2 =	vbroadcast v1, $0x0;
	[sflag:s31] =	ssyncset.done $0x0  }
0x3ff: {  	[sflag:s31] =	ssyncadd.s32 $0xFFFFD800  }
0x400: {  	_ =	swait.ge [sflag:s8], $0x50  }
0x401: {  	[sflag:s8] =	ssyncset.done $0x0  }
0x402: {  	[sflag:s8] =	ssyncadd.s32 $0xFFFFFFB0  }
0x403: {  	v1 =	vld.idx.msk [tilespmem:v0+s25+$0x0], $0xffff  }
0x404: {  	s0 =	simm.s32 $0x1B900;
	v0 =	vld.idx.msk [tilespmem:v2+s25+$0x0], $0xffff  }
0x405: {  	v3 =	vld [tilespmem:s0+$0x70]  }
0x406: {  	v5 =	vld [tilespmem:s0+$0xFFFFFF80]  }
0x407: {  	v7 =	vld [tilespmem:s0+$0xFFFFFF90]  }
0x408: {  	v6 =	vld [tilespmem:s0+$0xFFFFFFA0]  }
0x409: {  	v4 =	vld [tilespmem:s0+$0xFFFFFFB0]  }
0x40a: {  	v2 =	vld [tilespmem:s0+$0xFFFFFFC0];
	v10 =	vmul.f32 v3, v0  }
0x40b: {  	s18 =	simm.s32 $0x2;
	v3 =	vld [tilespmem:s0+$0xFFFFFFD0];
	v8 =	vmul.f32 v5, v1  }
0x40c: {  	s2 =	simm.s32 $0x3;
	s14 =	simm.s32 $0x4;
	v9 =	vmov s18;
	s17 =	simm.s32 $0x1B900;
	v7 =	vmul.f32 v7, v1;
	v5 =	vld [tilespmem:s0+$0xFFFFFFE0];
	[tilespmem:s0+$0x70] =	vst v10  }
.LBB2_26:
0x40d: {  	p5 =	slt.u32 s14, $0x4E;
	v9 =	vand.u32 $0x7E, v9;
	v10 =	vmov s2;
	[tilespmem:s0+$0xFFFFFF80] =	vst v8;
	v6 =	vmul.f32 v6, v1;
	v8 =	vld [tilespmem:s0+$0xFFFFFFF0]  }
0x40e: {  	v9 =	vor.u32 $0x180, v9;
	v10 =	vand.u32 $0x7F, v10;
	[tilespmem:s0+$0xFFFFFF90] =	vst v7;
	v4 =	vmul.f32 v4, v1;
	v7 =	vld [tilespmem:s0+$0x0]  }
0x40f: {  	v9 =	vbroadcast v9, $0x0;
	v10 =	vor.u32 $0x180, v10;
	[tilespmem:s0+$0xFFFFFFA0] =	vst v6;
	v2 =	vmul.f32 v2, v1;
	v6 =	vld [tilespmem:s0+$0x10]  }
0x410: {  	v10 =	vbroadcast v10, $0x0;
	[tilespmem:s0+$0xFFFFFFB0] =	vst v4;
	v3 =	vmul.f32 v3, v1;
	v4 =	vld [tilespmem:s0+$0x20]  }
0x411: {  	[tilespmem:s0+$0xFFFFFFC0] =	vst v2;
	v2 =	vmul.f32 v5, v1;
	v5 =	vld [tilespmem:s0+$0x30]  }
0x412: {  	[tilespmem:s0+$0xFFFFFFD0] =	vst v3;
	v1 =	vmul.f32 v8, v1;
	v3 =	vld [tilespmem:s0+$0x40]  }
0x413: {  	[tilespmem:s0+$0xFFFFFFE0] =	vst v2;
	v2 =	vmul.f32 v7, v0;
	v7 =	vld [tilespmem:s0+$0x50]  }
0x414: {  	[tilespmem:s0+$0xFFFFFFF0] =	vst v1;
	v6 =	vmul.f32 v6, v0;
	v8 =	vld [tilespmem:s0+$0x60]  }
0x415: {  	v1 =	vld.idx.msk [tilespmem:v9+s25+$0x0], $0xffff;
	[tilespmem:s0+$0x0] =	vst v2;
	v2 =	vmul.f32 v4, v0  }
0x416: {  	s0 =	sadd.s32 $0x100, s0;
	v9 =	vld.idx.msk [tilespmem:v10+s25+$0x0], $0xffff;
	[tilespmem:s17+$0x10] =	vst v6;
	v4 =	vmul.f32 v5, v0  }
0x417: {  	v5 =	vld [tilespmem:s0+$0x70];
	[tilespmem:s17+$0x20] =	vst v2;
	v2 =	vmul.f32 v3, v0  }
0x418: {  	v3 =	vld [tilespmem:s0+$0xFFFFFF80];
	[tilespmem:s17+$0x30] =	vst v4;
	v4 =	vmul.f32 v7, v0  }
0x419: {  	v7 =	vld [tilespmem:s0+$0xFFFFFF90];
	[tilespmem:s17+$0x40] =	vst v2;
	v8 =	vmul.f32 v8, v0  }
.Ltmp14:
0x41a: {  	v6 =	vld [tilespmem:s0+$0xFFFFFFA0];
	[tilespmem:s17+$0x50] =	vst v4;
	(pc) =	sbr.rel @p5 .LBB2_26-.Ltmp14, $4  }
0x41b: {  	v4 =	vld [tilespmem:s0+$0xFFFFFFB0];
	[tilespmem:s17+$0x60] =	vst v8;
	s17 =	smov.u32 s0  }
0x41c: {  	v0 =	vmov v9;
	v2 =	vld [tilespmem:s0+$0xFFFFFFC0];
	v10 =	vmul.f32 v5, v9  }
0x41d: {  	v8 =	vmul.f32 v3, v1;
	v3 =	vld [tilespmem:s0+$0xFFFFFFD0]  }
0x41e: {  	s2 =	sadd.s32 $0x1, s14;
	v9 =	vmov s14;
	s14 =	sadd.s32 $0x2, s14;
	v7 =	vmul.f32 v7, v1;
	v5 =	vld [tilespmem:s0+$0xFFFFFFE0];
	[tilespmem:s0+$0x70] =	vst v10  }
0x41f: {  	[tilespmem:s0+$0xFFFFFF80] =	vst v8;
	v8 =	vand.u32 $0x7E, v9;
	v10 =	vld [tilespmem:s0+$0xFFFFFFF0]  }
0x420: {  	v9 =	vmov s2;
	v11 =	vld [tilespmem:s0+$0x0];
	v6 =	vmul.f32 v6, v1;
	v8 =	vor.u32 $0x180, v8  }
0x421: {  	v12 =	vld [tilespmem:s0+$0x10];
	v9 =	vand.u32 $0x7F, v9;
	[tilespmem:s0+$0xFFFFFF90] =	vst v7;
	v4 =	vmul.f32 v4, v1;
	v8 =	vbroadcast v8, $0x0  }
0x422: {  	v9 =	vor.u32 $0x180, v9;
	[tilespmem:s0+$0xFFFFFFA0] =	vst v6;
	v2 =	vmul.f32 v2, v1;
	v6 =	vld [tilespmem:s0+$0x30]  }
0x423: {  	v7 =	vbroadcast v9, $0x0;
	v9 =	vld [tilespmem:s0+$0x20];
	[tilespmem:s0+$0xFFFFFFB0] =	vst v4;
	v3 =	vmul.f32 v3, v1  }
0x424: {  	v4 =	vld [tilespmem:s0+$0x40];
	[tilespmem:s0+$0xFFFFFFC0] =	vst v2;
	v2 =	vmul.f32 v5, v1  }
0x425: {  	v5 =	vld [tilespmem:s0+$0x50];
	[tilespmem:s0+$0xFFFFFFD0] =	vst v3;
	v1 =	vmul.f32 v10, v1  }
0x426: {  	v3 =	vld [tilespmem:s0+$0x60];
	[tilespmem:s0+$0xFFFFFFE0] =	vst v2;
	v2 =	vmul.f32 v11, v0  }
0x427: {  	s18 =	sadd.s32 $0x100, s0;
	[tilespmem:s0+$0xFFFFFFF0] =	vst v1;
	v8 =	vld.idx.msk [tilespmem:v8+s25+$0x0], $0xffff  }
0x428: {  	v1 =	vmul.f32 v12, v0;
	[tilespmem:s0+$0x0] =	vst v2;
	v2 =	vmul.f32 v9, v0;
	v9 =	vld [tilespmem:s18+$0x70]  }
0x429: {  	v7 =	vld.idx.msk [tilespmem:v7+s25+$0x0], $0xffff  }
0x42a: {  	[tilespmem:s17+$0x10] =	vst v1;
	v1 =	vmul.f32 v6, v0;
	v6 =	vld [tilespmem:s18+$0xFFFFFF80]  }
0x42b: {  	[tilespmem:s17+$0x20] =	vst v2;
	v2 =	vmul.f32 v4, v0;
	v4 =	vld [tilespmem:s18+$0xFFFFFF90]  }
0x42c: {  	[tilespmem:s17+$0x30] =	vst v1;
	v1 =	vmul.f32 v5, v0;
	v5 =	vld [tilespmem:s18+$0xFFFFFFA0]  }
0x42d: {  	v0 =	vmul.f32 v3, v0;
	[tilespmem:s17+$0x40] =	vst v2;
	v2 =	vld [tilespmem:s18+$0xFFFFFFB0]  }
0x42e: {  	[tilespmem:s17+$0x50] =	vst v1;
	v1 =	vld [tilespmem:s18+$0xFFFFFFC0];
	v3 =	vmul.f32 v9, v7  }
0x42f: {  	[tilespmem:s17+$0x60] =	vst v0;
	v0 =	vmul.f32 v6, v8;
	v6 =	vld [tilespmem:s18+$0xFFFFFFD0]  }
0x430: {  	v9 =	vld [tilespmem:s18+$0xFFFFFFE0];
	v4 =	vmul.f32 v4, v8;
	[tilespmem:s18+$0x70] =	vst v3  }
0x431: {  	[tilespmem:s18+$0xFFFFFF80] =	vst v0;
	v0 =	vmul.f32 v5, v8;
	v3 =	vld [tilespmem:s18+$0xFFFFFFF0]  }
0x432: {  	[tilespmem:s18+$0xFFFFFF90] =	vst v4;
	v2 =	vmul.f32 v2, v8;
	v4 =	vld [tilespmem:s18+$0x0]  }
0x433: {  	[tilespmem:s18+$0xFFFFFFA0] =	vst v0;
	v0 =	vmul.f32 v1, v8;
	v1 =	vld [tilespmem:s18+$0x10]  }
0x434: {  	v5 =	vld [tilespmem:s18+$0x20];
	[tilespmem:s18+$0xFFFFFFB0] =	vst v2;
	v2 =	vmul.f32 v6, v8  }
0x435: {  	v6 =	vld [tilespmem:s18+$0x30];
	[tilespmem:s18+$0xFFFFFFC0] =	vst v0;
	v0 =	vmul.f32 v9, v8  }
0x436: {  	[tilespmem:s18+$0xFFFFFFD0] =	vst v2;
	v2 =	vmul.f32 v3, v8;
	v3 =	vld [tilespmem:s18+$0x40]  }
0x437: {  	[tilespmem:s18+$0xFFFFFFE0] =	vst v0;
	v0 =	vmul.f32 v4, v7;
	v4 =	vld [tilespmem:s18+$0x50]  }
0x438: {  	[tilespmem:s18+$0xFFFFFFF0] =	vst v2;
	v1 =	vmul.f32 v1, v7;
	v2 =	vld [tilespmem:s18+$0x60]  }
0x439: {  	[tilespmem:s18+$0x0] =	vst v0;
	v0 =	vmul.f32 v5, v7  }
0x43a: {  	[tilespmem:s18+$0x10] =	vst v1;
	v1 =	vmul.f32 v6, v7  }
0x43b: {  	[tilespmem:s18+$0x20] =	vst v0;
	v0 =	vmul.f32 v3, v7  }
0x43c: {  	[tilespmem:s18+$0x30] =	vst v1;
	v1 =	vmul.f32 v4, v7  }
0x43d: {  	[tilespmem:s18+$0x40] =	vst v0;
	v0 =	vmul.f32 v2, v7  }
0x43e: {  	[tilespmem:s18+$0x50] =	vst v1  }
0x43f: {  	[tilespmem:s18+$0x60] =	vst v0  }
0x440: {  	_ =	swait.ge [sflag:s19], $0x50  }
0x441: {  	s7 =	simm.s32 $0x0;
	[sflag:s19] =	ssyncset.done $0x0  }
0x442: {  	s14 =	simm.s32 $0x13C00;
	s17 =	simm.s32 $0x1B880;
	v0 =	vmov s7;
	[sflag:s19] =	ssyncadd.s32 $0xFFFFFFB0  }
0x443: {  	v0 =	vand.u32 $0xFFFFFFFE, v0;
	[spmem:s3] =	stream.indirect.scatter.add.f32 [tilespmem:s17], [sflag:$0x14], $0x80, s14, s16, $0xb8;
	[tilespmem:$0x1E080] =	vst v63  }
0x444: {  	v0 =	vbroadcast v0, $0x0;
	_ =	swait.ge [sflag:s22], $0x2800  }
0x445: {  	[sflag:s22] =	ssyncset.done $0x0  }
0x446: {  	[sflag:s22] =	ssyncadd.s32 $0xFFFFD800  }
0x447: {  	_ =	swait.ge [sflag:s28], $0x50  }
0x448: {  	[sflag:s28] =	ssyncset.done $0x0  }
0x449: {  	[sflag:s28] =	ssyncadd.s32 $0xFFFFFFB0  }
0x44a: {  	s0 =	simm.s32 $0x14100;
	v1 =	vld.idx.msk [tilespmem:v0+s25+$0x0], $0xffff  }
0x44b: {  	v0 =	vld [tilespmem:s0+$0xFFFFFFF0]  }
0x44c: {  	v2 =	vld [tilespmem:s0+$0xFFFFFF80]  }
0x44d: {  	s18 =	simm.s32 $0x1;
	v5 =	vld [tilespmem:s0+$0xFFFFFF90]  }
0x44e: {  	v6 =	vmov s18;
	v7 =	vld [tilespmem:s0+$0xFFFFFFA0]  }
0x44f: {  	v10 =	vld [tilespmem:s0+$0xFFFFFFB0]  }
0x450: {  	v4 =	vld [tilespmem:s0+$0xFFFFFFC0]  }
0x451: {  	v3 =	vld [tilespmem:s0+$0xFFFFFFD0];
	v8 =	vmul.f32 v0, v1  }
0x452: {  	v9 =	vmul.f32 v2, v1;
	v2 =	vld [tilespmem:s0+$0xFFFFFFE0]  }
0x453: {  	v0 =	vld.idx.msk [tilespmem:v6+s25+$0x0], $0xffff;
	v5 =	vmul.f32 v5, v1;
	[tilespmem:s0+$0xFFFFFFF0] =	vst v8  }
0x454: {  	s18 =	simm.s32 $0x2;
	v6 =	vld [tilespmem:s0+$0x0];
	[tilespmem:s0+$0xFFFFFF80] =	vst v9;
	v8 =	vmul.f32 v7, v1  }
0x455: {  	s14 =	simm.s32 $0x4;
	s17 =	simm.s32 $0x14100;
	v9 =	vmov s18;
	[tilespmem:s0+$0xFFFFFF90] =	vst v5;
	v7 =	vmul.f32 v10, v1;
	v5 =	vld [tilespmem:s0+$0x10]  }
.LBB2_28:
0x456: {  	p5 =	slt.u32 s14, $0x4E;
	v9 =	vand.u32 $0xFFFFFFFE, v9;
	s2 =	sadd.s32 $0x1, s18;
	[tilespmem:s0+$0xFFFFFFA0] =	vst v8;
	v4 =	vmul.f32 v4, v1;
	v8 =	vld [tilespmem:s0+$0x20];
	s18 =	smov.u32 s14  }
0x457: {  	v9 =	vbroadcast v9, $0x0;
	v10 =	vmov s2;
	[tilespmem:s0+$0xFFFFFFB0] =	vst v7;
	v3 =	vmul.f32 v3, v1;
	v7 =	vld [tilespmem:s0+$0x30]  }
0x458: {  	[tilespmem:s0+$0xFFFFFFC0] =	vst v4;
	v1 =	vmul.f32 v2, v1;
	v2 =	vld [tilespmem:s0+$0x40]  }
0x459: {  	[tilespmem:s0+$0xFFFFFFD0] =	vst v3;
	v3 =	vmul.f32 v6, v0;
	v4 =	vld [tilespmem:s0+$0x50]  }
0x45a: {  	[tilespmem:s0+$0xFFFFFFE0] =	vst v1;
	v1 =	vmul.f32 v5, v0;
	v5 =	vld [tilespmem:s0+$0x60]  }
0x45b: {  	[tilespmem:s0+$0x0] =	vst v3;
	v3 =	vmul.f32 v8, v0;
	v6 =	vld [tilespmem:s0+$0x70]  }
0x45c: {  	v8 =	vld.idx.msk [tilespmem:v10+s25+$0x0], $0xffff;
	[tilespmem:s0+$0x10] =	vst v1;
	v7 =	vmul.f32 v7, v0  }
0x45d: {  	s0 =	sadd.s32 $0x100, s0;
	v1 =	vld.idx.msk [tilespmem:v9+s25+$0x0], $0xffff;
	[tilespmem:s17+$0x20] =	vst v3;
	v2 =	vmul.f32 v2, v0  }
0x45e: {  	v3 =	vld [tilespmem:s0+$0xFFFFFFF0];
	[tilespmem:s17+$0x30] =	vst v7;
	v4 =	vmul.f32 v4, v0  }
0x45f: {  	v7 =	vld [tilespmem:s0+$0xFFFFFF80];
	[tilespmem:s17+$0x40] =	vst v2;
	v2 =	vmul.f32 v5, v0  }
0x460: {  	v5 =	vld [tilespmem:s0+$0xFFFFFF90];
	[tilespmem:s17+$0x50] =	vst v4;
	v4 =	vmul.f32 v6, v0  }
0x461: {  	v6 =	vld [tilespmem:s0+$0xFFFFFFA0];
	[tilespmem:s17+$0x60] =	vst v2  }
0x462: {  	v0 =	vmov v8;
	v10 =	vld [tilespmem:s0+$0xFFFFFFB0];
	[tilespmem:s17+$0x70] =	vst v4;
	s17 =	smov.u32 s0  }
.Ltmp15:
0x463: {  	v4 =	vld [tilespmem:s0+$0xFFFFFFC0];
	v8 =	vmul.f32 v3, v1;
	(pc) =	sbr.rel @p5 .LBB2_28-.Ltmp15, $4  }
0x464: {  	v7 =	vmul.f32 v7, v1;
	v3 =	vld [tilespmem:s0+$0xFFFFFFD0]  }
0x465: {  	v5 =	vmul.f32 v5, v1;
	v2 =	vld [tilespmem:s0+$0xFFFFFFE0];
	[tilespmem:s0+$0xFFFFFFF0] =	vst v8  }
0x466: {  	[tilespmem:s0+$0xFFFFFF80] =	vst v7;
	v8 =	vmul.f32 v6, v1;
	v6 =	vld [tilespmem:s0+$0x0]  }
0x467: {  	s14 =	sadd.s32 $0x2, s14;
	v9 =	vmov s18;
	[tilespmem:s0+$0xFFFFFF90] =	vst v5;
	v7 =	vmul.f32 v10, v1;
	v5 =	vld [tilespmem:s0+$0x10]  }
0x468: {  	v10 =	vld [tilespmem:s0+$0x20]  }
0x469: {  	v11 =	vld [tilespmem:s0+$0x30]  }
0x46a: {  	s2 =	sadd.s32 $0x1, s18;
	v13 =	vld [tilespmem:s0+$0x40];
	[tilespmem:s0+$0xFFFFFFA0] =	vst v8;
	v4 =	vmul.f32 v4, v1  }
0x46b: {  	v22 =	vld [tilespmem:s0+$0x50];
	v12 =	vmov s2;
	[tilespmem:s0+$0xFFFFFFB0] =	vst v7;
	v3 =	vmul.f32 v3, v1  }
0x46c: {  	v23 =	vld [tilespmem:s0+$0x60];
	[tilespmem:s0+$0xFFFFFFC0] =	vst v4;
	v24 =	vmul.f32 v2, v1  }
0x46d: {  	v25 =	vld [tilespmem:s0+$0x70];
	s14 =	sadd.s32 $0x100, s0;
	v6 =	vmul.f32 v6, v0;
	[tilespmem:s0+$0xFFFFFFD0] =	vst v3  }
0x46e: {  	v31 =	vld [tilespmem:s14+$0xFFFFFFF0];
	v26 =	vmul.f32 v5, v0;
	[tilespmem:s0+$0xFFFFFFE0] =	vst v24  }
0x46f: {  	v46 =	vld [tilespmem:s14+$0x0];
	[tilespmem:s0+$0x0] =	vst v6;
	v28 =	vmul.f32 v10, v0  }
0x470: {  	v30 =	vmul.f32 v11, v0;
	v27 =	vld.idx.msk [tilespmem:v12+s25+$0x0], $0xffff;
	[tilespmem:s0+$0x10] =	vst v26  }
0x471: {  	v9 =	vand.u32 $0xFFFFFFFE, v9;
	v47 =	vld [tilespmem:s14+$0x10];
	v32 =	vmul.f32 v13, v0;
	[tilespmem:s17+$0x20] =	vst v28  }
0x472: {  	v9 =	vbroadcast v9, $0x0;
	v49 =	vld [tilespmem:s14+$0x20];
	v34 =	vmul.f32 v22, v0;
	[tilespmem:s17+$0x30] =	vst v30  }
0x473: {  	v51 =	vld [tilespmem:s14+$0x30];
	v36 =	vmul.f32 v23, v0;
	[tilespmem:s17+$0x40] =	vst v32  }
0x474: {  	v53 =	vld [tilespmem:s14+$0x40];
	v38 =	vmul.f32 v25, v0;
	[tilespmem:s17+$0x50] =	vst v34  }
0x475: {  	v55 =	vld [tilespmem:s14+$0x50];
	[tilespmem:s17+$0x60] =	vst v36;
	v54 =	vmul.f32 v46, v27  }
0x476: {  	v57 =	vld [tilespmem:s14+$0x60];
	[tilespmem:s17+$0x70] =	vst v38;
	v56 =	vmul.f32 v47, v27  }
0x477: {  	v58 =	vld [tilespmem:s14+$0x70];
	v1 =	vmul.f32 v49, v27;
	[tilespmem:s14+$0x0] =	vst v54  }
0x478: {  	v29 =	vld.idx.msk [tilespmem:v9+s25+$0x0], $0xffff;
	v59 =	vmul.f32 v51, v27;
	[tilespmem:s14+$0x10] =	vst v56  }
0x479: {  	v33 =	vld [tilespmem:s14+$0xFFFFFF80];
	v60 =	vmul.f32 v53, v27;
	[tilespmem:s14+$0x20] =	vst v1  }
0x47a: {  	v35 =	vld [tilespmem:s14+$0xFFFFFF90];
	v61 =	vmul.f32 v55, v27;
	[tilespmem:s14+$0x30] =	vst v59  }
0x47b: {  	v37 =	vld [tilespmem:s14+$0xFFFFFFA0];
	v62 =	vmul.f32 v57, v27;
	[tilespmem:s14+$0x40] =	vst v60  }
0x47c: {  	v39 =	vld [tilespmem:s14+$0xFFFFFFB0];
	v63 =	vmul.f32 v58, v27;
	[tilespmem:s14+$0x50] =	vst v61  }
0x47d: {  	v40 =	vld [tilespmem:s14+$0xFFFFFFC0];
	v41 =	vmul.f32 v31, v29;
	[tilespmem:s14+$0x60] =	vst v62  }
0x47e: {  	v43 =	vld [tilespmem:s14+$0xFFFFFFD0];
	v42 =	vmul.f32 v33, v29;
	[tilespmem:s14+$0x70] =	vst v63  }
0x47f: {  	v44 =	vld [tilespmem:s14+$0xFFFFFFE0];
	v8 =	vmul.f32 v35, v29;
	[tilespmem:s14+$0xFFFFFFF0] =	vst v41  }
0x480: {  	v45 =	vmul.f32 v37, v29;
	[tilespmem:s14+$0xFFFFFF80] =	vst v42  }
0x481: {  	v2 =	vmul.f32 v39, v29;
	[tilespmem:s14+$0xFFFFFF90] =	vst v8  }
0x482: {  	v48 =	vmul.f32 v40, v29;
	[tilespmem:s14+$0xFFFFFFA0] =	vst v45  }
0x483: {  	v50 =	vmul.f32 v43, v29;
	[tilespmem:s14+$0xFFFFFFB0] =	vst v2  }
0x484: {  	v52 =	vmul.f32 v44, v29;
	[tilespmem:s14+$0xFFFFFFC0] =	vst v48  }
0x485: {  	[tilespmem:s14+$0xFFFFFFD0] =	vst v50  }
0x486: {  	[tilespmem:s14+$0xFFFFFFE0] =	vst v52  }
0x487: {  	_ =	swait.ge [sflag:s24], $0x50  }
0x488: {  	[sflag:s24] =	ssyncset.done $0x0  }
0x489: {  	s18 =	simm.s32 $0x13C80;
	s17 =	simm.s32 $0x14080;
	[sflag:s24] =	ssyncadd.s32 $0xFFFFFFB0  }
0x48a: {  	[spmem:s3] =	stream.indirect.scatter.add.f32 [tilespmem:s17], [sflag:$0x11], $0x80, s18, s16, $0xb8;
	[tilespmem:$0x1E080] =	vst v63  }
0x48b: {  	_ =	swait.ge [sflag:s26], $0x2800  }
0x48c: {  	[sflag:s26] =	ssyncset.done $0x0  }
0x48d: {  	[sflag:s26] =	ssyncadd.s32 $0xFFFFD800  }
0x48e: {  	_ =	swait.ge [sflag:s21], $0x2800  }
0x48f: {  	[sflag:s21] =	ssyncset.done $0x0  }
0x490: {  	[sflag:s21] =	ssyncadd.s32 $0xFFFFD800  }
0x491: {  	_ =	swait.ge [sflag:s10], $0x2800  }
0x492: {  	[sflag:s10] =	ssyncset.done $0x0  }
0x493: {  	[sflag:s10] =	ssyncadd.s32 $0xFFFFD800  }
0x494: {  	_ =	swait.ge [sflag:s12], $0x2800  }
0x495: {  	[sflag:s12] =	ssyncset.done $0x0  }
0x496: {  	[sflag:s12] =	ssyncadd.s32 $0xFFFFD800  }
0x497: {  	[bflag:$0x0] =	sbarrier.arrive $0xFFFF  }
0x498: {  	_ =	sdelay $0x7ff  }
0x499: {  	_ =	sdelay $0x7ff  }
0x49a: {  	p5 =	por @!p4 $0x1, $0x1;
	p6 =	por p1, p1;
	_ =	sdelay $0x5ad  }
0x49b: {  	p6 =	por @!p4 p5, p5;
	s14 =	stileid.u32;
	[bflag:$0x0] =	sbarrier.arrive $0xFFFF  }
0x49c: {  	p5 =	por @!p3 !p6, !p0;
	s0 =	sshll.u32 @p2 s14, $0x6;
	s18 =	rddreg [dreg:$0x7]  }
0x49d: {  	s0 =	sor.u32 @p2 $0x1C16, s0;
	s17 =	rddreg [dreg:$0x1c];
	s2 =	sshrl.u32 @p2 s18, $0x3  }
0x49e: {  	[hbm:s17], [sflag:s0] =	dma.local @p2 [spmem:s2], $0x2780  }
0x49f: {  	p5 =	por @!p3 !p5, !p5;
	s0 =	simm.s32 @p2 $0x16  }
0x4a0: {  	p5 =	por p3, p5;
	_ =	swait.ge @p2 [sflag:s0], $0x2780  }
0x4a1: {  	s2 =	sshll.u32 @!p4 s14, $0x6;
	[sflag:s0] =	ssyncset.done @p2 $0x0;
	s17 =	rddreg [dreg:$0x1d]  }
0x4a2: {  	[sflag:s0] =	ssyncadd.s32 @p2 $0xFFFFD880;
	s0 =	sor.u32 @!p4 $0x1C16, s2;
	s2 =	sshrl.u32 @!p4 s18, $0x3  }
0x4a3: {  	[hbm:s17], [sflag:s0] =	dma.local @!p4 [spmem:s2], $0x2780  }
.Ltmp16:
0x4a4: {  	s0 =	simm.s32 @!p4 $0x16;
	(pc) =	sbr.rel @!p5 .LBB2_31-.Ltmp16, $4  }
0x4a5: {  	_ =	swait.ge @!p4 [sflag:s0], $0x2780  }
0x4a6: {  	s17 =	sld [smem:$0x7F5]  }
0x4a7: {  	[sflag:s0] =	ssyncset.done @!p4 $0x0  }
0x4a8: {  	[sflag:s0] =	ssyncadd.s32 @!p4 $0xFFFFD880  }
0x4a9: {  	s0 =	rddreg [dreg:$0x5]  }
0x4aa: {  	s2 =	rddreg [dreg:$0x4]  }
0x4ab: {  	s7 =	rddreg [dreg:$0x1f];
	s0 =	smov.u32 @p3 s2  }
0x4ac: {  	s2 =	sshrl.u32 s7, $0x3;
	s7 =	simm.s32 $0x1FD6;
	s0 =	sadd.s32 $0x25080, s0  }
0x4ad: {  	[hbm:s0], [sflag:s7] =	dma.local [spmem:s2], $0x2080  }
.Ltmp17:
0x4ae: {  	_ = 	snop;
	(pc) =	sbr.rel .LBB2_31-.Ltmp17, $4  }
0x4af: {  	s7 =	simm.s32 $0x16  }
0x4b0: {  	_ =	swait.ge [sflag:s7], $0x2080  }
0x4b1: {  	[sflag:s7] =	ssyncset.done $0x0  }
0x4b2: {  	[sflag:s7] =	ssyncadd.s32 $0xFFFFDF80  }
.LBB2_32:
0x4b3: {  	_ =	sfence.sel $0x180000  }
0x4b4: {  	[bflag:$0x0] =	sbarrier.arrive $0xFFFF  }
0x4b5: {  	_ =	strace $0x90000047  }
0x4b6: {  	[bflag:$0x2] =	sbarrier.arrive $0xFFFF  }
0x4b7: {  	p0 =	sne.s32 s14, $0x0;
	s0 =	rddreg [dreg:$0x3]  }
0x4b8: {  	s0 =	sadd.s32 @!p0 $0x100000, s0  }
0x4b9: {  	[sflag:s0] =	ssyncadd.tile.s32 @!p0 $0x1;
	_ =	shalt  }
.Lfunc_end2:
_tile_overlayer_lowered:
.L_overlay_start_2:
0x4ba: {  	(tag) =	ssettag $0x2  }
0x4bb: {  	s0 =	rddreg [dreg:$0x0];
	s2 =	stileid.u32  }
0x4bc: {  	s1 =	rddreg [dreg:$0x1];
	p0 =	sne.s32 s2, $0x0  }
0x4bd: {  	s3 =	rddreg [dreg:$0x2];
	[bflag:$0x3] =	sbarrier.arrive $0xFFFF;
	s2 =	simm.s32 @!p0 $0x1C16  }
0x4be: {  	[timem:s3], [sflag:s2] =	dma.local @!p0 [hbm:s0], s1  }
0x4bf: {  	s0 =	simm.s32 @!p0 $0x16  }
0x4c0: {  	_ =	swait.ge @!p0 [sflag:s0], s1  }
0x4c1: {  	s1 =	ssub.s32 @!p0 $0x0, s1;
	[sflag:s0] =	ssyncset.done @!p0 $0x0  }
0x4c2: {  	[sflag:s0] =	ssyncadd.s32 @!p0 s1  }
0x4c3: {  	[bflag:$0x3] =	sbarrier.arrive $0xFFFF  }
0x4c4: {  	_ =	shalt  }

</sc_bundles>
